<compile_context>
chip_gen: v7x
topology: tpu7x:2x2x1
jax: 0.10.2.dev20260603
libtpu: 0.0.44.dev20260713+nightly
codegen_flags: <defaults>
</compile_context>

<pallas_src>
import functools

import jax
import jax.numpy as jnp
from jax import lax
from jax.experimental import pallas as pl
from jax.experimental.pallas import tpu as pltpu
from jax.experimental.pallas import tpu_sc as plsc

N = 4096
D = 128
EK = 262144
EHK = 131072
NC = 2
NS = 16
NW = NC * NS
B = 128
CK = EK // NW // B
CHK = EHK // NW // B
RPT = N // NS

_BR = 512


def _prea_body(sH_ref, sK_ref, g_ref, Xn_ref):
    g_ref[...] = jnp.tanh(sH_ref[...])
    X = sK_ref[...]
    norm = jnp.sqrt(jnp.sum(X * X, axis=1, keepdims=True))
    Xn_ref[...] = X / norm


def _prea(state_H, state_K):
    return pl.pallas_call(
        _prea_body,
        out_shape=[
            jax.ShapeDtypeStruct((1, N), jnp.float32),
            jax.ShapeDtypeStruct((N, D), jnp.float32),
        ],
    )(state_H[None, :], state_K)


def _preb_body(sH_ref, bH_ref, W_ref, h0_ref):
    step = pl.program_id(0)
    g = jnp.tanh(sH_ref[...])

    @pl.when(step == 0)
    def _init():
        h0_ref[...] = -sH_ref[...] + bH_ref[...]

    Wb = W_ref[...]
    wg = jnp.dot(Wb, g.T, preferred_element_type=jnp.float32)
    gs = jnp.tanh(sH_ref[:, pl.ds(step * _BR, _BR)])
    wtg = jnp.dot(gs, Wb, preferred_element_type=jnp.float32)
    h0_ref[...] += 0.5 * wtg
    h0_ref[:, pl.ds(step * _BR, _BR)] += 0.5 * wg.T


def _preb(state_H, bias_H, weights_H):
    return pl.pallas_call(
        _preb_body,
        grid=(N // _BR,),
        in_specs=[
            pl.BlockSpec((1, N), lambda i: (0, 0)),
            pl.BlockSpec((1, N), lambda i: (0, 0)),
            pl.BlockSpec((_BR, N), lambda i: (i, 0)),
        ],
        out_specs=[pl.BlockSpec((1, N), lambda i: (0, 0))],
        out_shape=[jax.ShapeDtypeStruct((1, N), jnp.float32)],
    )(state_H[None, :], bias_H[None, :], weights_H)


_mesh = plsc.VectorSubcoreMesh(core_axis_name="c", subcore_axis_name="s")


def _splat(ref1d, e):
    return plsc.load_gather(ref1d, [jnp.full((16,), e, jnp.int32)])


@functools.partial(
    pl.kernel,
    out_type=[
        jax.ShapeDtypeStruct((NC, N, D), jnp.float32),
        jax.ShapeDtypeStruct((NW, N), jnp.float32),
    ],
    mesh=_mesh,
    compiler_params=pltpu.CompilerParams(needs_layout_passes=False),
    scratch_types=[
        pltpu.VMEM((B,), jnp.int32),
        pltpu.VMEM((B,), jnp.int32),
        pltpu.VMEM((B,), jnp.int32),
        pltpu.VMEM((B,), jnp.int32),
        pltpu.VMEM((B,), jnp.int32),
        pltpu.VMEM((B,), jnp.int32),
        pltpu.VMEM((B,), jnp.int32),
        pltpu.VMEM((B,), jnp.int32),
        pltpu.VMEM((B,), jnp.float32),
        pltpu.VMEM((B,), jnp.float32),
        pltpu.VMEM((B,), jnp.float32),
        pltpu.VMEM((B,), jnp.float32),
        pltpu.VMEM((B, D), jnp.float32),
        pltpu.VMEM((B, D), jnp.float32),
        pltpu.VMEM((B, D), jnp.float32),
        pltpu.VMEM((B, D), jnp.float32),
        pltpu.VMEM((N,), jnp.float32),
        pltpu.VMEM((N,), jnp.float32),
        pltpu.VMEM_SHARED((N, D), jnp.float32),
        pltpu.SemaphoreType.DMA,
        pltpu.SemaphoreType.DMA,
        pltpu.SemaphoreType.DMA,
        pltpu.SemaphoreType.DMA,
        pltpu.SemaphoreType.DMA,
        pltpu.SemaphoreType.DMA,
    ],
)
def _edges(xn, g, ik0, ik1, wk, ih0, ih1, whk, whh, fko, fho,
           gi0, gj0, gi1, gj1, si0, sj0, si1, sj1,
           wa0, wa1, wb0, wb1,
           xi0, xj0, xi1, xj1, gall, fh, fk_acc,
           sg0, sg1, ss0, ss1, si0s, si1s):
    cid = lax.axis_index("c")
    sid = lax.axis_index("s")
    wid = cid * NS + sid
    z16 = jnp.zeros((16,), jnp.float32)
    lane0 = jnp.arange(16, dtype=jnp.int32) == 0
    GI = (gi0, gi1)
    GJ = (gj0, gj1)
    SI = (si0, si1)
    SJ = (sj0, sj1)
    WA = (wa0, wa1)
    WB = (wb0, wb1)
    XI = (xi0, xi1)
    XJ = (xj0, xj1)
    SG = (sg0, sg1)
    SS = (ss0, ss1)
    SM = (si0s, si1s)

    pltpu.sync_copy(g, gall)

    @plsc.parallel_loop(0, B)
    def _zrow(r):
        for k in range(D // 16):
            xi0[r, pl.ds(k * 16, 16)] = z16

    @plsc.parallel_loop(0, N // 16)
    def _zfh(i):
        fh[pl.ds(i * 16, 16)] = z16

    for r0 in range(0, RPT, B):
        pltpu.sync_copy(xi0, fk_acc.at[pl.ds(sid * RPT + r0, B)])
    plsc.subcore_barrier()

    def _phase(base0, C, i0_h, i1_h, wa_h, wb_h, hk):
        def _idx_dma(n, b):
            off = base0 + n * B
            pltpu.async_copy(i0_h.at[pl.ds(off, B)], GI[b], SM[b])
            pltpu.async_copy(i1_h.at[pl.ds(off, B)], GJ[b], SM[b])
            pltpu.async_copy(wa_h.at[pl.ds(off, B)], WA[b], SM[b])
            if hk:
                pltpu.async_copy(wb_h.at[pl.ds(off, B)], WB[b], SM[b])

        def _drain_idx(n, b):
            off = base0 + n * B
            pltpu.make_async_copy(i0_h.at[pl.ds(off, B)], GI[b], SM[b]).wait()
            pltpu.make_async_copy(i1_h.at[pl.ds(off, B)], GJ[b], SM[b]).wait()
            pltpu.make_async_copy(wa_h.at[pl.ds(off, B)], WA[b], SM[b]).wait()
            if hk:
                pltpu.make_async_copy(wb_h.at[pl.ds(off, B)], WB[b], SM[b]).wait()

        def _gather(b):
            pltpu.async_copy(xn.at[GI[b]], XI[b], SG[b])
            pltpu.async_copy(xn.at[GJ[b]], XJ[b], SG[b])

        def _drain_gather(b):
            pltpu.make_async_copy(xn.at[GI[b]], XI[b], SG[b]).wait()
            pltpu.make_async_copy(xn.at[GJ[b]], XJ[b], SG[b]).wait()

        def _scatter(b):
            pltpu.async_copy(XJ[b], fk_acc.at[SI[b]], SS[b], add=True)
            pltpu.async_copy(XI[b], fk_acc.at[SJ[b]], SS[b], add=True)

        def _drain_scatter(b):
            pltpu.make_async_copy(XJ[b], fk_acc.at[SI[b]], SS[b]).wait()
            pltpu.make_async_copy(XI[b], fk_acc.at[SJ[b]], SS[b]).wait()

        def _compute(b):
            xi_b, xj_b = XI[b], XJ[b]
            wa_b, wb_b = WA[b], WB[b]
            gi_b, gj_b = GI[b], GJ[b]

            @plsc.parallel_loop(0, B, unroll=16)
            def _edge(e):
                xiv = [xi_b[e, pl.ds(k * 16, 16)] for k in range(D // 16)]
                xjv = [xj_b[e, pl.ds(k * 16, 16)] for k in range(D // 16)]
                acc = xiv[0] * xjv[0]
                for k in range(1, D // 16):
                    acc = acc + xiv[k] * xjv[k]
                sv = jnp.broadcast_to(jnp.sum(acc), (16,))
                if hk:
                    iiv = _splat(gi_b, e)
                    jjv = _splat(gj_b, e)
                    giv = plsc.load_gather(gall, [iiv])
                    gjv = plsc.load_gather(gall, [jjv])
                    cv = _splat(wb_b, e) * sv
                    plsc.addupdate_scatter(fh, [iiv], cv * gjv, mask=lane0)
                    plsc.addupdate_scatter(fh, [jjv], cv * giv, mask=lane0)
                    qv = -(giv * gjv * _splat(wa_b, e))
                else:
                    qv = -_splat(wa_b, e) * sv
                for k in range(D // 16):
                    xj_b[e, pl.ds(k * 16, 16)] = qv * xjv[k]
                    xi_b[e, pl.ds(k * 16, 16)] = qv * xiv[k]

        def _save_idx(b):
            for k in range(B // 16):
                s = pl.ds(k * 16, 16)
                SI[b][s] = GI[b][s]
                SJ[b][s] = GJ[b][s]

        _idx_dma(0, 0)
        _idx_dma(1, 1)
        _drain_idx(0, 0)
        _gather(0)

        @pl.loop(0, C, step=2)
        def _loop(c):
            for b in (0, 1):
                o = 1 - b
                n = c + b
                if b == 0:
                    @pl.when(c > 0)
                    def _():
                        _drain_scatter(o)
                    _drain_idx(n + 1, o)
                    _gather(o)
                else:
                    _drain_scatter(o)

                    @pl.when(c < C - 2)
                    def _():
                        _drain_idx(n + 1, o)
                        _gather(o)
                _drain_gather(b)
                _save_idx(b)
                _compute(b)

                @pl.when(c < C - 2)
                def _():
                    _idx_dma(n + 2, b)
                _scatter(b)

        _drain_scatter((C - 1) % 2)

    _phase(wid * (CK * B), CK, ik0, ik1, wk, wk, False)
    _phase(wid * (CHK * B), CHK, ih0, ih1, whk, whh, True)
    plsc.subcore_barrier()

    pltpu.sync_copy(fk_acc.at[pl.ds(sid * RPT, RPT)],
                    fko.at[cid, pl.ds(sid * RPT, RPT)])
    pltpu.sync_copy(fh, fho.at[wid])


def _post_body(Xn_ref, fkp_ref, fhp_ref, h0_ref, fH_ref, fK_ref):
    fH_ref[...] = h0_ref[...] + jnp.sum(fhp_ref[...], axis=0, keepdims=True)
    X = Xn_ref[...]
    fKp = fkp_ref[0] + fkp_ref[1]
    proj = jnp.sum(X * fKp, axis=1, keepdims=True)
    fK_ref[...] = -fKp + X * proj


def _post(Xn, fkp, fhp, h0):
    return pl.pallas_call(
        _post_body,
        out_shape=[
            jax.ShapeDtypeStruct((1, N), jnp.float32),
            jax.ShapeDtypeStruct((N, D), jnp.float32),
        ],
    )(Xn, fkp, fhp, h0)


def kernel(t, state_H, state_K, ind_K, ind_HK, kappa_K, kappa_H, weights_H, bias_H, weights_HK, weights_K):
    g2, Xn = _prea(state_H, state_K)
    (h0,) = _preb(state_H, bias_H, weights_H)
    g = g2.reshape(N)
    whh = weights_HK[:, 0] / kappa_H
    whk = weights_HK[:, 0] / kappa_K
    fkp, fhp = _edges(Xn, g, ind_K[:, 0], ind_K[:, 1], weights_K,
                      ind_HK[:, 0], ind_HK[:, 1], whk, whh)
    fH2, fK = _post(Xn, fkp, fhp, h0)
    return (fH2.reshape(N), fK)

# --- scband reference (transcript-rebuilt; emitter-appended) ---
"""Pipeline reference for scband-hopfield-kuramoto-network-75110388072806 (READ-ONLY COPY).

The authoritative reference and input builder live on the scoring server;
editing this copy changes nothing except your own understanding.
"""

import jax, jax.numpy as jnp
import numpy as np

N = 4096
D = 128
E_K = 262144
E_HK = 131072
EPS_K = 0.02
EPS_H = 0.02
EPS_HK = 0.02


def setup_inputs(seed: int = 0) -> dict:
    key = jax.random.key(seed)
    ks = jax.random.split(key, 9)
    return {
        "t": 0.0,
        "state_H": jax.random.normal(ks[0], (N,), dtype=jnp.float32),
        "state_K": jax.random.normal(ks[1], (N, D), dtype=jnp.float32),
        "ind_K": jax.random.randint(ks[2], (E_K, 2), 0, N, dtype=jnp.int32),
        "ind_HK": jax.random.randint(ks[3], (E_HK, 2), 0, N, dtype=jnp.int32),
        "kappa_K": 1.0,
        "kappa_H": 1.0,
        "weights_H": EPS_H * jax.random.normal(ks[4], (N, N), dtype=jnp.float32),
        "bias_H": EPS_H * jax.random.normal(ks[5], (N,), dtype=jnp.float32),
        "weights_HK": EPS_HK * jax.random.normal(ks[6], (E_HK, 1), dtype=jnp.float32),
        "weights_K": EPS_K * jax.random.normal(ks[7], (E_K,), dtype=jnp.float32),
    }


def reference(t, state_H, state_K, ind_K, ind_HK, kappa_K, kappa_H, weights_H, bias_H, weights_HK, weights_K):
    # normalize Kuramoto oscillator states onto the unit sphere
    state_K = state_K / jnp.linalg.norm(state_K, axis=1, keepdims=True)
    # Lagrange net (tanh): g = dL/dx
    g = jnp.tanh(state_H)
    # --- Hopfield dynamics f_H ---
    f_H = jnp.zeros_like(g)
    Gram = jnp.sum(state_K[ind_HK[:, 0]] * state_K[ind_HK[:, 1]], axis=1)
    f_H = f_H.at[ind_HK[:, 0]].add(Gram * weights_HK[:, 0] * g[ind_HK[:, 1]] / kappa_H)
    f_H = f_H.at[ind_HK[:, 1]].add(Gram * weights_HK[:, 0] * g[ind_HK[:, 0]] / kappa_H)
    f_H = f_H + (weights_H + weights_H.T) @ g / 2 - state_H + bias_H
    # --- Kuramoto dynamics f_K ---
    s = jnp.sum(state_K[ind_K[:, 0]] * state_K[ind_K[:, 1]], axis=1)
    # quadratic edge interaction: E(s) = -0.5 * w * s^2  =>  dE/ds = -w * s
    dE_ds = jnp.expand_dims(-weights_K * s, 1)
    f_K = jnp.zeros_like(state_K)
    f_K = f_K.at[ind_K[:, 0]].add(dE_ds * state_K[ind_K[:, 1]])
    f_K = f_K.at[ind_K[:, 1]].add(dE_ds * state_K[ind_K[:, 0]])
    G = jnp.expand_dims(g[ind_HK[:, 0]] * g[ind_HK[:, 1]], 1)
    f_K = f_K.at[ind_HK[:, 0]].add(-G * weights_HK * state_K[ind_HK[:, 1]] / kappa_K)
    f_K = f_K.at[ind_HK[:, 1]].add(-G * weights_HK * state_K[ind_HK[:, 0]] / kappa_K)
    # project dynamics onto the tangent space of the sphere
    f_K = -f_K + state_K * jnp.sum(state_K * f_K, axis=1, keepdims=True)
    return (f_H, f_K)

if __name__ == "__main__":
    import jax
    _d = setup_inputs()
    print(jax.jit(kernel)(*tuple(_d.values())))

</pallas_src>

<mosaic_0001>
#map = affine_map<(d0, d1) -> (0, 0)>
#map1 = affine_map<(d0, d1) -> (0)>
#map2 = affine_map<(d0, d1) -> (0, 0, 0)>
module attributes {stable_mosaic.version = 14 : i64} {
  func.func @_edges(%arg0: i32, %arg1: i32, %arg2: memref<4096x128xf32, #tpu.memory_space<hbm>>, %arg3: memref<4096xf32, #tpu.memory_space<hbm>>, %arg4: memref<262144xi32, #tpu.memory_space<hbm>>, %arg5: memref<262144xi32, #tpu.memory_space<hbm>>, %arg6: memref<262144xf32, #tpu.memory_space<hbm>>, %arg7: memref<131072xi32, #tpu.memory_space<hbm>>, %arg8: memref<131072xi32, #tpu.memory_space<hbm>>, %arg9: memref<131072xf32, #tpu.memory_space<hbm>>, %arg10: memref<131072xf32, #tpu.memory_space<hbm>>, %arg11: memref<2x4096x128xf32, #tpu.memory_space<hbm>>, %arg12: memref<32x4096xf32, #tpu.memory_space<hbm>>, %arg13: memref<128xi32, #tpu.memory_space<vmem>>, %arg14: memref<128xi32, #tpu.memory_space<vmem>>, %arg15: memref<128xi32, #tpu.memory_space<vmem>>, %arg16: memref<128xi32, #tpu.memory_space<vmem>>, %arg17: memref<128xi32, #tpu.memory_space<vmem>>, %arg18: memref<128xi32, #tpu.memory_space<vmem>>, %arg19: memref<128xi32, #tpu.memory_space<vmem>>, %arg20: memref<128xi32, #tpu.memory_space<vmem>>, %arg21: memref<128xf32, #tpu.memory_space<vmem>>, %arg22: memref<128xf32, #tpu.memory_space<vmem>>, %arg23: memref<128xf32, #tpu.memory_space<vmem>>, %arg24: memref<128xf32, #tpu.memory_space<vmem>>, %arg25: memref<128x128xf32, #tpu.memory_space<vmem>>, %arg26: memref<128x128xf32, #tpu.memory_space<vmem>>, %arg27: memref<128x128xf32, #tpu.memory_space<vmem>>, %arg28: memref<128x128xf32, #tpu.memory_space<vmem>>, %arg29: memref<4096xf32, #tpu.memory_space<vmem>>, %arg30: memref<4096xf32, #tpu.memory_space<vmem>>, %arg31: memref<4096x128xf32, #tpu.memory_space<vmem_shared>>, %arg32: memref<!tpu.dma_semaphore, #tpu.memory_space<semaphore_mem>>, %arg33: memref<!tpu.dma_semaphore, #tpu.memory_space<semaphore_mem>>, %arg34: memref<!tpu.dma_semaphore, #tpu.memory_space<semaphore_mem>>, %arg35: memref<!tpu.dma_semaphore, #tpu.memory_space<semaphore_mem>>, %arg36: memref<!tpu.dma_semaphore, #tpu.memory_space<semaphore_mem>>, %arg37: memref<!tpu.dma_semaphore, #tpu.memory_space<semaphore_mem>>) attributes {dimension_semantics = [#tpu.dimension_semantics<core_parallel>, #tpu.dimension_semantics<subcore_parallel>], iteration_bounds = array<i64: 2, 16>, scalar_prefetch = 0 : i64, scratch_operands = 25 : i64, tpu.core_type = #tpu.core_type<sc_vector_subcore>, window_params = [{transform_indices = #map}, {transform_indices = #map1}, {transform_indices = #map1}, {transform_indices = #map1}, {transform_indices = #map1}, {transform_indices = #map1}, {transform_indices = #map1}, {transform_indices = #map1}, {transform_indices = #map1}, {transform_indices = #map2}, {transform_indices = #map}]} {
    %mul3A = arith.constant 16 : i32
    %mul3A_0 = arith.muli %arg0, %mul3A : i32
    %add3A = arith.addi %mul3A_0, %arg1 : i32
    %broadcast_in_dim3A = arith.constant 0.000000e+00 : f32
    %broadcast_in_dim3A_1 = vector.broadcast %broadcast_in_dim3A : f32 to vector<16xf32>
    %iota3A = tpu.iota {dimensions = array<i32: 0>} : vector<16xi32>
    %eq3A = arith.constant 0 : i32
    %eq3A_2 = vector.broadcast %eq3A : i32 to vector<16xi32>
    %eq3A_3 = arith.cmpi eq, %iota3A, %eq3A_2 : vector<16xi32>
    "tpu.region"() ({
      %run_scoped3A = tpu.sem_alloc : memref<!tpu.dma_semaphore, #tpu.memory_space<semaphore_mem>>
      tpu.enqueue_dma source(%arg3 : memref<4096xf32, #tpu.memory_space<hbm>>) target(%arg29 : memref<4096xf32, #tpu.memory_space<vmem>>) target_semaphore(%run_scoped3A : memref<!tpu.dma_semaphore, #tpu.memory_space<semaphore_mem>>)
      tpu.wait_dma2 semaphore(%run_scoped3A : memref<!tpu.dma_semaphore, #tpu.memory_space<semaphore_mem>>) src(%arg3 : memref<4096xf32, #tpu.memory_space<hbm>>) dst(%arg29 : memref<4096xf32, #tpu.memory_space<vmem>>)
      tpu.yield
    }) : () -> ()
    %parallel_loop3A = arith.constant 0 : i32
    %parallel_loop3A_4 = arith.constant 128 : i32
    %parallel_loop3A_5 = arith.constant 1 : i32
    scf.for %parallel_loop3A_111 = %parallel_loop3A to %parallel_loop3A_4 step %parallel_loop3A_5  : i32 {
      %parallel_loop3A_112 = arith.index_cast %parallel_loop3A_111 : i32 to index
      %parallel_loop3A_113 = arith.constant 0 : index
      %parallel_loop3A_114 = tpu.vector_load %arg25[%parallel_loop3A_112, %parallel_loop3A_113] {strides = array<i32>} : memref<128x128xf32, #tpu.memory_space<vmem>>, vector<16xf32>,
      tpu.vector_store %arg25[%parallel_loop3A_112, %parallel_loop3A_113], %broadcast_in_dim3A_1 {strides = array<i32>} : memref<128x128xf32, #tpu.memory_space<vmem>>, vector<16xf32>,
      %parallel_loop3A_115 = arith.index_cast %parallel_loop3A_111 : i32 to index
      %parallel_loop3A_116 = arith.constant 16 : index
      %parallel_loop3A_117 = tpu.vector_load %arg25[%parallel_loop3A_115, %parallel_loop3A_116] {strides = array<i32>} : memref<128x128xf32, #tpu.memory_space<vmem>>, vector<16xf32>,
      tpu.vector_store %arg25[%parallel_loop3A_115, %parallel_loop3A_116], %broadcast_in_dim3A_1 {strides = array<i32>} : memref<128x128xf32, #tpu.memory_space<vmem>>, vector<16xf32>,
      %parallel_loop3A_118 = arith.index_cast %parallel_loop3A_111 : i32 to index
      %parallel_loop3A_119 = arith.constant 32 : index
      %parallel_loop3A_120 = tpu.vector_load %arg25[%parallel_loop3A_118, %parallel_loop3A_119] {strides = array<i32>} : memref<128x128xf32, #tpu.memory_space<vmem>>, vector<16xf32>,
      tpu.vector_store %arg25[%parallel_loop3A_118, %parallel_loop3A_119], %broadcast_in_dim3A_1 {strides = array<i32>} : memref<128x128xf32, #tpu.memory_space<vmem>>, vector<16xf32>,
      %parallel_loop3A_121 = arith.index_cast %parallel_loop3A_111 : i32 to index
      %parallel_loop3A_122 = arith.constant 48 : index
      %parallel_loop3A_123 = tpu.vector_load %arg25[%parallel_loop3A_121, %parallel_loop3A_122] {strides = array<i32>} : memref<128x128xf32, #tpu.memory_space<vmem>>, vector<16xf32>,
      tpu.vector_store %arg25[%parallel_loop3A_121, %parallel_loop3A_122], %broadcast_in_dim3A_1 {strides = array<i32>} : memref<128x128xf32, #tpu.memory_space<vmem>>, vector<16xf32>,
      %parallel_loop3A_124 = arith.index_cast %parallel_loop3A_111 : i32 to index
      %parallel_loop3A_125 = arith.constant 64 : index
      %parallel_loop3A_126 = tpu.vector_load %arg25[%parallel_loop3A_124, %parallel_loop3A_125] {strides = array<i32>} : memref<128x128xf32, #tpu.memory_space<vmem>>, vector<16xf32>,
      tpu.vector_store %arg25[%parallel_loop3A_124, %parallel_loop3A_125], %broadcast_in_dim3A_1 {strides = array<i32>} : memref<128x128xf32, #tpu.memory_space<vmem>>, vector<16xf32>,
      %parallel_loop3A_127 = arith.index_cast %parallel_loop3A_111 : i32 to index
      %parallel_loop3A_128 = arith.constant 80 : index
      %parallel_loop3A_129 = tpu.vector_load %arg25[%parallel_loop3A_127, %parallel_loop3A_128] {strides = array<i32>} : memref<128x128xf32, #tpu.memory_space<vmem>>, vector<16xf32>,
      tpu.vector_store %arg25[%parallel_loop3A_127, %parallel_loop3A_128], %broadcast_in_dim3A_1 {strides = array<i32>} : memref<128x128xf32, #tpu.memory_space<vmem>>, vector<16xf32>,
      %parallel_loop3A_130 = arith.index_cast %parallel_loop3A_111 : i32 to index
      %parallel_loop3A_131 = arith.constant 96 : index
      %parallel_loop3A_132 = tpu.vector_load %arg25[%parallel_loop3A_130, %parallel_loop3A_131] {strides = array<i32>} : memref<128x128xf32, #tpu.memory_space<vmem>>, vector<16xf32>,
      tpu.vector_store %arg25[%parallel_loop3A_130, %parallel_loop3A_131], %broadcast_in_dim3A_1 {strides = array<i32>} : memref<128x128xf32, #tpu.memory_space<vmem>>, vector<16xf32>,
      %parallel_loop3A_133 = arith.index_cast %parallel_loop3A_111 : i32 to index
      %parallel_loop3A_134 = arith.constant 112 : index
      %parallel_loop3A_135 = tpu.vector_load %arg25[%parallel_loop3A_133, %parallel_loop3A_134] {strides = array<i32>} : memref<128x128xf32, #tpu.memory_space<vmem>>, vector<16xf32>,
      tpu.vector_store %arg25[%parallel_loop3A_133, %parallel_loop3A_134], %broadcast_in_dim3A_1 {strides = array<i32>} : memref<128x128xf32, #tpu.memory_space<vmem>>, vector<16xf32>,
    } {sc.loop_unroll_factor = 1 : i64, sc.parallel_access}
    %parallel_loop3A_6 = arith.constant 0 : i32
    %parallel_loop3A_7 = arith.constant 256 : i32
    %parallel_loop3A_8 = arith.constant 1 : i32
    scf.for %parallel_loop3A_111 = %parallel_loop3A_6 to %parallel_loop3A_7 step %parallel_loop3A_8  : i32 {
      %parallel_loop3A_112 = arith.constant 16 : i32
      %parallel_loop3A_113 = arith.muli %parallel_loop3A_111, %parallel_loop3A_112 : i32
      %parallel_loop3A_114 = arith.index_cast %parallel_loop3A_113 : i32 to index
      %parallel_loop3A_115 = tpu.vector_load %arg30[%parallel_loop3A_114] {strides = array<i32>} : memref<4096xf32, #tpu.memory_space<vmem>>, vector<16xf32>,
      tpu.vector_store %arg30[%parallel_loop3A_114], %broadcast_in_dim3A_1 {strides = array<i32>} : memref<4096xf32, #tpu.memory_space<vmem>>, vector<16xf32>,
    } {sc.loop_unroll_factor = 1 : i64, sc.parallel_access}
    %mul3A_9 = arith.constant 256 : i32
    %mul3A_10 = arith.muli %arg1, %mul3A_9 : i32
    %add3A_11 = arith.constant 0 : i32
    %add3A_12 = arith.addi %mul3A_10, %add3A_11 : i32
    "tpu.region"() ({
      %run_scoped3A = tpu.sem_alloc : memref<!tpu.dma_semaphore, #tpu.memory_space<semaphore_mem>>
      %dma_start3A_111 = arith.constant 0 : i32
      %dma_start3A_112 = tpu.memref_slice %arg31[%add3A_12, %dma_start3A_111] : memref<4096x128xf32, #tpu.memory_space<vmem_shared>> -> memref<128x128xf32, #tpu.memory_space<vmem_shared>>
      %dma_start3A_113 = arith.constant 0 : i32
      %dma_start3A_114 = tpu.memref_slice %arg31[%add3A_12, %dma_start3A_113] : memref<4096x128xf32, #tpu.memory_space<vmem_shared>> -> memref<128x128xf32, #tpu.memory_space<vmem_shared>>
      tpu.enqueue_dma source(%arg25 : memref<128x128xf32, #tpu.memory_space<vmem>>) target(%dma_start3A_114 : memref<128x128xf32, #tpu.memory_space<vmem_shared>>) target_semaphore(%run_scoped3A : memref<!tpu.dma_semaphore, #tpu.memory_space<semaphore_mem>>)
      %dma_wait3A_115 = arith.constant 0 : i32
      %dma_wait3A_116 = tpu.memref_slice %arg31[%add3A_12, %dma_wait3A_115] : memref<4096x128xf32, #tpu.memory_space<vmem_shared>> -> memref<128x128xf32, #tpu.memory_space<vmem_shared>>
      %dma_wait3A_117 = arith.constant 0 : i32
      %dma_wait3A_118 = tpu.memref_slice %arg31[%add3A_12, %dma_wait3A_117] : memref<4096x128xf32, #tpu.memory_space<vmem_shared>> -> memref<128x128xf32, #tpu.memory_space<vmem_shared>>
      tpu.wait_dma2 semaphore(%run_scoped3A : memref<!tpu.dma_semaphore, #tpu.memory_space<semaphore_mem>>) src(%arg25 : memref<128x128xf32, #tpu.memory_space<vmem>>) dst(%dma_wait3A_118 : memref<128x128xf32, #tpu.memory_space<vmem_shared>>)
      tpu.yield
    }) : () -> ()
    %mul3A_13 = arith.constant 256 : i32
    %mul3A_14 = arith.muli %arg1, %mul3A_13 : i32
    %add3A_15 = arith.constant 128 : i32
    %add3A_16 = arith.addi %mul3A_14, %add3A_15 : i32
    "tpu.region"() ({
      %run_scoped3A = tpu.sem_alloc : memref<!tpu.dma_semaphore, #tpu.memory_space<semaphore_mem>>
      %dma_start3A_111 = arith.constant 0 : i32
      %dma_start3A_112 = tpu.memref_slice %arg31[%add3A_16, %dma_start3A_111] : memref<4096x128xf32, #tpu.memory_space<vmem_shared>> -> memref<128x128xf32, #tpu.memory_space<vmem_shared>>
      %dma_start3A_113 = arith.constant 0 : i32
      %dma_start3A_114 = tpu.memref_slice %arg31[%add3A_16, %dma_start3A_113] : memref<4096x128xf32, #tpu.memory_space<vmem_shared>> -> memref<128x128xf32, #tpu.memory_space<vmem_shared>>
      tpu.enqueue_dma source(%arg25 : memref<128x128xf32, #tpu.memory_space<vmem>>) target(%dma_start3A_114 : memref<128x128xf32, #tpu.memory_space<vmem_shared>>) target_semaphore(%run_scoped3A : memref<!tpu.dma_semaphore, #tpu.memory_space<semaphore_mem>>)
      %dma_wait3A_115 = arith.constant 0 : i32
      %dma_wait3A_116 = tpu.memref_slice %arg31[%add3A_16, %dma_wait3A_115] : memref<4096x128xf32, #tpu.memory_space<vmem_shared>> -> memref<128x128xf32, #tpu.memory_space<vmem_shared>>
      %dma_wait3A_117 = arith.constant 0 : i32
      %dma_wait3A_118 = tpu.memref_slice %arg31[%add3A_16, %dma_wait3A_117] : memref<4096x128xf32, #tpu.memory_space<vmem_shared>> -> memref<128x128xf32, #tpu.memory_space<vmem_shared>>
      tpu.wait_dma2 semaphore(%run_scoped3A : memref<!tpu.dma_semaphore, #tpu.memory_space<semaphore_mem>>) src(%arg25 : memref<128x128xf32, #tpu.memory_space<vmem>>) dst(%dma_wait3A_118 : memref<128x128xf32, #tpu.memory_space<vmem_shared>>)
      tpu.yield
    }) : () -> ()
    %barrier3A = arith.constant 0 : index
    tpu.barrier barrier_id(%barrier3A)
    %mul3A_17 = arith.constant 8192 : i32
    %mul3A_18 = arith.muli %add3A, %mul3A_17 : i32
    %add3A_19 = arith.constant 0 : i32
    %add3A_20 = arith.addi %mul3A_18, %add3A_19 : i32
    %dma_start3A = tpu.memref_slice %arg4[%add3A_20] : memref<262144xi32, #tpu.memory_space<hbm>> -> memref<128xi32, #tpu.memory_space<hbm>>
    %dma_start3A_21 = tpu.memref_slice %arg4[%add3A_20] : memref<262144xi32, #tpu.memory_space<hbm>> -> memref<128xi32, #tpu.memory_space<hbm>>
    tpu.enqueue_dma source(%dma_start3A_21 : memref<128xi32, #tpu.memory_space<hbm>>) target(%arg13 : memref<128xi32, #tpu.memory_space<vmem>>) target_semaphore(%arg36 : memref<!tpu.dma_semaphore, #tpu.memory_space<semaphore_mem>>)
    %dma_start3A_22 = tpu.memref_slice %arg5[%add3A_20] : memref<262144xi32, #tpu.memory_space<hbm>> -> memref<128xi32, #tpu.memory_space<hbm>>
    %dma_start3A_23 = tpu.memref_slice %arg5[%add3A_20] : memref<262144xi32, #tpu.memory_space<hbm>> -> memref<128xi32, #tpu.memory_space<hbm>>
    tpu.enqueue_dma source(%dma_start3A_23 : memref<128xi32, #tpu.memory_space<hbm>>) target(%arg14 : memref<128xi32, #tpu.memory_space<vmem>>) target_semaphore(%arg36 : memref<!tpu.dma_semaphore, #tpu.memory_space<semaphore_mem>>)
    %dma_start3A_24 = tpu.memref_slice %arg6[%add3A_20] : memref<262144xf32, #tpu.memory_space<hbm>> -> memref<128xf32, #tpu.memory_space<hbm>>
    %dma_start3A_25 = tpu.memref_slice %arg6[%add3A_20] : memref<262144xf32, #tpu.memory_space<hbm>> -> memref<128xf32, #tpu.memory_space<hbm>>
    tpu.enqueue_dma source(%dma_start3A_25 : memref<128xf32, #tpu.memory_space<hbm>>) target(%arg21 : memref<128xf32, #tpu.memory_space<vmem>>) target_semaphore(%arg36 : memref<!tpu.dma_semaphore, #tpu.memory_space<semaphore_mem>>)
    %add3A_26 = arith.constant 128 : i32
    %add3A_27 = arith.addi %mul3A_18, %add3A_26 : i32
    %dma_start3A_28 = tpu.memref_slice %arg4[%add3A_27] : memref<262144xi32, #tpu.memory_space<hbm>> -> memref<128xi32, #tpu.memory_space<hbm>>
    %dma_start3A_29 = tpu.memref_slice %arg4[%add3A_27] : memref<262144xi32, #tpu.memory_space<hbm>> -> memref<128xi32, #tpu.memory_space<hbm>>
    tpu.enqueue_dma source(%dma_start3A_29 : memref<128xi32, #tpu.memory_space<hbm>>) target(%arg15 : memref<128xi32, #tpu.memory_space<vmem>>) target_semaphore(%arg37 : memref<!tpu.dma_semaphore, #tpu.memory_space<semaphore_mem>>)
    %dma_start3A_30 = tpu.memref_slice %arg5[%add3A_27] : memref<262144xi32, #tpu.memory_space<hbm>> -> memref<128xi32, #tpu.memory_space<hbm>>
    %dma_start3A_31 = tpu.memref_slice %arg5[%add3A_27] : memref<262144xi32, #tpu.memory_space<hbm>> -> memref<128xi32, #tpu.memory_space<hbm>>
    tpu.enqueue_dma source(%dma_start3A_31 : memref<128xi32, #tpu.memory_space<hbm>>) target(%arg16 : memref<128xi32, #tpu.memory_space<vmem>>) target_semaphore(%arg37 : memref<!tpu.dma_semaphore, #tpu.memory_space<semaphore_mem>>)
    %dma_start3A_32 = tpu.memref_slice %arg6[%add3A_27] : memref<262144xf32, #tpu.memory_space<hbm>> -> memref<128xf32, #tpu.memory_space<hbm>>
    %dma_start3A_33 = tpu.memref_slice %arg6[%add3A_27] : memref<262144xf32, #tpu.memory_space<hbm>> -> memref<128xf32, #tpu.memory_space<hbm>>
    tpu.enqueue_dma source(%dma_start3A_33 : memref<128xf32, #tpu.memory_space<hbm>>) target(%arg22 : memref<128xf32, #tpu.memory_space<vmem>>) target_semaphore(%arg37 : memref<!tpu.dma_semaphore, #tpu.memory_space<semaphore_mem>>)
    %add3A_34 = arith.constant 0 : i32
    %add3A_35 = arith.addi %mul3A_18, %add3A_34 : i32
    %dma_wait3A = tpu.memref_slice %arg4[%add3A_35] : memref<262144xi32, #tpu.memory_space<hbm>> -> memref<128xi32, #tpu.memory_space<hbm>>
    %dma_wait3A_36 = tpu.memref_slice %arg4[%add3A_35] : memref<262144xi32, #tpu.memory_space<hbm>> -> memref<128xi32, #tpu.memory_space<hbm>>
    tpu.wait_dma2 semaphore(%arg36 : memref<!tpu.dma_semaphore, #tpu.memory_space<semaphore_mem>>) src(%dma_wait3A_36 : memref<128xi32, #tpu.memory_space<hbm>>) dst(%arg13 : memref<128xi32, #tpu.memory_space<vmem>>)
    %dma_wait3A_37 = tpu.memref_slice %arg5[%add3A_35] : memref<262144xi32, #tpu.memory_space<hbm>> -> memref<128xi32, #tpu.memory_space<hbm>>
    %dma_wait3A_38 = tpu.memref_slice %arg5[%add3A_35] : memref<262144xi32, #tpu.memory_space<hbm>> -> memref<128xi32, #tpu.memory_space<hbm>>
    tpu.wait_dma2 semaphore(%arg36 : memref<!tpu.dma_semaphore, #tpu.memory_space<semaphore_mem>>) src(%dma_wait3A_38 : memref<128xi32, #tpu.memory_space<hbm>>) dst(%arg14 : memref<128xi32, #tpu.memory_space<vmem>>)
    %dma_wait3A_39 = tpu.memref_slice %arg6[%add3A_35] : memref<262144xf32, #tpu.memory_space<hbm>> -> memref<128xf32, #tpu.memory_space<hbm>>
    %dma_wait3A_40 = tpu.memref_slice %arg6[%add3A_35] : memref<262144xf32, #tpu.memory_space<hbm>> -> memref<128xf32, #tpu.memory_space<hbm>>
    tpu.wait_dma2 semaphore(%arg36 : memref<!tpu.dma_semaphore, #tpu.memory_space<semaphore_mem>>) src(%dma_wait3A_40 : memref<128xf32, #tpu.memory_space<hbm>>) dst(%arg21 : memref<128xf32, #tpu.memory_space<vmem>>)
    %dma_start3A_41 = arith.constant 0 : i32
    %dma_start3A_42 = arith.constant 0 : i32
    %dma_start3A_43 = tpu.memref_slice %arg2[%dma_start3A_41, %dma_start3A_42] : memref<4096x128xf32, #tpu.memory_space<hbm>> -> memref<4096x128xf32, #tpu.memory_space<hbm>>
    tpu.enqueue_indirect_dma source(%dma_start3A_43 : memref<4096x128xf32, #tpu.memory_space<hbm>>) target(%arg25 : memref<128x128xf32, #tpu.memory_space<vmem>>) offsets(%arg13 : memref<128xi32, #tpu.memory_space<vmem>>) semaphore(%arg32 : memref<!tpu.dma_semaphore, #tpu.memory_space<semaphore_mem>>)
    %dma_start3A_44 = arith.constant 0 : i32
    %dma_start3A_45 = arith.constant 0 : i32
    %dma_start3A_46 = tpu.memref_slice %arg2[%dma_start3A_44, %dma_start3A_45] : memref<4096x128xf32, #tpu.memory_space<hbm>> -> memref<4096x128xf32, #tpu.memory_space<hbm>>
    tpu.enqueue_indirect_dma source(%dma_start3A_46 : memref<4096x128xf32, #tpu.memory_space<hbm>>) target(%arg26 : memref<128x128xf32, #tpu.memory_space<vmem>>) offsets(%arg14 : memref<128xi32, #tpu.memory_space<vmem>>) semaphore(%arg32 : memref<!tpu.dma_semaphore, #tpu.memory_space<semaphore_mem>>)
    %scan3A = arith.constant 0 : i32
    %scan3A_47 = arith.constant 32 : i32
    %scan3A_48 = arith.addi %scan3A, %scan3A_47 : i32
    %scan3A_49 = arith.constant 1 : i32
    scf.for %scan3A_111 = %scan3A to %scan3A_48 step %scan3A_49  : i32 {
      %mul3A_112 = arith.constant 2 : i32
      %mul3A_113 = arith.muli %scan3A_111, %mul3A_112 : i32
      %add3A_114 = arith.constant 0 : i32
      %add3A_115 = arith.addi %add3A_114, %mul3A_113 : i32
      %add3A_116 = arith.constant 0 : i32
      %add3A_117 = arith.addi %add3A_115, %add3A_116 : i32
      %gt3A = arith.constant 0 : i32
      %gt3A_118 = arith.cmpi sgt, %add3A_115, %gt3A : i32
      %convert_element_type3A = arith.extui %gt3A_118 : i1 to i32
      %cond3A = arith.constant 0 : i32
      %cond3A_119 = arith.cmpi ne, %convert_element_type3A, %cond3A : i32
      scf.if %cond3A_119 {
        %dma_wait3A_315 = arith.constant 0 : i32
        %dma_wait3A_316 = arith.constant 0 : i32
        %dma_wait3A_317 = tpu.memref_slice %arg31[%dma_wait3A_315, %dma_wait3A_316] : memref<4096x128xf32, #tpu.memory_space<vmem_shared>> -> memref<4096x128xf32, #tpu.memory_space<vmem_shared>>
        tpu.wait_indirect_dma semaphore(%arg35 : memref<!tpu.dma_semaphore, #tpu.memory_space<semaphore_mem>>) src(%arg28 : memref<128x128xf32, #tpu.memory_space<vmem>>) dst(%dma_wait3A_317 : memref<4096x128xf32, #tpu.memory_space<vmem_shared>>)
        %dma_wait3A_318 = arith.constant 0 : i32
        %dma_wait3A_319 = arith.constant 0 : i32
        %dma_wait3A_320 = tpu.memref_slice %arg31[%dma_wait3A_318, %dma_wait3A_319] : memref<4096x128xf32, #tpu.memory_space<vmem_shared>> -> memref<4096x128xf32, #tpu.memory_space<vmem_shared>>
        tpu.wait_indirect_dma semaphore(%arg35 : memref<!tpu.dma_semaphore, #tpu.memory_space<semaphore_mem>>) src(%arg27 : memref<128x128xf32, #tpu.memory_space<vmem>>) dst(%dma_wait3A_320 : memref<4096x128xf32, #tpu.memory_space<vmem_shared>>)
      } else {
      }
      %add3A_120 = arith.constant 1 : i32
      %add3A_121 = arith.addi %add3A_117, %add3A_120 : i32
      %mul3A_122 = arith.constant 128 : i32
      %mul3A_123 = arith.muli %add3A_121, %mul3A_122 : i32
      %add3A_124 = arith.addi %mul3A_18, %mul3A_123 : i32
      %dma_wait3A_125 = tpu.memref_slice %arg4[%add3A_124] : memref<262144xi32, #tpu.memory_space<hbm>> -> memref<128xi32, #tpu.memory_space<hbm>>
      %dma_wait3A_126 = tpu.memref_slice %arg4[%add3A_124] : memref<262144xi32, #tpu.memory_space<hbm>> -> memref<128xi32, #tpu.memory_space<hbm>>
      tpu.wait_dma2 semaphore(%arg37 : memref<!tpu.dma_semaphore, #tpu.memory_space<semaphore_mem>>) src(%dma_wait3A_126 : memref<128xi32, #tpu.memory_space<hbm>>) dst(%arg15 : memref<128xi32, #tpu.memory_space<vmem>>)
      %dma_wait3A_127 = tpu.memref_slice %arg5[%add3A_124] : memref<262144xi32, #tpu.memory_space<hbm>> -> memref<128xi32, #tpu.memory_space<hbm>>
      %dma_wait3A_128 = tpu.memref_slice %arg5[%add3A_124] : memref<262144xi32, #tpu.memory_space<hbm>> -> memref<128xi32, #tpu.memory_space<hbm>>
      tpu.wait_dma2 semaphore(%arg37 : memref<!tpu.dma_semaphore, #tpu.memory_space<semaphore_mem>>) src(%dma_wait3A_128 : memref<128xi32, #tpu.memory_space<hbm>>) dst(%arg16 : memref<128xi32, #tpu.memory_space<vmem>>)
      %dma_wait3A_129 = tpu.memref_slice %arg6[%add3A_124] : memref<262144xf32, #tpu.memory_space<hbm>> -> memref<128xf32, #tpu.memory_space<hbm>>
      %dma_wait3A_130 = tpu.memref_slice %arg6[%add3A_124] : memref<262144xf32, #tpu.memory_space<hbm>> -> memref<128xf32, #tpu.memory_space<hbm>>
      tpu.wait_dma2 semaphore(%arg37 : memref<!tpu.dma_semaphore, #tpu.memory_space<semaphore_mem>>) src(%dma_wait3A_130 : memref<128xf32, #tpu.memory_space<hbm>>) dst(%arg22 : memref<128xf32, #tpu.memory_space<vmem>>)
      %dma_start3A_131 = arith.constant 0 : i32
      %dma_start3A_132 = arith.constant 0 : i32
      %dma_start3A_133 = tpu.memref_slice %arg2[%dma_start3A_131, %dma_start3A_132] : memref<4096x128xf32, #tpu.memory_space<hbm>> -> memref<4096x128xf32, #tpu.memory_space<hbm>>
      tpu.enqueue_indirect_dma source(%dma_start3A_133 : memref<4096x128xf32, #tpu.memory_space<hbm>>) target(%arg27 : memref<128x128xf32, #tpu.memory_space<vmem>>) offsets(%arg15 : memref<128xi32, #tpu.memory_space<vmem>>) semaphore(%arg33 : memref<!tpu.dma_semaphore, #tpu.memory_space<semaphore_mem>>)
      %dma_start3A_134 = arith.constant 0 : i32
      %dma_start3A_135 = arith.constant 0 : i32
      %dma_start3A_136 = tpu.memref_slice %arg2[%dma_start3A_134, %dma_start3A_135] : memref<4096x128xf32, #tpu.memory_space<hbm>> -> memref<4096x128xf32, #tpu.memory_space<hbm>>
      tpu.enqueue_indirect_dma source(%dma_start3A_136 : memref<4096x128xf32, #tpu.memory_space<hbm>>) target(%arg28 : memref<128x128xf32, #tpu.memory_space<vmem>>) offsets(%arg16 : memref<128xi32, #tpu.memory_space<vmem>>) semaphore(%arg33 : memref<!tpu.dma_semaphore, #tpu.memory_space<semaphore_mem>>)
      %dma_wait3A_137 = arith.constant 0 : i32
      %dma_wait3A_138 = arith.constant 0 : i32
      %dma_wait3A_139 = tpu.memref_slice %arg2[%dma_wait3A_137, %dma_wait3A_138] : memref<4096x128xf32, #tpu.memory_space<hbm>> -> memref<4096x128xf32, #tpu.memory_space<hbm>>
      tpu.wait_indirect_dma semaphore(%arg32 : memref<!tpu.dma_semaphore, #tpu.memory_space<semaphore_mem>>) src(%dma_wait3A_139 : memref<4096x128xf32, #tpu.memory_space<hbm>>) dst(%arg25 : memref<128x128xf32, #tpu.memory_space<vmem>>)
      %dma_wait3A_140 = arith.constant 0 : i32
      %dma_wait3A_141 = arith.constant 0 : i32
      %dma_wait3A_142 = tpu.memref_slice %arg2[%dma_wait3A_140, %dma_wait3A_141] : memref<4096x128xf32, #tpu.memory_space<hbm>> -> memref<4096x128xf32, #tpu.memory_space<hbm>>
      tpu.wait_indirect_dma semaphore(%arg32 : memref<!tpu.dma_semaphore, #tpu.memory_space<semaphore_mem>>) src(%dma_wait3A_142 : memref<4096x128xf32, #tpu.memory_space<hbm>>) dst(%arg26 : memref<128x128xf32, #tpu.memory_space<vmem>>)
      %get3A = arith.constant 0 : index
      %get3A_143 = tpu.vector_load %arg13[%get3A] {strides = array<i32>} : memref<128xi32, #tpu.memory_space<vmem>>, vector<16xi32>,
      %swap3A = arith.constant 0 : index
      %swap3A_144 = tpu.vector_load %arg17[%swap3A] {strides = array<i32>} : memref<128xi32, #tpu.memory_space<vmem>>, vector<16xi32>,
      tpu.vector_store %arg17[%swap3A], %get3A_143 {strides = array<i32>} : memref<128xi32, #tpu.memory_space<vmem>>, vector<16xi32>,
      %get3A_145 = arith.constant 0 : index
      %get3A_146 = tpu.vector_load %arg14[%get3A_145] {strides = array<i32>} : memref<128xi32, #tpu.memory_space<vmem>>, vector<16xi32>,
      %swap3A_147 = arith.constant 0 : index
      %swap3A_148 = tpu.vector_load %arg18[%swap3A_147] {strides = array<i32>} : memref<128xi32, #tpu.memory_space<vmem>>, vector<16xi32>,
      tpu.vector_store %arg18[%swap3A_147], %get3A_146 {strides = array<i32>} : memref<128xi32, #tpu.memory_space<vmem>>, vector<16xi32>,
      %get3A_149 = arith.constant 16 : index
      %get3A_150 = tpu.vector_load %arg13[%get3A_149] {strides = array<i32>} : memref<128xi32, #tpu.memory_space<vmem>>, vector<16xi32>,
      %swap3A_151 = arith.constant 16 : index
      %swap3A_152 = tpu.vector_load %arg17[%swap3A_151] {strides = array<i32>} : memref<128xi32, #tpu.memory_space<vmem>>, vector<16xi32>,
      tpu.vector_store %arg17[%swap3A_151], %get3A_150 {strides = array<i32>} : memref<128xi32, #tpu.memory_space<vmem>>, vector<16xi32>,
      %get3A_153 = arith.constant 16 : index
      %get3A_154 = tpu.vector_load %arg14[%get3A_153] {strides = array<i32>} : memref<128xi32, #tpu.memory_space<vmem>>, vector<16xi32>,
      %swap3A_155 = arith.constant 16 : index
      %swap3A_156 = tpu.vector_load %arg18[%swap3A_155] {strides = array<i32>} : memref<128xi32, #tpu.memory_space<vmem>>, vector<16xi32>,
      tpu.vector_store %arg18[%swap3A_155], %get3A_154 {strides = array<i32>} : memref<128xi32, #tpu.memory_space<vmem>>, vector<16xi32>,
      %get3A_157 = arith.constant 32 : index
      %get3A_158 = tpu.vector_load %arg13[%get3A_157] {strides = array<i32>} : memref<128xi32, #tpu.memory_space<vmem>>, vector<16xi32>,
      %swap3A_159 = arith.constant 32 : index
      %swap3A_160 = tpu.vector_load %arg17[%swap3A_159] {strides = array<i32>} : memref<128xi32, #tpu.memory_space<vmem>>, vector<16xi32>,
      tpu.vector_store %arg17[%swap3A_159], %get3A_158 {strides = array<i32>} : memref<128xi32, #tpu.memory_space<vmem>>, vector<16xi32>,
      %get3A_161 = arith.constant 32 : index
      %get3A_162 = tpu.vector_load %arg14[%get3A_161] {strides = array<i32>} : memref<128xi32, #tpu.memory_space<vmem>>, vector<16xi32>,
      %swap3A_163 = arith.constant 32 : index
      %swap3A_164 = tpu.vector_load %arg18[%swap3A_163] {strides = array<i32>} : memref<128xi32, #tpu.memory_space<vmem>>, vector<16xi32>,
      tpu.vector_store %arg18[%swap3A_163], %get3A_162 {strides = array<i32>} : memref<128xi32, #tpu.memory_space<vmem>>, vector<16xi32>,
      %get3A_165 = arith.constant 48 : index
      %get3A_166 = tpu.vector_load %arg13[%get3A_165] {strides = array<i32>} : memref<128xi32, #tpu.memory_space<vmem>>, vector<16xi32>,
      %swap3A_167 = arith.constant 48 : index
      %swap3A_168 = tpu.vector_load %arg17[%swap3A_167] {strides = array<i32>} : memref<128xi32, #tpu.memory_space<vmem>>, vector<16xi32>,
      tpu.vector_store %arg17[%swap3A_167], %get3A_166 {strides = array<i32>} : memref<128xi32, #tpu.memory_space<vmem>>, vector<16xi32>,
      %get3A_169 = arith.constant 48 : index
      %get3A_170 = tpu.vector_load %arg14[%get3A_169] {strides = array<i32>} : memref<128xi32, #tpu.memory_space<vmem>>, vector<16xi32>,
      %swap3A_171 = arith.constant 48 : index
      %swap3A_172 = tpu.vector_load %arg18[%swap3A_171] {strides = array<i32>} : memref<128xi32, #tpu.memory_space<vmem>>, vector<16xi32>,
      tpu.vector_store %arg18[%swap3A_171], %get3A_170 {strides = array<i32>} : memref<128xi32, #tpu.memory_space<vmem>>, vector<16xi32>,
      %get3A_173 = arith.constant 64 : index
      %get3A_174 = tpu.vector_load %arg13[%get3A_173] {strides = array<i32>} : memref<128xi32, #tpu.memory_space<vmem>>, vector<16xi32>,
      %swap3A_175 = arith.constant 64 : index
      %swap3A_176 = tpu.vector_load %arg17[%swap3A_175] {strides = array<i32>} : memref<128xi32, #tpu.memory_space<vmem>>, vector<16xi32>,
      tpu.vector_store %arg17[%swap3A_175], %get3A_174 {strides = array<i32>} : memref<128xi32, #tpu.memory_space<vmem>>, vector<16xi32>,
      %get3A_177 = arith.constant 64 : index
      %get3A_178 = tpu.vector_load %arg14[%get3A_177] {strides = array<i32>} : memref<128xi32, #tpu.memory_space<vmem>>, vector<16xi32>,
      %swap3A_179 = arith.constant 64 : index
      %swap3A_180 = tpu.vector_load %arg18[%swap3A_179] {strides = array<i32>} : memref<128xi32, #tpu.memory_space<vmem>>, vector<16xi32>,
      tpu.vector_store %arg18[%swap3A_179], %get3A_178 {strides = array<i32>} : memref<128xi32, #tpu.memory_space<vmem>>, vector<16xi32>,
      %get3A_181 = arith.constant 80 : index
      %get3A_182 = tpu.vector_load %arg13[%get3A_181] {strides = array<i32>} : memref<128xi32, #tpu.memory_space<vmem>>, vector<16xi32>,
      %swap3A_183 = arith.constant 80 : index
      %swap3A_184 = tpu.vector_load %arg17[%swap3A_183] {strides = array<i32>} : memref<128xi32, #tpu.memory_space<vmem>>, vector<16xi32>,
      tpu.vector_store %arg17[%swap3A_183], %get3A_182 {strides = array<i32>} : memref<128xi32, #tpu.memory_space<vmem>>, vector<16xi32>,
      %get3A_185 = arith.constant 80 : index
      %get3A_186 = tpu.vector_load %arg14[%get3A_185] {strides = array<i32>} : memref<128xi32, #tpu.memory_space<vmem>>, vector<16xi32>,
      %swap3A_187 = arith.constant 80 : index
      %swap3A_188 = tpu.vector_load %arg18[%swap3A_187] {strides = array<i32>} : memref<128xi32, #tpu.memory_space<vmem>>, vector<16xi32>,
      tpu.vector_store %arg18[%swap3A_187], %get3A_186 {strides = array<i32>} : memref<128xi32, #tpu.memory_space<vmem>>, vector<16xi32>,
      %get3A_189 = arith.constant 96 : index
      %get3A_190 = tpu.vector_load %arg13[%get3A_189] {strides = array<i32>} : memref<128xi32, #tpu.memory_space<vmem>>, vector<16xi32>,
      %swap3A_191 = arith.constant 96 : index
      %swap3A_192 = tpu.vector_load %arg17[%swap3A_191] {strides = array<i32>} : memref<128xi32, #tpu.memory_space<vmem>>, vector<16xi32>,
      tpu.vector_store %arg17[%swap3A_191], %get3A_190 {strides = array<i32>} : memref<128xi32, #tpu.memory_space<vmem>>, vector<16xi32>,
      %get3A_193 = arith.constant 96 : index
      %get3A_194 = tpu.vector_load %arg14[%get3A_193] {strides = array<i32>} : memref<128xi32, #tpu.memory_space<vmem>>, vector<16xi32>,
      %swap3A_195 = arith.constant 96 : index
      %swap3A_196 = tpu.vector_load %arg18[%swap3A_195] {strides = array<i32>} : memref<128xi32, #tpu.memory_space<vmem>>, vector<16xi32>,
      tpu.vector_store %arg18[%swap3A_195], %get3A_194 {strides = array<i32>} : memref<128xi32, #tpu.memory_space<vmem>>, vector<16xi32>,
      %get3A_197 = arith.constant 112 : index
      %get3A_198 = tpu.vector_load %arg13[%get3A_197] {strides = array<i32>} : memref<128xi32, #tpu.memory_space<vmem>>, vector<16xi32>,
      %swap3A_199 = arith.constant 112 : index
      %swap3A_200 = tpu.vector_load %arg17[%swap3A_199] {strides = array<i32>} : memref<128xi32, #tpu.memory_space<vmem>>, vector<16xi32>,
      tpu.vector_store %arg17[%swap3A_199], %get3A_198 {strides = array<i32>} : memref<128xi32, #tpu.memory_space<vmem>>, vector<16xi32>,
      %get3A_201 = arith.constant 112 : index
      %get3A_202 = tpu.vector_load %arg14[%get3A_201] {strides = array<i32>} : memref<128xi32, #tpu.memory_space<vmem>>, vector<16xi32>,
      %swap3A_203 = arith.constant 112 : index
      %swap3A_204 = tpu.vector_load %arg18[%swap3A_203] {strides = array<i32>} : memref<128xi32, #tpu.memory_space<vmem>>, vector<16xi32>,
      tpu.vector_store %arg18[%swap3A_203], %get3A_202 {strides = array<i32>} : memref<128xi32, #tpu.memory_space<vmem>>, vector<16xi32>,
      %parallel_loop3A_205 = arith.constant 0 : i32
      %parallel_loop3A_206 = arith.constant 128 : i32
      %parallel_loop3A_207 = arith.constant 1 : i32
      scf.for %parallel_loop3A_315 = %parallel_loop3A_205 to %parallel_loop3A_206 step %parallel_loop3A_207  : i32 {
        %parallel_loop3A_316 = arith.index_cast %parallel_loop3A_315 : i32 to index
        %parallel_loop3A_317 = arith.constant 0 : index
        %parallel_loop3A_318 = tpu.vector_load %arg25[%parallel_loop3A_316, %parallel_loop3A_317] {strides = array<i32>} : memref<128x128xf32, #tpu.memory_space<vmem>>, vector<16xf32>,
        %parallel_loop3A_319 = arith.index_cast %parallel_loop3A_315 : i32 to index
        %parallel_loop3A_320 = arith.constant 16 : index
        %parallel_loop3A_321 = tpu.vector_load %arg25[%parallel_loop3A_319, %parallel_loop3A_320] {strides = array<i32>} : memref<128x128xf32, #tpu.memory_space<vmem>>, vector<16xf32>,
        %parallel_loop3A_322 = arith.index_cast %parallel_loop3A_315 : i32 to index
        %parallel_loop3A_323 = arith.constant 32 : index
        %parallel_loop3A_324 = tpu.vector_load %arg25[%parallel_loop3A_322, %parallel_loop3A_323] {strides = array<i32>} : memref<128x128xf32, #tpu.memory_space<vmem>>, vector<16xf32>,
        %parallel_loop3A_325 = arith.index_cast %parallel_loop3A_315 : i32 to index
        %parallel_loop3A_326 = arith.constant 48 : index
        %parallel_loop3A_327 = tpu.vector_load %arg25[%parallel_loop3A_325, %parallel_loop3A_326] {strides = array<i32>} : memref<128x128xf32, #tpu.memory_space<vmem>>, vector<16xf32>,
        %parallel_loop3A_328 = arith.index_cast %parallel_loop3A_315 : i32 to index
        %parallel_loop3A_329 = arith.constant 64 : index
        %parallel_loop3A_330 = tpu.vector_load %arg25[%parallel_loop3A_328, %parallel_loop3A_329] {strides = array<i32>} : memref<128x128xf32, #tpu.memory_space<vmem>>, vector<16xf32>,
        %parallel_loop3A_331 = arith.index_cast %parallel_loop3A_315 : i32 to index
        %parallel_loop3A_332 = arith.constant 80 : index
        %parallel_loop3A_333 = tpu.vector_load %arg25[%parallel_loop3A_331, %parallel_loop3A_332] {strides = array<i32>} : memref<128x128xf32, #tpu.memory_space<vmem>>, vector<16xf32>,
        %parallel_loop3A_334 = arith.index_cast %parallel_loop3A_315 : i32 to index
        %parallel_loop3A_335 = arith.constant 96 : index
        %parallel_loop3A_336 = tpu.vector_load %arg25[%parallel_loop3A_334, %parallel_loop3A_335] {strides = array<i32>} : memref<128x128xf32, #tpu.memory_space<vmem>>, vector<16xf32>,
        %parallel_loop3A_337 = arith.index_cast %parallel_loop3A_315 : i32 to index
        %parallel_loop3A_338 = arith.constant 112 : index
        %parallel_loop3A_339 = tpu.vector_load %arg25[%parallel_loop3A_337, %parallel_loop3A_338] {strides = array<i32>} : memref<128x128xf32, #tpu.memory_space<vmem>>, vector<16xf32>,
        %parallel_loop3A_340 = arith.index_cast %parallel_loop3A_315 : i32 to index
        %parallel_loop3A_341 = arith.constant 0 : index
        %parallel_loop3A_342 = tpu.vector_load %arg26[%parallel_loop3A_340, %parallel_loop3A_341] {strides = array<i32>} : memref<128x128xf32, #tpu.memory_space<vmem>>, vector<16xf32>,
        %parallel_loop3A_343 = arith.index_cast %parallel_loop3A_315 : i32 to index
        %parallel_loop3A_344 = arith.constant 16 : index
        %parallel_loop3A_345 = tpu.vector_load %arg26[%parallel_loop3A_343, %parallel_loop3A_344] {strides = array<i32>} : memref<128x128xf32, #tpu.memory_space<vmem>>, vector<16xf32>,
        %parallel_loop3A_346 = arith.index_cast %parallel_loop3A_315 : i32 to index
        %parallel_loop3A_347 = arith.constant 32 : index
        %parallel_loop3A_348 = tpu.vector_load %arg26[%parallel_loop3A_346, %parallel_loop3A_347] {strides = array<i32>} : memref<128x128xf32, #tpu.memory_space<vmem>>, vector<16xf32>,
        %parallel_loop3A_349 = arith.index_cast %parallel_loop3A_315 : i32 to index
        %parallel_loop3A_350 = arith.constant 48 : index
        %parallel_loop3A_351 = tpu.vector_load %arg26[%parallel_loop3A_349, %parallel_loop3A_350] {strides = array<i32>} : memref<128x128xf32, #tpu.memory_space<vmem>>, vector<16xf32>,
        %parallel_loop3A_352 = arith.index_cast %parallel_loop3A_315 : i32 to index
        %parallel_loop3A_353 = arith.constant 64 : index
        %parallel_loop3A_354 = tpu.vector_load %arg26[%parallel_loop3A_352, %parallel_loop3A_353] {strides = array<i32>} : memref<128x128xf32, #tpu.memory_space<vmem>>, vector<16xf32>,
        %parallel_loop3A_355 = arith.index_cast %parallel_loop3A_315 : i32 to index
        %parallel_loop3A_356 = arith.constant 80 : index
        %parallel_loop3A_357 = tpu.vector_load %arg26[%parallel_loop3A_355, %parallel_loop3A_356] {strides = array<i32>} : memref<128x128xf32, #tpu.memory_space<vmem>>, vector<16xf32>,
        %parallel_loop3A_358 = arith.index_cast %parallel_loop3A_315 : i32 to index
        %parallel_loop3A_359 = arith.constant 96 : index
        %parallel_loop3A_360 = tpu.vector_load %arg26[%parallel_loop3A_358, %parallel_loop3A_359] {strides = array<i32>} : memref<128x128xf32, #tpu.memory_space<vmem>>, vector<16xf32>,
        %parallel_loop3A_361 = arith.index_cast %parallel_loop3A_315 : i32 to index
        %parallel_loop3A_362 = arith.constant 112 : index
        %parallel_loop3A_363 = tpu.vector_load %arg26[%parallel_loop3A_361, %parallel_loop3A_362] {strides = array<i32>} : memref<128x128xf32, #tpu.memory_space<vmem>>, vector<16xf32>,
        %parallel_loop3A_364 = arith.mulf %parallel_loop3A_318, %parallel_loop3A_342 : vector<16xf32>
        %parallel_loop3A_365 = arith.mulf %parallel_loop3A_321, %parallel_loop3A_345 : vector<16xf32>
        %parallel_loop3A_366 = arith.addf %parallel_loop3A_364, %parallel_loop3A_365 : vector<16xf32>
        %parallel_loop3A_367 = arith.mulf %parallel_loop3A_324, %parallel_loop3A_348 : vector<16xf32>
        %parallel_loop3A_368 = arith.addf %parallel_loop3A_366, %parallel_loop3A_367 : vector<16xf32>
        %parallel_loop3A_369 = arith.mulf %parallel_loop3A_327, %parallel_loop3A_351 : vector<16xf32>
        %parallel_loop3A_370 = arith.addf %parallel_loop3A_368, %parallel_loop3A_369 : vector<16xf32>
        %parallel_loop3A_371 = arith.mulf %parallel_loop3A_330, %parallel_loop3A_354 : vector<16xf32>
        %parallel_loop3A_372 = arith.addf %parallel_loop3A_370, %parallel_loop3A_371 : vector<16xf32>
        %parallel_loop3A_373 = arith.mulf %parallel_loop3A_333, %parallel_loop3A_357 : vector<16xf32>
        %parallel_loop3A_374 = arith.addf %parallel_loop3A_372, %parallel_loop3A_373 : vector<16xf32>
        %parallel_loop3A_375 = arith.mulf %parallel_loop3A_336, %parallel_loop3A_360 : vector<16xf32>
        %parallel_loop3A_376 = arith.addf %parallel_loop3A_374, %parallel_loop3A_375 : vector<16xf32>
        %parallel_loop3A_377 = arith.mulf %parallel_loop3A_339, %parallel_loop3A_363 : vector<16xf32>
        %parallel_loop3A_378 = arith.addf %parallel_loop3A_376, %parallel_loop3A_377 : vector<16xf32>
        %parallel_loop3A_379 = arith.constant true
        %parallel_loop3A_380 = vector.broadcast %parallel_loop3A_379 : i1 to vector<16xi1>
        %parallel_loop3A_381 = tpu.scan <sum>, %parallel_loop3A_378 masked %parallel_loop3A_380 : vector<16xf32>, vector<16xi1> -> vector<16xf32>
        %parallel_loop3A_382 = vector.extract %parallel_loop3A_381[15] : f32 from vector<16xf32>
        %parallel_loop3A_383 = vector.broadcast %parallel_loop3A_382 : f32 to vector<16xf32>
        %parallel_loop3A_384 = vector.broadcast %parallel_loop3A_315 : i32 to vector<16xi32>
        %parallel_loop3A_385 = tpu.vector_load_idx %arg21[%parallel_loop3A_384] : memref<128xf32, #tpu.memory_space<vmem>>[vector<16xi32>], vector<16xf32>,
        %parallel_loop3A_386 = arith.constant 0.000000e+00 : f32
        %parallel_loop3A_387 = vector.broadcast %parallel_loop3A_386 : f32 to vector<16xf32>
        %parallel_loop3A_388 = arith.subf %parallel_loop3A_387, %parallel_loop3A_385 : vector<16xf32>
        %parallel_loop3A_389 = arith.mulf %parallel_loop3A_388, %parallel_loop3A_383 : vector<16xf32>
        %parallel_loop3A_390 = arith.mulf %parallel_loop3A_389, %parallel_loop3A_342 : vector<16xf32>
        %parallel_loop3A_391 = arith.index_cast %parallel_loop3A_315 : i32 to index
        %parallel_loop3A_392 = arith.constant 0 : index
        %parallel_loop3A_393 = tpu.vector_load %arg26[%parallel_loop3A_391, %parallel_loop3A_392] {strides = array<i32>} : memref<128x128xf32, #tpu.memory_space<vmem>>, vector<16xf32>,
        tpu.vector_store %arg26[%parallel_loop3A_391, %parallel_loop3A_392], %parallel_loop3A_390 {strides = array<i32>} : memref<128x128xf32, #tpu.memory_space<vmem>>, vector<16xf32>,
        %parallel_loop3A_394 = arith.mulf %parallel_loop3A_389, %parallel_loop3A_318 : vector<16xf32>
        %parallel_loop3A_395 = arith.index_cast %parallel_loop3A_315 : i32 to index
        %parallel_loop3A_396 = arith.constant 0 : index
        %parallel_loop3A_397 = tpu.vector_load %arg25[%parallel_loop3A_395, %parallel_loop3A_396] {strides = array<i32>} : memref<128x128xf32, #tpu.memory_space<vmem>>, vector<16xf32>,
        tpu.vector_store %arg25[%parallel_loop3A_395, %parallel_loop3A_396], %parallel_loop3A_394 {strides = array<i32>} : memref<128x128xf32, #tpu.memory_space<vmem>>, vector<16xf32>,
        %parallel_loop3A_398 = arith.mulf %parallel_loop3A_389, %parallel_loop3A_345 : vector<16xf32>
        %parallel_loop3A_399 = arith.index_cast %parallel_loop3A_315 : i32 to index
        %parallel_loop3A_400 = arith.constant 16 : index
        %parallel_loop3A_401 = tpu.vector_load %arg26[%parallel_loop3A_399, %parallel_loop3A_400] {strides = array<i32>} : memref<128x128xf32, #tpu.memory_space<vmem>>, vector<16xf32>,
        tpu.vector_store %arg26[%parallel_loop3A_399, %parallel_loop3A_400], %parallel_loop3A_398 {strides = array<i32>} : memref<128x128xf32, #tpu.memory_space<vmem>>, vector<16xf32>,
        %parallel_loop3A_402 = arith.mulf %parallel_loop3A_389, %parallel_loop3A_321 : vector<16xf32>
        %parallel_loop3A_403 = arith.index_cast %parallel_loop3A_315 : i32 to index
        %parallel_loop3A_404 = arith.constant 16 : index
        %parallel_loop3A_405 = tpu.vector_load %arg25[%parallel_loop3A_403, %parallel_loop3A_404] {strides = array<i32>} : memref<128x128xf32, #tpu.memory_space<vmem>>, vector<16xf32>,
        tpu.vector_store %arg25[%parallel_loop3A_403, %parallel_loop3A_404], %parallel_loop3A_402 {strides = array<i32>} : memref<128x128xf32, #tpu.memory_space<vmem>>, vector<16xf32>,
        %parallel_loop3A_406 = arith.mulf %parallel_loop3A_389, %parallel_loop3A_348 : vector<16xf32>
        %parallel_loop3A_407 = arith.index_cast %parallel_loop3A_315 : i32 to index
        %parallel_loop3A_408 = arith.constant 32 : index
        %parallel_loop3A_409 = tpu.vector_load %arg26[%parallel_loop3A_407, %parallel_loop3A_408] {strides = array<i32>} : memref<128x128xf32, #tpu.memory_space<vmem>>, vector<16xf32>,
        tpu.vector_store %arg26[%parallel_loop3A_407, %parallel_loop3A_408], %parallel_loop3A_406 {strides = array<i32>} : memref<128x128xf32, #tpu.memory_space<vmem>>, vector<16xf32>,
        %parallel_loop3A_410 = arith.mulf %parallel_loop3A_389, %parallel_loop3A_324 : vector<16xf32>
        %parallel_loop3A_411 = arith.index_cast %parallel_loop3A_315 : i32 to index
        %parallel_loop3A_412 = arith.constant 32 : index
        %parallel_loop3A_413 = tpu.vector_load %arg25[%parallel_loop3A_411, %parallel_loop3A_412] {strides = array<i32>} : memref<128x128xf32, #tpu.memory_space<vmem>>, vector<16xf32>,
        tpu.vector_store %arg25[%parallel_loop3A_411, %parallel_loop3A_412], %parallel_loop3A_410 {strides = array<i32>} : memref<128x128xf32, #tpu.memory_space<vmem>>, vector<16xf32>,
        %parallel_loop3A_414 = arith.mulf %parallel_loop3A_389, %parallel_loop3A_351 : vector<16xf32>
        %parallel_loop3A_415 = arith.index_cast %parallel_loop3A_315 : i32 to index
        %parallel_loop3A_416 = arith.constant 48 : index
        %parallel_loop3A_417 = tpu.vector_load %arg26[%parallel_loop3A_415, %parallel_loop3A_416] {strides = array<i32>} : memref<128x128xf32, #tpu.memory_space<vmem>>, vector<16xf32>,
        tpu.vector_store %arg26[%parallel_loop3A_415, %parallel_loop3A_416], %parallel_loop3A_414 {strides = array<i32>} : memref<128x128xf32, #tpu.memory_space<vmem>>, vector<16xf32>,
        %parallel_loop3A_418 = arith.mulf %parallel_loop3A_389, %parallel_loop3A_327 : vector<16xf32>
        %parallel_loop3A_419 = arith.index_cast %parallel_loop3A_315 : i32 to index
        %parallel_loop3A_420 = arith.constant 48 : index
        %parallel_loop3A_421 = tpu.vector_load %arg25[%parallel_loop3A_419, %parallel_loop3A_420] {strides = array<i32>} : memref<128x128xf32, #tpu.memory_space<vmem>>, vector<16xf32>,
        tpu.vector_store %arg25[%parallel_loop3A_419, %parallel_loop3A_420], %parallel_loop3A_418 {strides = array<i32>} : memref<128x128xf32, #tpu.memory_space<vmem>>, vector<16xf32>,
        %parallel_loop3A_422 = arith.mulf %parallel_loop3A_389, %parallel_loop3A_354 : vector<16xf32>
        %parallel_loop3A_423 = arith.index_cast %parallel_loop3A_315 : i32 to index
        %parallel_loop3A_424 = arith.constant 64 : index
        %parallel_loop3A_425 = tpu.vector_load %arg26[%parallel_loop3A_423, %parallel_loop3A_424] {strides = array<i32>} : memref<128x128xf32, #tpu.memory_space<vmem>>, vector<16xf32>,
        tpu.vector_store %arg26[%parallel_loop3A_423, %parallel_loop3A_424], %parallel_loop3A_422 {strides = array<i32>} : memref<128x128xf32, #tpu.memory_space<vmem>>, vector<16xf32>,
        %parallel_loop3A_426 = arith.mulf %parallel_loop3A_389, %parallel_loop3A_330 : vector<16xf32>
        %parallel_loop3A_427 = arith.index_cast %parallel_loop3A_315 : i32 to index
        %parallel_loop3A_428 = arith.constant 64 : index
        %parallel_loop3A_429 = tpu.vector_load %arg25[%parallel_loop3A_427, %parallel_loop3A_428] {strides = array<i32>} : memref<128x128xf32, #tpu.memory_space<vmem>>, vector<16xf32>,
        tpu.vector_store %arg25[%parallel_loop3A_427, %parallel_loop3A_428], %parallel_loop3A_426 {strides = array<i32>} : memref<128x128xf32, #tpu.memory_space<vmem>>, vector<16xf32>,
        %parallel_loop3A_430 = arith.mulf %parallel_loop3A_389, %parallel_loop3A_357 : vector<16xf32>
        %parallel_loop3A_431 = arith.index_cast %parallel_loop3A_315 : i32 to index
        %parallel_loop3A_432 = arith.constant 80 : index
        %parallel_loop3A_433 = tpu.vector_load %arg26[%parallel_loop3A_431, %parallel_loop3A_432] {strides = array<i32>} : memref<128x128xf32, #tpu.memory_space<vmem>>, vector<16xf32>,
        tpu.vector_store %arg26[%parallel_loop3A_431, %parallel_loop3A_432], %parallel_loop3A_430 {strides = array<i32>} : memref<128x128xf32, #tpu.memory_space<vmem>>, vector<16xf32>,
        %parallel_loop3A_434 = arith.mulf %parallel_loop3A_389, %parallel_loop3A_333 : vector<16xf32>
        %parallel_loop3A_435 = arith.index_cast %parallel_loop3A_315 : i32 to index
        %parallel_loop3A_436 = arith.constant 80 : index
        %parallel_loop3A_437 = tpu.vector_load %arg25[%parallel_loop3A_435, %parallel_loop3A_436] {strides = array<i32>} : memref<128x128xf32, #tpu.memory_space<vmem>>, vector<16xf32>,
        tpu.vector_store %arg25[%parallel_loop3A_435, %parallel_loop3A_436], %parallel_loop3A_434 {strides = array<i32>} : memref<128x128xf32, #tpu.memory_space<vmem>>, vector<16xf32>,
        %parallel_loop3A_438 = arith.mulf %parallel_loop3A_389, %parallel_loop3A_360 : vector<16xf32>
        %parallel_loop3A_439 = arith.index_cast %parallel_loop3A_315 : i32 to index
        %parallel_loop3A_440 = arith.constant 96 : index
        %parallel_loop3A_441 = tpu.vector_load %arg26[%parallel_loop3A_439, %parallel_loop3A_440] {strides = array<i32>} : memref<128x128xf32, #tpu.memory_space<vmem>>, vector<16xf32>,
        tpu.vector_store %arg26[%parallel_loop3A_439, %parallel_loop3A_440], %parallel_loop3A_438 {strides = array<i32>} : memref<128x128xf32, #tpu.memory_space<vmem>>, vector<16xf32>,
        %parallel_loop3A_442 = arith.mulf %parallel_loop3A_389, %parallel_loop3A_336 : vector<16xf32>
        %parallel_loop3A_443 = arith.index_cast %parallel_loop3A_315 : i32 to index
        %parallel_loop3A_444 = arith.constant 96 : index
        %parallel_loop3A_445 = tpu.vector_load %arg25[%parallel_loop3A_443, %parallel_loop3A_444] {strides = array<i32>} : memref<128x128xf32, #tpu.memory_space<vmem>>, vector<16xf32>,
        tpu.vector_store %arg25[%parallel_loop3A_443, %parallel_loop3A_444], %parallel_loop3A_442 {strides = array<i32>} : memref<128x128xf32, #tpu.memory_space<vmem>>, vector<16xf32>,
        %parallel_loop3A_446 = arith.mulf %parallel_loop3A_389, %parallel_loop3A_363 : vector<16xf32>
        %parallel_loop3A_447 = arith.index_cast %parallel_loop3A_315 : i32 to index
        %parallel_loop3A_448 = arith.constant 112 : index
        %parallel_loop3A_449 = tpu.vector_load %arg26[%parallel_loop3A_447, %parallel_loop3A_448] {strides = array<i32>} : memref<128x128xf32, #tpu.memory_space<vmem>>, vector<16xf32>,
        tpu.vector_store %arg26[%parallel_loop3A_447, %parallel_loop3A_448], %parallel_loop3A_446 {strides = array<i32>} : memref<128x128xf32, #tpu.memory_space<vmem>>, vector<16xf32>,
        %parallel_loop3A_450 = arith.mulf %parallel_loop3A_389, %parallel_loop3A_339 : vector<16xf32>
        %parallel_loop3A_451 = arith.index_cast %parallel_loop3A_315 : i32 to index
        %parallel_loop3A_452 = arith.constant 112 : index
        %parallel_loop3A_453 = tpu.vector_load %arg25[%parallel_loop3A_451, %parallel_loop3A_452] {strides = array<i32>} : memref<128x128xf32, #tpu.memory_space<vmem>>, vector<16xf32>,
        tpu.vector_store %arg25[%parallel_loop3A_451, %parallel_loop3A_452], %parallel_loop3A_450 {strides = array<i32>} : memref<128x128xf32, #tpu.memory_space<vmem>>, vector<16xf32>,
      } {sc.loop_unroll_factor = 16 : i64, sc.parallel_access}
      %lt3A = arith.constant 62 : i32
      %lt3A_208 = arith.cmpi slt, %add3A_115, %lt3A : i32
      %convert_element_type3A_209 = arith.extui %lt3A_208 : i1 to i32
      %cond3A_210 = arith.constant 0 : i32
      %cond3A_211 = arith.cmpi ne, %convert_element_type3A_209, %cond3A_210 : i32
      scf.if %cond3A_211 {
        %add3A_315 = arith.constant 2 : i32
        %add3A_316 = arith.addi %add3A_117, %add3A_315 : i32
        %mul3A_317 = arith.constant 128 : i32
        %mul3A_318 = arith.muli %add3A_316, %mul3A_317 : i32
        %add3A_319 = arith.addi %mul3A_18, %mul3A_318 : i32
        %dma_start3A_320 = tpu.memref_slice %arg4[%add3A_319] : memref<262144xi32, #tpu.memory_space<hbm>> -> memref<128xi32, #tpu.memory_space<hbm>>
        %dma_start3A_321 = tpu.memref_slice %arg4[%add3A_319] : memref<262144xi32, #tpu.memory_space<hbm>> -> memref<128xi32, #tpu.memory_space<hbm>>
        tpu.enqueue_dma source(%dma_start3A_321 : memref<128xi32, #tpu.memory_space<hbm>>) target(%arg13 : memref<128xi32, #tpu.memory_space<vmem>>) target_semaphore(%arg36 : memref<!tpu.dma_semaphore, #tpu.memory_space<semaphore_mem>>)
        %dma_start3A_322 = tpu.memref_slice %arg5[%add3A_319] : memref<262144xi32, #tpu.memory_space<hbm>> -> memref<128xi32, #tpu.memory_space<hbm>>
        %dma_start3A_323 = tpu.memref_slice %arg5[%add3A_319] : memref<262144xi32, #tpu.memory_space<hbm>> -> memref<128xi32, #tpu.memory_space<hbm>>
        tpu.enqueue_dma source(%dma_start3A_323 : memref<128xi32, #tpu.memory_space<hbm>>) target(%arg14 : memref<128xi32, #tpu.memory_space<vmem>>) target_semaphore(%arg36 : memref<!tpu.dma_semaphore, #tpu.memory_space<semaphore_mem>>)
        %dma_start3A_324 = tpu.memref_slice %arg6[%add3A_319] : memref<262144xf32, #tpu.memory_space<hbm>> -> memref<128xf32, #tpu.memory_space<hbm>>
        %dma_start3A_325 = tpu.memref_slice %arg6[%add3A_319] : memref<262144xf32, #tpu.memory_space<hbm>> -> memref<128xf32, #tpu.memory_space<hbm>>
        tpu.enqueue_dma source(%dma_start3A_325 : memref<128xf32, #tpu.memory_space<hbm>>) target(%arg21 : memref<128xf32, #tpu.memory_space<vmem>>) target_semaphore(%arg36 : memref<!tpu.dma_semaphore, #tpu.memory_space<semaphore_mem>>)
      } else {
      }
      %dma_start3A_212 = arith.constant 0 : i32
      %dma_start3A_213 = arith.constant 0 : i32
      %dma_start3A_214 = tpu.memref_slice %arg31[%dma_start3A_212, %dma_start3A_213] : memref<4096x128xf32, #tpu.memory_space<vmem_shared>> -> memref<4096x128xf32, #tpu.memory_space<vmem_shared>>
      tpu.enqueue_indirect_dma source(%arg26 : memref<128x128xf32, #tpu.memory_space<vmem>>) target(%dma_start3A_214 : memref<4096x128xf32, #tpu.memory_space<vmem_shared>>) offsets(%arg17 : memref<128xi32, #tpu.memory_space<vmem>>) semaphore(%arg34 : memref<!tpu.dma_semaphore, #tpu.memory_space<semaphore_mem>>) {add = true}
      %dma_start3A_215 = arith.constant 0 : i32
      %dma_start3A_216 = arith.constant 0 : i32
      %dma_start3A_217 = tpu.memref_slice %arg31[%dma_start3A_215, %dma_start3A_216] : memref<4096x128xf32, #tpu.memory_space<vmem_shared>> -> memref<4096x128xf32, #tpu.memory_space<vmem_shared>>
      tpu.enqueue_indirect_dma source(%arg25 : memref<128x128xf32, #tpu.memory_space<vmem>>) target(%dma_start3A_217 : memref<4096x128xf32, #tpu.memory_space<vmem_shared>>) offsets(%arg18 : memref<128xi32, #tpu.memory_space<vmem>>) semaphore(%arg34 : memref<!tpu.dma_semaphore, #tpu.memory_space<semaphore_mem>>) {add = true}
      %add3A_218 = arith.constant 1 : i32
      %add3A_219 = arith.addi %add3A_115, %add3A_218 : i32
      %dma_wait3A_220 = arith.constant 0 : i32
      %dma_wait3A_221 = arith.constant 0 : i32
      %dma_wait3A_222 = tpu.memref_slice %arg31[%dma_wait3A_220, %dma_wait3A_221] : memref<4096x128xf32, #tpu.memory_space<vmem_shared>> -> memref<4096x128xf32, #tpu.memory_space<vmem_shared>>
      tpu.wait_indirect_dma semaphore(%arg34 : memref<!tpu.dma_semaphore, #tpu.memory_space<semaphore_mem>>) src(%arg26 : memref<128x128xf32, #tpu.memory_space<vmem>>) dst(%dma_wait3A_222 : memref<4096x128xf32, #tpu.memory_space<vmem_shared>>)
      %dma_wait3A_223 = arith.constant 0 : i32
      %dma_wait3A_224 = arith.constant 0 : i32
      %dma_wait3A_225 = tpu.memref_slice %arg31[%dma_wait3A_223, %dma_wait3A_224] : memref<4096x128xf32, #tpu.memory_space<vmem_shared>> -> memref<4096x128xf32, #tpu.memory_space<vmem_shared>>
      tpu.wait_indirect_dma semaphore(%arg34 : memref<!tpu.dma_semaphore, #tpu.memory_space<semaphore_mem>>) src(%arg25 : memref<128x128xf32, #tpu.memory_space<vmem>>) dst(%dma_wait3A_225 : memref<4096x128xf32, #tpu.memory_space<vmem_shared>>)
      %lt3A_226 = arith.constant 62 : i32
      %lt3A_227 = arith.cmpi slt, %add3A_115, %lt3A_226 : i32
      %convert_element_type3A_228 = arith.extui %lt3A_227 : i1 to i32
      %cond3A_229 = arith.constant 0 : i32
      %cond3A_230 = arith.cmpi ne, %convert_element_type3A_228, %cond3A_229 : i32
      scf.if %cond3A_230 {
        %add3A_315 = arith.constant 1 : i32
        %add3A_316 = arith.addi %add3A_219, %add3A_315 : i32
        %mul3A_317 = arith.constant 128 : i32
        %mul3A_318 = arith.muli %add3A_316, %mul3A_317 : i32
        %add3A_319 = arith.addi %mul3A_18, %mul3A_318 : i32
        %dma_wait3A_320 = tpu.memref_slice %arg4[%add3A_319] : memref<262144xi32, #tpu.memory_space<hbm>> -> memref<128xi32, #tpu.memory_space<hbm>>
        %dma_wait3A_321 = tpu.memref_slice %arg4[%add3A_319] : memref<262144xi32, #tpu.memory_space<hbm>> -> memref<128xi32, #tpu.memory_space<hbm>>
        tpu.wait_dma2 semaphore(%arg36 : memref<!tpu.dma_semaphore, #tpu.memory_space<semaphore_mem>>) src(%dma_wait3A_321 : memref<128xi32, #tpu.memory_space<hbm>>) dst(%arg13 : memref<128xi32, #tpu.memory_space<vmem>>)
        %dma_wait3A_322 = tpu.memref_slice %arg5[%add3A_319] : memref<262144xi32, #tpu.memory_space<hbm>> -> memref<128xi32, #tpu.memory_space<hbm>>
        %dma_wait3A_323 = tpu.memref_slice %arg5[%add3A_319] : memref<262144xi32, #tpu.memory_space<hbm>> -> memref<128xi32, #tpu.memory_space<hbm>>
        tpu.wait_dma2 semaphore(%arg36 : memref<!tpu.dma_semaphore, #tpu.memory_space<semaphore_mem>>) src(%dma_wait3A_323 : memref<128xi32, #tpu.memory_space<hbm>>) dst(%arg14 : memref<128xi32, #tpu.memory_space<vmem>>)
        %dma_wait3A_324 = tpu.memref_slice %arg6[%add3A_319] : memref<262144xf32, #tpu.memory_space<hbm>> -> memref<128xf32, #tpu.memory_space<hbm>>
        %dma_wait3A_325 = tpu.memref_slice %arg6[%add3A_319] : memref<262144xf32, #tpu.memory_space<hbm>> -> memref<128xf32, #tpu.memory_space<hbm>>
        tpu.wait_dma2 semaphore(%arg36 : memref<!tpu.dma_semaphore, #tpu.memory_space<semaphore_mem>>) src(%dma_wait3A_325 : memref<128xf32, #tpu.memory_space<hbm>>) dst(%arg21 : memref<128xf32, #tpu.memory_space<vmem>>)
        %dma_start3A_326 = arith.constant 0 : i32
        %dma_start3A_327 = arith.constant 0 : i32
        %dma_start3A_328 = tpu.memref_slice %arg2[%dma_start3A_326, %dma_start3A_327] : memref<4096x128xf32, #tpu.memory_space<hbm>> -> memref<4096x128xf32, #tpu.memory_space<hbm>>
        tpu.enqueue_indirect_dma source(%dma_start3A_328 : memref<4096x128xf32, #tpu.memory_space<hbm>>) target(%arg25 : memref<128x128xf32, #tpu.memory_space<vmem>>) offsets(%arg13 : memref<128xi32, #tpu.memory_space<vmem>>) semaphore(%arg32 : memref<!tpu.dma_semaphore, #tpu.memory_space<semaphore_mem>>)
        %dma_start3A_329 = arith.constant 0 : i32
        %dma_start3A_330 = arith.constant 0 : i32
        %dma_start3A_331 = tpu.memref_slice %arg2[%dma_start3A_329, %dma_start3A_330] : memref<4096x128xf32, #tpu.memory_space<hbm>> -> memref<4096x128xf32, #tpu.memory_space<hbm>>
        tpu.enqueue_indirect_dma source(%dma_start3A_331 : memref<4096x128xf32, #tpu.memory_space<hbm>>) target(%arg26 : memref<128x128xf32, #tpu.memory_space<vmem>>) offsets(%arg14 : memref<128xi32, #tpu.memory_space<vmem>>) semaphore(%arg32 : memref<!tpu.dma_semaphore, #tpu.memory_space<semaphore_mem>>)
      } else {
      }
      %dma_wait3A_231 = arith.constant 0 : i32
      %dma_wait3A_232 = arith.constant 0 : i32
      %dma_wait3A_233 = tpu.memref_slice %arg2[%dma_wait3A_231, %dma_wait3A_232] : memref<4096x128xf32, #tpu.memory_space<hbm>> -> memref<4096x128xf32, #tpu.memory_space<hbm>>
      tpu.wait_indirect_dma semaphore(%arg33 : memref<!tpu.dma_semaphore, #tpu.memory_space<semaphore_mem>>) src(%dma_wait3A_233 : memref<4096x128xf32, #tpu.memory_space<hbm>>) dst(%arg27 : memref<128x128xf32, #tpu.memory_space<vmem>>)
      %dma_wait3A_234 = arith.constant 0 : i32
      %dma_wait3A_235 = arith.constant 0 : i32
      %dma_wait3A_236 = tpu.memref_slice %arg2[%dma_wait3A_234, %dma_wait3A_235] : memref<4096x128xf32, #tpu.memory_space<hbm>> -> memref<4096x128xf32, #tpu.memory_space<hbm>>
      tpu.wait_indirect_dma semaphore(%arg33 : memref<!tpu.dma_semaphore, #tpu.memory_space<semaphore_mem>>) src(%dma_wait3A_236 : memref<4096x128xf32, #tpu.memory_space<hbm>>) dst(%arg28 : memref<128x128xf32, #tpu.memory_space<vmem>>)
      %get3A_237 = arith.constant 0 : index
      %get3A_238 = tpu.vector_load %arg15[%get3A_237] {strides = array<i32>} : memref<128xi32, #tpu.memory_space<vmem>>, vector<16xi32>,
      %swap3A_239 = arith.constant 0 : index
      %swap3A_240 = tpu.vector_load %arg19[%swap3A_239] {strides = array<i32>} : memref<128xi32, #tpu.memory_space<vmem>>, vector<16xi32>,
      tpu.vector_store %arg19[%swap3A_239], %get3A_238 {strides = array<i32>} : memref<128xi32, #tpu.memory_space<vmem>>, vector<16xi32>,
      %get3A_241 = arith.constant 0 : index
      %get3A_242 = tpu.vector_load %arg16[%get3A_241] {strides = array<i32>} : memref<128xi32, #tpu.memory_space<vmem>>, vector<16xi32>,
      %swap3A_243 = arith.constant 0 : index
      %swap3A_244 = tpu.vector_load %arg20[%swap3A_243] {strides = array<i32>} : memref<128xi32, #tpu.memory_space<vmem>>, vector<16xi32>,
      tpu.vector_store %arg20[%swap3A_243], %get3A_242 {strides = array<i32>} : memref<128xi32, #tpu.memory_space<vmem>>, vector<16xi32>,
      %get3A_245 = arith.constant 16 : index
      %get3A_246 = tpu.vector_load %arg15[%get3A_245] {strides = array<i32>} : memref<128xi32, #tpu.memory_space<vmem>>, vector<16xi32>,
      %swap3A_247 = arith.constant 16 : index
      %swap3A_248 = tpu.vector_load %arg19[%swap3A_247] {strides = array<i32>} : memref<128xi32, #tpu.memory_space<vmem>>, vector<16xi32>,
      tpu.vector_store %arg19[%swap3A_247], %get3A_246 {strides = array<i32>} : memref<128xi32, #tpu.memory_space<vmem>>, vector<16xi32>,
      %get3A_249 = arith.constant 16 : index
      %get3A_250 = tpu.vector_load %arg16[%get3A_249] {strides = array<i32>} : memref<128xi32, #tpu.memory_space<vmem>>, vector<16xi32>,
      %swap3A_251 = arith.constant 16 : index
      %swap3A_252 = tpu.vector_load %arg20[%swap3A_251] {strides = array<i32>} : memref<128xi32, #tpu.memory_space<vmem>>, vector<16xi32>,
      tpu.vector_store %arg20[%swap3A_251], %get3A_250 {strides = array<i32>} : memref<128xi32, #tpu.memory_space<vmem>>, vector<16xi32>,
      %get3A_253 = arith.constant 32 : index
      %get3A_254 = tpu.vector_load %arg15[%get3A_253] {strides = array<i32>} : memref<128xi32, #tpu.memory_space<vmem>>, vector<16xi32>,
      %swap3A_255 = arith.constant 32 : index
      %swap3A_256 = tpu.vector_load %arg19[%swap3A_255] {strides = array<i32>} : memref<128xi32, #tpu.memory_space<vmem>>, vector<16xi32>,
      tpu.vector_store %arg19[%swap3A_255], %get3A_254 {strides = array<i32>} : memref<128xi32, #tpu.memory_space<vmem>>, vector<16xi32>,
      %get3A_257 = arith.constant 32 : index
      %get3A_258 = tpu.vector_load %arg16[%get3A_257] {strides = array<i32>} : memref<128xi32, #tpu.memory_space<vmem>>, vector<16xi32>,
      %swap3A_259 = arith.constant 32 : index
      %swap3A_260 = tpu.vector_load %arg20[%swap3A_259] {strides = array<i32>} : memref<128xi32, #tpu.memory_space<vmem>>, vector<16xi32>,
      tpu.vector_store %arg20[%swap3A_259], %get3A_258 {strides = array<i32>} : memref<128xi32, #tpu.memory_space<vmem>>, vector<16xi32>,
      %get3A_261 = arith.constant 48 : index
      %get3A_262 = tpu.vector_load %arg15[%get3A_261] {strides = array<i32>} : memref<128xi32, #tpu.memory_space<vmem>>, vector<16xi32>,
      %swap3A_263 = arith.constant 48 : index
      %swap3A_264 = tpu.vector_load %arg19[%swap3A_263] {strides = array<i32>} : memref<128xi32, #tpu.memory_space<vmem>>, vector<16xi32>,
      tpu.vector_store %arg19[%swap3A_263], %get3A_262 {strides = array<i32>} : memref<128xi32, #tpu.memory_space<vmem>>, vector<16xi32>,
      %get3A_265 = arith.constant 48 : index
      %get3A_266 = tpu.vector_load %arg16[%get3A_265] {strides = array<i32>} : memref<128xi32, #tpu.memory_space<vmem>>, vector<16xi32>,
      %swap3A_267 = arith.constant 48 : index
      %swap3A_268 = tpu.vector_load %arg20[%swap3A_267] {strides = array<i32>} : memref<128xi32, #tpu.memory_space<vmem>>, vector<16xi32>,
      tpu.vector_store %arg20[%swap3A_267], %get3A_266 {strides = array<i32>} : memref<128xi32, #tpu.memory_space<vmem>>, vector<16xi32>,
      %get3A_269 = arith.constant 64 : index
      %get3A_270 = tpu.vector_load %arg15[%get3A_269] {strides = array<i32>} : memref<128xi32, #tpu.memory_space<vmem>>, vector<16xi32>,
      %swap3A_271 = arith.constant 64 : index
      %swap3A_272 = tpu.vector_load %arg19[%swap3A_271] {strides = array<i32>} : memref<128xi32, #tpu.memory_space<vmem>>, vector<16xi32>,
      tpu.vector_store %arg19[%swap3A_271], %get3A_270 {strides = array<i32>} : memref<128xi32, #tpu.memory_space<vmem>>, vector<16xi32>,
      %get3A_273 = arith.constant 64 : index
      %get3A_274 = tpu.vector_load %arg16[%get3A_273] {strides = array<i32>} : memref<128xi32, #tpu.memory_space<vmem>>, vector<16xi32>,
      %swap3A_275 = arith.constant 64 : index
      %swap3A_276 = tpu.vector_load %arg20[%swap3A_275] {strides = array<i32>} : memref<128xi32, #tpu.memory_space<vmem>>, vector<16xi32>,
      tpu.vector_store %arg20[%swap3A_275], %get3A_274 {strides = array<i32>} : memref<128xi32, #tpu.memory_space<vmem>>, vector<16xi32>,
      %get3A_277 = arith.constant 80 : index
      %get3A_278 = tpu.vector_load %arg15[%get3A_277] {strides = array<i32>} : memref<128xi32, #tpu.memory_space<vmem>>, vector<16xi32>,
      %swap3A_279 = arith.constant 80 : index
      %swap3A_280 = tpu.vector_load %arg19[%swap3A_279] {strides = array<i32>} : memref<128xi32, #tpu.memory_space<vmem>>, vector<16xi32>,
      tpu.vector_store %arg19[%swap3A_279], %get3A_278 {strides = array<i32>} : memref<128xi32, #tpu.memory_space<vmem>>, vector<16xi32>,
      %get3A_281 = arith.constant 80 : index
      %get3A_282 = tpu.vector_load %arg16[%get3A_281] {strides = array<i32>} : memref<128xi32, #tpu.memory_space<vmem>>, vector<16xi32>,
      %swap3A_283 = arith.constant 80 : index
      %swap3A_284 = tpu.vector_load %arg20[%swap3A_283] {strides = array<i32>} : memref<128xi32, #tpu.memory_space<vmem>>, vector<16xi32>,
      tpu.vector_store %arg20[%swap3A_283], %get3A_282 {strides = array<i32>} : memref<128xi32, #tpu.memory_space<vmem>>, vector<16xi32>,
      %get3A_285 = arith.constant 96 : index
      %get3A_286 = tpu.vector_load %arg15[%get3A_285] {strides = array<i32>} : memref<128xi32, #tpu.memory_space<vmem>>, vector<16xi32>,
      %swap3A_287 = arith.constant 96 : index
      %swap3A_288 = tpu.vector_load %arg19[%swap3A_287] {strides = array<i32>} : memref<128xi32, #tpu.memory_space<vmem>>, vector<16xi32>,
      tpu.vector_store %arg19[%swap3A_287], %get3A_286 {strides = array<i32>} : memref<128xi32, #tpu.memory_space<vmem>>, vector<16xi32>,
      %get3A_289 = arith.constant 96 : index
      %get3A_290 = tpu.vector_load %arg16[%get3A_289] {strides = array<i32>} : memref<128xi32, #tpu.memory_space<vmem>>, vector<16xi32>,
      %swap3A_291 = arith.constant 96 : index
      %swap3A_292 = tpu.vector_load %arg20[%swap3A_291] {strides = array<i32>} : memref<128xi32, #tpu.memory_space<vmem>>, vector<16xi32>,
      tpu.vector_store %arg20[%swap3A_291], %get3A_290 {strides = array<i32>} : memref<128xi32, #tpu.memory_space<vmem>>, vector<16xi32>,
      %get3A_293 = arith.constant 112 : index
      %get3A_294 = tpu.vector_load %arg15[%get3A_293] {strides = array<i32>} : memref<128xi32, #tpu.memory_space<vmem>>, vector<16xi32>,
      %swap3A_295 = arith.constant 112 : index
      %swap3A_296 = tpu.vector_load %arg19[%swap3A_295] {strides = array<i32>} : memref<128xi32, #tpu.memory_space<vmem>>, vector<16xi32>,
      tpu.vector_store %arg19[%swap3A_295], %get3A_294 {strides = array<i32>} : memref<128xi32, #tpu.memory_space<vmem>>, vector<16xi32>,
      %get3A_297 = arith.constant 112 : index
      %get3A_298 = tpu.vector_load %arg16[%get3A_297] {strides = array<i32>} : memref<128xi32, #tpu.memory_space<vmem>>, vector<16xi32>,
      %swap3A_299 = arith.constant 112 : index
      %swap3A_300 = tpu.vector_load %arg20[%swap3A_299] {strides = array<i32>} : memref<128xi32, #tpu.memory_space<vmem>>, vector<16xi32>,
      tpu.vector_store %arg20[%swap3A_299], %get3A_298 {strides = array<i32>} : memref<128xi32, #tpu.memory_space<vmem>>, vector<16xi32>,
      %parallel_loop3A_301 = arith.constant 0 : i32
      %parallel_loop3A_302 = arith.constant 128 : i32
      %parallel_loop3A_303 = arith.constant 1 : i32
      scf.for %parallel_loop3A_315 = %parallel_loop3A_301 to %parallel_loop3A_302 step %parallel_loop3A_303  : i32 {
        %parallel_loop3A_316 = arith.index_cast %parallel_loop3A_315 : i32 to index
        %parallel_loop3A_317 = arith.constant 0 : index
        %parallel_loop3A_318 = tpu.vector_load %arg27[%parallel_loop3A_316, %parallel_loop3A_317] {strides = array<i32>} : memref<128x128xf32, #tpu.memory_space<vmem>>, vector<16xf32>,
        %parallel_loop3A_319 = arith.index_cast %parallel_loop3A_315 : i32 to index
        %parallel_loop3A_320 = arith.constant 16 : index
        %parallel_loop3A_321 = tpu.vector_load %arg27[%parallel_loop3A_319, %parallel_loop3A_320] {strides = array<i32>} : memref<128x128xf32, #tpu.memory_space<vmem>>, vector<16xf32>,
        %parallel_loop3A_322 = arith.index_cast %parallel_loop3A_315 : i32 to index
        %parallel_loop3A_323 = arith.constant 32 : index
        %parallel_loop3A_324 = tpu.vector_load %arg27[%parallel_loop3A_322, %parallel_loop3A_323] {strides = array<i32>} : memref<128x128xf32, #tpu.memory_space<vmem>>, vector<16xf32>,
        %parallel_loop3A_325 = arith.index_cast %parallel_loop3A_315 : i32 to index
        %parallel_loop3A_326 = arith.constant 48 : index
        %parallel_loop3A_327 = tpu.vector_load %arg27[%parallel_loop3A_325, %parallel_loop3A_326] {strides = array<i32>} : memref<128x128xf32, #tpu.memory_space<vmem>>, vector<16xf32>,
        %parallel_loop3A_328 = arith.index_cast %parallel_loop3A_315 : i32 to index
        %parallel_loop3A_329 = arith.constant 64 : index
        %parallel_loop3A_330 = tpu.vector_load %arg27[%parallel_loop3A_328, %parallel_loop3A_329] {strides = array<i32>} : memref<128x128xf32, #tpu.memory_space<vmem>>, vector<16xf32>,
        %parallel_loop3A_331 = arith.index_cast %parallel_loop3A_315 : i32 to index
        %parallel_loop3A_332 = arith.constant 80 : index
        %parallel_loop3A_333 = tpu.vector_load %arg27[%parallel_loop3A_331, %parallel_loop3A_332] {strides = array<i32>} : memref<128x128xf32, #tpu.memory_space<vmem>>, vector<16xf32>,
        %parallel_loop3A_334 = arith.index_cast %parallel_loop3A_315 : i32 to index
        %parallel_loop3A_335 = arith.constant 96 : index
        %parallel_loop3A_336 = tpu.vector_load %arg27[%parallel_loop3A_334, %parallel_loop3A_335] {strides = array<i32>} : memref<128x128xf32, #tpu.memory_space<vmem>>, vector<16xf32>,
        %parallel_loop3A_337 = arith.index_cast %parallel_loop3A_315 : i32 to index
        %parallel_loop3A_338 = arith.constant 112 : index
        %parallel_loop3A_339 = tpu.vector_load %arg27[%parallel_loop3A_337, %parallel_loop3A_338] {strides = array<i32>} : memref<128x128xf32, #tpu.memory_space<vmem>>, vector<16xf32>,
        %parallel_loop3A_340 = arith.index_cast %parallel_loop3A_315 : i32 to index
        %parallel_loop3A_341 = arith.constant 0 : index
        %parallel_loop3A_342 = tpu.vector_load %arg28[%parallel_loop3A_340, %parallel_loop3A_341] {strides = array<i32>} : memref<128x128xf32, #tpu.memory_space<vmem>>, vector<16xf32>,
        %parallel_loop3A_343 = arith.index_cast %parallel_loop3A_315 : i32 to index
        %parallel_loop3A_344 = arith.constant 16 : index
        %parallel_loop3A_345 = tpu.vector_load %arg28[%parallel_loop3A_343, %parallel_loop3A_344] {strides = array<i32>} : memref<128x128xf32, #tpu.memory_space<vmem>>, vector<16xf32>,
        %parallel_loop3A_346 = arith.index_cast %parallel_loop3A_315 : i32 to index
        %parallel_loop3A_347 = arith.constant 32 : index
        %parallel_loop3A_348 = tpu.vector_load %arg28[%parallel_loop3A_346, %parallel_loop3A_347] {strides = array<i32>} : memref<128x128xf32, #tpu.memory_space<vmem>>, vector<16xf32>,
        %parallel_loop3A_349 = arith.index_cast %parallel_loop3A_315 : i32 to index
        %parallel_loop3A_350 = arith.constant 48 : index
        %parallel_loop3A_351 = tpu.vector_load %arg28[%parallel_loop3A_349, %parallel_loop3A_350] {strides = array<i32>} : memref<128x128xf32, #tpu.memory_space<vmem>>, vector<16xf32>,
        %parallel_loop3A_352 = arith.index_cast %parallel_loop3A_315 : i32 to index
        %parallel_loop3A_353 = arith.constant 64 : index
        %parallel_loop3A_354 = tpu.vector_load %arg28[%parallel_loop3A_352, %parallel_loop3A_353] {strides = array<i32>} : memref<128x128xf32, #tpu.memory_space<vmem>>, vector<16xf32>,
        %parallel_loop3A_355 = arith.index_cast %parallel_loop3A_315 : i32 to index
        %parallel_loop3A_356 = arith.constant 80 : index
        %parallel_loop3A_357 = tpu.vector_load %arg28[%parallel_loop3A_355, %parallel_loop3A_356] {strides = array<i32>} : memref<128x128xf32, #tpu.memory_space<vmem>>, vector<16xf32>,
        %parallel_loop3A_358 = arith.index_cast %parallel_loop3A_315 : i32 to index
        %parallel_loop3A_359 = arith.constant 96 : index
        %parallel_loop3A_360 = tpu.vector_load %arg28[%parallel_loop3A_358, %parallel_loop3A_359] {strides = array<i32>} : memref<128x128xf32, #tpu.memory_space<vmem>>, vector<16xf32>,
        %parallel_loop3A_361 = arith.index_cast %parallel_loop3A_315 : i32 to index
        %parallel_loop3A_362 = arith.constant 112 : index
        %parallel_loop3A_363 = tpu.vector_load %arg28[%parallel_loop3A_361, %parallel_loop3A_362] {strides = array<i32>} : memref<128x128xf32, #tpu.memory_space<vmem>>, vector<16xf32>,
        %parallel_loop3A_364 = arith.mulf %parallel_loop3A_318, %parallel_loop3A_342 : vector<16xf32>
        %parallel_loop3A_365 = arith.mulf %parallel_loop3A_321, %parallel_loop3A_345 : vector<16xf32>
        %parallel_loop3A_366 = arith.addf %parallel_loop3A_364, %parallel_loop3A_365 : vector<16xf32>
        %parallel_loop3A_367 = arith.mulf %parallel_loop3A_324, %parallel_loop3A_348 : vector<16xf32>
        %parallel_loop3A_368 = arith.addf %parallel_loop3A_366, %parallel_loop3A_367 : vector<16xf32>
        %parallel_loop3A_369 = arith.mulf %parallel_loop3A_327, %parallel_loop3A_351 : vector<16xf32>
        %parallel_loop3A_370 = arith.addf %parallel_loop3A_368, %parallel_loop3A_369 : vector<16xf32>
        %parallel_loop3A_371 = arith.mulf %parallel_loop3A_330, %parallel_loop3A_354 : vector<16xf32>
        %parallel_loop3A_372 = arith.addf %parallel_loop3A_370, %parallel_loop3A_371 : vector<16xf32>
        %parallel_loop3A_373 = arith.mulf %parallel_loop3A_333, %parallel_loop3A_357 : vector<16xf32>
        %parallel_loop3A_374 = arith.addf %parallel_loop3A_372, %parallel_loop3A_373 : vector<16xf32>
        %parallel_loop3A_375 = arith.mulf %parallel_loop3A_336, %parallel_loop3A_360 : vector<16xf32>
        %parallel_loop3A_376 = arith.addf %parallel_loop3A_374, %parallel_loop3A_375 : vector<16xf32>
        %parallel_loop3A_377 = arith.mulf %parallel_loop3A_339, %parallel_loop3A_363 : vector<16xf32>
        %parallel_loop3A_378 = arith.addf %parallel_loop3A_376, %parallel_loop3A_377 : vector<16xf32>
        %parallel_loop3A_379 = arith.constant true
        %parallel_loop3A_380 = vector.broadcast %parallel_loop3A_379 : i1 to vector<16xi1>
        %parallel_loop3A_381 = tpu.scan <sum>, %parallel_loop3A_378 masked %parallel_loop3A_380 : vector<16xf32>, vector<16xi1> -> vector<16xf32>
        %parallel_loop3A_382 = vector.extract %parallel_loop3A_381[15] : f32 from vector<16xf32>
        %parallel_loop3A_383 = vector.broadcast %parallel_loop3A_382 : f32 to vector<16xf32>
        %parallel_loop3A_384 = vector.broadcast %parallel_loop3A_315 : i32 to vector<16xi32>
        %parallel_loop3A_385 = tpu.vector_load_idx %arg22[%parallel_loop3A_384] : memref<128xf32, #tpu.memory_space<vmem>>[vector<16xi32>], vector<16xf32>,
        %parallel_loop3A_386 = arith.constant 0.000000e+00 : f32
        %parallel_loop3A_387 = vector.broadcast %parallel_loop3A_386 : f32 to vector<16xf32>
        %parallel_loop3A_388 = arith.subf %parallel_loop3A_387, %parallel_loop3A_385 : vector<16xf32>
        %parallel_loop3A_389 = arith.mulf %parallel_loop3A_388, %parallel_loop3A_383 : vector<16xf32>
        %parallel_loop3A_390 = arith.mulf %parallel_loop3A_389, %parallel_loop3A_342 : vector<16xf32>
        %parallel_loop3A_391 = arith.index_cast %parallel_loop3A_315 : i32 to index
        %parallel_loop3A_392 = arith.constant 0 : index
        %parallel_loop3A_393 = tpu.vector_load %arg28[%parallel_loop3A_391, %parallel_loop3A_392] {strides = array<i32>} : memref<128x128xf32, #tpu.memory_space<vmem>>, vector<16xf32>,
        tpu.vector_store %arg28[%parallel_loop3A_391, %parallel_loop3A_392], %parallel_loop3A_390 {strides = array<i32>} : memref<128x128xf32, #tpu.memory_space<vmem>>, vector<16xf32>,
        %parallel_loop3A_394 = arith.mulf %parallel_loop3A_389, %parallel_loop3A_318 : vector<16xf32>
        %parallel_loop3A_395 = arith.index_cast %parallel_loop3A_315 : i32 to index
        %parallel_loop3A_396 = arith.constant 0 : index
        %parallel_loop3A_397 = tpu.vector_load %arg27[%parallel_loop3A_395, %parallel_loop3A_396] {strides = array<i32>} : memref<128x128xf32, #tpu.memory_space<vmem>>, vector<16xf32>,
        tpu.vector_store %arg27[%parallel_loop3A_395, %parallel_loop3A_396], %parallel_loop3A_394 {strides = array<i32>} : memref<128x128xf32, #tpu.memory_space<vmem>>, vector<16xf32>,
        %parallel_loop3A_398 = arith.mulf %parallel_loop3A_389, %parallel_loop3A_345 : vector<16xf32>
        %parallel_loop3A_399 = arith.index_cast %parallel_loop3A_315 : i32 to index
        %parallel_loop3A_400 = arith.constant 16 : index
        %parallel_loop3A_401 = tpu.vector_load %arg28[%parallel_loop3A_399, %parallel_loop3A_400] {strides = array<i32>} : memref<128x128xf32, #tpu.memory_space<vmem>>, vector<16xf32>,
        tpu.vector_store %arg28[%parallel_loop3A_399, %parallel_loop3A_400], %parallel_loop3A_398 {strides = array<i32>} : memref<128x128xf32, #tpu.memory_space<vmem>>, vector<16xf32>,
        %parallel_loop3A_402 = arith.mulf %parallel_loop3A_389, %parallel_loop3A_321 : vector<16xf32>
        %parallel_loop3A_403 = arith.index_cast %parallel_loop3A_315 : i32 to index
        %parallel_loop3A_404 = arith.constant 16 : index
        %parallel_loop3A_405 = tpu.vector_load %arg27[%parallel_loop3A_403, %parallel_loop3A_404] {strides = array<i32>} : memref<128x128xf32, #tpu.memory_space<vmem>>, vector<16xf32>,
        tpu.vector_store %arg27[%parallel_loop3A_403, %parallel_loop3A_404], %parallel_loop3A_402 {strides = array<i32>} : memref<128x128xf32, #tpu.memory_space<vmem>>, vector<16xf32>,
        %parallel_loop3A_406 = arith.mulf %parallel_loop3A_389, %parallel_loop3A_348 : vector<16xf32>
        %parallel_loop3A_407 = arith.index_cast %parallel_loop3A_315 : i32 to index
        %parallel_loop3A_408 = arith.constant 32 : index
        %parallel_loop3A_409 = tpu.vector_load %arg28[%parallel_loop3A_407, %parallel_loop3A_408] {strides = array<i32>} : memref<128x128xf32, #tpu.memory_space<vmem>>, vector<16xf32>,
        tpu.vector_store %arg28[%parallel_loop3A_407, %parallel_loop3A_408], %parallel_loop3A_406 {strides = array<i32>} : memref<128x128xf32, #tpu.memory_space<vmem>>, vector<16xf32>,
        %parallel_loop3A_410 = arith.mulf %parallel_loop3A_389, %parallel_loop3A_324 : vector<16xf32>
        %parallel_loop3A_411 = arith.index_cast %parallel_loop3A_315 : i32 to index
        %parallel_loop3A_412 = arith.constant 32 : index
        %parallel_loop3A_413 = tpu.vector_load %arg27[%parallel_loop3A_411, %parallel_loop3A_412] {strides = array<i32>} : memref<128x128xf32, #tpu.memory_space<vmem>>, vector<16xf32>,
        tpu.vector_store %arg27[%parallel_loop3A_411, %parallel_loop3A_412], %parallel_loop3A_410 {strides = array<i32>} : memref<128x128xf32, #tpu.memory_space<vmem>>, vector<16xf32>,
        %parallel_loop3A_414 = arith.mulf %parallel_loop3A_389, %parallel_loop3A_351 : vector<16xf32>
        %parallel_loop3A_415 = arith.index_cast %parallel_loop3A_315 : i32 to index
        %parallel_loop3A_416 = arith.constant 48 : index
        %parallel_loop3A_417 = tpu.vector_load %arg28[%parallel_loop3A_415, %parallel_loop3A_416] {strides = array<i32>} : memref<128x128xf32, #tpu.memory_space<vmem>>, vector<16xf32>,
        tpu.vector_store %arg28[%parallel_loop3A_415, %parallel_loop3A_416], %parallel_loop3A_414 {strides = array<i32>} : memref<128x128xf32, #tpu.memory_space<vmem>>, vector<16xf32>,
        %parallel_loop3A_418 = arith.mulf %parallel_loop3A_389, %parallel_loop3A_327 : vector<16xf32>
        %parallel_loop3A_419 = arith.index_cast %parallel_loop3A_315 : i32 to index
        %parallel_loop3A_420 = arith.constant 48 : index
        %parallel_loop3A_421 = tpu.vector_load %arg27[%parallel_loop3A_419, %parallel_loop3A_420] {strides = array<i32>} : memref<128x128xf32, #tpu.memory_space<vmem>>, vector<16xf32>,
        tpu.vector_store %arg27[%parallel_loop3A_419, %parallel_loop3A_420], %parallel_loop3A_418 {strides = array<i32>} : memref<128x128xf32, #tpu.memory_space<vmem>>, vector<16xf32>,
        %parallel_loop3A_422 = arith.mulf %parallel_loop3A_389, %parallel_loop3A_354 : vector<16xf32>
        %parallel_loop3A_423 = arith.index_cast %parallel_loop3A_315 : i32 to index
        %parallel_loop3A_424 = arith.constant 64 : index
        %parallel_loop3A_425 = tpu.vector_load %arg28[%parallel_loop3A_423, %parallel_loop3A_424] {strides = array<i32>} : memref<128x128xf32, #tpu.memory_space<vmem>>, vector<16xf32>,
        tpu.vector_store %arg28[%parallel_loop3A_423, %parallel_loop3A_424], %parallel_loop3A_422 {strides = array<i32>} : memref<128x128xf32, #tpu.memory_space<vmem>>, vector<16xf32>,
        %parallel_loop3A_426 = arith.mulf %parallel_loop3A_389, %parallel_loop3A_330 : vector<16xf32>
        %parallel_loop3A_427 = arith.index_cast %parallel_loop3A_315 : i32 to index
        %parallel_loop3A_428 = arith.constant 64 : index
        %parallel_loop3A_429 = tpu.vector_load %arg27[%parallel_loop3A_427, %parallel_loop3A_428] {strides = array<i32>} : memref<128x128xf32, #tpu.memory_space<vmem>>, vector<16xf32>,
        tpu.vector_store %arg27[%parallel_loop3A_427, %parallel_loop3A_428], %parallel_loop3A_426 {strides = array<i32>} : memref<128x128xf32, #tpu.memory_space<vmem>>, vector<16xf32>,
        %parallel_loop3A_430 = arith.mulf %parallel_loop3A_389, %parallel_loop3A_357 : vector<16xf32>
        %parallel_loop3A_431 = arith.index_cast %parallel_loop3A_315 : i32 to index
        %parallel_loop3A_432 = arith.constant 80 : index
        %parallel_loop3A_433 = tpu.vector_load %arg28[%parallel_loop3A_431, %parallel_loop3A_432] {strides = array<i32>} : memref<128x128xf32, #tpu.memory_space<vmem>>, vector<16xf32>,
        tpu.vector_store %arg28[%parallel_loop3A_431, %parallel_loop3A_432], %parallel_loop3A_430 {strides = array<i32>} : memref<128x128xf32, #tpu.memory_space<vmem>>, vector<16xf32>,
        %parallel_loop3A_434 = arith.mulf %parallel_loop3A_389, %parallel_loop3A_333 : vector<16xf32>
        %parallel_loop3A_435 = arith.index_cast %parallel_loop3A_315 : i32 to index
        %parallel_loop3A_436 = arith.constant 80 : index
        %parallel_loop3A_437 = tpu.vector_load %arg27[%parallel_loop3A_435, %parallel_loop3A_436] {strides = array<i32>} : memref<128x128xf32, #tpu.memory_space<vmem>>, vector<16xf32>,
        tpu.vector_store %arg27[%parallel_loop3A_435, %parallel_loop3A_436], %parallel_loop3A_434 {strides = array<i32>} : memref<128x128xf32, #tpu.memory_space<vmem>>, vector<16xf32>,
        %parallel_loop3A_438 = arith.mulf %parallel_loop3A_389, %parallel_loop3A_360 : vector<16xf32>
        %parallel_loop3A_439 = arith.index_cast %parallel_loop3A_315 : i32 to index
        %parallel_loop3A_440 = arith.constant 96 : index
        %parallel_loop3A_441 = tpu.vector_load %arg28[%parallel_loop3A_439, %parallel_loop3A_440] {strides = array<i32>} : memref<128x128xf32, #tpu.memory_space<vmem>>, vector<16xf32>,
        tpu.vector_store %arg28[%parallel_loop3A_439, %parallel_loop3A_440], %parallel_loop3A_438 {strides = array<i32>} : memref<128x128xf32, #tpu.memory_space<vmem>>, vector<16xf32>,
        %parallel_loop3A_442 = arith.mulf %parallel_loop3A_389, %parallel_loop3A_336 : vector<16xf32>
        %parallel_loop3A_443 = arith.index_cast %parallel_loop3A_315 : i32 to index
        %parallel_loop3A_444 = arith.constant 96 : index
        %parallel_loop3A_445 = tpu.vector_load %arg27[%parallel_loop3A_443, %parallel_loop3A_444] {strides = array<i32>} : memref<128x128xf32, #tpu.memory_space<vmem>>, vector<16xf32>,
        tpu.vector_store %arg27[%parallel_loop3A_443, %parallel_loop3A_444], %parallel_loop3A_442 {strides = array<i32>} : memref<128x128xf32, #tpu.memory_space<vmem>>, vector<16xf32>,
        %parallel_loop3A_446 = arith.mulf %parallel_loop3A_389, %parallel_loop3A_363 : vector<16xf32>
        %parallel_loop3A_447 = arith.index_cast %parallel_loop3A_315 : i32 to index
        %parallel_loop3A_448 = arith.constant 112 : index
        %parallel_loop3A_449 = tpu.vector_load %arg28[%parallel_loop3A_447, %parallel_loop3A_448] {strides = array<i32>} : memref<128x128xf32, #tpu.memory_space<vmem>>, vector<16xf32>,
        tpu.vector_store %arg28[%parallel_loop3A_447, %parallel_loop3A_448], %parallel_loop3A_446 {strides = array<i32>} : memref<128x128xf32, #tpu.memory_space<vmem>>, vector<16xf32>,
        %parallel_loop3A_450 = arith.mulf %parallel_loop3A_389, %parallel_loop3A_339 : vector<16xf32>
        %parallel_loop3A_451 = arith.index_cast %parallel_loop3A_315 : i32 to index
        %parallel_loop3A_452 = arith.constant 112 : index
        %parallel_loop3A_453 = tpu.vector_load %arg27[%parallel_loop3A_451, %parallel_loop3A_452] {strides = array<i32>} : memref<128x128xf32, #tpu.memory_space<vmem>>, vector<16xf32>,
        tpu.vector_store %arg27[%parallel_loop3A_451, %parallel_loop3A_452], %parallel_loop3A_450 {strides = array<i32>} : memref<128x128xf32, #tpu.memory_space<vmem>>, vector<16xf32>,
      } {sc.loop_unroll_factor = 16 : i64, sc.parallel_access}
      %lt3A_304 = arith.constant 62 : i32
      %lt3A_305 = arith.cmpi slt, %add3A_115, %lt3A_304 : i32
      %convert_element_type3A_306 = arith.extui %lt3A_305 : i1 to i32
      %cond3A_307 = arith.constant 0 : i32
      %cond3A_308 = arith.cmpi ne, %convert_element_type3A_306, %cond3A_307 : i32
      scf.if %cond3A_308 {
        %add3A_315 = arith.constant 2 : i32
        %add3A_316 = arith.addi %add3A_219, %add3A_315 : i32
        %mul3A_317 = arith.constant 128 : i32
        %mul3A_318 = arith.muli %add3A_316, %mul3A_317 : i32
        %add3A_319 = arith.addi %mul3A_18, %mul3A_318 : i32
        %dma_start3A_320 = tpu.memref_slice %arg4[%add3A_319] : memref<262144xi32, #tpu.memory_space<hbm>> -> memref<128xi32, #tpu.memory_space<hbm>>
        %dma_start3A_321 = tpu.memref_slice %arg4[%add3A_319] : memref<262144xi32, #tpu.memory_space<hbm>> -> memref<128xi32, #tpu.memory_space<hbm>>
        tpu.enqueue_dma source(%dma_start3A_321 : memref<128xi32, #tpu.memory_space<hbm>>) target(%arg15 : memref<128xi32, #tpu.memory_space<vmem>>) target_semaphore(%arg37 : memref<!tpu.dma_semaphore, #tpu.memory_space<semaphore_mem>>)
        %dma_start3A_322 = tpu.memref_slice %arg5[%add3A_319] : memref<262144xi32, #tpu.memory_space<hbm>> -> memref<128xi32, #tpu.memory_space<hbm>>
        %dma_start3A_323 = tpu.memref_slice %arg5[%add3A_319] : memref<262144xi32, #tpu.memory_space<hbm>> -> memref<128xi32, #tpu.memory_space<hbm>>
        tpu.enqueue_dma source(%dma_start3A_323 : memref<128xi32, #tpu.memory_space<hbm>>) target(%arg16 : memref<128xi32, #tpu.memory_space<vmem>>) target_semaphore(%arg37 : memref<!tpu.dma_semaphore, #tpu.memory_space<semaphore_mem>>)
        %dma_start3A_324 = tpu.memref_slice %arg6[%add3A_319] : memref<262144xf32, #tpu.memory_space<hbm>> -> memref<128xf32, #tpu.memory_space<hbm>>
        %dma_start3A_325 = tpu.memref_slice %arg6[%add3A_319] : memref<262144xf32, #tpu.memory_space<hbm>> -> memref<128xf32, #tpu.memory_space<hbm>>
        tpu.enqueue_dma source(%dma_start3A_325 : memref<128xf32, #tpu.memory_space<hbm>>) target(%arg22 : memref<128xf32, #tpu.memory_space<vmem>>) target_semaphore(%arg37 : memref<!tpu.dma_semaphore, #tpu.memory_space<semaphore_mem>>)
      } else {
      }
      %dma_start3A_309 = arith.constant 0 : i32
      %dma_start3A_310 = arith.constant 0 : i32
      %dma_start3A_311 = tpu.memref_slice %arg31[%dma_start3A_309, %dma_start3A_310] : memref<4096x128xf32, #tpu.memory_space<vmem_shared>> -> memref<4096x128xf32, #tpu.memory_space<vmem_shared>>
      tpu.enqueue_indirect_dma source(%arg28 : memref<128x128xf32, #tpu.memory_space<vmem>>) target(%dma_start3A_311 : memref<4096x128xf32, #tpu.memory_space<vmem_shared>>) offsets(%arg19 : memref<128xi32, #tpu.memory_space<vmem>>) semaphore(%arg35 : memref<!tpu.dma_semaphore, #tpu.memory_space<semaphore_mem>>) {add = true}
      %dma_start3A_312 = arith.constant 0 : i32
      %dma_start3A_313 = arith.constant 0 : i32
      %dma_start3A_314 = tpu.memref_slice %arg31[%dma_start3A_312, %dma_start3A_313] : memref<4096x128xf32, #tpu.memory_space<vmem_shared>> -> memref<4096x128xf32, #tpu.memory_space<vmem_shared>>
      tpu.enqueue_indirect_dma source(%arg27 : memref<128x128xf32, #tpu.memory_space<vmem>>) target(%dma_start3A_314 : memref<4096x128xf32, #tpu.memory_space<vmem_shared>>) offsets(%arg20 : memref<128xi32, #tpu.memory_space<vmem>>) semaphore(%arg35 : memref<!tpu.dma_semaphore, #tpu.memory_space<semaphore_mem>>) {add = true}
    }
    %scan3A_50 = arith.constant 32 : i32
    %dma_wait3A_51 = arith.constant 0 : i32
    %dma_wait3A_52 = arith.constant 0 : i32
    %dma_wait3A_53 = tpu.memref_slice %arg31[%dma_wait3A_51, %dma_wait3A_52] : memref<4096x128xf32, #tpu.memory_space<vmem_shared>> -> memref<4096x128xf32, #tpu.memory_space<vmem_shared>>
    tpu.wait_indirect_dma semaphore(%arg35 : memref<!tpu.dma_semaphore, #tpu.memory_space<semaphore_mem>>) src(%arg28 : memref<128x128xf32, #tpu.memory_space<vmem>>) dst(%dma_wait3A_53 : memref<4096x128xf32, #tpu.memory_space<vmem_shared>>)
    %dma_wait3A_54 = arith.constant 0 : i32
    %dma_wait3A_55 = arith.constant 0 : i32
    %dma_wait3A_56 = tpu.memref_slice %arg31[%dma_wait3A_54, %dma_wait3A_55] : memref<4096x128xf32, #tpu.memory_space<vmem_shared>> -> memref<4096x128xf32, #tpu.memory_space<vmem_shared>>
    tpu.wait_indirect_dma semaphore(%arg35 : memref<!tpu.dma_semaphore, #tpu.memory_space<semaphore_mem>>) src(%arg27 : memref<128x128xf32, #tpu.memory_space<vmem>>) dst(%dma_wait3A_56 : memref<4096x128xf32, #tpu.memory_space<vmem_shared>>)
    %mul3A_57 = arith.constant 4096 : i32
    %mul3A_58 = arith.muli %add3A, %mul3A_57 : i32
    %add3A_59 = arith.constant 0 : i32
    %add3A_60 = arith.addi %mul3A_58, %add3A_59 : i32
    %dma_start3A_61 = tpu.memref_slice %arg7[%add3A_60] : memref<131072xi32, #tpu.memory_space<hbm>> -> memref<128xi32, #tpu.memory_space<hbm>>
    %dma_start3A_62 = tpu.memref_slice %arg7[%add3A_60] : memref<131072xi32, #tpu.memory_space<hbm>> -> memref<128xi32, #tpu.memory_space<hbm>>
    tpu.enqueue_dma source(%dma_start3A_62 : memref<128xi32, #tpu.memory_space<hbm>>) target(%arg13 : memref<128xi32, #tpu.memory_space<vmem>>) target_semaphore(%arg36 : memref<!tpu.dma_semaphore, #tpu.memory_space<semaphore_mem>>)
    %dma_start3A_63 = tpu.memref_slice %arg8[%add3A_60] : memref<131072xi32, #tpu.memory_space<hbm>> -> memref<128xi32, #tpu.memory_space<hbm>>
    %dma_start3A_64 = tpu.memref_slice %arg8[%add3A_60] : memref<131072xi32, #tpu.memory_space<hbm>> -> memref<128xi32, #tpu.memory_space<hbm>>
    tpu.enqueue_dma source(%dma_start3A_64 : memref<128xi32, #tpu.memory_space<hbm>>) target(%arg14 : memref<128xi32, #tpu.memory_space<vmem>>) target_semaphore(%arg36 : memref<!tpu.dma_semaphore, #tpu.memory_space<semaphore_mem>>)
    %dma_start3A_65 = tpu.memref_slice %arg9[%add3A_60] : memref<131072xf32, #tpu.memory_space<hbm>> -> memref<128xf32, #tpu.memory_space<hbm>>
    %dma_start3A_66 = tpu.memref_slice %arg9[%add3A_60] : memref<131072xf32, #tpu.memory_space<hbm>> -> memref<128xf32, #tpu.memory_space<hbm>>
    tpu.enqueue_dma source(%dma_start3A_66 : memref<128xf32, #tpu.memory_space<hbm>>) target(%arg21 : memref<128xf32, #tpu.memory_space<vmem>>) target_semaphore(%arg36 : memref<!tpu.dma_semaphore, #tpu.memory_space<semaphore_mem>>)
    %dma_start3A_67 = tpu.memref_slice %arg10[%add3A_60] : memref<131072xf32, #tpu.memory_space<hbm>> -> memref<128xf32, #tpu.memory_space<hbm>>
    %dma_start3A_68 = tpu.memref_slice %arg10[%add3A_60] : memref<131072xf32, #tpu.memory_space<hbm>> -> memref<128xf32, #tpu.memory_space<hbm>>
    tpu.enqueue_dma source(%dma_start3A_68 : memref<128xf32, #tpu.memory_space<hbm>>) target(%arg23 : memref<128xf32, #tpu.memory_space<vmem>>) target_semaphore(%arg36 : memref<!tpu.dma_semaphore, #tpu.memory_space<semaphore_mem>>)
    %add3A_69 = arith.constant 128 : i32
    %add3A_70 = arith.addi %mul3A_58, %add3A_69 : i32
    %dma_start3A_71 = tpu.memref_slice %arg7[%add3A_70] : memref<131072xi32, #tpu.memory_space<hbm>> -> memref<128xi32, #tpu.memory_space<hbm>>
    %dma_start3A_72 = tpu.memref_slice %arg7[%add3A_70] : memref<131072xi32, #tpu.memory_space<hbm>> -> memref<128xi32, #tpu.memory_space<hbm>>
    tpu.enqueue_dma source(%dma_start3A_72 : memref<128xi32, #tpu.memory_space<hbm>>) target(%arg15 : memref<128xi32, #tpu.memory_space<vmem>>) target_semaphore(%arg37 : memref<!tpu.dma_semaphore, #tpu.memory_space<semaphore_mem>>)
    %dma_start3A_73 = tpu.memref_slice %arg8[%add3A_70] : memref<131072xi32, #tpu.memory_space<hbm>> -> memref<128xi32, #tpu.memory_space<hbm>>
    %dma_start3A_74 = tpu.memref_slice %arg8[%add3A_70] : memref<131072xi32, #tpu.memory_space<hbm>> -> memref<128xi32, #tpu.memory_space<hbm>>
    tpu.enqueue_dma source(%dma_start3A_74 : memref<128xi32, #tpu.memory_space<hbm>>) target(%arg16 : memref<128xi32, #tpu.memory_space<vmem>>) target_semaphore(%arg37 : memref<!tpu.dma_semaphore, #tpu.memory_space<semaphore_mem>>)
    %dma_start3A_75 = tpu.memref_slice %arg9[%add3A_70] : memref<131072xf32, #tpu.memory_space<hbm>> -> memref<128xf32, #tpu.memory_space<hbm>>
    %dma_start3A_76 = tpu.memref_slice %arg9[%add3A_70] : memref<131072xf32, #tpu.memory_space<hbm>> -> memref<128xf32, #tpu.memory_space<hbm>>
    tpu.enqueue_dma source(%dma_start3A_76 : memref<128xf32, #tpu.memory_space<hbm>>) target(%arg22 : memref<128xf32, #tpu.memory_space<vmem>>) target_semaphore(%arg37 : memref<!tpu.dma_semaphore, #tpu.memory_space<semaphore_mem>>)
    %dma_start3A_77 = tpu.memref_slice %arg10[%add3A_70] : memref<131072xf32, #tpu.memory_space<hbm>> -> memref<128xf32, #tpu.memory_space<hbm>>
    %dma_start3A_78 = tpu.memref_slice %arg10[%add3A_70] : memref<131072xf32, #tpu.memory_space<hbm>> -> memref<128xf32, #tpu.memory_space<hbm>>
    tpu.enqueue_dma source(%dma_start3A_78 : memref<128xf32, #tpu.memory_space<hbm>>) target(%arg24 : memref<128xf32, #tpu.memory_space<vmem>>) target_semaphore(%arg37 : memref<!tpu.dma_semaphore, #tpu.memory_space<semaphore_mem>>)
    %add3A_79 = arith.constant 0 : i32
    %add3A_80 = arith.addi %mul3A_58, %add3A_79 : i32
    %dma_wait3A_81 = tpu.memref_slice %arg7[%add3A_80] : memref<131072xi32, #tpu.memory_space<hbm>> -> memref<128xi32, #tpu.memory_space<hbm>>
    %dma_wait3A_82 = tpu.memref_slice %arg7[%add3A_80] : memref<131072xi32, #tpu.memory_space<hbm>> -> memref<128xi32, #tpu.memory_space<hbm>>
    tpu.wait_dma2 semaphore(%arg36 : memref<!tpu.dma_semaphore, #tpu.memory_space<semaphore_mem>>) src(%dma_wait3A_82 : memref<128xi32, #tpu.memory_space<hbm>>) dst(%arg13 : memref<128xi32, #tpu.memory_space<vmem>>)
    %dma_wait3A_83 = tpu.memref_slice %arg8[%add3A_80] : memref<131072xi32, #tpu.memory_space<hbm>> -> memref<128xi32, #tpu.memory_space<hbm>>
    %dma_wait3A_84 = tpu.memref_slice %arg8[%add3A_80] : memref<131072xi32, #tpu.memory_space<hbm>> -> memref<128xi32, #tpu.memory_space<hbm>>
    tpu.wait_dma2 semaphore(%arg36 : memref<!tpu.dma_semaphore, #tpu.memory_space<semaphore_mem>>) src(%dma_wait3A_84 : memref<128xi32, #tpu.memory_space<hbm>>) dst(%arg14 : memref<128xi32, #tpu.memory_space<vmem>>)
    %dma_wait3A_85 = tpu.memref_slice %arg9[%add3A_80] : memref<131072xf32, #tpu.memory_space<hbm>> -> memref<128xf32, #tpu.memory_space<hbm>>
    %dma_wait3A_86 = tpu.memref_slice %arg9[%add3A_80] : memref<131072xf32, #tpu.memory_space<hbm>> -> memref<128xf32, #tpu.memory_space<hbm>>
    tpu.wait_dma2 semaphore(%arg36 : memref<!tpu.dma_semaphore, #tpu.memory_space<semaphore_mem>>) src(%dma_wait3A_86 : memref<128xf32, #tpu.memory_space<hbm>>) dst(%arg21 : memref<128xf32, #tpu.memory_space<vmem>>)
    %dma_wait3A_87 = tpu.memref_slice %arg10[%add3A_80] : memref<131072xf32, #tpu.memory_space<hbm>> -> memref<128xf32, #tpu.memory_space<hbm>>
    %dma_wait3A_88 = tpu.memref_slice %arg10[%add3A_80] : memref<131072xf32, #tpu.memory_space<hbm>> -> memref<128xf32, #tpu.memory_space<hbm>>
    tpu.wait_dma2 semaphore(%arg36 : memref<!tpu.dma_semaphore, #tpu.memory_space<semaphore_mem>>) src(%dma_wait3A_88 : memref<128xf32, #tpu.memory_space<hbm>>) dst(%arg23 : memref<128xf32, #tpu.memory_space<vmem>>)
    %dma_start3A_89 = arith.constant 0 : i32
    %dma_start3A_90 = arith.constant 0 : i32
    %dma_start3A_91 = tpu.memref_slice %arg2[%dma_start3A_89, %dma_start3A_90] : memref<4096x128xf32, #tpu.memory_space<hbm>> -> memref<4096x128xf32, #tpu.memory_space<hbm>>
    tpu.enqueue_indirect_dma source(%dma_start3A_91 : memref<4096x128xf32, #tpu.memory_space<hbm>>) target(%arg25 : memref<128x128xf32, #tpu.memory_space<vmem>>) offsets(%arg13 : memref<128xi32, #tpu.memory_space<vmem>>) semaphore(%arg32 : memref<!tpu.dma_semaphore, #tpu.memory_space<semaphore_mem>>)
    %dma_start3A_92 = arith.constant 0 : i32
    %dma_start3A_93 = arith.constant 0 : i32
    %dma_start3A_94 = tpu.memref_slice %arg2[%dma_start3A_92, %dma_start3A_93] : memref<4096x128xf32, #tpu.memory_space<hbm>> -> memref<4096x128xf32, #tpu.memory_space<hbm>>
    tpu.enqueue_indirect_dma source(%dma_start3A_94 : memref<4096x128xf32, #tpu.memory_space<hbm>>) target(%arg26 : memref<128x128xf32, #tpu.memory_space<vmem>>) offsets(%arg14 : memref<128xi32, #tpu.memory_space<vmem>>) semaphore(%arg32 : memref<!tpu.dma_semaphore, #tpu.memory_space<semaphore_mem>>)
    %scan3A_95 = arith.constant 0 : i32
    %scan3A_96 = arith.constant 16 : i32
    %scan3A_97 = arith.addi %scan3A_95, %scan3A_96 : i32
    %scan3A_98 = arith.constant 1 : i32
    scf.for %scan3A_111 = %scan3A_95 to %scan3A_97 step %scan3A_98  : i32 {
      %mul3A_112 = arith.constant 2 : i32
      %mul3A_113 = arith.muli %scan3A_111, %mul3A_112 : i32
      %add3A_114 = arith.constant 0 : i32
      %add3A_115 = arith.addi %add3A_114, %mul3A_113 : i32
      %add3A_116 = arith.constant 0 : i32
      %add3A_117 = arith.addi %add3A_115, %add3A_116 : i32
      %gt3A = arith.constant 0 : i32
      %gt3A_118 = arith.cmpi sgt, %add3A_115, %gt3A : i32
      %convert_element_type3A = arith.extui %gt3A_118 : i1 to i32
      %cond3A = arith.constant 0 : i32
      %cond3A_119 = arith.cmpi ne, %convert_element_type3A, %cond3A : i32
      scf.if %cond3A_119 {
        %dma_wait3A_317 = arith.constant 0 : i32
        %dma_wait3A_318 = arith.constant 0 : i32
        %dma_wait3A_319 = tpu.memref_slice %arg31[%dma_wait3A_317, %dma_wait3A_318] : memref<4096x128xf32, #tpu.memory_space<vmem_shared>> -> memref<4096x128xf32, #tpu.memory_space<vmem_shared>>
        tpu.wait_indirect_dma semaphore(%arg35 : memref<!tpu.dma_semaphore, #tpu.memory_space<semaphore_mem>>) src(%arg28 : memref<128x128xf32, #tpu.memory_space<vmem>>) dst(%dma_wait3A_319 : memref<4096x128xf32, #tpu.memory_space<vmem_shared>>)
        %dma_wait3A_320 = arith.constant 0 : i32
        %dma_wait3A_321 = arith.constant 0 : i32
        %dma_wait3A_322 = tpu.memref_slice %arg31[%dma_wait3A_320, %dma_wait3A_321] : memref<4096x128xf32, #tpu.memory_space<vmem_shared>> -> memref<4096x128xf32, #tpu.memory_space<vmem_shared>>
        tpu.wait_indirect_dma semaphore(%arg35 : memref<!tpu.dma_semaphore, #tpu.memory_space<semaphore_mem>>) src(%arg27 : memref<128x128xf32, #tpu.memory_space<vmem>>) dst(%dma_wait3A_322 : memref<4096x128xf32, #tpu.memory_space<vmem_shared>>)
      } else {
      }
      %add3A_120 = arith.constant 1 : i32
      %add3A_121 = arith.addi %add3A_117, %add3A_120 : i32
      %mul3A_122 = arith.constant 128 : i32
      %mul3A_123 = arith.muli %add3A_121, %mul3A_122 : i32
      %add3A_124 = arith.addi %mul3A_58, %mul3A_123 : i32
      %dma_wait3A_125 = tpu.memref_slice %arg7[%add3A_124] : memref<131072xi32, #tpu.memory_space<hbm>> -> memref<128xi32, #tpu.memory_space<hbm>>
      %dma_wait3A_126 = tpu.memref_slice %arg7[%add3A_124] : memref<131072xi32, #tpu.memory_space<hbm>> -> memref<128xi32, #tpu.memory_space<hbm>>
      tpu.wait_dma2 semaphore(%arg37 : memref<!tpu.dma_semaphore, #tpu.memory_space<semaphore_mem>>) src(%dma_wait3A_126 : memref<128xi32, #tpu.memory_space<hbm>>) dst(%arg15 : memref<128xi32, #tpu.memory_space<vmem>>)
      %dma_wait3A_127 = tpu.memref_slice %arg8[%add3A_124] : memref<131072xi32, #tpu.memory_space<hbm>> -> memref<128xi32, #tpu.memory_space<hbm>>
      %dma_wait3A_128 = tpu.memref_slice %arg8[%add3A_124] : memref<131072xi32, #tpu.memory_space<hbm>> -> memref<128xi32, #tpu.memory_space<hbm>>
      tpu.wait_dma2 semaphore(%arg37 : memref<!tpu.dma_semaphore, #tpu.memory_space<semaphore_mem>>) src(%dma_wait3A_128 : memref<128xi32, #tpu.memory_space<hbm>>) dst(%arg16 : memref<128xi32, #tpu.memory_space<vmem>>)
      %dma_wait3A_129 = tpu.memref_slice %arg9[%add3A_124] : memref<131072xf32, #tpu.memory_space<hbm>> -> memref<128xf32, #tpu.memory_space<hbm>>
      %dma_wait3A_130 = tpu.memref_slice %arg9[%add3A_124] : memref<131072xf32, #tpu.memory_space<hbm>> -> memref<128xf32, #tpu.memory_space<hbm>>
      tpu.wait_dma2 semaphore(%arg37 : memref<!tpu.dma_semaphore, #tpu.memory_space<semaphore_mem>>) src(%dma_wait3A_130 : memref<128xf32, #tpu.memory_space<hbm>>) dst(%arg22 : memref<128xf32, #tpu.memory_space<vmem>>)
      %dma_wait3A_131 = tpu.memref_slice %arg10[%add3A_124] : memref<131072xf32, #tpu.memory_space<hbm>> -> memref<128xf32, #tpu.memory_space<hbm>>
      %dma_wait3A_132 = tpu.memref_slice %arg10[%add3A_124] : memref<131072xf32, #tpu.memory_space<hbm>> -> memref<128xf32, #tpu.memory_space<hbm>>
      tpu.wait_dma2 semaphore(%arg37 : memref<!tpu.dma_semaphore, #tpu.memory_space<semaphore_mem>>) src(%dma_wait3A_132 : memref<128xf32, #tpu.memory_space<hbm>>) dst(%arg24 : memref<128xf32, #tpu.memory_space<vmem>>)
      %dma_start3A_133 = arith.constant 0 : i32
      %dma_start3A_134 = arith.constant 0 : i32
      %dma_start3A_135 = tpu.memref_slice %arg2[%dma_start3A_133, %dma_start3A_134] : memref<4096x128xf32, #tpu.memory_space<hbm>> -> memref<4096x128xf32, #tpu.memory_space<hbm>>
      tpu.enqueue_indirect_dma source(%dma_start3A_135 : memref<4096x128xf32, #tpu.memory_space<hbm>>) target(%arg27 : memref<128x128xf32, #tpu.memory_space<vmem>>) offsets(%arg15 : memref<128xi32, #tpu.memory_space<vmem>>) semaphore(%arg33 : memref<!tpu.dma_semaphore, #tpu.memory_space<semaphore_mem>>)
      %dma_start3A_136 = arith.constant 0 : i32
      %dma_start3A_137 = arith.constant 0 : i32
      %dma_start3A_138 = tpu.memref_slice %arg2[%dma_start3A_136, %dma_start3A_137] : memref<4096x128xf32, #tpu.memory_space<hbm>> -> memref<4096x128xf32, #tpu.memory_space<hbm>>
      tpu.enqueue_indirect_dma source(%dma_start3A_138 : memref<4096x128xf32, #tpu.memory_space<hbm>>) target(%arg28 : memref<128x128xf32, #tpu.memory_space<vmem>>) offsets(%arg16 : memref<128xi32, #tpu.memory_space<vmem>>) semaphore(%arg33 : memref<!tpu.dma_semaphore, #tpu.memory_space<semaphore_mem>>)
      %dma_wait3A_139 = arith.constant 0 : i32
      %dma_wait3A_140 = arith.constant 0 : i32
      %dma_wait3A_141 = tpu.memref_slice %arg2[%dma_wait3A_139, %dma_wait3A_140] : memref<4096x128xf32, #tpu.memory_space<hbm>> -> memref<4096x128xf32, #tpu.memory_space<hbm>>
      tpu.wait_indirect_dma semaphore(%arg32 : memref<!tpu.dma_semaphore, #tpu.memory_space<semaphore_mem>>) src(%dma_wait3A_141 : memref<4096x128xf32, #tpu.memory_space<hbm>>) dst(%arg25 : memref<128x128xf32, #tpu.memory_space<vmem>>)
      %dma_wait3A_142 = arith.constant 0 : i32
      %dma_wait3A_143 = arith.constant 0 : i32
      %dma_wait3A_144 = tpu.memref_slice %arg2[%dma_wait3A_142, %dma_wait3A_143] : memref<4096x128xf32, #tpu.memory_space<hbm>> -> memref<4096x128xf32, #tpu.memory_space<hbm>>
      tpu.wait_indirect_dma semaphore(%arg32 : memref<!tpu.dma_semaphore, #tpu.memory_space<semaphore_mem>>) src(%dma_wait3A_144 : memref<4096x128xf32, #tpu.memory_space<hbm>>) dst(%arg26 : memref<128x128xf32, #tpu.memory_space<vmem>>)
      %get3A = arith.constant 0 : index
      %get3A_145 = tpu.vector_load %arg13[%get3A] {strides = array<i32>} : memref<128xi32, #tpu.memory_space<vmem>>, vector<16xi32>,
      %swap3A = arith.constant 0 : index
      %swap3A_146 = tpu.vector_load %arg17[%swap3A] {strides = array<i32>} : memref<128xi32, #tpu.memory_space<vmem>>, vector<16xi32>,
      tpu.vector_store %arg17[%swap3A], %get3A_145 {strides = array<i32>} : memref<128xi32, #tpu.memory_space<vmem>>, vector<16xi32>,
      %get3A_147 = arith.constant 0 : index
      %get3A_148 = tpu.vector_load %arg14[%get3A_147] {strides = array<i32>} : memref<128xi32, #tpu.memory_space<vmem>>, vector<16xi32>,
      %swap3A_149 = arith.constant 0 : index
      %swap3A_150 = tpu.vector_load %arg18[%swap3A_149] {strides = array<i32>} : memref<128xi32, #tpu.memory_space<vmem>>, vector<16xi32>,
      tpu.vector_store %arg18[%swap3A_149], %get3A_148 {strides = array<i32>} : memref<128xi32, #tpu.memory_space<vmem>>, vector<16xi32>,
      %get3A_151 = arith.constant 16 : index
      %get3A_152 = tpu.vector_load %arg13[%get3A_151] {strides = array<i32>} : memref<128xi32, #tpu.memory_space<vmem>>, vector<16xi32>,
      %swap3A_153 = arith.constant 16 : index
      %swap3A_154 = tpu.vector_load %arg17[%swap3A_153] {strides = array<i32>} : memref<128xi32, #tpu.memory_space<vmem>>, vector<16xi32>,
      tpu.vector_store %arg17[%swap3A_153], %get3A_152 {strides = array<i32>} : memref<128xi32, #tpu.memory_space<vmem>>, vector<16xi32>,
      %get3A_155 = arith.constant 16 : index
      %get3A_156 = tpu.vector_load %arg14[%get3A_155] {strides = array<i32>} : memref<128xi32, #tpu.memory_space<vmem>>, vector<16xi32>,
      %swap3A_157 = arith.constant 16 : index
      %swap3A_158 = tpu.vector_load %arg18[%swap3A_157] {strides = array<i32>} : memref<128xi32, #tpu.memory_space<vmem>>, vector<16xi32>,
      tpu.vector_store %arg18[%swap3A_157], %get3A_156 {strides = array<i32>} : memref<128xi32, #tpu.memory_space<vmem>>, vector<16xi32>,
      %get3A_159 = arith.constant 32 : index
      %get3A_160 = tpu.vector_load %arg13[%get3A_159] {strides = array<i32>} : memref<128xi32, #tpu.memory_space<vmem>>, vector<16xi32>,
      %swap3A_161 = arith.constant 32 : index
      %swap3A_162 = tpu.vector_load %arg17[%swap3A_161] {strides = array<i32>} : memref<128xi32, #tpu.memory_space<vmem>>, vector<16xi32>,
      tpu.vector_store %arg17[%swap3A_161], %get3A_160 {strides = array<i32>} : memref<128xi32, #tpu.memory_space<vmem>>, vector<16xi32>,
      %get3A_163 = arith.constant 32 : index
      %get3A_164 = tpu.vector_load %arg14[%get3A_163] {strides = array<i32>} : memref<128xi32, #tpu.memory_space<vmem>>, vector<16xi32>,
      %swap3A_165 = arith.constant 32 : index
      %swap3A_166 = tpu.vector_load %arg18[%swap3A_165] {strides = array<i32>} : memref<128xi32, #tpu.memory_space<vmem>>, vector<16xi32>,
      tpu.vector_store %arg18[%swap3A_165], %get3A_164 {strides = array<i32>} : memref<128xi32, #tpu.memory_space<vmem>>, vector<16xi32>,
      %get3A_167 = arith.constant 48 : index
      %get3A_168 = tpu.vector_load %arg13[%get3A_167] {strides = array<i32>} : memref<128xi32, #tpu.memory_space<vmem>>, vector<16xi32>,
      %swap3A_169 = arith.constant 48 : index
      %swap3A_170 = tpu.vector_load %arg17[%swap3A_169] {strides = array<i32>} : memref<128xi32, #tpu.memory_space<vmem>>, vector<16xi32>,
      tpu.vector_store %arg17[%swap3A_169], %get3A_168 {strides = array<i32>} : memref<128xi32, #tpu.memory_space<vmem>>, vector<16xi32>,
      %get3A_171 = arith.constant 48 : index
      %get3A_172 = tpu.vector_load %arg14[%get3A_171] {strides = array<i32>} : memref<128xi32, #tpu.memory_space<vmem>>, vector<16xi32>,
      %swap3A_173 = arith.constant 48 : index
      %swap3A_174 = tpu.vector_load %arg18[%swap3A_173] {strides = array<i32>} : memref<128xi32, #tpu.memory_space<vmem>>, vector<16xi32>,
      tpu.vector_store %arg18[%swap3A_173], %get3A_172 {strides = array<i32>} : memref<128xi32, #tpu.memory_space<vmem>>, vector<16xi32>,
      %get3A_175 = arith.constant 64 : index
      %get3A_176 = tpu.vector_load %arg13[%get3A_175] {strides = array<i32>} : memref<128xi32, #tpu.memory_space<vmem>>, vector<16xi32>,
      %swap3A_177 = arith.constant 64 : index
      %swap3A_178 = tpu.vector_load %arg17[%swap3A_177] {strides = array<i32>} : memref<128xi32, #tpu.memory_space<vmem>>, vector<16xi32>,
      tpu.vector_store %arg17[%swap3A_177], %get3A_176 {strides = array<i32>} : memref<128xi32, #tpu.memory_space<vmem>>, vector<16xi32>,
      %get3A_179 = arith.constant 64 : index
      %get3A_180 = tpu.vector_load %arg14[%get3A_179] {strides = array<i32>} : memref<128xi32, #tpu.memory_space<vmem>>, vector<16xi32>,
      %swap3A_181 = arith.constant 64 : index
      %swap3A_182 = tpu.vector_load %arg18[%swap3A_181] {strides = array<i32>} : memref<128xi32, #tpu.memory_space<vmem>>, vector<16xi32>,
      tpu.vector_store %arg18[%swap3A_181], %get3A_180 {strides = array<i32>} : memref<128xi32, #tpu.memory_space<vmem>>, vector<16xi32>,
      %get3A_183 = arith.constant 80 : index
      %get3A_184 = tpu.vector_load %arg13[%get3A_183] {strides = array<i32>} : memref<128xi32, #tpu.memory_space<vmem>>, vector<16xi32>,
      %swap3A_185 = arith.constant 80 : index
      %swap3A_186 = tpu.vector_load %arg17[%swap3A_185] {strides = array<i32>} : memref<128xi32, #tpu.memory_space<vmem>>, vector<16xi32>,
      tpu.vector_store %arg17[%swap3A_185], %get3A_184 {strides = array<i32>} : memref<128xi32, #tpu.memory_space<vmem>>, vector<16xi32>,
      %get3A_187 = arith.constant 80 : index
      %get3A_188 = tpu.vector_load %arg14[%get3A_187] {strides = array<i32>} : memref<128xi32, #tpu.memory_space<vmem>>, vector<16xi32>,
      %swap3A_189 = arith.constant 80 : index
      %swap3A_190 = tpu.vector_load %arg18[%swap3A_189] {strides = array<i32>} : memref<128xi32, #tpu.memory_space<vmem>>, vector<16xi32>,
      tpu.vector_store %arg18[%swap3A_189], %get3A_188 {strides = array<i32>} : memref<128xi32, #tpu.memory_space<vmem>>, vector<16xi32>,
      %get3A_191 = arith.constant 96 : index
      %get3A_192 = tpu.vector_load %arg13[%get3A_191] {strides = array<i32>} : memref<128xi32, #tpu.memory_space<vmem>>, vector<16xi32>,
      %swap3A_193 = arith.constant 96 : index
      %swap3A_194 = tpu.vector_load %arg17[%swap3A_193] {strides = array<i32>} : memref<128xi32, #tpu.memory_space<vmem>>, vector<16xi32>,
      tpu.vector_store %arg17[%swap3A_193], %get3A_192 {strides = array<i32>} : memref<128xi32, #tpu.memory_space<vmem>>, vector<16xi32>,
      %get3A_195 = arith.constant 96 : index
      %get3A_196 = tpu.vector_load %arg14[%get3A_195] {strides = array<i32>} : memref<128xi32, #tpu.memory_space<vmem>>, vector<16xi32>,
      %swap3A_197 = arith.constant 96 : index
      %swap3A_198 = tpu.vector_load %arg18[%swap3A_197] {strides = array<i32>} : memref<128xi32, #tpu.memory_space<vmem>>, vector<16xi32>,
      tpu.vector_store %arg18[%swap3A_197], %get3A_196 {strides = array<i32>} : memref<128xi32, #tpu.memory_space<vmem>>, vector<16xi32>,
      %get3A_199 = arith.constant 112 : index
      %get3A_200 = tpu.vector_load %arg13[%get3A_199] {strides = array<i32>} : memref<128xi32, #tpu.memory_space<vmem>>, vector<16xi32>,
      %swap3A_201 = arith.constant 112 : index
      %swap3A_202 = tpu.vector_load %arg17[%swap3A_201] {strides = array<i32>} : memref<128xi32, #tpu.memory_space<vmem>>, vector<16xi32>,
      tpu.vector_store %arg17[%swap3A_201], %get3A_200 {strides = array<i32>} : memref<128xi32, #tpu.memory_space<vmem>>, vector<16xi32>,
      %get3A_203 = arith.constant 112 : index
      %get3A_204 = tpu.vector_load %arg14[%get3A_203] {strides = array<i32>} : memref<128xi32, #tpu.memory_space<vmem>>, vector<16xi32>,
      %swap3A_205 = arith.constant 112 : index
      %swap3A_206 = tpu.vector_load %arg18[%swap3A_205] {strides = array<i32>} : memref<128xi32, #tpu.memory_space<vmem>>, vector<16xi32>,
      tpu.vector_store %arg18[%swap3A_205], %get3A_204 {strides = array<i32>} : memref<128xi32, #tpu.memory_space<vmem>>, vector<16xi32>,
      %parallel_loop3A_207 = arith.constant 0 : i32
      %parallel_loop3A_208 = arith.constant 128 : i32
      %parallel_loop3A_209 = arith.constant 1 : i32
      scf.for %parallel_loop3A_317 = %parallel_loop3A_207 to %parallel_loop3A_208 step %parallel_loop3A_209  : i32 {
        %parallel_loop3A_318 = arith.index_cast %parallel_loop3A_317 : i32 to index
        %parallel_loop3A_319 = arith.constant 0 : index
        %parallel_loop3A_320 = tpu.vector_load %arg25[%parallel_loop3A_318, %parallel_loop3A_319] {strides = array<i32>} : memref<128x128xf32, #tpu.memory_space<vmem>>, vector<16xf32>,
        %parallel_loop3A_321 = arith.index_cast %parallel_loop3A_317 : i32 to index
        %parallel_loop3A_322 = arith.constant 16 : index
        %parallel_loop3A_323 = tpu.vector_load %arg25[%parallel_loop3A_321, %parallel_loop3A_322] {strides = array<i32>} : memref<128x128xf32, #tpu.memory_space<vmem>>, vector<16xf32>,
        %parallel_loop3A_324 = arith.index_cast %parallel_loop3A_317 : i32 to index
        %parallel_loop3A_325 = arith.constant 32 : index
        %parallel_loop3A_326 = tpu.vector_load %arg25[%parallel_loop3A_324, %parallel_loop3A_325] {strides = array<i32>} : memref<128x128xf32, #tpu.memory_space<vmem>>, vector<16xf32>,
        %parallel_loop3A_327 = arith.index_cast %parallel_loop3A_317 : i32 to index
        %parallel_loop3A_328 = arith.constant 48 : index
        %parallel_loop3A_329 = tpu.vector_load %arg25[%parallel_loop3A_327, %parallel_loop3A_328] {strides = array<i32>} : memref<128x128xf32, #tpu.memory_space<vmem>>, vector<16xf32>,
        %parallel_loop3A_330 = arith.index_cast %parallel_loop3A_317 : i32 to index
        %parallel_loop3A_331 = arith.constant 64 : index
        %parallel_loop3A_332 = tpu.vector_load %arg25[%parallel_loop3A_330, %parallel_loop3A_331] {strides = array<i32>} : memref<128x128xf32, #tpu.memory_space<vmem>>, vector<16xf32>,
        %parallel_loop3A_333 = arith.index_cast %parallel_loop3A_317 : i32 to index
        %parallel_loop3A_334 = arith.constant 80 : index
        %parallel_loop3A_335 = tpu.vector_load %arg25[%parallel_loop3A_333, %parallel_loop3A_334] {strides = array<i32>} : memref<128x128xf32, #tpu.memory_space<vmem>>, vector<16xf32>,
        %parallel_loop3A_336 = arith.index_cast %parallel_loop3A_317 : i32 to index
        %parallel_loop3A_337 = arith.constant 96 : index
        %parallel_loop3A_338 = tpu.vector_load %arg25[%parallel_loop3A_336, %parallel_loop3A_337] {strides = array<i32>} : memref<128x128xf32, #tpu.memory_space<vmem>>, vector<16xf32>,
        %parallel_loop3A_339 = arith.index_cast %parallel_loop3A_317 : i32 to index
        %parallel_loop3A_340 = arith.constant 112 : index
        %parallel_loop3A_341 = tpu.vector_load %arg25[%parallel_loop3A_339, %parallel_loop3A_340] {strides = array<i32>} : memref<128x128xf32, #tpu.memory_space<vmem>>, vector<16xf32>,
        %parallel_loop3A_342 = arith.index_cast %parallel_loop3A_317 : i32 to index
        %parallel_loop3A_343 = arith.constant 0 : index
        %parallel_loop3A_344 = tpu.vector_load %arg26[%parallel_loop3A_342, %parallel_loop3A_343] {strides = array<i32>} : memref<128x128xf32, #tpu.memory_space<vmem>>, vector<16xf32>,
        %parallel_loop3A_345 = arith.index_cast %parallel_loop3A_317 : i32 to index
        %parallel_loop3A_346 = arith.constant 16 : index
        %parallel_loop3A_347 = tpu.vector_load %arg26[%parallel_loop3A_345, %parallel_loop3A_346] {strides = array<i32>} : memref<128x128xf32, #tpu.memory_space<vmem>>, vector<16xf32>,
        %parallel_loop3A_348 = arith.index_cast %parallel_loop3A_317 : i32 to index
        %parallel_loop3A_349 = arith.constant 32 : index
        %parallel_loop3A_350 = tpu.vector_load %arg26[%parallel_loop3A_348, %parallel_loop3A_349] {strides = array<i32>} : memref<128x128xf32, #tpu.memory_space<vmem>>, vector<16xf32>,
        %parallel_loop3A_351 = arith.index_cast %parallel_loop3A_317 : i32 to index
        %parallel_loop3A_352 = arith.constant 48 : index
        %parallel_loop3A_353 = tpu.vector_load %arg26[%parallel_loop3A_351, %parallel_loop3A_352] {strides = array<i32>} : memref<128x128xf32, #tpu.memory_space<vmem>>, vector<16xf32>,
        %parallel_loop3A_354 = arith.index_cast %parallel_loop3A_317 : i32 to index
        %parallel_loop3A_355 = arith.constant 64 : index
        %parallel_loop3A_356 = tpu.vector_load %arg26[%parallel_loop3A_354, %parallel_loop3A_355] {strides = array<i32>} : memref<128x128xf32, #tpu.memory_space<vmem>>, vector<16xf32>,
        %parallel_loop3A_357 = arith.index_cast %parallel_loop3A_317 : i32 to index
        %parallel_loop3A_358 = arith.constant 80 : index
        %parallel_loop3A_359 = tpu.vector_load %arg26[%parallel_loop3A_357, %parallel_loop3A_358] {strides = array<i32>} : memref<128x128xf32, #tpu.memory_space<vmem>>, vector<16xf32>,
        %parallel_loop3A_360 = arith.index_cast %parallel_loop3A_317 : i32 to index
        %parallel_loop3A_361 = arith.constant 96 : index
        %parallel_loop3A_362 = tpu.vector_load %arg26[%parallel_loop3A_360, %parallel_loop3A_361] {strides = array<i32>} : memref<128x128xf32, #tpu.memory_space<vmem>>, vector<16xf32>,
        %parallel_loop3A_363 = arith.index_cast %parallel_loop3A_317 : i32 to index
        %parallel_loop3A_364 = arith.constant 112 : index
        %parallel_loop3A_365 = tpu.vector_load %arg26[%parallel_loop3A_363, %parallel_loop3A_364] {strides = array<i32>} : memref<128x128xf32, #tpu.memory_space<vmem>>, vector<16xf32>,
        %parallel_loop3A_366 = arith.mulf %parallel_loop3A_320, %parallel_loop3A_344 : vector<16xf32>
        %parallel_loop3A_367 = arith.mulf %parallel_loop3A_323, %parallel_loop3A_347 : vector<16xf32>
        %parallel_loop3A_368 = arith.addf %parallel_loop3A_366, %parallel_loop3A_367 : vector<16xf32>
        %parallel_loop3A_369 = arith.mulf %parallel_loop3A_326, %parallel_loop3A_350 : vector<16xf32>
        %parallel_loop3A_370 = arith.addf %parallel_loop3A_368, %parallel_loop3A_369 : vector<16xf32>
        %parallel_loop3A_371 = arith.mulf %parallel_loop3A_329, %parallel_loop3A_353 : vector<16xf32>
        %parallel_loop3A_372 = arith.addf %parallel_loop3A_370, %parallel_loop3A_371 : vector<16xf32>
        %parallel_loop3A_373 = arith.mulf %parallel_loop3A_332, %parallel_loop3A_356 : vector<16xf32>
        %parallel_loop3A_374 = arith.addf %parallel_loop3A_372, %parallel_loop3A_373 : vector<16xf32>
        %parallel_loop3A_375 = arith.mulf %parallel_loop3A_335, %parallel_loop3A_359 : vector<16xf32>
        %parallel_loop3A_376 = arith.addf %parallel_loop3A_374, %parallel_loop3A_375 : vector<16xf32>
        %parallel_loop3A_377 = arith.mulf %parallel_loop3A_338, %parallel_loop3A_362 : vector<16xf32>
        %parallel_loop3A_378 = arith.addf %parallel_loop3A_376, %parallel_loop3A_377 : vector<16xf32>
        %parallel_loop3A_379 = arith.mulf %parallel_loop3A_341, %parallel_loop3A_365 : vector<16xf32>
        %parallel_loop3A_380 = arith.addf %parallel_loop3A_378, %parallel_loop3A_379 : vector<16xf32>
        %parallel_loop3A_381 = arith.constant true
        %parallel_loop3A_382 = vector.broadcast %parallel_loop3A_381 : i1 to vector<16xi1>
        %parallel_loop3A_383 = tpu.scan <sum>, %parallel_loop3A_380 masked %parallel_loop3A_382 : vector<16xf32>, vector<16xi1> -> vector<16xf32>
        %parallel_loop3A_384 = vector.extract %parallel_loop3A_383[15] : f32 from vector<16xf32>
        %parallel_loop3A_385 = vector.broadcast %parallel_loop3A_384 : f32 to vector<16xf32>
        %parallel_loop3A_386 = vector.broadcast %parallel_loop3A_317 : i32 to vector<16xi32>
        %parallel_loop3A_387 = tpu.vector_load_idx %arg13[%parallel_loop3A_386] : memref<128xi32, #tpu.memory_space<vmem>>[vector<16xi32>], vector<16xi32>,
        %parallel_loop3A_388 = vector.broadcast %parallel_loop3A_317 : i32 to vector<16xi32>
        %parallel_loop3A_389 = tpu.vector_load_idx %arg14[%parallel_loop3A_388] : memref<128xi32, #tpu.memory_space<vmem>>[vector<16xi32>], vector<16xi32>,
        %parallel_loop3A_390 = tpu.vector_load_idx %arg29[%parallel_loop3A_387] : memref<4096xf32, #tpu.memory_space<vmem>>[vector<16xi32>], vector<16xf32>,
        %parallel_loop3A_391 = tpu.vector_load_idx %arg29[%parallel_loop3A_389] : memref<4096xf32, #tpu.memory_space<vmem>>[vector<16xi32>], vector<16xf32>,
        %parallel_loop3A_392 = vector.broadcast %parallel_loop3A_317 : i32 to vector<16xi32>
        %parallel_loop3A_393 = tpu.vector_load_idx %arg23[%parallel_loop3A_392] : memref<128xf32, #tpu.memory_space<vmem>>[vector<16xi32>], vector<16xf32>,
        %parallel_loop3A_394 = arith.mulf %parallel_loop3A_393, %parallel_loop3A_385 : vector<16xf32>
        %parallel_loop3A_395 = arith.mulf %parallel_loop3A_394, %parallel_loop3A_391 : vector<16xf32>
        tpu.vector_store_idx %arg30[%parallel_loop3A_387], %parallel_loop3A_395 masked %eq3A_3 {add = true} : memref<4096xf32, #tpu.memory_space<vmem>>[vector<16xi32>], vector<16xf32>, vector<16xi1>
        %parallel_loop3A_396 = arith.mulf %parallel_loop3A_394, %parallel_loop3A_390 : vector<16xf32>
        tpu.vector_store_idx %arg30[%parallel_loop3A_389], %parallel_loop3A_396 masked %eq3A_3 {add = true} : memref<4096xf32, #tpu.memory_space<vmem>>[vector<16xi32>], vector<16xf32>, vector<16xi1>
        %parallel_loop3A_397 = arith.mulf %parallel_loop3A_390, %parallel_loop3A_391 : vector<16xf32>
        %parallel_loop3A_398 = vector.broadcast %parallel_loop3A_317 : i32 to vector<16xi32>
        %parallel_loop3A_399 = tpu.vector_load_idx %arg21[%parallel_loop3A_398] : memref<128xf32, #tpu.memory_space<vmem>>[vector<16xi32>], vector<16xf32>,
        %parallel_loop3A_400 = arith.mulf %parallel_loop3A_397, %parallel_loop3A_399 : vector<16xf32>
        %parallel_loop3A_401 = arith.constant 0.000000e+00 : f32
        %parallel_loop3A_402 = vector.broadcast %parallel_loop3A_401 : f32 to vector<16xf32>
        %parallel_loop3A_403 = arith.subf %parallel_loop3A_402, %parallel_loop3A_400 : vector<16xf32>
        %parallel_loop3A_404 = arith.mulf %parallel_loop3A_403, %parallel_loop3A_344 : vector<16xf32>
        %parallel_loop3A_405 = arith.index_cast %parallel_loop3A_317 : i32 to index
        %parallel_loop3A_406 = arith.constant 0 : index
        %parallel_loop3A_407 = tpu.vector_load %arg26[%parallel_loop3A_405, %parallel_loop3A_406] {strides = array<i32>} : memref<128x128xf32, #tpu.memory_space<vmem>>, vector<16xf32>,
        tpu.vector_store %arg26[%parallel_loop3A_405, %parallel_loop3A_406], %parallel_loop3A_404 {strides = array<i32>} : memref<128x128xf32, #tpu.memory_space<vmem>>, vector<16xf32>,
        %parallel_loop3A_408 = arith.mulf %parallel_loop3A_403, %parallel_loop3A_320 : vector<16xf32>
        %parallel_loop3A_409 = arith.index_cast %parallel_loop3A_317 : i32 to index
        %parallel_loop3A_410 = arith.constant 0 : index
        %parallel_loop3A_411 = tpu.vector_load %arg25[%parallel_loop3A_409, %parallel_loop3A_410] {strides = array<i32>} : memref<128x128xf32, #tpu.memory_space<vmem>>, vector<16xf32>,
        tpu.vector_store %arg25[%parallel_loop3A_409, %parallel_loop3A_410], %parallel_loop3A_408 {strides = array<i32>} : memref<128x128xf32, #tpu.memory_space<vmem>>, vector<16xf32>,
        %parallel_loop3A_412 = arith.mulf %parallel_loop3A_403, %parallel_loop3A_347 : vector<16xf32>
        %parallel_loop3A_413 = arith.index_cast %parallel_loop3A_317 : i32 to index
        %parallel_loop3A_414 = arith.constant 16 : index
        %parallel_loop3A_415 = tpu.vector_load %arg26[%parallel_loop3A_413, %parallel_loop3A_414] {strides = array<i32>} : memref<128x128xf32, #tpu.memory_space<vmem>>, vector<16xf32>,
        tpu.vector_store %arg26[%parallel_loop3A_413, %parallel_loop3A_414], %parallel_loop3A_412 {strides = array<i32>} : memref<128x128xf32, #tpu.memory_space<vmem>>, vector<16xf32>,
        %parallel_loop3A_416 = arith.mulf %parallel_loop3A_403, %parallel_loop3A_323 : vector<16xf32>
        %parallel_loop3A_417 = arith.index_cast %parallel_loop3A_317 : i32 to index
        %parallel_loop3A_418 = arith.constant 16 : index
        %parallel_loop3A_419 = tpu.vector_load %arg25[%parallel_loop3A_417, %parallel_loop3A_418] {strides = array<i32>} : memref<128x128xf32, #tpu.memory_space<vmem>>, vector<16xf32>,
        tpu.vector_store %arg25[%parallel_loop3A_417, %parallel_loop3A_418], %parallel_loop3A_416 {strides = array<i32>} : memref<128x128xf32, #tpu.memory_space<vmem>>, vector<16xf32>,
        %parallel_loop3A_420 = arith.mulf %parallel_loop3A_403, %parallel_loop3A_350 : vector<16xf32>
        %parallel_loop3A_421 = arith.index_cast %parallel_loop3A_317 : i32 to index
        %parallel_loop3A_422 = arith.constant 32 : index
        %parallel_loop3A_423 = tpu.vector_load %arg26[%parallel_loop3A_421, %parallel_loop3A_422] {strides = array<i32>} : memref<128x128xf32, #tpu.memory_space<vmem>>, vector<16xf32>,
        tpu.vector_store %arg26[%parallel_loop3A_421, %parallel_loop3A_422], %parallel_loop3A_420 {strides = array<i32>} : memref<128x128xf32, #tpu.memory_space<vmem>>, vector<16xf32>,
        %parallel_loop3A_424 = arith.mulf %parallel_loop3A_403, %parallel_loop3A_326 : vector<16xf32>
        %parallel_loop3A_425 = arith.index_cast %parallel_loop3A_317 : i32 to index
        %parallel_loop3A_426 = arith.constant 32 : index
        %parallel_loop3A_427 = tpu.vector_load %arg25[%parallel_loop3A_425, %parallel_loop3A_426] {strides = array<i32>} : memref<128x128xf32, #tpu.memory_space<vmem>>, vector<16xf32>,
        tpu.vector_store %arg25[%parallel_loop3A_425, %parallel_loop3A_426], %parallel_loop3A_424 {strides = array<i32>} : memref<128x128xf32, #tpu.memory_space<vmem>>, vector<16xf32>,
        %parallel_loop3A_428 = arith.mulf %parallel_loop3A_403, %parallel_loop3A_353 : vector<16xf32>
        %parallel_loop3A_429 = arith.index_cast %parallel_loop3A_317 : i32 to index
        %parallel_loop3A_430 = arith.constant 48 : index
        %parallel_loop3A_431 = tpu.vector_load %arg26[%parallel_loop3A_429, %parallel_loop3A_430] {strides = array<i32>} : memref<128x128xf32, #tpu.memory_space<vmem>>, vector<16xf32>,
        tpu.vector_store %arg26[%parallel_loop3A_429, %parallel_loop3A_430], %parallel_loop3A_428 {strides = array<i32>} : memref<128x128xf32, #tpu.memory_space<vmem>>, vector<16xf32>,
        %parallel_loop3A_432 = arith.mulf %parallel_loop3A_403, %parallel_loop3A_329 : vector<16xf32>
        %parallel_loop3A_433 = arith.index_cast %parallel_loop3A_317 : i32 to index
        %parallel_loop3A_434 = arith.constant 48 : index
        %parallel_loop3A_435 = tpu.vector_load %arg25[%parallel_loop3A_433, %parallel_loop3A_434] {strides = array<i32>} : memref<128x128xf32, #tpu.memory_space<vmem>>, vector<16xf32>,
        tpu.vector_store %arg25[%parallel_loop3A_433, %parallel_loop3A_434], %parallel_loop3A_432 {strides = array<i32>} : memref<128x128xf32, #tpu.memory_space<vmem>>, vector<16xf32>,
        %parallel_loop3A_436 = arith.mulf %parallel_loop3A_403, %parallel_loop3A_356 : vector<16xf32>
        %parallel_loop3A_437 = arith.index_cast %parallel_loop3A_317 : i32 to index
        %parallel_loop3A_438 = arith.constant 64 : index
        %parallel_loop3A_439 = tpu.vector_load %arg26[%parallel_loop3A_437, %parallel_loop3A_438] {strides = array<i32>} : memref<128x128xf32, #tpu.memory_space<vmem>>, vector<16xf32>,
        tpu.vector_store %arg26[%parallel_loop3A_437, %parallel_loop3A_438], %parallel_loop3A_436 {strides = array<i32>} : memref<128x128xf32, #tpu.memory_space<vmem>>, vector<16xf32>,
        %parallel_loop3A_440 = arith.mulf %parallel_loop3A_403, %parallel_loop3A_332 : vector<16xf32>
        %parallel_loop3A_441 = arith.index_cast %parallel_loop3A_317 : i32 to index
        %parallel_loop3A_442 = arith.constant 64 : index
        %parallel_loop3A_443 = tpu.vector_load %arg25[%parallel_loop3A_441, %parallel_loop3A_442] {strides = array<i32>} : memref<128x128xf32, #tpu.memory_space<vmem>>, vector<16xf32>,
        tpu.vector_store %arg25[%parallel_loop3A_441, %parallel_loop3A_442], %parallel_loop3A_440 {strides = array<i32>} : memref<128x128xf32, #tpu.memory_space<vmem>>, vector<16xf32>,
        %parallel_loop3A_444 = arith.mulf %parallel_loop3A_403, %parallel_loop3A_359 : vector<16xf32>
        %parallel_loop3A_445 = arith.index_cast %parallel_loop3A_317 : i32 to index
        %parallel_loop3A_446 = arith.constant 80 : index
        %parallel_loop3A_447 = tpu.vector_load %arg26[%parallel_loop3A_445, %parallel_loop3A_446] {strides = array<i32>} : memref<128x128xf32, #tpu.memory_space<vmem>>, vector<16xf32>,
        tpu.vector_store %arg26[%parallel_loop3A_445, %parallel_loop3A_446], %parallel_loop3A_444 {strides = array<i32>} : memref<128x128xf32, #tpu.memory_space<vmem>>, vector<16xf32>,
        %parallel_loop3A_448 = arith.mulf %parallel_loop3A_403, %parallel_loop3A_335 : vector<16xf32>
        %parallel_loop3A_449 = arith.index_cast %parallel_loop3A_317 : i32 to index
        %parallel_loop3A_450 = arith.constant 80 : index
        %parallel_loop3A_451 = tpu.vector_load %arg25[%parallel_loop3A_449, %parallel_loop3A_450] {strides = array<i32>} : memref<128x128xf32, #tpu.memory_space<vmem>>, vector<16xf32>,
        tpu.vector_store %arg25[%parallel_loop3A_449, %parallel_loop3A_450], %parallel_loop3A_448 {strides = array<i32>} : memref<128x128xf32, #tpu.memory_space<vmem>>, vector<16xf32>,
        %parallel_loop3A_452 = arith.mulf %parallel_loop3A_403, %parallel_loop3A_362 : vector<16xf32>
        %parallel_loop3A_453 = arith.index_cast %parallel_loop3A_317 : i32 to index
        %parallel_loop3A_454 = arith.constant 96 : index
        %parallel_loop3A_455 = tpu.vector_load %arg26[%parallel_loop3A_453, %parallel_loop3A_454] {strides = array<i32>} : memref<128x128xf32, #tpu.memory_space<vmem>>, vector<16xf32>,
        tpu.vector_store %arg26[%parallel_loop3A_453, %parallel_loop3A_454], %parallel_loop3A_452 {strides = array<i32>} : memref<128x128xf32, #tpu.memory_space<vmem>>, vector<16xf32>,
        %parallel_loop3A_456 = arith.mulf %parallel_loop3A_403, %parallel_loop3A_338 : vector<16xf32>
        %parallel_loop3A_457 = arith.index_cast %parallel_loop3A_317 : i32 to index
        %parallel_loop3A_458 = arith.constant 96 : index
        %parallel_loop3A_459 = tpu.vector_load %arg25[%parallel_loop3A_457, %parallel_loop3A_458] {strides = array<i32>} : memref<128x128xf32, #tpu.memory_space<vmem>>, vector<16xf32>,
        tpu.vector_store %arg25[%parallel_loop3A_457, %parallel_loop3A_458], %parallel_loop3A_456 {strides = array<i32>} : memref<128x128xf32, #tpu.memory_space<vmem>>, vector<16xf32>,
        %parallel_loop3A_460 = arith.mulf %parallel_loop3A_403, %parallel_loop3A_365 : vector<16xf32>
        %parallel_loop3A_461 = arith.index_cast %parallel_loop3A_317 : i32 to index
        %parallel_loop3A_462 = arith.constant 112 : index
        %parallel_loop3A_463 = tpu.vector_load %arg26[%parallel_loop3A_461, %parallel_loop3A_462] {strides = array<i32>} : memref<128x128xf32, #tpu.memory_space<vmem>>, vector<16xf32>,
        tpu.vector_store %arg26[%parallel_loop3A_461, %parallel_loop3A_462], %parallel_loop3A_460 {strides = array<i32>} : memref<128x128xf32, #tpu.memory_space<vmem>>, vector<16xf32>,
        %parallel_loop3A_464 = arith.mulf %parallel_loop3A_403, %parallel_loop3A_341 : vector<16xf32>
        %parallel_loop3A_465 = arith.index_cast %parallel_loop3A_317 : i32 to index
        %parallel_loop3A_466 = arith.constant 112 : index
        %parallel_loop3A_467 = tpu.vector_load %arg25[%parallel_loop3A_465, %parallel_loop3A_466] {strides = array<i32>} : memref<128x128xf32, #tpu.memory_space<vmem>>, vector<16xf32>,
        tpu.vector_store %arg25[%parallel_loop3A_465, %parallel_loop3A_466], %parallel_loop3A_464 {strides = array<i32>} : memref<128x128xf32, #tpu.memory_space<vmem>>, vector<16xf32>,
      } {sc.loop_unroll_factor = 16 : i64, sc.parallel_access}
      %lt3A = arith.constant 30 : i32
      %lt3A_210 = arith.cmpi slt, %add3A_115, %lt3A : i32
      %convert_element_type3A_211 = arith.extui %lt3A_210 : i1 to i32
      %cond3A_212 = arith.constant 0 : i32
      %cond3A_213 = arith.cmpi ne, %convert_element_type3A_211, %cond3A_212 : i32
      scf.if %cond3A_213 {
        %add3A_317 = arith.constant 2 : i32
        %add3A_318 = arith.addi %add3A_117, %add3A_317 : i32
        %mul3A_319 = arith.constant 128 : i32
        %mul3A_320 = arith.muli %add3A_318, %mul3A_319 : i32
        %add3A_321 = arith.addi %mul3A_58, %mul3A_320 : i32
        %dma_start3A_322 = tpu.memref_slice %arg7[%add3A_321] : memref<131072xi32, #tpu.memory_space<hbm>> -> memref<128xi32, #tpu.memory_space<hbm>>
        %dma_start3A_323 = tpu.memref_slice %arg7[%add3A_321] : memref<131072xi32, #tpu.memory_space<hbm>> -> memref<128xi32, #tpu.memory_space<hbm>>
        tpu.enqueue_dma source(%dma_start3A_323 : memref<128xi32, #tpu.memory_space<hbm>>) target(%arg13 : memref<128xi32, #tpu.memory_space<vmem>>) target_semaphore(%arg36 : memref<!tpu.dma_semaphore, #tpu.memory_space<semaphore_mem>>)
        %dma_start3A_324 = tpu.memref_slice %arg8[%add3A_321] : memref<131072xi32, #tpu.memory_space<hbm>> -> memref<128xi32, #tpu.memory_space<hbm>>
        %dma_start3A_325 = tpu.memref_slice %arg8[%add3A_321] : memref<131072xi32, #tpu.memory_space<hbm>> -> memref<128xi32, #tpu.memory_space<hbm>>
        tpu.enqueue_dma source(%dma_start3A_325 : memref<128xi32, #tpu.memory_space<hbm>>) target(%arg14 : memref<128xi32, #tpu.memory_space<vmem>>) target_semaphore(%arg36 : memref<!tpu.dma_semaphore, #tpu.memory_space<semaphore_mem>>)
        %dma_start3A_326 = tpu.memref_slice %arg9[%add3A_321] : memref<131072xf32, #tpu.memory_space<hbm>> -> memref<128xf32, #tpu.memory_space<hbm>>
        %dma_start3A_327 = tpu.memref_slice %arg9[%add3A_321] : memref<131072xf32, #tpu.memory_space<hbm>> -> memref<128xf32, #tpu.memory_space<hbm>>
        tpu.enqueue_dma source(%dma_start3A_327 : memref<128xf32, #tpu.memory_space<hbm>>) target(%arg21 : memref<128xf32, #tpu.memory_space<vmem>>) target_semaphore(%arg36 : memref<!tpu.dma_semaphore, #tpu.memory_space<semaphore_mem>>)
        %dma_start3A_328 = tpu.memref_slice %arg10[%add3A_321] : memref<131072xf32, #tpu.memory_space<hbm>> -> memref<128xf32, #tpu.memory_space<hbm>>
        %dma_start3A_329 = tpu.memref_slice %arg10[%add3A_321] : memref<131072xf32, #tpu.memory_space<hbm>> -> memref<128xf32, #tpu.memory_space<hbm>>
        tpu.enqueue_dma source(%dma_start3A_329 : memref<128xf32, #tpu.memory_space<hbm>>) target(%arg23 : memref<128xf32, #tpu.memory_space<vmem>>) target_semaphore(%arg36 : memref<!tpu.dma_semaphore, #tpu.memory_space<semaphore_mem>>)
      } else {
      }
      %dma_start3A_214 = arith.constant 0 : i32
      %dma_start3A_215 = arith.constant 0 : i32
      %dma_start3A_216 = tpu.memref_slice %arg31[%dma_start3A_214, %dma_start3A_215] : memref<4096x128xf32, #tpu.memory_space<vmem_shared>> -> memref<4096x128xf32, #tpu.memory_space<vmem_shared>>
      tpu.enqueue_indirect_dma source(%arg26 : memref<128x128xf32, #tpu.memory_space<vmem>>) target(%dma_start3A_216 : memref<4096x128xf32, #tpu.memory_space<vmem_shared>>) offsets(%arg17 : memref<128xi32, #tpu.memory_space<vmem>>) semaphore(%arg34 : memref<!tpu.dma_semaphore, #tpu.memory_space<semaphore_mem>>) {add = true}
      %dma_start3A_217 = arith.constant 0 : i32
      %dma_start3A_218 = arith.constant 0 : i32
      %dma_start3A_219 = tpu.memref_slice %arg31[%dma_start3A_217, %dma_start3A_218] : memref<4096x128xf32, #tpu.memory_space<vmem_shared>> -> memref<4096x128xf32, #tpu.memory_space<vmem_shared>>
      tpu.enqueue_indirect_dma source(%arg25 : memref<128x128xf32, #tpu.memory_space<vmem>>) target(%dma_start3A_219 : memref<4096x128xf32, #tpu.memory_space<vmem_shared>>) offsets(%arg18 : memref<128xi32, #tpu.memory_space<vmem>>) semaphore(%arg34 : memref<!tpu.dma_semaphore, #tpu.memory_space<semaphore_mem>>) {add = true}
      %add3A_220 = arith.constant 1 : i32
      %add3A_221 = arith.addi %add3A_115, %add3A_220 : i32
      %dma_wait3A_222 = arith.constant 0 : i32
      %dma_wait3A_223 = arith.constant 0 : i32
      %dma_wait3A_224 = tpu.memref_slice %arg31[%dma_wait3A_222, %dma_wait3A_223] : memref<4096x128xf32, #tpu.memory_space<vmem_shared>> -> memref<4096x128xf32, #tpu.memory_space<vmem_shared>>
      tpu.wait_indirect_dma semaphore(%arg34 : memref<!tpu.dma_semaphore, #tpu.memory_space<semaphore_mem>>) src(%arg26 : memref<128x128xf32, #tpu.memory_space<vmem>>) dst(%dma_wait3A_224 : memref<4096x128xf32, #tpu.memory_space<vmem_shared>>)
      %dma_wait3A_225 = arith.constant 0 : i32
      %dma_wait3A_226 = arith.constant 0 : i32
      %dma_wait3A_227 = tpu.memref_slice %arg31[%dma_wait3A_225, %dma_wait3A_226] : memref<4096x128xf32, #tpu.memory_space<vmem_shared>> -> memref<4096x128xf32, #tpu.memory_space<vmem_shared>>
      tpu.wait_indirect_dma semaphore(%arg34 : memref<!tpu.dma_semaphore, #tpu.memory_space<semaphore_mem>>) src(%arg25 : memref<128x128xf32, #tpu.memory_space<vmem>>) dst(%dma_wait3A_227 : memref<4096x128xf32, #tpu.memory_space<vmem_shared>>)
      %lt3A_228 = arith.constant 30 : i32
      %lt3A_229 = arith.cmpi slt, %add3A_115, %lt3A_228 : i32
      %convert_element_type3A_230 = arith.extui %lt3A_229 : i1 to i32
      %cond3A_231 = arith.constant 0 : i32
      %cond3A_232 = arith.cmpi ne, %convert_element_type3A_230, %cond3A_231 : i32
      scf.if %cond3A_232 {
        %add3A_317 = arith.constant 1 : i32
        %add3A_318 = arith.addi %add3A_221, %add3A_317 : i32
        %mul3A_319 = arith.constant 128 : i32
        %mul3A_320 = arith.muli %add3A_318, %mul3A_319 : i32
        %add3A_321 = arith.addi %mul3A_58, %mul3A_320 : i32
        %dma_wait3A_322 = tpu.memref_slice %arg7[%add3A_321] : memref<131072xi32, #tpu.memory_space<hbm>> -> memref<128xi32, #tpu.memory_space<hbm>>
        %dma_wait3A_323 = tpu.memref_slice %arg7[%add3A_321] : memref<131072xi32, #tpu.memory_space<hbm>> -> memref<128xi32, #tpu.memory_space<hbm>>
        tpu.wait_dma2 semaphore(%arg36 : memref<!tpu.dma_semaphore, #tpu.memory_space<semaphore_mem>>) src(%dma_wait3A_323 : memref<128xi32, #tpu.memory_space<hbm>>) dst(%arg13 : memref<128xi32, #tpu.memory_space<vmem>>)
        %dma_wait3A_324 = tpu.memref_slice %arg8[%add3A_321] : memref<131072xi32, #tpu.memory_space<hbm>> -> memref<128xi32, #tpu.memory_space<hbm>>
        %dma_wait3A_325 = tpu.memref_slice %arg8[%add3A_321] : memref<131072xi32, #tpu.memory_space<hbm>> -> memref<128xi32, #tpu.memory_space<hbm>>
        tpu.wait_dma2 semaphore(%arg36 : memref<!tpu.dma_semaphore, #tpu.memory_space<semaphore_mem>>) src(%dma_wait3A_325 : memref<128xi32, #tpu.memory_space<hbm>>) dst(%arg14 : memref<128xi32, #tpu.memory_space<vmem>>)
        %dma_wait3A_326 = tpu.memref_slice %arg9[%add3A_321] : memref<131072xf32, #tpu.memory_space<hbm>> -> memref<128xf32, #tpu.memory_space<hbm>>
        %dma_wait3A_327 = tpu.memref_slice %arg9[%add3A_321] : memref<131072xf32, #tpu.memory_space<hbm>> -> memref<128xf32, #tpu.memory_space<hbm>>
        tpu.wait_dma2 semaphore(%arg36 : memref<!tpu.dma_semaphore, #tpu.memory_space<semaphore_mem>>) src(%dma_wait3A_327 : memref<128xf32, #tpu.memory_space<hbm>>) dst(%arg21 : memref<128xf32, #tpu.memory_space<vmem>>)
        %dma_wait3A_328 = tpu.memref_slice %arg10[%add3A_321] : memref<131072xf32, #tpu.memory_space<hbm>> -> memref<128xf32, #tpu.memory_space<hbm>>
        %dma_wait3A_329 = tpu.memref_slice %arg10[%add3A_321] : memref<131072xf32, #tpu.memory_space<hbm>> -> memref<128xf32, #tpu.memory_space<hbm>>
        tpu.wait_dma2 semaphore(%arg36 : memref<!tpu.dma_semaphore, #tpu.memory_space<semaphore_mem>>) src(%dma_wait3A_329 : memref<128xf32, #tpu.memory_space<hbm>>) dst(%arg23 : memref<128xf32, #tpu.memory_space<vmem>>)
        %dma_start3A_330 = arith.constant 0 : i32
        %dma_start3A_331 = arith.constant 0 : i32
        %dma_start3A_332 = tpu.memref_slice %arg2[%dma_start3A_330, %dma_start3A_331] : memref<4096x128xf32, #tpu.memory_space<hbm>> -> memref<4096x128xf32, #tpu.memory_space<hbm>>
        tpu.enqueue_indirect_dma source(%dma_start3A_332 : memref<4096x128xf32, #tpu.memory_space<hbm>>) target(%arg25 : memref<128x128xf32, #tpu.memory_space<vmem>>) offsets(%arg13 : memref<128xi32, #tpu.memory_space<vmem>>) semaphore(%arg32 : memref<!tpu.dma_semaphore, #tpu.memory_space<semaphore_mem>>)
        %dma_start3A_333 = arith.constant 0 : i32
        %dma_start3A_334 = arith.constant 0 : i32
        %dma_start3A_335 = tpu.memref_slice %arg2[%dma_start3A_333, %dma_start3A_334] : memref<4096x128xf32, #tpu.memory_space<hbm>> -> memref<4096x128xf32, #tpu.memory_space<hbm>>
        tpu.enqueue_indirect_dma source(%dma_start3A_335 : memref<4096x128xf32, #tpu.memory_space<hbm>>) target(%arg26 : memref<128x128xf32, #tpu.memory_space<vmem>>) offsets(%arg14 : memref<128xi32, #tpu.memory_space<vmem>>) semaphore(%arg32 : memref<!tpu.dma_semaphore, #tpu.memory_space<semaphore_mem>>)
      } else {
      }
      %dma_wait3A_233 = arith.constant 0 : i32
      %dma_wait3A_234 = arith.constant 0 : i32
      %dma_wait3A_235 = tpu.memref_slice %arg2[%dma_wait3A_233, %dma_wait3A_234] : memref<4096x128xf32, #tpu.memory_space<hbm>> -> memref<4096x128xf32, #tpu.memory_space<hbm>>
      tpu.wait_indirect_dma semaphore(%arg33 : memref<!tpu.dma_semaphore, #tpu.memory_space<semaphore_mem>>) src(%dma_wait3A_235 : memref<4096x128xf32, #tpu.memory_space<hbm>>) dst(%arg27 : memref<128x128xf32, #tpu.memory_space<vmem>>)
      %dma_wait3A_236 = arith.constant 0 : i32
      %dma_wait3A_237 = arith.constant 0 : i32
      %dma_wait3A_238 = tpu.memref_slice %arg2[%dma_wait3A_236, %dma_wait3A_237] : memref<4096x128xf32, #tpu.memory_space<hbm>> -> memref<4096x128xf32, #tpu.memory_space<hbm>>
      tpu.wait_indirect_dma semaphore(%arg33 : memref<!tpu.dma_semaphore, #tpu.memory_space<semaphore_mem>>) src(%dma_wait3A_238 : memref<4096x128xf32, #tpu.memory_space<hbm>>) dst(%arg28 : memref<128x128xf32, #tpu.memory_space<vmem>>)
      %get3A_239 = arith.constant 0 : index
      %get3A_240 = tpu.vector_load %arg15[%get3A_239] {strides = array<i32>} : memref<128xi32, #tpu.memory_space<vmem>>, vector<16xi32>,
      %swap3A_241 = arith.constant 0 : index
      %swap3A_242 = tpu.vector_load %arg19[%swap3A_241] {strides = array<i32>} : memref<128xi32, #tpu.memory_space<vmem>>, vector<16xi32>,
      tpu.vector_store %arg19[%swap3A_241], %get3A_240 {strides = array<i32>} : memref<128xi32, #tpu.memory_space<vmem>>, vector<16xi32>,
      %get3A_243 = arith.constant 0 : index
      %get3A_244 = tpu.vector_load %arg16[%get3A_243] {strides = array<i32>} : memref<128xi32, #tpu.memory_space<vmem>>, vector<16xi32>,
      %swap3A_245 = arith.constant 0 : index
      %swap3A_246 = tpu.vector_load %arg20[%swap3A_245] {strides = array<i32>} : memref<128xi32, #tpu.memory_space<vmem>>, vector<16xi32>,
      tpu.vector_store %arg20[%swap3A_245], %get3A_244 {strides = array<i32>} : memref<128xi32, #tpu.memory_space<vmem>>, vector<16xi32>,
      %get3A_247 = arith.constant 16 : index
      %get3A_248 = tpu.vector_load %arg15[%get3A_247] {strides = array<i32>} : memref<128xi32, #tpu.memory_space<vmem>>, vector<16xi32>,
      %swap3A_249 = arith.constant 16 : index
      %swap3A_250 = tpu.vector_load %arg19[%swap3A_249] {strides = array<i32>} : memref<128xi32, #tpu.memory_space<vmem>>, vector<16xi32>,
      tpu.vector_store %arg19[%swap3A_249], %get3A_248 {strides = array<i32>} : memref<128xi32, #tpu.memory_space<vmem>>, vector<16xi32>,
      %get3A_251 = arith.constant 16 : index
      %get3A_252 = tpu.vector_load %arg16[%get3A_251] {strides = array<i32>} : memref<128xi32, #tpu.memory_space<vmem>>, vector<16xi32>,
      %swap3A_253 = arith.constant 16 : index
      %swap3A_254 = tpu.vector_load %arg20[%swap3A_253] {strides = array<i32>} : memref<128xi32, #tpu.memory_space<vmem>>, vector<16xi32>,
      tpu.vector_store %arg20[%swap3A_253], %get3A_252 {strides = array<i32>} : memref<128xi32, #tpu.memory_space<vmem>>, vector<16xi32>,
      %get3A_255 = arith.constant 32 : index
      %get3A_256 = tpu.vector_load %arg15[%get3A_255] {strides = array<i32>} : memref<128xi32, #tpu.memory_space<vmem>>, vector<16xi32>,
      %swap3A_257 = arith.constant 32 : index
      %swap3A_258 = tpu.vector_load %arg19[%swap3A_257] {strides = array<i32>} : memref<128xi32, #tpu.memory_space<vmem>>, vector<16xi32>,
      tpu.vector_store %arg19[%swap3A_257], %get3A_256 {strides = array<i32>} : memref<128xi32, #tpu.memory_space<vmem>>, vector<16xi32>,
      %get3A_259 = arith.constant 32 : index
      %get3A_260 = tpu.vector_load %arg16[%get3A_259] {strides = array<i32>} : memref<128xi32, #tpu.memory_space<vmem>>, vector<16xi32>,
      %swap3A_261 = arith.constant 32 : index
      %swap3A_262 = tpu.vector_load %arg20[%swap3A_261] {strides = array<i32>} : memref<128xi32, #tpu.memory_space<vmem>>, vector<16xi32>,
      tpu.vector_store %arg20[%swap3A_261], %get3A_260 {strides = array<i32>} : memref<128xi32, #tpu.memory_space<vmem>>, vector<16xi32>,
      %get3A_263 = arith.constant 48 : index
      %get3A_264 = tpu.vector_load %arg15[%get3A_263] {strides = array<i32>} : memref<128xi32, #tpu.memory_space<vmem>>, vector<16xi32>,
      %swap3A_265 = arith.constant 48 : index
      %swap3A_266 = tpu.vector_load %arg19[%swap3A_265] {strides = array<i32>} : memref<128xi32, #tpu.memory_space<vmem>>, vector<16xi32>,
      tpu.vector_store %arg19[%swap3A_265], %get3A_264 {strides = array<i32>} : memref<128xi32, #tpu.memory_space<vmem>>, vector<16xi32>,
      %get3A_267 = arith.constant 48 : index
      %get3A_268 = tpu.vector_load %arg16[%get3A_267] {strides = array<i32>} : memref<128xi32, #tpu.memory_space<vmem>>, vector<16xi32>,
      %swap3A_269 = arith.constant 48 : index
      %swap3A_270 = tpu.vector_load %arg20[%swap3A_269] {strides = array<i32>} : memref<128xi32, #tpu.memory_space<vmem>>, vector<16xi32>,
      tpu.vector_store %arg20[%swap3A_269], %get3A_268 {strides = array<i32>} : memref<128xi32, #tpu.memory_space<vmem>>, vector<16xi32>,
      %get3A_271 = arith.constant 64 : index
      %get3A_272 = tpu.vector_load %arg15[%get3A_271] {strides = array<i32>} : memref<128xi32, #tpu.memory_space<vmem>>, vector<16xi32>,
      %swap3A_273 = arith.constant 64 : index
      %swap3A_274 = tpu.vector_load %arg19[%swap3A_273] {strides = array<i32>} : memref<128xi32, #tpu.memory_space<vmem>>, vector<16xi32>,
      tpu.vector_store %arg19[%swap3A_273], %get3A_272 {strides = array<i32>} : memref<128xi32, #tpu.memory_space<vmem>>, vector<16xi32>,
      %get3A_275 = arith.constant 64 : index
      %get3A_276 = tpu.vector_load %arg16[%get3A_275] {strides = array<i32>} : memref<128xi32, #tpu.memory_space<vmem>>, vector<16xi32>,
      %swap3A_277 = arith.constant 64 : index
      %swap3A_278 = tpu.vector_load %arg20[%swap3A_277] {strides = array<i32>} : memref<128xi32, #tpu.memory_space<vmem>>, vector<16xi32>,
      tpu.vector_store %arg20[%swap3A_277], %get3A_276 {strides = array<i32>} : memref<128xi32, #tpu.memory_space<vmem>>, vector<16xi32>,
      %get3A_279 = arith.constant 80 : index
      %get3A_280 = tpu.vector_load %arg15[%get3A_279] {strides = array<i32>} : memref<128xi32, #tpu.memory_space<vmem>>, vector<16xi32>,
      %swap3A_281 = arith.constant 80 : index
      %swap3A_282 = tpu.vector_load %arg19[%swap3A_281] {strides = array<i32>} : memref<128xi32, #tpu.memory_space<vmem>>, vector<16xi32>,
      tpu.vector_store %arg19[%swap3A_281], %get3A_280 {strides = array<i32>} : memref<128xi32, #tpu.memory_space<vmem>>, vector<16xi32>,
      %get3A_283 = arith.constant 80 : index
      %get3A_284 = tpu.vector_load %arg16[%get3A_283] {strides = array<i32>} : memref<128xi32, #tpu.memory_space<vmem>>, vector<16xi32>,
      %swap3A_285 = arith.constant 80 : index
      %swap3A_286 = tpu.vector_load %arg20[%swap3A_285] {strides = array<i32>} : memref<128xi32, #tpu.memory_space<vmem>>, vector<16xi32>,
      tpu.vector_store %arg20[%swap3A_285], %get3A_284 {strides = array<i32>} : memref<128xi32, #tpu.memory_space<vmem>>, vector<16xi32>,
      %get3A_287 = arith.constant 96 : index
      %get3A_288 = tpu.vector_load %arg15[%get3A_287] {strides = array<i32>} : memref<128xi32, #tpu.memory_space<vmem>>, vector<16xi32>,
      %swap3A_289 = arith.constant 96 : index
      %swap3A_290 = tpu.vector_load %arg19[%swap3A_289] {strides = array<i32>} : memref<128xi32, #tpu.memory_space<vmem>>, vector<16xi32>,
      tpu.vector_store %arg19[%swap3A_289], %get3A_288 {strides = array<i32>} : memref<128xi32, #tpu.memory_space<vmem>>, vector<16xi32>,
      %get3A_291 = arith.constant 96 : index
      %get3A_292 = tpu.vector_load %arg16[%get3A_291] {strides = array<i32>} : memref<128xi32, #tpu.memory_space<vmem>>, vector<16xi32>,
      %swap3A_293 = arith.constant 96 : index
      %swap3A_294 = tpu.vector_load %arg20[%swap3A_293] {strides = array<i32>} : memref<128xi32, #tpu.memory_space<vmem>>, vector<16xi32>,
      tpu.vector_store %arg20[%swap3A_293], %get3A_292 {strides = array<i32>} : memref<128xi32, #tpu.memory_space<vmem>>, vector<16xi32>,
      %get3A_295 = arith.constant 112 : index
      %get3A_296 = tpu.vector_load %arg15[%get3A_295] {strides = array<i32>} : memref<128xi32, #tpu.memory_space<vmem>>, vector<16xi32>,
      %swap3A_297 = arith.constant 112 : index
      %swap3A_298 = tpu.vector_load %arg19[%swap3A_297] {strides = array<i32>} : memref<128xi32, #tpu.memory_space<vmem>>, vector<16xi32>,
      tpu.vector_store %arg19[%swap3A_297], %get3A_296 {strides = array<i32>} : memref<128xi32, #tpu.memory_space<vmem>>, vector<16xi32>,
      %get3A_299 = arith.constant 112 : index
      %get3A_300 = tpu.vector_load %arg16[%get3A_299] {strides = array<i32>} : memref<128xi32, #tpu.memory_space<vmem>>, vector<16xi32>,
      %swap3A_301 = arith.constant 112 : index
      %swap3A_302 = tpu.vector_load %arg20[%swap3A_301] {strides = array<i32>} : memref<128xi32, #tpu.memory_space<vmem>>, vector<16xi32>,
      tpu.vector_store %arg20[%swap3A_301], %get3A_300 {strides = array<i32>} : memref<128xi32, #tpu.memory_space<vmem>>, vector<16xi32>,
      %parallel_loop3A_303 = arith.constant 0 : i32
      %parallel_loop3A_304 = arith.constant 128 : i32
      %parallel_loop3A_305 = arith.constant 1 : i32
      scf.for %parallel_loop3A_317 = %parallel_loop3A_303 to %parallel_loop3A_304 step %parallel_loop3A_305  : i32 {
        %parallel_loop3A_318 = arith.index_cast %parallel_loop3A_317 : i32 to index
        %parallel_loop3A_319 = arith.constant 0 : index
        %parallel_loop3A_320 = tpu.vector_load %arg27[%parallel_loop3A_318, %parallel_loop3A_319] {strides = array<i32>} : memref<128x128xf32, #tpu.memory_space<vmem>>, vector<16xf32>,
        %parallel_loop3A_321 = arith.index_cast %parallel_loop3A_317 : i32 to index
        %parallel_loop3A_322 = arith.constant 16 : index
        %parallel_loop3A_323 = tpu.vector_load %arg27[%parallel_loop3A_321, %parallel_loop3A_322] {strides = array<i32>} : memref<128x128xf32, #tpu.memory_space<vmem>>, vector<16xf32>,
        %parallel_loop3A_324 = arith.index_cast %parallel_loop3A_317 : i32 to index
        %parallel_loop3A_325 = arith.constant 32 : index
        %parallel_loop3A_326 = tpu.vector_load %arg27[%parallel_loop3A_324, %parallel_loop3A_325] {strides = array<i32>} : memref<128x128xf32, #tpu.memory_space<vmem>>, vector<16xf32>,
        %parallel_loop3A_327 = arith.index_cast %parallel_loop3A_317 : i32 to index
        %parallel_loop3A_328 = arith.constant 48 : index
        %parallel_loop3A_329 = tpu.vector_load %arg27[%parallel_loop3A_327, %parallel_loop3A_328] {strides = array<i32>} : memref<128x128xf32, #tpu.memory_space<vmem>>, vector<16xf32>,
        %parallel_loop3A_330 = arith.index_cast %parallel_loop3A_317 : i32 to index
        %parallel_loop3A_331 = arith.constant 64 : index
        %parallel_loop3A_332 = tpu.vector_load %arg27[%parallel_loop3A_330, %parallel_loop3A_331] {strides = array<i32>} : memref<128x128xf32, #tpu.memory_space<vmem>>, vector<16xf32>,
        %parallel_loop3A_333 = arith.index_cast %parallel_loop3A_317 : i32 to index
        %parallel_loop3A_334 = arith.constant 80 : index
        %parallel_loop3A_335 = tpu.vector_load %arg27[%parallel_loop3A_333, %parallel_loop3A_334] {strides = array<i32>} : memref<128x128xf32, #tpu.memory_space<vmem>>, vector<16xf32>,
        %parallel_loop3A_336 = arith.index_cast %parallel_loop3A_317 : i32 to index
        %parallel_loop3A_337 = arith.constant 96 : index
        %parallel_loop3A_338 = tpu.vector_load %arg27[%parallel_loop3A_336, %parallel_loop3A_337] {strides = array<i32>} : memref<128x128xf32, #tpu.memory_space<vmem>>, vector<16xf32>,
        %parallel_loop3A_339 = arith.index_cast %parallel_loop3A_317 : i32 to index
        %parallel_loop3A_340 = arith.constant 112 : index
        %parallel_loop3A_341 = tpu.vector_load %arg27[%parallel_loop3A_339, %parallel_loop3A_340] {strides = array<i32>} : memref<128x128xf32, #tpu.memory_space<vmem>>, vector<16xf32>,
        %parallel_loop3A_342 = arith.index_cast %parallel_loop3A_317 : i32 to index
        %parallel_loop3A_343 = arith.constant 0 : index
        %parallel_loop3A_344 = tpu.vector_load %arg28[%parallel_loop3A_342, %parallel_loop3A_343] {strides = array<i32>} : memref<128x128xf32, #tpu.memory_space<vmem>>, vector<16xf32>,
        %parallel_loop3A_345 = arith.index_cast %parallel_loop3A_317 : i32 to index
        %parallel_loop3A_346 = arith.constant 16 : index
        %parallel_loop3A_347 = tpu.vector_load %arg28[%parallel_loop3A_345, %parallel_loop3A_346] {strides = array<i32>} : memref<128x128xf32, #tpu.memory_space<vmem>>, vector<16xf32>,
        %parallel_loop3A_348 = arith.index_cast %parallel_loop3A_317 : i32 to index
        %parallel_loop3A_349 = arith.constant 32 : index
        %parallel_loop3A_350 = tpu.vector_load %arg28[%parallel_loop3A_348, %parallel_loop3A_349] {strides = array<i32>} : memref<128x128xf32, #tpu.memory_space<vmem>>, vector<16xf32>,
        %parallel_loop3A_351 = arith.index_cast %parallel_loop3A_317 : i32 to index
        %parallel_loop3A_352 = arith.constant 48 : index
        %parallel_loop3A_353 = tpu.vector_load %arg28[%parallel_loop3A_351, %parallel_loop3A_352] {strides = array<i32>} : memref<128x128xf32, #tpu.memory_space<vmem>>, vector<16xf32>,
        %parallel_loop3A_354 = arith.index_cast %parallel_loop3A_317 : i32 to index
        %parallel_loop3A_355 = arith.constant 64 : index
        %parallel_loop3A_356 = tpu.vector_load %arg28[%parallel_loop3A_354, %parallel_loop3A_355] {strides = array<i32>} : memref<128x128xf32, #tpu.memory_space<vmem>>, vector<16xf32>,
        %parallel_loop3A_357 = arith.index_cast %parallel_loop3A_317 : i32 to index
        %parallel_loop3A_358 = arith.constant 80 : index
        %parallel_loop3A_359 = tpu.vector_load %arg28[%parallel_loop3A_357, %parallel_loop3A_358] {strides = array<i32>} : memref<128x128xf32, #tpu.memory_space<vmem>>, vector<16xf32>,
        %parallel_loop3A_360 = arith.index_cast %parallel_loop3A_317 : i32 to index
        %parallel_loop3A_361 = arith.constant 96 : index
        %parallel_loop3A_362 = tpu.vector_load %arg28[%parallel_loop3A_360, %parallel_loop3A_361] {strides = array<i32>} : memref<128x128xf32, #tpu.memory_space<vmem>>, vector<16xf32>,
        %parallel_loop3A_363 = arith.index_cast %parallel_loop3A_317 : i32 to index
        %parallel_loop3A_364 = arith.constant 112 : index
        %parallel_loop3A_365 = tpu.vector_load %arg28[%parallel_loop3A_363, %parallel_loop3A_364] {strides = array<i32>} : memref<128x128xf32, #tpu.memory_space<vmem>>, vector<16xf32>,
        %parallel_loop3A_366 = arith.mulf %parallel_loop3A_320, %parallel_loop3A_344 : vector<16xf32>
        %parallel_loop3A_367 = arith.mulf %parallel_loop3A_323, %parallel_loop3A_347 : vector<16xf32>
        %parallel_loop3A_368 = arith.addf %parallel_loop3A_366, %parallel_loop3A_367 : vector<16xf32>
        %parallel_loop3A_369 = arith.mulf %parallel_loop3A_326, %parallel_loop3A_350 : vector<16xf32>
        %parallel_loop3A_370 = arith.addf %parallel_loop3A_368, %parallel_loop3A_369 : vector<16xf32>
        %parallel_loop3A_371 = arith.mulf %parallel_loop3A_329, %parallel_loop3A_353 : vector<16xf32>
        %parallel_loop3A_372 = arith.addf %parallel_loop3A_370, %parallel_loop3A_371 : vector<16xf32>
        %parallel_loop3A_373 = arith.mulf %parallel_loop3A_332, %parallel_loop3A_356 : vector<16xf32>
        %parallel_loop3A_374 = arith.addf %parallel_loop3A_372, %parallel_loop3A_373 : vector<16xf32>
        %parallel_loop3A_375 = arith.mulf %parallel_loop3A_335, %parallel_loop3A_359 : vector<16xf32>
        %parallel_loop3A_376 = arith.addf %parallel_loop3A_374, %parallel_loop3A_375 : vector<16xf32>
        %parallel_loop3A_377 = arith.mulf %parallel_loop3A_338, %parallel_loop3A_362 : vector<16xf32>
        %parallel_loop3A_378 = arith.addf %parallel_loop3A_376, %parallel_loop3A_377 : vector<16xf32>
        %parallel_loop3A_379 = arith.mulf %parallel_loop3A_341, %parallel_loop3A_365 : vector<16xf32>
        %parallel_loop3A_380 = arith.addf %parallel_loop3A_378, %parallel_loop3A_379 : vector<16xf32>
        %parallel_loop3A_381 = arith.constant true
        %parallel_loop3A_382 = vector.broadcast %parallel_loop3A_381 : i1 to vector<16xi1>
        %parallel_loop3A_383 = tpu.scan <sum>, %parallel_loop3A_380 masked %parallel_loop3A_382 : vector<16xf32>, vector<16xi1> -> vector<16xf32>
        %parallel_loop3A_384 = vector.extract %parallel_loop3A_383[15] : f32 from vector<16xf32>
        %parallel_loop3A_385 = vector.broadcast %parallel_loop3A_384 : f32 to vector<16xf32>
        %parallel_loop3A_386 = vector.broadcast %parallel_loop3A_317 : i32 to vector<16xi32>
        %parallel_loop3A_387 = tpu.vector_load_idx %arg15[%parallel_loop3A_386] : memref<128xi32, #tpu.memory_space<vmem>>[vector<16xi32>], vector<16xi32>,
        %parallel_loop3A_388 = vector.broadcast %parallel_loop3A_317 : i32 to vector<16xi32>
        %parallel_loop3A_389 = tpu.vector_load_idx %arg16[%parallel_loop3A_388] : memref<128xi32, #tpu.memory_space<vmem>>[vector<16xi32>], vector<16xi32>,
        %parallel_loop3A_390 = tpu.vector_load_idx %arg29[%parallel_loop3A_387] : memref<4096xf32, #tpu.memory_space<vmem>>[vector<16xi32>], vector<16xf32>,
        %parallel_loop3A_391 = tpu.vector_load_idx %arg29[%parallel_loop3A_389] : memref<4096xf32, #tpu.memory_space<vmem>>[vector<16xi32>], vector<16xf32>,
        %parallel_loop3A_392 = vector.broadcast %parallel_loop3A_317 : i32 to vector<16xi32>
        %parallel_loop3A_393 = tpu.vector_load_idx %arg24[%parallel_loop3A_392] : memref<128xf32, #tpu.memory_space<vmem>>[vector<16xi32>], vector<16xf32>,
        %parallel_loop3A_394 = arith.mulf %parallel_loop3A_393, %parallel_loop3A_385 : vector<16xf32>
        %parallel_loop3A_395 = arith.mulf %parallel_loop3A_394, %parallel_loop3A_391 : vector<16xf32>
        tpu.vector_store_idx %arg30[%parallel_loop3A_387], %parallel_loop3A_395 masked %eq3A_3 {add = true} : memref<4096xf32, #tpu.memory_space<vmem>>[vector<16xi32>], vector<16xf32>, vector<16xi1>
        %parallel_loop3A_396 = arith.mulf %parallel_loop3A_394, %parallel_loop3A_390 : vector<16xf32>
        tpu.vector_store_idx %arg30[%parallel_loop3A_389], %parallel_loop3A_396 masked %eq3A_3 {add = true} : memref<4096xf32, #tpu.memory_space<vmem>>[vector<16xi32>], vector<16xf32>, vector<16xi1>
        %parallel_loop3A_397 = arith.mulf %parallel_loop3A_390, %parallel_loop3A_391 : vector<16xf32>
        %parallel_loop3A_398 = vector.broadcast %parallel_loop3A_317 : i32 to vector<16xi32>
        %parallel_loop3A_399 = tpu.vector_load_idx %arg22[%parallel_loop3A_398] : memref<128xf32, #tpu.memory_space<vmem>>[vector<16xi32>], vector<16xf32>,
        %parallel_loop3A_400 = arith.mulf %parallel_loop3A_397, %parallel_loop3A_399 : vector<16xf32>
        %parallel_loop3A_401 = arith.constant 0.000000e+00 : f32
        %parallel_loop3A_402 = vector.broadcast %parallel_loop3A_401 : f32 to vector<16xf32>
        %parallel_loop3A_403 = arith.subf %parallel_loop3A_402, %parallel_loop3A_400 : vector<16xf32>
        %parallel_loop3A_404 = arith.mulf %parallel_loop3A_403, %parallel_loop3A_344 : vector<16xf32>
        %parallel_loop3A_405 = arith.index_cast %parallel_loop3A_317 : i32 to index
        %parallel_loop3A_406 = arith.constant 0 : index
        %parallel_loop3A_407 = tpu.vector_load %arg28[%parallel_loop3A_405, %parallel_loop3A_406] {strides = array<i32>} : memref<128x128xf32, #tpu.memory_space<vmem>>, vector<16xf32>,
        tpu.vector_store %arg28[%parallel_loop3A_405, %parallel_loop3A_406], %parallel_loop3A_404 {strides = array<i32>} : memref<128x128xf32, #tpu.memory_space<vmem>>, vector<16xf32>,
        %parallel_loop3A_408 = arith.mulf %parallel_loop3A_403, %parallel_loop3A_320 : vector<16xf32>
        %parallel_loop3A_409 = arith.index_cast %parallel_loop3A_317 : i32 to index
        %parallel_loop3A_410 = arith.constant 0 : index
        %parallel_loop3A_411 = tpu.vector_load %arg27[%parallel_loop3A_409, %parallel_loop3A_410] {strides = array<i32>} : memref<128x128xf32, #tpu.memory_space<vmem>>, vector<16xf32>,
        tpu.vector_store %arg27[%parallel_loop3A_409, %parallel_loop3A_410], %parallel_loop3A_408 {strides = array<i32>} : memref<128x128xf32, #tpu.memory_space<vmem>>, vector<16xf32>,
        %parallel_loop3A_412 = arith.mulf %parallel_loop3A_403, %parallel_loop3A_347 : vector<16xf32>
        %parallel_loop3A_413 = arith.index_cast %parallel_loop3A_317 : i32 to index
        %parallel_loop3A_414 = arith.constant 16 : index
        %parallel_loop3A_415 = tpu.vector_load %arg28[%parallel_loop3A_413, %parallel_loop3A_414] {strides = array<i32>} : memref<128x128xf32, #tpu.memory_space<vmem>>, vector<16xf32>,
        tpu.vector_store %arg28[%parallel_loop3A_413, %parallel_loop3A_414], %parallel_loop3A_412 {strides = array<i32>} : memref<128x128xf32, #tpu.memory_space<vmem>>, vector<16xf32>,
        %parallel_loop3A_416 = arith.mulf %parallel_loop3A_403, %parallel_loop3A_323 : vector<16xf32>
        %parallel_loop3A_417 = arith.index_cast %parallel_loop3A_317 : i32 to index
        %parallel_loop3A_418 = arith.constant 16 : index
        %parallel_loop3A_419 = tpu.vector_load %arg27[%parallel_loop3A_417, %parallel_loop3A_418] {strides = array<i32>} : memref<128x128xf32, #tpu.memory_space<vmem>>, vector<16xf32>,
        tpu.vector_store %arg27[%parallel_loop3A_417, %parallel_loop3A_418], %parallel_loop3A_416 {strides = array<i32>} : memref<128x128xf32, #tpu.memory_space<vmem>>, vector<16xf32>,
        %parallel_loop3A_420 = arith.mulf %parallel_loop3A_403, %parallel_loop3A_350 : vector<16xf32>
        %parallel_loop3A_421 = arith.index_cast %parallel_loop3A_317 : i32 to index
        %parallel_loop3A_422 = arith.constant 32 : index
        %parallel_loop3A_423 = tpu.vector_load %arg28[%parallel_loop3A_421, %parallel_loop3A_422] {strides = array<i32>} : memref<128x128xf32, #tpu.memory_space<vmem>>, vector<16xf32>,
        tpu.vector_store %arg28[%parallel_loop3A_421, %parallel_loop3A_422], %parallel_loop3A_420 {strides = array<i32>} : memref<128x128xf32, #tpu.memory_space<vmem>>, vector<16xf32>,
        %parallel_loop3A_424 = arith.mulf %parallel_loop3A_403, %parallel_loop3A_326 : vector<16xf32>
        %parallel_loop3A_425 = arith.index_cast %parallel_loop3A_317 : i32 to index
        %parallel_loop3A_426 = arith.constant 32 : index
        %parallel_loop3A_427 = tpu.vector_load %arg27[%parallel_loop3A_425, %parallel_loop3A_426] {strides = array<i32>} : memref<128x128xf32, #tpu.memory_space<vmem>>, vector<16xf32>,
        tpu.vector_store %arg27[%parallel_loop3A_425, %parallel_loop3A_426], %parallel_loop3A_424 {strides = array<i32>} : memref<128x128xf32, #tpu.memory_space<vmem>>, vector<16xf32>,
        %parallel_loop3A_428 = arith.mulf %parallel_loop3A_403, %parallel_loop3A_353 : vector<16xf32>
        %parallel_loop3A_429 = arith.index_cast %parallel_loop3A_317 : i32 to index
        %parallel_loop3A_430 = arith.constant 48 : index
        %parallel_loop3A_431 = tpu.vector_load %arg28[%parallel_loop3A_429, %parallel_loop3A_430] {strides = array<i32>} : memref<128x128xf32, #tpu.memory_space<vmem>>, vector<16xf32>,
        tpu.vector_store %arg28[%parallel_loop3A_429, %parallel_loop3A_430], %parallel_loop3A_428 {strides = array<i32>} : memref<128x128xf32, #tpu.memory_space<vmem>>, vector<16xf32>,
        %parallel_loop3A_432 = arith.mulf %parallel_loop3A_403, %parallel_loop3A_329 : vector<16xf32>
        %parallel_loop3A_433 = arith.index_cast %parallel_loop3A_317 : i32 to index
        %parallel_loop3A_434 = arith.constant 48 : index
        %parallel_loop3A_435 = tpu.vector_load %arg27[%parallel_loop3A_433, %parallel_loop3A_434] {strides = array<i32>} : memref<128x128xf32, #tpu.memory_space<vmem>>, vector<16xf32>,
        tpu.vector_store %arg27[%parallel_loop3A_433, %parallel_loop3A_434], %parallel_loop3A_432 {strides = array<i32>} : memref<128x128xf32, #tpu.memory_space<vmem>>, vector<16xf32>,
        %parallel_loop3A_436 = arith.mulf %parallel_loop3A_403, %parallel_loop3A_356 : vector<16xf32>
        %parallel_loop3A_437 = arith.index_cast %parallel_loop3A_317 : i32 to index
        %parallel_loop3A_438 = arith.constant 64 : index
        %parallel_loop3A_439 = tpu.vector_load %arg28[%parallel_loop3A_437, %parallel_loop3A_438] {strides = array<i32>} : memref<128x128xf32, #tpu.memory_space<vmem>>, vector<16xf32>,
        tpu.vector_store %arg28[%parallel_loop3A_437, %parallel_loop3A_438], %parallel_loop3A_436 {strides = array<i32>} : memref<128x128xf32, #tpu.memory_space<vmem>>, vector<16xf32>,
        %parallel_loop3A_440 = arith.mulf %parallel_loop3A_403, %parallel_loop3A_332 : vector<16xf32>
        %parallel_loop3A_441 = arith.index_cast %parallel_loop3A_317 : i32 to index
        %parallel_loop3A_442 = arith.constant 64 : index
        %parallel_loop3A_443 = tpu.vector_load %arg27[%parallel_loop3A_441, %parallel_loop3A_442] {strides = array<i32>} : memref<128x128xf32, #tpu.memory_space<vmem>>, vector<16xf32>,
        tpu.vector_store %arg27[%parallel_loop3A_441, %parallel_loop3A_442], %parallel_loop3A_440 {strides = array<i32>} : memref<128x128xf32, #tpu.memory_space<vmem>>, vector<16xf32>,
        %parallel_loop3A_444 = arith.mulf %parallel_loop3A_403, %parallel_loop3A_359 : vector<16xf32>
        %parallel_loop3A_445 = arith.index_cast %parallel_loop3A_317 : i32 to index
        %parallel_loop3A_446 = arith.constant 80 : index
        %parallel_loop3A_447 = tpu.vector_load %arg28[%parallel_loop3A_445, %parallel_loop3A_446] {strides = array<i32>} : memref<128x128xf32, #tpu.memory_space<vmem>>, vector<16xf32>,
        tpu.vector_store %arg28[%parallel_loop3A_445, %parallel_loop3A_446], %parallel_loop3A_444 {strides = array<i32>} : memref<128x128xf32, #tpu.memory_space<vmem>>, vector<16xf32>,
        %parallel_loop3A_448 = arith.mulf %parallel_loop3A_403, %parallel_loop3A_335 : vector<16xf32>
        %parallel_loop3A_449 = arith.index_cast %parallel_loop3A_317 : i32 to index
        %parallel_loop3A_450 = arith.constant 80 : index
        %parallel_loop3A_451 = tpu.vector_load %arg27[%parallel_loop3A_449, %parallel_loop3A_450] {strides = array<i32>} : memref<128x128xf32, #tpu.memory_space<vmem>>, vector<16xf32>,
        tpu.vector_store %arg27[%parallel_loop3A_449, %parallel_loop3A_450], %parallel_loop3A_448 {strides = array<i32>} : memref<128x128xf32, #tpu.memory_space<vmem>>, vector<16xf32>,
        %parallel_loop3A_452 = arith.mulf %parallel_loop3A_403, %parallel_loop3A_362 : vector<16xf32>
        %parallel_loop3A_453 = arith.index_cast %parallel_loop3A_317 : i32 to index
        %parallel_loop3A_454 = arith.constant 96 : index
        %parallel_loop3A_455 = tpu.vector_load %arg28[%parallel_loop3A_453, %parallel_loop3A_454] {strides = array<i32>} : memref<128x128xf32, #tpu.memory_space<vmem>>, vector<16xf32>,
        tpu.vector_store %arg28[%parallel_loop3A_453, %parallel_loop3A_454], %parallel_loop3A_452 {strides = array<i32>} : memref<128x128xf32, #tpu.memory_space<vmem>>, vector<16xf32>,
        %parallel_loop3A_456 = arith.mulf %parallel_loop3A_403, %parallel_loop3A_338 : vector<16xf32>
        %parallel_loop3A_457 = arith.index_cast %parallel_loop3A_317 : i32 to index
        %parallel_loop3A_458 = arith.constant 96 : index
        %parallel_loop3A_459 = tpu.vector_load %arg27[%parallel_loop3A_457, %parallel_loop3A_458] {strides = array<i32>} : memref<128x128xf32, #tpu.memory_space<vmem>>, vector<16xf32>,
        tpu.vector_store %arg27[%parallel_loop3A_457, %parallel_loop3A_458], %parallel_loop3A_456 {strides = array<i32>} : memref<128x128xf32, #tpu.memory_space<vmem>>, vector<16xf32>,
        %parallel_loop3A_460 = arith.mulf %parallel_loop3A_403, %parallel_loop3A_365 : vector<16xf32>
        %parallel_loop3A_461 = arith.index_cast %parallel_loop3A_317 : i32 to index
        %parallel_loop3A_462 = arith.constant 112 : index
        %parallel_loop3A_463 = tpu.vector_load %arg28[%parallel_loop3A_461, %parallel_loop3A_462] {strides = array<i32>} : memref<128x128xf32, #tpu.memory_space<vmem>>, vector<16xf32>,
        tpu.vector_store %arg28[%parallel_loop3A_461, %parallel_loop3A_462], %parallel_loop3A_460 {strides = array<i32>} : memref<128x128xf32, #tpu.memory_space<vmem>>, vector<16xf32>,
        %parallel_loop3A_464 = arith.mulf %parallel_loop3A_403, %parallel_loop3A_341 : vector<16xf32>
        %parallel_loop3A_465 = arith.index_cast %parallel_loop3A_317 : i32 to index
        %parallel_loop3A_466 = arith.constant 112 : index
        %parallel_loop3A_467 = tpu.vector_load %arg27[%parallel_loop3A_465, %parallel_loop3A_466] {strides = array<i32>} : memref<128x128xf32, #tpu.memory_space<vmem>>, vector<16xf32>,
        tpu.vector_store %arg27[%parallel_loop3A_465, %parallel_loop3A_466], %parallel_loop3A_464 {strides = array<i32>} : memref<128x128xf32, #tpu.memory_space<vmem>>, vector<16xf32>,
      } {sc.loop_unroll_factor = 16 : i64, sc.parallel_access}
      %lt3A_306 = arith.constant 30 : i32
      %lt3A_307 = arith.cmpi slt, %add3A_115, %lt3A_306 : i32
      %convert_element_type3A_308 = arith.extui %lt3A_307 : i1 to i32
      %cond3A_309 = arith.constant 0 : i32
      %cond3A_310 = arith.cmpi ne, %convert_element_type3A_308, %cond3A_309 : i32
      scf.if %cond3A_310 {
        %add3A_317 = arith.constant 2 : i32
        %add3A_318 = arith.addi %add3A_221, %add3A_317 : i32
        %mul3A_319 = arith.constant 128 : i32
        %mul3A_320 = arith.muli %add3A_318, %mul3A_319 : i32
        %add3A_321 = arith.addi %mul3A_58, %mul3A_320 : i32
        %dma_start3A_322 = tpu.memref_slice %arg7[%add3A_321] : memref<131072xi32, #tpu.memory_space<hbm>> -> memref<128xi32, #tpu.memory_space<hbm>>
        %dma_start3A_323 = tpu.memref_slice %arg7[%add3A_321] : memref<131072xi32, #tpu.memory_space<hbm>> -> memref<128xi32, #tpu.memory_space<hbm>>
        tpu.enqueue_dma source(%dma_start3A_323 : memref<128xi32, #tpu.memory_space<hbm>>) target(%arg15 : memref<128xi32, #tpu.memory_space<vmem>>) target_semaphore(%arg37 : memref<!tpu.dma_semaphore, #tpu.memory_space<semaphore_mem>>)
        %dma_start3A_324 = tpu.memref_slice %arg8[%add3A_321] : memref<131072xi32, #tpu.memory_space<hbm>> -> memref<128xi32, #tpu.memory_space<hbm>>
        %dma_start3A_325 = tpu.memref_slice %arg8[%add3A_321] : memref<131072xi32, #tpu.memory_space<hbm>> -> memref<128xi32, #tpu.memory_space<hbm>>
        tpu.enqueue_dma source(%dma_start3A_325 : memref<128xi32, #tpu.memory_space<hbm>>) target(%arg16 : memref<128xi32, #tpu.memory_space<vmem>>) target_semaphore(%arg37 : memref<!tpu.dma_semaphore, #tpu.memory_space<semaphore_mem>>)
        %dma_start3A_326 = tpu.memref_slice %arg9[%add3A_321] : memref<131072xf32, #tpu.memory_space<hbm>> -> memref<128xf32, #tpu.memory_space<hbm>>
        %dma_start3A_327 = tpu.memref_slice %arg9[%add3A_321] : memref<131072xf32, #tpu.memory_space<hbm>> -> memref<128xf32, #tpu.memory_space<hbm>>
        tpu.enqueue_dma source(%dma_start3A_327 : memref<128xf32, #tpu.memory_space<hbm>>) target(%arg22 : memref<128xf32, #tpu.memory_space<vmem>>) target_semaphore(%arg37 : memref<!tpu.dma_semaphore, #tpu.memory_space<semaphore_mem>>)
        %dma_start3A_328 = tpu.memref_slice %arg10[%add3A_321] : memref<131072xf32, #tpu.memory_space<hbm>> -> memref<128xf32, #tpu.memory_space<hbm>>
        %dma_start3A_329 = tpu.memref_slice %arg10[%add3A_321] : memref<131072xf32, #tpu.memory_space<hbm>> -> memref<128xf32, #tpu.memory_space<hbm>>
        tpu.enqueue_dma source(%dma_start3A_329 : memref<128xf32, #tpu.memory_space<hbm>>) target(%arg24 : memref<128xf32, #tpu.memory_space<vmem>>) target_semaphore(%arg37 : memref<!tpu.dma_semaphore, #tpu.memory_space<semaphore_mem>>)
      } else {
      }
      %dma_start3A_311 = arith.constant 0 : i32
      %dma_start3A_312 = arith.constant 0 : i32
      %dma_start3A_313 = tpu.memref_slice %arg31[%dma_start3A_311, %dma_start3A_312] : memref<4096x128xf32, #tpu.memory_space<vmem_shared>> -> memref<4096x128xf32, #tpu.memory_space<vmem_shared>>
      tpu.enqueue_indirect_dma source(%arg28 : memref<128x128xf32, #tpu.memory_space<vmem>>) target(%dma_start3A_313 : memref<4096x128xf32, #tpu.memory_space<vmem_shared>>) offsets(%arg19 : memref<128xi32, #tpu.memory_space<vmem>>) semaphore(%arg35 : memref<!tpu.dma_semaphore, #tpu.memory_space<semaphore_mem>>) {add = true}
      %dma_start3A_314 = arith.constant 0 : i32
      %dma_start3A_315 = arith.constant 0 : i32
      %dma_start3A_316 = tpu.memref_slice %arg31[%dma_start3A_314, %dma_start3A_315] : memref<4096x128xf32, #tpu.memory_space<vmem_shared>> -> memref<4096x128xf32, #tpu.memory_space<vmem_shared>>
      tpu.enqueue_indirect_dma source(%arg27 : memref<128x128xf32, #tpu.memory_space<vmem>>) target(%dma_start3A_316 : memref<4096x128xf32, #tpu.memory_space<vmem_shared>>) offsets(%arg20 : memref<128xi32, #tpu.memory_space<vmem>>) semaphore(%arg35 : memref<!tpu.dma_semaphore, #tpu.memory_space<semaphore_mem>>) {add = true}
    }
    %scan3A_99 = arith.constant 16 : i32
    %dma_wait3A_100 = arith.constant 0 : i32
    %dma_wait3A_101 = arith.constant 0 : i32
    %dma_wait3A_102 = tpu.memref_slice %arg31[%dma_wait3A_100, %dma_wait3A_101] : memref<4096x128xf32, #tpu.memory_space<vmem_shared>> -> memref<4096x128xf32, #tpu.memory_space<vmem_shared>>
    tpu.wait_indirect_dma semaphore(%arg35 : memref<!tpu.dma_semaphore, #tpu.memory_space<semaphore_mem>>) src(%arg28 : memref<128x128xf32, #tpu.memory_space<vmem>>) dst(%dma_wait3A_102 : memref<4096x128xf32, #tpu.memory_space<vmem_shared>>)
    %dma_wait3A_103 = arith.constant 0 : i32
    %dma_wait3A_104 = arith.constant 0 : i32
    %dma_wait3A_105 = tpu.memref_slice %arg31[%dma_wait3A_103, %dma_wait3A_104] : memref<4096x128xf32, #tpu.memory_space<vmem_shared>> -> memref<4096x128xf32, #tpu.memory_space<vmem_shared>>
    tpu.wait_indirect_dma semaphore(%arg35 : memref<!tpu.dma_semaphore, #tpu.memory_space<semaphore_mem>>) src(%arg27 : memref<128x128xf32, #tpu.memory_space<vmem>>) dst(%dma_wait3A_105 : memref<4096x128xf32, #tpu.memory_space<vmem_shared>>)
    %barrier3A_106 = arith.constant 0 : index
    tpu.barrier barrier_id(%barrier3A_106)
    %mul3A_107 = arith.constant 256 : i32
    %mul3A_108 = arith.muli %arg1, %mul3A_107 : i32
    %mul3A_109 = arith.constant 256 : i32
    %mul3A_110 = arith.muli %arg1, %mul3A_109 : i32
    "tpu.region"() ({
      %run_scoped3A = tpu.sem_alloc : memref<!tpu.dma_semaphore, #tpu.memory_space<semaphore_mem>>
      %dma_start3A_111 = arith.constant 0 : i32
      %dma_start3A_112 = tpu.memref_slice %arg11[%arg0, %mul3A_110, %dma_start3A_111] : memref<2x4096x128xf32, #tpu.memory_space<hbm>> -> memref<1x256x128xf32, #tpu.memory_space<hbm>>
      %dma_start3A_113 = tpu.memref_squeeze %dma_start3A_112 : memref<1x256x128xf32, #tpu.memory_space<hbm>> -> memref<256x128xf32, #tpu.memory_space<hbm>>
      %dma_start3A_114 = arith.constant 0 : i32
      %dma_start3A_115 = tpu.memref_slice %arg31[%mul3A_108, %dma_start3A_114] : memref<4096x128xf32, #tpu.memory_space<vmem_shared>> -> memref<256x128xf32, #tpu.memory_space<vmem_shared>>
      tpu.enqueue_dma source(%dma_start3A_115 : memref<256x128xf32, #tpu.memory_space<vmem_shared>>) target(%dma_start3A_113 : memref<256x128xf32, #tpu.memory_space<hbm>>) target_semaphore(%run_scoped3A : memref<!tpu.dma_semaphore, #tpu.memory_space<semaphore_mem>>)
      %dma_wait3A_116 = arith.constant 0 : i32
      %dma_wait3A_117 = tpu.memref_slice %arg11[%arg0, %mul3A_110, %dma_wait3A_116] : memref<2x4096x128xf32, #tpu.memory_space<hbm>> -> memref<1x256x128xf32, #tpu.memory_space<hbm>>
      %dma_wait3A_118 = tpu.memref_squeeze %dma_wait3A_117 : memref<1x256x128xf32, #tpu.memory_space<hbm>> -> memref<256x128xf32, #tpu.memory_space<hbm>>
      %dma_wait3A_119 = arith.constant 0 : i32
      %dma_wait3A_120 = tpu.memref_slice %arg31[%mul3A_108, %dma_wait3A_119] : memref<4096x128xf32, #tpu.memory_space<vmem_shared>> -> memref<256x128xf32, #tpu.memory_space<vmem_shared>>
      tpu.wait_dma2 semaphore(%run_scoped3A : memref<!tpu.dma_semaphore, #tpu.memory_space<semaphore_mem>>) src(%dma_wait3A_120 : memref<256x128xf32, #tpu.memory_space<vmem_shared>>) dst(%dma_wait3A_118 : memref<256x128xf32, #tpu.memory_space<hbm>>)
      tpu.yield
    }) : () -> ()
    "tpu.region"() ({
      %run_scoped3A = tpu.sem_alloc : memref<!tpu.dma_semaphore, #tpu.memory_space<semaphore_mem>>
      %dma_start3A_111 = arith.constant 0 : i32
      %dma_start3A_112 = tpu.memref_slice %arg12[%add3A, %dma_start3A_111] : memref<32x4096xf32, #tpu.memory_space<hbm>> -> memref<1x4096xf32, #tpu.memory_space<hbm>>
      %dma_start3A_113 = tpu.memref_squeeze %dma_start3A_112 : memref<1x4096xf32, #tpu.memory_space<hbm>> -> memref<4096xf32, #tpu.memory_space<hbm>>
      %dma_start3A_114 = arith.constant 0 : i32
      %dma_start3A_115 = tpu.memref_slice %arg12[%add3A, %dma_start3A_114] : memref<32x4096xf32, #tpu.memory_space<hbm>> -> memref<1x4096xf32, #tpu.memory_space<hbm>>
      %dma_start3A_116 = tpu.memref_squeeze %dma_start3A_115 : memref<1x4096xf32, #tpu.memory_space<hbm>> -> memref<4096xf32, #tpu.memory_space<hbm>>
      tpu.enqueue_dma source(%arg30 : memref<4096xf32, #tpu.memory_space<vmem>>) target(%dma_start3A_116 : memref<4096xf32, #tpu.memory_space<hbm>>) target_semaphore(%run_scoped3A : memref<!tpu.dma_semaphore, #tpu.memory_space<semaphore_mem>>)
      %dma_wait3A_117 = arith.constant 0 : i32
      %dma_wait3A_118 = tpu.memref_slice %arg12[%add3A, %dma_wait3A_117] : memref<32x4096xf32, #tpu.memory_space<hbm>> -> memref<1x4096xf32, #tpu.memory_space<hbm>>
      %dma_wait3A_119 = tpu.memref_squeeze %dma_wait3A_118 : memref<1x4096xf32, #tpu.memory_space<hbm>> -> memref<4096xf32, #tpu.memory_space<hbm>>
      %dma_wait3A_120 = arith.constant 0 : i32
      %dma_wait3A_121 = tpu.memref_slice %arg12[%add3A, %dma_wait3A_120] : memref<32x4096xf32, #tpu.memory_space<hbm>> -> memref<1x4096xf32, #tpu.memory_space<hbm>>
      %dma_wait3A_122 = tpu.memref_squeeze %dma_wait3A_121 : memref<1x4096xf32, #tpu.memory_space<hbm>> -> memref<4096xf32, #tpu.memory_space<hbm>>
      tpu.wait_dma2 semaphore(%run_scoped3A : memref<!tpu.dma_semaphore, #tpu.memory_space<semaphore_mem>>) src(%arg30 : memref<4096xf32, #tpu.memory_space<vmem>>) dst(%dma_wait3A_122 : memref<4096xf32, #tpu.memory_space<hbm>>)
      tpu.yield
    }) : () -> ()
    return
  }
}

module attributes {stable_mosaic.version = 14 : i64} {
  func.func @_prea_body(%arg0: memref<1x4096xf32, #tpu.memory_space<vmem>>, %arg1: memref<4096x128xf32, #tpu.memory_space<vmem>>, %arg2: memref<1x4096xf32, #tpu.memory_space<vmem>>, %arg3: memref<4096x128xf32, #tpu.memory_space<vmem>>) attributes {dimension_semantics = [], scalar_prefetch = 0 : i64, scratch_operands = 0 : i64, tpu.core_type = #tpu.core_type<tc>} {
    %get3A = arith.constant 0 : index
    %get3A_0 = arith.constant 0 : index
    %get3A_1 = vector.load %arg0[%get3A, %get3A_0] : memref<1x4096xf32, #tpu.memory_space<vmem>>, vector<1x4096xf32>
    %tanh3A = math.tanh %get3A_1 : vector<1x4096xf32>
    %swap3A = arith.constant 0 : index
    %swap3A_2 = arith.constant 0 : index
    %swap3A_3 = vector.load %arg2[%swap3A, %swap3A_2] : memref<1x4096xf32, #tpu.memory_space<vmem>>, vector<1x4096xf32>
    tpu.vector_store %arg2[%swap3A, %swap3A_2], %tanh3A {strides = array<i32>} : memref<1x4096xf32, #tpu.memory_space<vmem>>, vector<1x4096xf32>,
    %get3A_4 = arith.constant 0 : index
    %get3A_5 = arith.constant 0 : index
    %get3A_6 = vector.load %arg1[%get3A_4, %get3A_5] : memref<4096x128xf32, #tpu.memory_space<vmem>>, vector<4096x128xf32>
    %mul3A = arith.mulf %get3A_6, %get3A_6 : vector<4096x128xf32>
    %reduce_sum3A = arith.constant dense<0.000000e+00> : vector<4096xf32>
    %reduce_sum3A_7 = vector.multi_reduction <add>, %mul3A, %reduce_sum3A [1] : vector<4096x128xf32> to vector<4096xf32>
    %broadcast_in_dim3A = vector.shape_cast %reduce_sum3A_7 : vector<4096xf32> to vector<4096x1xf32>
    %sqrt3A = math.sqrt %broadcast_in_dim3A : vector<4096x1xf32>
    %div3A = vector.broadcast %sqrt3A : vector<4096x1xf32> to vector<4096x128xf32>
    %div3A_8 = arith.divf %get3A_6, %div3A : vector<4096x128xf32>
    %swap3A_9 = arith.constant 0 : index
    %swap3A_10 = arith.constant 0 : index
    %swap3A_11 = vector.load %arg3[%swap3A_9, %swap3A_10] : memref<4096x128xf32, #tpu.memory_space<vmem>>, vector<4096x128xf32>
    tpu.vector_store %arg3[%swap3A_9, %swap3A_10], %div3A_8 {strides = array<i32>} : memref<4096x128xf32, #tpu.memory_space<vmem>>, vector<4096x128xf32>,
    return
  }
}

module attributes {stable_mosaic.version = 14 : i64} {
  func.func @_preb_body(%arg0: i32, %arg1: memref<1x4096xf32, #tpu.memory_space<vmem>>, %arg2: memref<1x4096xf32, #tpu.memory_space<vmem>>, %arg3: memref<512x4096xf32, #tpu.memory_space<vmem>>, %arg4: memref<1x4096xf32, #tpu.memory_space<vmem>>) attributes {dimension_semantics = [#tpu.dimension_semantics<arbitrary>], iteration_bounds = array<i64: 8>, scalar_prefetch = 0 : i64, scratch_operands = 0 : i64, tpu.core_type = #tpu.core_type<tc>, window_params = [{pipeline_mode = #tpu.pipeline_mode<synchronous>, transform_indices = @transform_0, window_bounds = array<i64: 1, 4096>}, {pipeline_mode = #tpu.pipeline_mode<synchronous>, transform_indices = @transform_1, window_bounds = array<i64: 1, 4096>}, {transform_indices = @transform_2, window_bounds = array<i64: 512, 4096>}, {pipeline_mode = #tpu.pipeline_mode<synchronous>, transform_indices = @transform_3, window_bounds = array<i64: 1, 4096>}]} {
    %get3A = arith.constant 0 : index
    %get3A_0 = arith.constant 0 : index
    %get3A_1 = vector.load %arg1[%get3A, %get3A_0] : memref<1x4096xf32, #tpu.memory_space<vmem>>, vector<1x4096xf32>
    %tanh3A = math.tanh %get3A_1 : vector<1x4096xf32>
    %eq3A = arith.constant 0 : i32
    %eq3A_2 = arith.cmpi eq, %arg0, %eq3A : i32
    %convert_element_type3A = arith.extui %eq3A_2 : i1 to i32
    %cond3A = arith.constant 0 : i32
    %cond3A_3 = arith.cmpi ne, %convert_element_type3A, %cond3A : i32
    scf.if %cond3A_3 {
      %get3A_36 = arith.constant 0 : index
      %get3A_37 = arith.constant 0 : index
      %get3A_38 = vector.load %arg1[%get3A_36, %get3A_37] : memref<1x4096xf32, #tpu.memory_space<vmem>>, vector<1x4096xf32>
      %neg3A = arith.constant 0.000000e+00 : f32
      %neg3A_39 = vector.broadcast %neg3A : f32 to vector<1x4096xf32>
      %neg3A_40 = arith.subf %neg3A_39, %get3A_38 : vector<1x4096xf32>
      %get3A_41 = arith.constant 0 : index
      %get3A_42 = arith.constant 0 : index
      %get3A_43 = vector.load %arg2[%get3A_41, %get3A_42] : memref<1x4096xf32, #tpu.memory_space<vmem>>, vector<1x4096xf32>
      %add3A_44 = arith.addf %neg3A_40, %get3A_43 : vector<1x4096xf32>
      %swap3A_45 = arith.constant 0 : index
      %swap3A_46 = arith.constant 0 : index
      %swap3A_47 = vector.load %arg4[%swap3A_45, %swap3A_46] : memref<1x4096xf32, #tpu.memory_space<vmem>>, vector<1x4096xf32>
      tpu.vector_store %arg4[%swap3A_45, %swap3A_46], %add3A_44 {strides = array<i32>} : memref<1x4096xf32, #tpu.memory_space<vmem>>, vector<1x4096xf32>,
    } else {
    }
    %get3A_4 = arith.constant 0 : index
    %get3A_5 = arith.constant 0 : index
    %get3A_6 = vector.load %arg3[%get3A_4, %get3A_5] : memref<512x4096xf32, #tpu.memory_space<vmem>>, vector<512x4096xf32>
    %transpose3A = tpu.transpose %tanh3A, [1, 0] : vector<1x4096xf32> -> vector<4096x1xf32>
    %dot_general3A = arith.constant dense<0.000000e+00> : vector<512x1xf32>
    %dot_general3A_7 = tpu.matmul %get3A_6, %transpose3A, %dot_general3A {dimension_numbers = #tpu.dot_dimension_numbers<[1], [0], [0], [1], [0, 0, 1, 1], [], []>, transpose_lhs_hint = false} : vector<512x4096xf32>, vector<4096x1xf32>, vector<512x1xf32> -> vector<512x1xf32>
    %mul3A = arith.constant 512 : i32
    %mul3A_8 = arith.muli %arg0, %mul3A : i32
    %get3A_9 = arith.constant 0 : index
    %get3A_10 = arith.index_cast %mul3A_8 : i32 to index
    %get3A_11 = vector.load %arg1[%get3A_9, %get3A_10] : memref<1x4096xf32, #tpu.memory_space<vmem>>, vector<1x512xf32>
    %tanh3A_12 = math.tanh %get3A_11 : vector<1x512xf32>
    %dot_general3A_13 = arith.constant dense<0.000000e+00> : vector<1x4096xf32>
    %dot_general3A_14 = tpu.matmul %tanh3A_12, %get3A_6, %dot_general3A_13 {dimension_numbers = #tpu.dot_dimension_numbers<[1], [0], [0], [1], [0, 0, 1, 1], [], []>, transpose_lhs_hint = false} : vector<1x512xf32>, vector<512x4096xf32>, vector<1x4096xf32> -> vector<1x4096xf32>
    %get3A_15 = arith.constant 0 : index
    %get3A_16 = arith.constant 0 : index
    %get3A_17 = vector.load %arg4[%get3A_15, %get3A_16] : memref<1x4096xf32, #tpu.memory_space<vmem>>, vector<1x4096xf32>
    %mul3A_18 = arith.constant 5.000000e-01 : f32
    %mul3A_19 = vector.broadcast %mul3A_18 : f32 to vector<1x4096xf32>
    %mul3A_20 = arith.mulf %mul3A_19, %dot_general3A_14 : vector<1x4096xf32>
    %add3A = arith.addf %get3A_17, %mul3A_20 : vector<1x4096xf32>
    %swap3A = arith.constant 0 : index
    %swap3A_21 = arith.constant 0 : index
    %swap3A_22 = vector.load %arg4[%swap3A, %swap3A_21] : memref<1x4096xf32, #tpu.memory_space<vmem>>, vector<1x4096xf32>
    tpu.vector_store %arg4[%swap3A, %swap3A_21], %add3A {strides = array<i32>} : memref<1x4096xf32, #tpu.memory_space<vmem>>, vector<1x4096xf32>,
    %mul3A_23 = arith.constant 512 : i32
    %mul3A_24 = arith.muli %arg0, %mul3A_23 : i32
    %get3A_25 = arith.constant 0 : index
    %get3A_26 = arith.index_cast %mul3A_24 : i32 to index
    %get3A_27 = vector.load %arg4[%get3A_25, %get3A_26] : memref<1x4096xf32, #tpu.memory_space<vmem>>, vector<1x512xf32>
    %transpose3A_28 = tpu.transpose %dot_general3A_7, [1, 0] : vector<512x1xf32> -> vector<1x512xf32>
    %mul3A_29 = arith.constant 5.000000e-01 : f32
    %mul3A_30 = vector.broadcast %mul3A_29 : f32 to vector<1x512xf32>
    %mul3A_31 = arith.mulf %mul3A_30, %transpose3A_28 : vector<1x512xf32>
    %add3A_32 = arith.addf %get3A_27, %mul3A_31 : vector<1x512xf32>
    %swap3A_33 = arith.constant 0 : index
    %swap3A_34 = arith.index_cast %mul3A_24 : i32 to index
    %swap3A_35 = vector.load %arg4[%swap3A_33, %swap3A_34] : memref<1x4096xf32, #tpu.memory_space<vmem>>, vector<1x512xf32>
    tpu.vector_store %arg4[%swap3A_33, %swap3A_34], %add3A_32 {strides = array<i32>} : memref<1x4096xf32, #tpu.memory_space<vmem>>, vector<1x512xf32>,
    return
  }
  func.func @transform_0(%arg0: i32) -> (i32, i32) {
    %c0_i32 = arith.constant 0 : i32
    %c0_i32_0 = arith.constant 0 : i32
    %c0_i32_1 = arith.constant 0 : i32
    return %c0_i32, %c0_i32_0 : i32, i32
  }
  func.func @transform_1(%arg0: i32) -> (i32, i32) {
    %c0_i32 = arith.constant 0 : i32
    %c0_i32_0 = arith.constant 0 : i32
    %c0_i32_1 = arith.constant 0 : i32
    return %c0_i32, %c0_i32_0 : i32, i32
  }
  func.func @transform_2(%arg0: i32) -> (i32, i32) {
    %c0_i32 = arith.constant 0 : i32
    %c0_i32_0 = arith.constant 0 : i32
    return %arg0, %c0_i32 : i32, i32
  }
  func.func @transform_3(%arg0: i32) -> (i32, i32) {
    %c0_i32 = arith.constant 0 : i32
    %c0_i32_0 = arith.constant 0 : i32
    %c0_i32_1 = arith.constant 0 : i32
    return %c0_i32, %c0_i32_0 : i32, i32
  }
}

module attributes {stable_mosaic.version = 14 : i64} {
  func.func @_post_body(%arg0: memref<4096x128xf32, #tpu.memory_space<vmem>>, %arg1: memref<2x4096x128xf32, #tpu.memory_space<vmem>>, %arg2: memref<32x4096xf32, #tpu.memory_space<vmem>>, %arg3: memref<1x4096xf32, #tpu.memory_space<vmem>>, %arg4: memref<1x4096xf32, #tpu.memory_space<vmem>>, %arg5: memref<4096x128xf32, #tpu.memory_space<vmem>>) attributes {dimension_semantics = [], scalar_prefetch = 0 : i64, scratch_operands = 0 : i64, tpu.core_type = #tpu.core_type<tc>} {
    %get3A = arith.constant 0 : index
    %get3A_0 = arith.constant 0 : index
    %get3A_1 = vector.load %arg3[%get3A, %get3A_0] : memref<1x4096xf32, #tpu.memory_space<vmem>>, vector<1x4096xf32>
    %get3A_2 = arith.constant 0 : index
    %get3A_3 = arith.constant 0 : index
    %get3A_4 = vector.load %arg2[%get3A_2, %get3A_3] : memref<32x4096xf32, #tpu.memory_space<vmem>>, vector<32x4096xf32>
    %reduce_sum3A = arith.constant dense<0.000000e+00> : vector<4096xf32>
    %reduce_sum3A_5 = vector.multi_reduction <add>, %get3A_4, %reduce_sum3A [0] : vector<32x4096xf32> to vector<4096xf32>
    %broadcast_in_dim3A = vector.shape_cast %reduce_sum3A_5 : vector<4096xf32> to vector<1x4096xf32>
    %add3A = arith.addf %get3A_1, %broadcast_in_dim3A : vector<1x4096xf32>
    %swap3A = arith.constant 0 : index
    %swap3A_6 = arith.constant 0 : index
    %swap3A_7 = vector.load %arg4[%swap3A, %swap3A_6] : memref<1x4096xf32, #tpu.memory_space<vmem>>, vector<1x4096xf32>
    tpu.vector_store %arg4[%swap3A, %swap3A_6], %add3A {strides = array<i32>} : memref<1x4096xf32, #tpu.memory_space<vmem>>, vector<1x4096xf32>,
    %get3A_8 = arith.constant 0 : index
    %get3A_9 = arith.constant 0 : index
    %get3A_10 = vector.load %arg0[%get3A_8, %get3A_9] : memref<4096x128xf32, #tpu.memory_space<vmem>>, vector<4096x128xf32>
    %get3A_11 = arith.constant 0 : index
    %get3A_12 = arith.constant 0 : index
    %get3A_13 = arith.constant 0 : index
    %get3A_14 = vector.load %arg1[%get3A_11, %get3A_12, %get3A_13] : memref<2x4096x128xf32, #tpu.memory_space<vmem>>, vector<1x4096x128xf32>
    %get3A_15 = vector.shape_cast %get3A_14 : vector<1x4096x128xf32> to vector<4096x128xf32>
    %get3A_16 = arith.constant 1 : index
    %get3A_17 = arith.constant 0 : index
    %get3A_18 = arith.constant 0 : index
    %get3A_19 = vector.load %arg1[%get3A_16, %get3A_17, %get3A_18] : memref<2x4096x128xf32, #tpu.memory_space<vmem>>, vector<1x4096x128xf32>
    %get3A_20 = vector.shape_cast %get3A_19 : vector<1x4096x128xf32> to vector<4096x128xf32>
    %add3A_21 = arith.addf %get3A_15, %get3A_20 : vector<4096x128xf32>
    %mul3A = arith.mulf %get3A_10, %add3A_21 : vector<4096x128xf32>
    %reduce_sum3A_22 = arith.constant dense<0.000000e+00> : vector<4096xf32>
    %reduce_sum3A_23 = vector.multi_reduction <add>, %mul3A, %reduce_sum3A_22 [1] : vector<4096x128xf32> to vector<4096xf32>
    %broadcast_in_dim3A_24 = vector.shape_cast %reduce_sum3A_23 : vector<4096xf32> to vector<4096x1xf32>
    %neg3A = arith.constant 0.000000e+00 : f32
    %neg3A_25 = vector.broadcast %neg3A : f32 to vector<4096x128xf32>
    %neg3A_26 = arith.subf %neg3A_25, %add3A_21 : vector<4096x128xf32>
    %mul3A_27 = vector.broadcast %broadcast_in_dim3A_24 : vector<4096x1xf32> to vector<4096x128xf32>
    %mul3A_28 = arith.mulf %get3A_10, %mul3A_27 : vector<4096x128xf32>
    %add3A_29 = arith.addf %neg3A_26, %mul3A_28 : vector<4096x128xf32>
    %swap3A_30 = arith.constant 0 : index
    %swap3A_31 = arith.constant 0 : index
    %swap3A_32 = vector.load %arg5[%swap3A_30, %swap3A_31] : memref<4096x128xf32, #tpu.memory_space<vmem>>, vector<4096x128xf32>
    tpu.vector_store %arg5[%swap3A_30, %swap3A_31], %add3A_29 {strides = array<i32>} : memref<4096x128xf32, #tpu.memory_space<vmem>>, vector<4096x128xf32>,
    return
  }
}

</mosaic_0001>

<sc_bundles>
// kernel: kernel.6.cloned.1.call-start
scs
__scs_entry_jumppad:
0x0: {  	(pc) =	sbr.rel $0x88, $3  }
0x1: {  	(tag) =	ssettag $0x0;
	lr =	simm.s32 $0x1  }
0x2: {  	[smem:$0x3F97] =	sst lr;
	_ =	strace $0xD0000000  }
0x3: {  	_ = 	snop  }
0x4: {  	_ = 	snop  }
0x5: {  	_ = 	snop  }
0x6: {  	_ = 	snop  }
0x7: {  	_ = 	snop  }
__scs_overlays_trampoline_lowered:
0x8: {  	[smem:$0x3FA6] =	sst s0  }
0x9: {  	[smem:$0x3FA7] =	sst s1  }
0xa: {  	[smem:$0x3FA8] =	sst s2  }
0xb: {  	[smem:$0x3FA9] =	sst s3  }
0xc: {  	[smem:$0x3FAA] =	sst s4  }
0xd: {  	[smem:$0x3FAB] =	sst s5  }
0xe: {  	[smem:$0x3FAC] =	sst s6  }
0xf: {  	[smem:$0x3FAD] =	sst s7  }
0x10: {  	[smem:$0x3FAE] =	sst s8  }
0x11: {  	[smem:$0x3FAF] =	sst s9;
	s0 =	simm.s32 @!p0 $0x0  }
0x12: {  	s1 =	sld [smem:$0x3F95];
	s0 =	simm.s32 @p0 $0x1  }
0x13: {  	[smem:$0x3FB0] =	sst s0;
	s0 =	simm.s32 @!p1 $0x0  }
0x14: {  	s2 =	sld [smem:$0x3F94];
	s0 =	simm.s32 @p1 $0x1  }
0x15: {  	[smem:$0x3FB1] =	sst s0;
	s0 =	simm.s32 @!p2 $0x0  }
0x16: {  	s3 =	sld [smem:$0x3FDB];
	s0 =	simm.s32 @p2 $0x1  }
0x17: {  	s4 =	simm.s32 $0x1BF5;
	[smem:$0x3FB3] =	sst s0  }
0x18: {  	s0 =	sld [smem:$0x3F96];
	_ =	swait.ge [sflag:s4], $0x0  }
0x19: {  	s7 =	sld [smem:$0x3F97]  }
0x1a: {  	s8 =	sadd.s32 $0xFFFFE003, lr  }
0x1b: {  	s9 =	sadd.s32 $0xFFFFFEF7, lr;
	s5 =	simm.s32 $0xFFFFFFFF;
	p2 =	slt.u32 s8, $0xFFFFF086  }
0x1c: {  	p1 =	slt.u32 s9, $0xF7A;
	s5 =	simm.s32 @!p2 $0x0  }
0x1d: {  	s5 =	simm.s32 @p1 $0x1;
	p0 =	seq.s32 s7, s2  }
0x1e: {  	s7 =	smul.u32 @!p0 $0xF7A, s2;
	p2 =	seq.s32 @!p0 s5, $0x0  }
0x1f: {  	s9 =	smul.u32 $0xF7A, s1;
	s8 =	simm.s32 @!p0 $0x1BF5;
	p2 =	por !p2, p0  }
0x20: {  	[sflag:s8] =	ssyncset.s32 @!p0 $0xFFFFF086;
	s6 =	sadd.s32 @!p0 s3, s7;
	s7 =	simm.s32 @!p0 $0x108  }
0x21: {  	s3 =	sadd.s32 s3, s9;
	s6 =	sadd.s32 @!p0 $0x88, s6;
	s7 =	simm.s32 @p2 $0x1082  }
0x22: {  	[simem:s7], [sflag:s8] =	dma.local @!p0 [hbm:s6], $0xF7A  }
0x23: {  	s9 =	sor.u32 $0xD0000000, s2;
	s6 =	simm.s32 $0x108;
	_ =	swait.ge @!p0 [sflag:s8], $0x0  }
0x24: {  	s3 =	sadd.s32 $0x88, s3;
	s6 =	simm.s32 @!p1 $0x1082;
	[sflag:s4] =	ssyncset.s32 $0xFFFFF086  }
0x25: {  	[simem:s6], [sflag:s4] =	dma.local [hbm:s3], $0xF7A  }
0x26: {  	[smem:$0x3F97] =	sst s1;
	(tag) =	ssettag s2;
	_ =	strace s9  }
0x27: {  	s1 =	sld [smem:$0x3FA7]  }
0x28: {  	s2 =	sld [smem:$0x3FA8]  }
0x29: {  	s4 =	sld [smem:$0x3FAA]  }
0x2a: {  	p0 =	seq.s32 s5, $0x0;
	s5 =	sld [smem:$0x3FAB]  }
0x2b: {  	s6 =	sld [smem:$0x3FAC]  }
0x2c: {  	s7 =	sld [smem:$0x3FAD]  }
0x2d: {  	s3 =	simm.s32 $0x108;
	s8 =	sld [smem:$0x3FAE]  }
0x2e: {  	s3 =	simm.s32 @!p0 $0x1082;
	s9 =	sld [smem:$0x3FAF]  }
0x2f: {  	lr =	sadd.s32 s0, s3;
	s0 =	sld [smem:$0x3FA6]  }
0x30: {  	s3 =	sld [smem:$0x3FA9]  }
0x31: {  	[smem:$0x3FB2] =	sst s10  }
0x32: {  	s10 =	sld [smem:$0x3FB0];
	_ =	sdelay $0x3  }
0x33: {  	p0 =	seq.s32 s10, $0x1;
	s10 =	sld [smem:$0x3FB2];
	_ =	sdelay $0x3  }
0x34: {  	[smem:$0x3FB2] =	sst s10  }
0x35: {  	s10 =	sld [smem:$0x3FB1];
	_ =	sdelay $0x3  }
0x36: {  	p1 =	seq.s32 s10, $0x1;
	s10 =	sld [smem:$0x3FB2];
	_ =	sdelay $0x3  }
0x37: {  	[smem:$0x3FB2] =	sst s10  }
0x38: {  	s10 =	sld [smem:$0x3FB3]  }
0x39: {  	_ = 	snop;
	(pc) =	sbr.ind lr, $3  }
0x3a: {  	_ = 	snop  }
0x3b: {  	_ = 	snop  }
0x3c: {  	p2 =	seq.s32 s10, $0x1;
	s10 =	sld [smem:$0x3FB2]  }
0x3d: {  	_ =	shalt  }
0x3e: {  	_ =	shalt  }
0x3f: {  	_ =	shalt  }
0x40: {  	_ =	shalt  }
0x41: {  	_ =	shalt  }
0x42: {  	_ =	shalt  }
0x43: {  	_ =	shalt  }
0x44: {  	_ =	shalt  }
0x45: {  	_ =	shalt  }
0x46: {  	_ =	shalt  }
0x47: {  	_ =	shalt  }
0x48: {  	_ =	shalt  }
0x49: {  	_ =	shalt  }
0x4a: {  	_ =	shalt  }
0x4b: {  	_ =	shalt  }
0x4c: {  	_ =	shalt  }
0x4d: {  	_ =	shalt  }
0x4e: {  	_ =	shalt  }
0x4f: {  	_ =	shalt  }
0x50: {  	_ =	shalt  }
0x51: {  	_ =	shalt  }
0x52: {  	_ =	shalt  }
0x53: {  	_ =	shalt  }
0x54: {  	_ =	shalt  }
0x55: {  	_ =	shalt  }
0x56: {  	_ =	shalt  }
0x57: {  	_ =	shalt  }
0x58: {  	_ =	shalt  }
0x59: {  	_ =	shalt  }
0x5a: {  	_ =	shalt  }
0x5b: {  	_ =	shalt  }
0x5c: {  	_ =	shalt  }
0x5d: {  	_ =	shalt  }
0x5e: {  	_ =	shalt  }
0x5f: {  	_ =	shalt  }
0x60: {  	_ =	shalt  }
0x61: {  	_ =	shalt  }
0x62: {  	_ =	shalt  }
0x63: {  	_ =	shalt  }
0x64: {  	_ =	shalt  }
0x65: {  	_ =	shalt  }
0x66: {  	_ =	shalt  }
0x67: {  	_ =	shalt  }
0x68: {  	_ =	shalt  }
0x69: {  	_ =	shalt  }
0x6a: {  	_ =	shalt  }
0x6b: {  	_ =	shalt  }
0x6c: {  	_ =	shalt  }
0x6d: {  	_ =	shalt  }
0x6e: {  	_ =	shalt  }
0x6f: {  	_ =	shalt  }
0x70: {  	_ =	shalt  }
0x71: {  	_ =	shalt  }
0x72: {  	_ =	shalt  }
0x73: {  	_ =	shalt  }
0x74: {  	_ =	shalt  }
0x75: {  	_ =	shalt  }
0x76: {  	_ =	shalt  }
0x77: {  	_ =	shalt  }
0x78: {  	_ =	shalt  }
0x79: {  	_ =	shalt  }
0x7a: {  	_ =	shalt  }
0x7b: {  	_ =	shalt  }
0x7c: {  	_ =	shalt  }
0x7d: {  	_ =	shalt  }
0x7e: {  	_ =	shalt  }
0x7f: {  	_ =	shalt  }
0x80: {  	_ =	shalt  }
0x81: {  	_ =	shalt  }
0x82: {  	_ =	shalt  }
0x83: {  	_ =	shalt  }
0x84: {  	_ =	shalt  }
0x85: {  	_ =	shalt  }
0x86: {  	_ =	shalt  }
0x87: {  	_ =	shalt  }
.Lfunc_end0:
.L_simem_size_0:
called_computation_lowered:
.L_overlay_start_0:
0x88: {  	s2 =	sld [smem:$0x3FD9]  }
0x89: {  	s3 =	sld [smem:$0x3FFE];
	_ =	sdelay $0x1  }
0x8a: {  	s1 =	srdreg.scid  }
0x8b: {  	s0 =	sand.u32 $0x1, s1  }
0x8c: {  	s14 =	sshll.u32 s0, $0xA;
	s2 =	sadd.s32 s3, s2  }
0x8d: {  	s2 =	sadd.s32 s2, s14  }
0x8e: {  	[smem:$0x3FBE] =	sst s2  }
0x8f: {  	_ = 	snop  }
0x90: {  	s2 =	sld [smem:$0x3FD0];
	_ =	sdelay $0x2  }
0x91: {  	s4 =	simm.s32 $0xA;
	s5 =	simm.s32 $0x10;
	s15 =	sld [smem:$0x3FC0]  }
0x92: {  	[smem:s5], [sflag:s4] =	dma.local [hbm:s2], $0x1  }
0x93: {  	_ =	swait.eq [sflag:s4], $0x1  }
0x94: {  	[sflag:s4] =	ssyncset.done $0x0  }
0x95: {  	s16 =	sld [smem:$0x10];
	[sflag:s4] =	ssyncadd.s32 $0xFFFFFFFF  }
0x96: {  	s17 =	sld [smem:$0x11];
	(tm) =	ssettm $0x1  }
0x97: {  	s18 =	sld [smem:$0x3FFB];
	_ =	sdelay $0x3  }
0x98: {  	_ =	strace s18  }
0x99: {  	s5 =	sld [smem:$0x3FFC];
	_ =	sdelay $0x3  }
0x9a: {  	_ =	strace s5  }
0x9b: {  	s5 =	sld [smem:$0x3FFD];
	_ =	sdelay $0x3  }
0x9c: {  	_ =	strace s5  }
0x9d: {  	_ =	strace $0x8FFFFFFF  }
0x9e: {  	s19 =	sld [smem:$0x3FDB];
	_ =	sdelay $0x1  }
0x9f: {  	s6 =	simm.s32 $_scs_section_size  }
0xa0: {  	s7 =	simm.s32 $_size__tile_overlayer_lowered;
	s8 =	simm.s32 $_tile_overlayer_lowered  }
0xa1: {  	s22 =	simm.s32 $0x1BFF;
	s21 =	sshll.u32 s8, $0x1;
	s5 =	sadd.s32 s6, s19  }
0xa2: {  	s9 =	simm.s32 $0x0;
	s20 =	sshll.u32 s7, $0x1;
	s7 =	sadd.s32 s21, s5  }
0xa3: {  	[timem:s9], [sflag:s22] =	dma.local [hbm:s7], s20  }
0xa4: {  	_ =	swait.ge [sflag:s22], s20  }
0xa5: {  	s6 =	ssub.s32 $0x0, s20;
	[sflag:s22] =	ssyncset.done $0x0  }
0xa6: {  	[sflag:s22] =	ssyncadd.s32 s6;
	_ =	sdelay $0x1  }
0xa7: {  	s23 =	simm.s32 $0x1B8B  }
0xa8: {  	_ =	swait.ge [sflag:s23], $0x1  }
0xa9: {  	[sflag:s23] =	ssyncset.done $0x0  }
0xaa: {  	s25 =	simm.s32 $0x1B8E;
	s24 =	sld [smem:$0x3FFE];
	[sflag:s23] =	ssyncadd.s32 $0xFFFFFFFF  }
0xab: {  	s26 =	simm.s32 $execute0_lowered;
	[smem:$0x3FD2] =	sst s25  }
0xac: {  	s7 =	sshll.u32 s26, $0x1;
	_ =	strace $0x80000046;
	[dreg:$0x1] =	wrdreg $0xFFFFFFFF  }
0xad: {  	s28 =	simm.s32 $_size_execute0_lowered;
	s5 =	sadd.s32 s5, s7;
	[dreg:$0x0] =	wrdreg $0x0  }
0xae: {  	s7 =	sshll.u32 s28, $0x1;
	[dreg:$0x2] =	wrdreg s5  }
0xaf: {  	[dreg:$0x3] =	wrdreg s7  }
0xb0: {  	[dreg:$0x4] =	wrdreg $0xC0  }
0xb1: {  	_ =	task [dreg:s9], $0x5FFFF  }
0xb2: {  	[dreg:$0x1] =	wrdreg $0xFFFFFFFF  }
0xb3: {  	[dreg:$0x0] =	wrdreg $0x60  }
0xb4: {  	[dreg:$0x2] =	wrdreg s17  }
0xb5: {  	[dreg:$0x3] =	wrdreg s16  }
0xb6: {  	[dreg:$0x4] =	wrdreg s24  }
0xb7: {  	[dreg:$0x5] =	wrdreg s15  }
0xb8: {  	[dreg:$0x6] =	wrdreg $0x126000  }
0xb9: {  	[dreg:$0x7] =	wrdreg $0x9  }
0xba: {  	_ =	task.clear_ibuf [dreg:s9], $0x8FFFF;
	_ =	strace $0x90000046  }
0xbb: {  	s29 =	simm.s32 $0x9;
	_ =	strace $0x80000048  }
0xbc: {  	_ =	swait.ge [sflag:s29], $0x1  }
0xbd: {  	[sflag:s29] =	ssyncadd.s32 $0xFFFFFFFF  }
0xbe: {  	_ =	strace $0x90000048  }
0xbf: {  	_ =	sfence  }
0xc0: {  	s30 =	sld [smem:$0x0];
	_ =	sdelay $0x2  }
0xc1: {  	s31 =	sshll.u32 s1, $0xD;
	s1 =	sshrl.u32 s1, $0x2  }
0xc2: {  	s3 =	sand.u32 $0x4000, s31;
	s1 =	sadd.s32 s1, s30  }
0xc3: {  	s0 =	sor.u32 s3, s0;
	s1 =	sshll.u32 s1, $0x11  }
0xc4: {  	s0 =	sor.u32 s1, s0  }
0xc5: {  	s0 =	sadd.s32 $0x8F2B, s0  }
0xc6: {  	[sflag:s0] =	ssyncadd.remote.s32 $0x1  }
0xc7: {  	_ =	sfence.sel $0xFFFF  }
0xc8: {  	[dreg:$0x0] =	wrdreg $0xFFFFFFFF;
	(pc) =	sbr.abs _section_cstart, $3  }
0xc9: {  	[dreg:$0x1] =	wrdreg $0xFFFFFFFF  }
0xca: {  	_ =	task.clear_ibuf [dreg:s9], $0x2FFFF;
	_ =	strace $0x9FFFFFFF  }
0xcb: {  	(tm) =	ssettm $0x7FFFFFFF  }
tec
execute0_lowered:
.L_overlay_start_1:
0x0: {  	(tag) =	ssettag $0x1  }
0x1: {  	s1 =	rddreg [dreg:$0x0]  }
0x2: {  	s0 =	rddreg [dreg:$0x2]  }
0x3: {  	s12 =	rddreg [dreg:$0x3]  }
0x4: {  	s4 =	rddreg [dreg:$0x4];
	s2 =	srdreg.scid  }
0x5: {  	s6 =	simm.s32 $0x0;
	s10 =	stileid.u32;
	s28 =	simm.s32 $0x6  }
0x6: {  	s29 =	simm.s32 $0x8600;
	s30 =	simm.s32 $0xC600;
	s31 =	simm.s32 $0x300  }
0x7: {  	s2 =	sand.u32 $0x1, s2;
	[smem:$0x7FF] =	sst s6;
	s14 =	sadd.s32 $0xA600, s0  }
0x8: {  	s15 =	sadd.s32 $0x2600, s0;
	s13 =	sadd.s32 $0x16600, s0;
	s16 =	sadd.s32 $0x12600, s0  }
0x9: {  	s17 =	sadd.s32 $0x1E600, s0;
	_ =	strace $0x80000047;
	[dreg:$0x8] =	wrdreg s13  }
0xa: {  	s18 =	sadd.s32 $0x1A600, s0;
	s8 =	sshll.u32 s10, $0xC;
	[dreg:$0x9] =	wrdreg s16  }
0xb: {  	s23 =	sshll.u32 s10, $0xF;
	s3 =	sshll.u32 s2, $0x4;
	[dreg:$0xa] =	wrdreg s17  }
0xc: {  	s9 =	ssub.s32 $0x2, s2;
	s8 =	sadd.s32 s8, s0;
	[dreg:$0xb] =	wrdreg s18  }
0xd: {  	s20 =	sadd.s32 s23, s4;
	s2 =	sshll.u32 s2, $0x10;
	[dreg:$0x6] =	wrdreg s14  }
0xe: {  	[dreg:$0x7] =	wrdreg s15;
	s3 =	sor.u32 s10, s3;
	s2 =	sadd.s32 s2, s8  }
0xf: {  	[dreg:$0xc] =	wrdreg s20;
	s24 =	sshll.u32 s3, $0xA;
	s2 =	sadd.s32 $0x22600, s2  }
0x10: {  	s7 =	sshll.u32 s10, $0x7;
	s11 =	sadd.s32 s14, s24;
	[dreg:$0x1f] =	wrdreg s2  }
0x11: {  	s22 =	sshrl.u32 s9, $0x1;
	s26 =	sadd.s32 s15, s24;
	[dreg:$0xd] =	wrdreg s11  }
0x12: {  	s25 =	sshll.u32 s3, $0xD;
	s10 =	sadd.s32 s12, s24;
	[dreg:$0xe] =	wrdreg s26  }
0x13: {  	s19 =	sor.u32 $0x10, s24;
	s24 =	sor.u32 $0x100, s25;
	[dreg:$0xf] =	wrdreg s10  }
0x14: {  	s5 =	sshll.u32 s3, $0xC;
	s21 =	sadd.s32 s14, s19;
	[dreg:$0x13] =	wrdreg s24  }
0x15: {  	s3 =	sshll.u32 s3, $0x9;
	s23 =	sadd.s32 s12, s19;
	[dreg:$0x10] =	wrdreg s21  }
0x16: {  	s11 =	sor.u32 $0x180, s25;
	s25 =	sadd.s32 s13, s3;
	[dreg:$0x12] =	wrdreg s23  }
0x17: {  	s7 =	sor.u32 s7, s5;
	s26 =	sadd.s32 s16, s3;
	[dreg:$0x15] =	wrdreg s25  }
0x18: {  	s2 =	simm.s32 $0x1;
	s24 =	sor.u32 $0x180, s5;
	[dreg:$0x16] =	wrdreg s26  }
0x19: {  	s7 =	sand.u32 $0x18380, s7;
	s10 =	sor.u32 $0x10, s3;
	[dreg:$0x1e] =	wrdreg s24  }
0x1a: {  	s7 =	sshrl.u32 s7, $0x3;
	s13 =	sadd.s32 s13, s10;
	[dreg:$0x14] =	wrdreg s11  }
0x1b: {  	s21 =	sadd.s32 s17, s10;
	s23 =	sor.u32 $0x100, s5;
	[dreg:$0x19] =	wrdreg s13  }
0x1c: {  	s26 =	sadd.s32 $0x4000, s20;
	s24 =	simm.s32 $0x180;
	[dreg:$0x1b] =	wrdreg s21  }
0x1d: {  	s5 =	simm.s32 $0x2;
	s0 =	sadd.s32 s7, s0;
	[dreg:$0x1d] =	wrdreg s23  }
0x1e: {  	s7 =	ssub.s32 s9, s22;
	s22 =	sadd.s32 s15, s19;
	[smem:$0x7FD] =	sst s26  }
0x1f: {  	s9 =	sadd.s32 s17, s3;
	s3 =	sadd.s32 s18, s3;
	[dreg:$0x11] =	wrdreg s22  }
0x20: {  	s19 =	sadd.s32 s16, s10;
	s16 =	simm.s32 $0x10600;
	[dreg:$0x17] =	wrdreg s9  }
0x21: {  	s23 =	simm.s32 $0x100;
	s13 =	simm.s32 $0x500;
	[dreg:$0x18] =	wrdreg s3  }
.Ltmp0:
0x22: {  	s17 =	simm.s32 $0x11600;
	[dreg:$0x1a] =	wrdreg s19;
	(pc) =	sbr.rel .LBB2_1-.Ltmp0, $4  }
0x23: {  	s22 =	sadd.s32 s18, s10;
	s0 =	sadd.s32 $0x42600, s0;
	s25 =	smax.u32 s7, $0x1  }
0x24: {  	s7 =	simm.s32 $0x7;
	s19 =	simm.s32 $0x80;
	[dreg:$0x1c] =	wrdreg s22  }
0x25: {  	s18 =	simm.s32 $0x580;
	s3 =	simm.s32 $0x0;
	[smem:$0x7FB] =	sst s0  }
0x26: {  	v0 =	vimm.f32 $0.0e+00;
	[smem:$0x7FC] =	sst s25;
	s22 =	simm.s32 $0x400;
	s25 =	simm.s32 $0x480  }
.LBB2_19:
0x27: {  	s31 =	simm.s32 $0x300  }
0x28: {  	[spmem:s4] =	stream.indirect.scatter.add.f32 [tilespmem:s30], [sflag:$0x4], $0x80, s31, s19, $0xb8;
	[tilespmem:$0x1A600] =	vst v63  }
0x29: {  	s0 =	simm.s32 $0x380;
	s12 =	simm.s32 $0x4  }
0x2a: {  	[spmem:s4] =	stream.indirect.scatter.add.f32 [tilespmem:s29], [sflag:$0x4], $0x80, s0, s19, $0xb8;
	[tilespmem:$0x1A600] =	vst v63  }
0x2b: {  	_ =	swait.ge [sflag:s12], $0x4000  }
0x2c: {  	[sflag:s12] =	ssyncset.done $0x0  }
0x2d: {  	[sflag:s12] =	ssyncadd.s32 $0xFFFFC000  }
0x2e: {  	_ =	swait.ge [sflag:s12], $0x4000  }
0x2f: {  	[sflag:s12] =	ssyncset.done $0x0  }
0x30: {  	[sflag:s12] =	ssyncadd.s32 $0xFFFFC000  }
0x31: {  	s14 =	stileid.u32;
	[bflag:$0x0] =	sbarrier.arrive $0xFFFF  }
0x32: {  	s0 =	sshll.u32 s14, $0x6;
	s20 =	rddreg [dreg:$0xc]  }
0x33: {  	s0 =	sor.u32 $0x1C07, s0;
	s7 =	rddreg [dreg:$0x1f];
	s3 =	sshrl.u32 s20, $0x3  }
0x34: {  	[hbm:s7], [sflag:s0] =	dma.local [spmem:s3], $0x1000  }
0x35: {  	s7 =	simm.s32 $0x7  }
0x36: {  	_ =	swait.ge [sflag:s7], $0x1000  }
0x37: {  	s15 =	sld [smem:$0x7FB]  }
0x38: {  	[sflag:s7] =	ssyncset.done $0x0  }
0x39: {  	[sflag:s7] =	ssyncadd.s32 $0xFFFFF000  }
0x3a: {  	[hbm4b:s15+s19] =	stream.strided.scatter [tilespmem:s17], [sflag:$0x7], $0x1000, s22, s19, $0x38;
	[tilespmem:$0x1A600] =	vst v63  }
0x3b: {  	_ =	swait.ge [sflag:s7], $0x1000  }
0x3c: {  	s21 =	sld [smem:$0x7FA]  }
0x3d: {  	s26 =	sld [smem:$0x7FC];
	_ =	sdelay $0x1  }
0x3e: {  	s3 =	sadd.s32 $0x1, s21  }
0x3f: {  	p0 =	sne.s32 s3, s26  }
.Ltmp1:
0x40: {  	_ = 	snop;
	(pc) =	sbr.rel @!p0 .LBB2_20-.Ltmp1, $4  }
0x41: {  	s14 =	rddreg [dreg:$0x6]  }
0x42: {  	[sflag:s7] =	ssyncset.done $0x0;
	s15 =	rddreg [dreg:$0x7]  }
0x43: {  	s11 =	rddreg [dreg:$0x14];
	[sflag:s7] =	ssyncadd.s32 $0xFFFFF000  }
0x44: {  	v0 =	vimm.f32 $0.0e+00;
	s12 =	rddreg [dreg:$0x3]  }
.LBB2_1:
0x45: {  	[smem:$0x7FA] =	sst s3  }
0x46: {  	s0 =	rddreg [dreg:$0x1]  }
0x47: {  	[tilespmem:s16], [sflag:$0x7] =	stream.linear.gather [hbm4b:s0+s6], $0x1000, $0x38;
	[tilespmem:$0x1A600] =	vst v63  }
0x48: {  	_ =	swait.ge [sflag:s7], $0x1000  }
0x49: {  	[sflag:s7] =	ssyncset.done $0x0  }
0x4a: {  	s3 =	simm.s32 $0x200;
	s0 =	simm.s32 $0x0;
	[sflag:s7] =	ssyncadd.s32 $0xFFFFF000  }
.LBB2_2:
0x4b: {  	p0 =	sne.s32 s3, $0xFE00;
	[tilespmem:s0+$0x670] =	vst v0  }
0x4c: {  	[tilespmem:s0+$0x600] =	vst v0  }
0x4d: {  	[tilespmem:s0+$0x610] =	vst v0  }
.Ltmp2:
0x4e: {  	[tilespmem:s0+$0x620] =	vst v0;
	(pc) =	sbr.rel @p0 .LBB2_2-.Ltmp2, $4  }
0x4f: {  	[tilespmem:s0+$0x630] =	vst v0  }
0x50: {  	[tilespmem:s0+$0x640] =	vst v0  }
0x51: {  	[tilespmem:s0+$0x650] =	vst v0  }
0x52: {  	[tilespmem:s0+$0x660] =	vst v0;
	s0 =	sshra.s32 s3, $0x2;
	s3 =	sadd.s32 $0x200, s3  }
0x53: {  	[tilespmem:s0+$0x670] =	vst v0  }
0x54: {  	[tilespmem:s0+$0x600] =	vst v0  }
0x55: {  	[tilespmem:s0+$0x610] =	vst v0  }
0x56: {  	[tilespmem:s0+$0x620] =	vst v0  }
0x57: {  	[tilespmem:s0+$0x630] =	vst v0  }
0x58: {  	[tilespmem:s0+$0x640] =	vst v0  }
0x59: {  	[tilespmem:s0+$0x650] =	vst v0  }
0x5a: {  	[tilespmem:s0+$0x660] =	vst v0;
	s0 =	simm.s32 $0x40;
	s3 =	simm.s32 $0x0  }
.LBB2_4:
0x5b: {  	p0 =	sne.s32 s0, $0x3FC0;
	[tilespmem:s3+$0x11600] =	vst v0;
	s3 =	smov.u32 s0;
	s0 =	sadd.s32 $0x40, s0  }
.Ltmp3:
0x5c: {  	(pc) =	sbr.rel @p0 .LBB2_4-.Ltmp3, $2  }
0x5d: {  	_ =	sdelay $0x2  }
0x5e: {  	s3 =	sshra.s32 s3, $0x2  }
0x5f: {  	[tilespmem:s3+$0x11600] =	vst v0;
	s3 =	simm.s32 $0x600  }
0x60: {  	[spmem:s20] =	stream.linear.scatter [tilespmem:s3], [sflag:$0x7], $0x4000, $0x38;
	[tilespmem:$0x1A600] =	vst v63  }
0x61: {  	_ =	swait.ge [sflag:s7], $0x4000  }
0x62: {  	s0 =	sld [smem:$0x7FD]  }
0x63: {  	[sflag:s7] =	ssyncset.done $0x0  }
0x64: {  	[sflag:s7] =	ssyncadd.s32 $0xFFFFC000  }
0x65: {  	[spmem:s0] =	stream.linear.scatter [tilespmem:s3], [sflag:$0x7], $0x4000, $0x38;
	[tilespmem:$0x1A600] =	vst v63  }
0x66: {  	_ =	swait.ge [sflag:s7], $0x4000  }
0x67: {  	[sflag:s7] =	ssyncset.done $0x0  }
0x68: {  	[sflag:s7] =	ssyncadd.s32 $0xFFFFC000  }
0x69: {  	[bflag:$0x0] =	sbarrier.arrive $0xFFFF  }
0x6a: {  	s26 =	simm.s32 $0x0;
	s20 =	rddreg [dreg:$0xd]  }
0x6b: {  	[tilespmem:s26], [sflag:$0x5] =	stream.linear.gather [hbm4b:s20+s26], $0x80, $0x38;
	[tilespmem:$0x1A600] =	vst v63  }
0x6c: {  	s21 =	rddreg [dreg:$0xe]  }
0x6d: {  	[tilespmem:s19], [sflag:$0x5] =	stream.linear.gather [hbm4b:s21+s26], $0x80, $0x38;
	[tilespmem:$0x1A600] =	vst v63  }
0x6e: {  	s7 =	rddreg [dreg:$0xf]  }
0x6f: {  	[tilespmem:s22], [sflag:$0x5] =	stream.linear.gather [hbm4b:s7+s26], $0x80, $0x38;
	[tilespmem:$0x1A600] =	vst v63  }
0x70: {  	s8 =	rddreg [dreg:$0x10]  }
0x71: {  	[tilespmem:s23], [sflag:$0x6] =	stream.linear.gather [hbm4b:s8+s26], $0x80, $0x38;
	[tilespmem:$0x1A600] =	vst v63  }
0x72: {  	s9 =	rddreg [dreg:$0x11]  }
0x73: {  	[tilespmem:s24], [sflag:$0x6] =	stream.linear.gather [hbm4b:s9+s26], $0x80, $0x38;
	[tilespmem:$0x1A600] =	vst v63  }
0x74: {  	s10 =	rddreg [dreg:$0x12];
	s20 =	simm.s32 $0x5  }
0x75: {  	[tilespmem:s25], [sflag:$0x6] =	stream.linear.gather [hbm4b:s10+s26], $0x80, $0x38;
	[tilespmem:$0x1A600] =	vst v63  }
0x76: {  	_ =	swait.ge [sflag:s20], $0x80  }
0x77: {  	[sflag:s20] =	ssyncset.done $0x0  }
0x78: {  	[sflag:s20] =	ssyncadd.s32 $0xFFFFFF80  }
0x79: {  	_ =	swait.ge [sflag:s20], $0x80  }
0x7a: {  	[sflag:s20] =	ssyncset.done $0x0  }
0x7b: {  	[sflag:s20] =	ssyncadd.s32 $0xFFFFFF80  }
0x7c: {  	_ =	swait.ge [sflag:s20], $0x80  }
0x7d: {  	[sflag:s20] =	ssyncset.done $0x0  }
0x7e: {  	[sflag:s20] =	ssyncadd.s32 $0xFFFFFF80  }
0x7f: {  	[tilespmem:s3], [sflag:$0x1] =	stream.indirect.gather [hbm4b:s1+s19], $0x80, s26, s19, $0xb8;
	[tilespmem:$0x1A600] =	vst v63  }
0x80: {  	s21 =	simm.s32 $0x4600;
	s10 =	rddreg [dreg:$0x13];
	s20 =	simm.s32 $0x600  }
0x81: {  	[tilespmem:s21], [sflag:$0x1] =	stream.indirect.gather [hbm4b:s1+s19], $0x80, s19, s19, $0xb8;
	[tilespmem:$0x1A600] =	vst v63  }
.LBB2_6:
0x82: {  	p0 =	seq.s32 s26, $0x0  }
0x83: {  	s0 =	simm.s32 @!p0 $0x4  }
0x84: {  	_ =	swait.ge @!p0 [sflag:s0], $0x4000  }
0x85: {  	[sflag:s0] =	ssyncset.done @!p0 $0x0  }
0x86: {  	[sflag:s0] =	ssyncadd.s32 @!p0 $0xFFFFC000  }
0x87: {  	_ =	swait.ge @!p0 [sflag:s0], $0x4000  }
0x88: {  	[sflag:s0] =	ssyncset.done @!p0 $0x0  }
0x89: {  	[sflag:s0] =	ssyncadd.s32 @!p0 $0xFFFFC000  }
0x8a: {  	_ =	swait.ge [sflag:s28], $0x80  }
0x8b: {  	[sflag:s28] =	ssyncset.done $0x0  }
0x8c: {  	[sflag:s28] =	ssyncadd.s32 $0xFFFFFF80  }
0x8d: {  	_ =	swait.ge [sflag:s28], $0x80  }
0x8e: {  	[sflag:s28] =	ssyncset.done $0x0  }
0x8f: {  	[sflag:s28] =	ssyncadd.s32 $0xFFFFFF80  }
0x90: {  	_ =	swait.ge [sflag:s28], $0x80  }
0x91: {  	[sflag:s28] =	ssyncset.done $0x0  }
0x92: {  	[sflag:s28] =	ssyncadd.s32 $0xFFFFFF80  }
0x93: {  	[tilespmem:s29], [sflag:$0x2] =	stream.indirect.gather [hbm4b:s1+s19], $0x80, s23, s19, $0xb8;
	[tilespmem:$0x1A600] =	vst v63  }
0x94: {  	_ = 	snop  }
0x95: {  	[tilespmem:s30], [sflag:$0x2] =	stream.indirect.gather [hbm4b:s1+s19], $0x80, s24, s19, $0xb8;
	[tilespmem:$0x1A600] =	vst v63  }
0x96: {  	_ =	swait.ge [sflag:s2], $0x4000  }
0x97: {  	[sflag:s2] =	ssyncset.done $0x0  }
0x98: {  	[sflag:s2] =	ssyncadd.s32 $0xFFFFC000  }
0x99: {  	_ =	swait.ge [sflag:s2], $0x4000  }
0x9a: {  	[sflag:s2] =	ssyncset.done $0x0  }
0x9b: {  	[sflag:s2] =	ssyncadd.s32 $0xFFFFC000  }
0x9c: {  	v0 =	vld [tilespmem:$0x0]  }
0x9d: {  	v1 =	vld [tilespmem:$0x80]  }
0x9e: {  	v2 =	vld [tilespmem:$0x10]  }
0x9f: {  	v3 =	vld [tilespmem:$0x90]  }
0xa0: {  	v4 =	vld [tilespmem:$0x20]  }
0xa1: {  	v53 =	vld [tilespmem:$0xA0];
	[tilespmem:$0x200] =	vst v0  }
0xa2: {  	v54 =	vld [tilespmem:$0x30];
	[tilespmem:$0x280] =	vst v1  }
0xa3: {  	v55 =	vld [tilespmem:$0xB0];
	[tilespmem:$0x210] =	vst v2  }
0xa4: {  	v56 =	vld [tilespmem:$0x40];
	[tilespmem:$0x290] =	vst v3  }
0xa5: {  	v57 =	vld [tilespmem:$0xC0];
	[tilespmem:$0x220] =	vst v4  }
0xa6: {  	v58 =	vld [tilespmem:$0x50];
	[tilespmem:$0x2A0] =	vst v53  }
0xa7: {  	v59 =	vld [tilespmem:$0xD0];
	[tilespmem:$0x230] =	vst v54  }
0xa8: {  	v60 =	vld [tilespmem:$0x60];
	[tilespmem:$0x2B0] =	vst v55  }
0xa9: {  	v61 =	vld [tilespmem:$0xE0];
	[tilespmem:$0x240] =	vst v56  }
0xaa: {  	v62 =	vld [tilespmem:$0x70];
	[tilespmem:$0x2C0] =	vst v57  }
0xab: {  	v63 =	vld [tilespmem:$0xF0];
	[tilespmem:$0x250] =	vst v58  }
0xac: {  	[tilespmem:$0x2D0] =	vst v59  }
0xad: {  	[tilespmem:$0x260] =	vst v60  }
0xae: {  	[tilespmem:$0x2E0] =	vst v61  }
0xaf: {  	[tilespmem:$0x270] =	vst v62  }
0xb0: {  	s21 =	simm.s32 $0x0;
	[tilespmem:$0x2F0] =	vst v63  }
.LBB2_7:
0xb1: {  	s3 =	sshll.u32 s21, $0x7  }
0xb2: {  	v1 =	vld [tilespmem:s3+$0x600]  }
0xb3: {  	v3 =	vld [tilespmem:s3+$0x610]  }
0xb4: {  	v8 =	vld [tilespmem:s3+$0x620]  }
0xb5: {  	v10 =	vld [tilespmem:s3+$0x4600]  }
0xb6: {  	v11 =	vld [tilespmem:s3+$0x4610]  }
0xb7: {  	v13 =	vld [tilespmem:s3+$0x630]  }
0xb8: {  	v14 =	vld [tilespmem:s3+$0x4620]  }
0xb9: {  	v15 =	vld [tilespmem:s3+$0x640]  }
0xba: {  	v16 =	vld [tilespmem:s3+$0x4630]  }
0xbb: {  	v18 =	vld [tilespmem:s3+$0x650];
	v2 =	vmul.f32 v10, v1;
	v4 =	vmul.f32 v11, v3  }
0xbc: {  	v19 =	vld [tilespmem:s3+$0x4640]  }
0xbd: {  	v0 =	vmov s21;
	v20 =	vld [tilespmem:s3+$0x660];
	v44 =	vmul.f32 v14, v8;
	v2 =	vadd.f32 v4, v2  }
0xbe: {  	v0 =	vand.u32 $0xFFFFFFF0, v0;
	v21 =	vld [tilespmem:s3+$0x4650]  }
0xbf: {  	v22 =	vld [tilespmem:s3+$0x670];
	v0 =	vbroadcast v0, $0x0;
	v45 =	vmul.f32 v16, v13;
	v2 =	vadd.f32 v44, v2  }
0xc0: {  	s7 =	sor.u32 $0x1, s21;
	v23 =	vld [tilespmem:s3+$0x4660]  }
0xc1: {  	v24 =	vld [tilespmem:s3+$0x4670];
	s0 =	sshll.u32 s7, $0x7;
	v46 =	vmul.f32 v19, v15;
	v2 =	vadd.f32 v45, v2  }
0xc2: {  	v26 =	vld [tilespmem:s0+$0x600]  }
0xc3: {  	v27 =	vld [tilespmem:s0+$0x610];
	v48 =	vmul.f32 v21, v18;
	v47 =	vadd.f32 v46, v2  }
0xc4: {  	v28 =	vld [tilespmem:s0+$0x4600]  }
0xc5: {  	v49 =	vmul.f32 v23, v20;
	v25 =	vld.idx.msk [tilespmem:v0+s22+$0x0], $0xffff;
	v0 =	vadd.f32 v48, v47  }
0xc6: {  	v29 =	vld [tilespmem:s0+$0x4610]  }
0xc7: {  	v30 =	vld [tilespmem:s0+$0x620];
	v50 =	vmul.f32 v24, v22;
	v0 =	vadd.f32 v49, v0  }
0xc8: {  	v31 =	vld [tilespmem:s0+$0x4620]  }
0xc9: {  	v12 =	vld [tilespmem:s0+$0x630];
	v0 =	vadd.f32 v50, v0  }
0xca: {  	v32 =	vld [tilespmem:s0+$0x4630]  }
0xcb: {  	v5 =	vld [tilespmem:s0+$0x640];
	v51 =	vmul.f32 v28, v26;
	v52 =	vmul.f32 v29, v27;
	(xrf2) =	vadd.scan.msk.f32 $0xffff, v0  }
0xcc: {  	v17 =	vld [tilespmem:s0+$0x4640]  }
0xcd: {  	v6 =	vld [tilespmem:s0+$0x650];
	v53 =	vmul.f32 v31, v30;
	v0 =	vadd.f32 v52, v51  }
0xce: {  	v9 =	vld [tilespmem:s0+$0x4650]  }
0xcf: {  	v7 =	vld [tilespmem:s0+$0x4660];
	v33 =	vmul.f32 v32, v12;
	v4 =	vadd.f32 v53, v0  }
0xd0: {  	v2 =	vld [tilespmem:s0+$0x660]  }
0xd1: {  	v34 =	vmul.f32 v17, v5;
	v0 =	vld [tilespmem:s0+$0x670];
	v33 =	vadd.f32 v33, v4  }
0xd2: {  	v4 =	vld [tilespmem:s0+$0x4670]  }
0xd3: {  	v54 =	vmul.f32 v9, v6;
	v33 =	vadd.f32 v34, v33;
	_ =	sdelay $0x1  }
0xd4: {  	v55 =	vmul.f32 v7, v2;
	v33 =	vadd.f32 v54, v33;
	v35, _, _ =	vpop (xrf2)  }
0xd5: {  	v25 =	vsub.f32 $0.0e+00, v25;
	v35 =	vbroadcast v35, $0xF  }
0xd6: {  	v56 =	vmul.f32 v4, v0;
	v33 =	vadd.f32 v55, v33  }
0xd7: {  	v25 =	vmul.f32 v35, v25  }
0xd8: {  	v57 =	vmov s7;
	v33 =	vadd.f32 v56, v33  }
0xd9: {  	v34 =	vand.u32 $0xFFFFFFF1, v57;
	v10 =	vmul.f32 v25, v10  }
0xda: {  	v58 =	vbroadcast v34, $0x0;
	(xrf2) =	vadd.scan.msk.f32 $0xffff, v33;
	v1 =	vmul.f32 v25, v1  }
0xdb: {  	v59 =	vmul.f32 v25, v11;
	[tilespmem:s3+$0x4600] =	vst v10  }
0xdc: {  	v60 =	vmul.f32 v25, v3;
	[tilespmem:s3+$0x600] =	vst v1  }
0xdd: {  	v61 =	vmul.f32 v25, v14;
	[tilespmem:s3+$0x4610] =	vst v59  }
0xde: {  	v62 =	vmul.f32 v25, v8;
	[tilespmem:s3+$0x610] =	vst v60  }
0xdf: {  	v63 =	vmul.f32 v25, v16;
	[tilespmem:s3+$0x4620] =	vst v61  }
0xe0: {  	v13 =	vmul.f32 v25, v13;
	v14 =	vld.idx.msk [tilespmem:v58+s22+$0x0], $0xffff;
	[tilespmem:s3+$0x620] =	vst v62  }
0xe1: {  	v16 =	vmul.f32 v25, v19;
	[tilespmem:s3+$0x4630] =	vst v63  }
0xe2: {  	v19 =	vmul.f32 v25, v15;
	[tilespmem:s3+$0x630] =	vst v13  }
0xe3: {  	v33 =	vmul.f32 v25, v21;
	[tilespmem:s3+$0x4640] =	vst v16  }
0xe4: {  	v34 =	vmul.f32 v25, v18;
	[tilespmem:s3+$0x640] =	vst v19;
	v35, _, _ =	vpop (xrf2)  }
0xe5: {  	v36 =	vmul.f32 v25, v23;
	[tilespmem:s3+$0x4650] =	vst v33;
	v8 =	vsub.f32 $0.0e+00, v14;
	v10 =	vbroadcast v35, $0xF  }
0xe6: {  	v37 =	vmul.f32 v25, v20;
	[tilespmem:s3+$0x650] =	vst v34  }
0xe7: {  	v38 =	vmul.f32 v25, v24;
	[tilespmem:s3+$0x4660] =	vst v36;
	v23 =	vmul.f32 v10, v8  }
0xe8: {  	v39 =	vmul.f32 v25, v22;
	[tilespmem:s3+$0x660] =	vst v37  }
0xe9: {  	[tilespmem:s3+$0x4670] =	vst v38;
	v40 =	vmul.f32 v23, v28  }
0xea: {  	[tilespmem:s3+$0x670] =	vst v39;
	v41 =	vmul.f32 v23, v26  }
0xeb: {  	v42 =	vmul.f32 v23, v29;
	[tilespmem:s0+$0x4600] =	vst v40  }
0xec: {  	v43 =	vmul.f32 v23, v27;
	[tilespmem:s0+$0x600] =	vst v41  }
0xed: {  	v44 =	vmul.f32 v23, v31;
	[tilespmem:s0+$0x4610] =	vst v42  }
0xee: {  	v45 =	vmul.f32 v23, v30;
	[tilespmem:s0+$0x610] =	vst v43  }
0xef: {  	v46 =	vmul.f32 v23, v32;
	[tilespmem:s0+$0x4620] =	vst v44  }
0xf0: {  	s7 =	sor.u32 $0x2, s21;
	[tilespmem:s0+$0x620] =	vst v45  }
0xf1: {  	s8 =	sshll.u32 s7, $0x7;
	[tilespmem:s0+$0x4630] =	vst v46  }
0xf2: {  	v26 =	vld [tilespmem:s8+$0x600]  }
0xf3: {  	v29 =	vld [tilespmem:s8+$0x610]  }
0xf4: {  	v31 =	vld [tilespmem:s8+$0x620]  }
0xf5: {  	v18 =	vld [tilespmem:s8+$0x630]  }
0xf6: {  	v19 =	vld [tilespmem:s8+$0x640]  }
0xf7: {  	v27 =	vld [tilespmem:s8+$0x4600]  }
0xf8: {  	v32 =	vld [tilespmem:s8+$0x4610]  }
0xf9: {  	v20 =	vld [tilespmem:s8+$0x650]  }
0xfa: {  	v47 =	vmov s7;
	v41 =	vld [tilespmem:s8+$0x4620]  }
0xfb: {  	v1 =	vand.u32 $0xFFFFFFF2, v47;
	v14 =	vld [tilespmem:s8+$0x660]  }
0xfc: {  	v1 =	vbroadcast v1, $0x0;
	v42 =	vld [tilespmem:s8+$0x4630]  }
0xfd: {  	v13 =	vld [tilespmem:s8+$0x670];
	v48 =	vmul.f32 v27, v26;
	v49 =	vmul.f32 v32, v29  }
0xfe: {  	v43 =	vld [tilespmem:s8+$0x4640]  }
0xff: {  	v40 =	vld [tilespmem:s8+$0x4650];
	v50 =	vmul.f32 v41, v31;
	v3 =	vadd.f32 v49, v48  }
0x100: {  	v37 =	vld [tilespmem:s8+$0x4660]  }
0x101: {  	s9 =	sor.u32 $0x3, s21;
	v34 =	vld [tilespmem:s8+$0x4670];
	v51 =	vmul.f32 v42, v18;
	v3 =	vadd.f32 v50, v3  }
0x102: {  	s3 =	sshll.u32 s9, $0x7;
	v35 =	vld.idx.msk [tilespmem:v1+s22+$0x0], $0xffff  }
0x103: {  	v33 =	vld [tilespmem:s3+$0x600];
	v53 =	vmul.f32 v43, v19;
	v52 =	vadd.f32 v51, v3  }
0x104: {  	v15 =	vld [tilespmem:s3+$0x610]  }
0x105: {  	v10 =	vld [tilespmem:s3+$0x620];
	v54 =	vmul.f32 v40, v20;
	v1 =	vadd.f32 v53, v52  }
0x106: {  	v16 =	vld [tilespmem:s3+$0x630]  }
0x107: {  	v38 =	vld [tilespmem:s3+$0x4600];
	v55 =	vmul.f32 v37, v14;
	v1 =	vadd.f32 v54, v1  }
0x108: {  	v57 =	vmov s9;
	v36 =	vld [tilespmem:s3+$0x4610]  }
0x109: {  	v59 =	vand.u32 $0xFFFFFFF3, v57;
	v11 =	vld [tilespmem:s3+$0x640];
	v56 =	vmul.f32 v34, v13;
	v1 =	vadd.f32 v55, v1  }
0x10a: {  	v39 =	vbroadcast v59, $0x0;
	v30 =	vld [tilespmem:s3+$0x4620]  }
0x10b: {  	v8 =	vld [tilespmem:s3+$0x650];
	v1 =	vadd.f32 v56, v1  }
0x10c: {  	v28 =	vld [tilespmem:s3+$0x4630]  }
0x10d: {  	v24 =	vld [tilespmem:s3+$0x4640];
	(xrf2) =	vadd.scan.msk.f32 $0xffff, v1  }
0x10e: {  	v22 =	vld [tilespmem:s3+$0x4650];
	v58 =	vmul.f32 v38, v33;
	v60 =	vmul.f32 v36, v15  }
0x10f: {  	s9 =	sor.u32 $0x4, s21;
	v25 =	vld [tilespmem:s3+$0x4660]  }
0x110: {  	s7 =	sshll.u32 s9, $0x7;
	v17 =	vmul.f32 v23, v17;
	v46 =	vld.idx.msk [tilespmem:v39+s22+$0x0], $0xffff;
	v44 =	vmul.f32 v30, v10;
	v21 =	vadd.f32 v60, v58  }
0x111: {  	v62 =	vmul.f32 v23, v5;
	v5 =	vld [tilespmem:s7+$0x600]  }
0x112: {  	v12 =	vmul.f32 v23, v12;
	[tilespmem:s0+$0x4640] =	vst v17;
	v17 =	vld [tilespmem:s7+$0x610];
	v45 =	vmul.f32 v28, v16;
	v44 =	vadd.f32 v44, v21  }
0x113: {  	v3 =	vld [tilespmem:s3+$0x660]  }
0x114: {  	[tilespmem:s0+$0x630] =	vst v12;
	v12 =	vld [tilespmem:s7+$0x620];
	v61 =	vmul.f32 v24, v11;
	v44 =	vadd.f32 v45, v44  }
0x115: {  	v21 =	vld [tilespmem:s3+$0x4670]  }
0x116: {  	v9 =	vmul.f32 v23, v9;
	v48 =	vmul.f32 v22, v8;
	v63 =	vadd.f32 v61, v44;
	v1 =	vld [tilespmem:s3+$0x670]  }
0x117: {  	v6 =	vmul.f32 v23, v6;
	v7 =	vmul.f32 v23, v7;
	[tilespmem:s0+$0x640] =	vst v62;
	v47 =	vsub.f32 $0.0e+00, v35;
	v35 =	vld [tilespmem:s7+$0x4600];
	v49, _, _ =	vpop (xrf2)  }
0x118: {  	[tilespmem:s0+$0x4650] =	vst v9;
	v9 =	vld [tilespmem:s7+$0x630];
	v39 =	vadd.f32 v48, v63;
	v50 =	vmul.f32 v25, v3;
	v45 =	vbroadcast v49, $0xF  }
0x119: {  	v4 =	vmul.f32 v23, v4;
	[tilespmem:s0+$0x4660] =	vst v7;
	v7 =	vld [tilespmem:s7+$0x650]  }
0x11a: {  	v0 =	vmul.f32 v23, v0;
	[tilespmem:s0+$0x650] =	vst v6;
	v52 =	vadd.f32 v50, v39;
	v39 =	vld [tilespmem:s7+$0x4610];
	v45 =	vmul.f32 v45, v47  }
0x11b: {  	[tilespmem:s0+$0x4670] =	vst v4;
	v4 =	vld [tilespmem:s7+$0x660];
	v51 =	vmul.f32 v23, v2;
	v53 =	vmul.f32 v21, v1  }
0x11c: {  	[tilespmem:s0+$0x670] =	vst v0;
	v60 =	vmul.f32 v35, v5;
	v56 =	vmov s9;
	v55 =	vmul.f32 v45, v27;
	v27 =	vld [tilespmem:s7+$0x4620]  }
0x11d: {  	v0 =	vld [tilespmem:s7+$0x670];
	[tilespmem:s0+$0x660] =	vst v51;
	v6 =	vand.u32 $0xFFFFFFF4, v56;
	v54 =	vadd.f32 v53, v52;
	v57 =	vmul.f32 v45, v26  }
0x11e: {  	v6 =	vbroadcast v6, $0x0;
	v58 =	vmul.f32 v45, v32;
	v32 =	vld [tilespmem:s7+$0x4630];
	[tilespmem:s8+$0x4600] =	vst v55  }
0x11f: {  	v2 =	vld [tilespmem:s7+$0x640];
	v61 =	vmul.f32 v39, v17;
	(xrf2) =	vadd.scan.msk.f32 $0xffff, v54;
	v59 =	vmul.f32 v45, v29;
	[tilespmem:s8+$0x600] =	vst v57  }
0x120: {  	v62 =	vmul.f32 v45, v41;
	v29 =	vld [tilespmem:s7+$0x4640];
	[tilespmem:s8+$0x4610] =	vst v58  }
0x121: {  	v23 =	vadd.f32 v61, v60;
	v63 =	vmul.f32 v45, v31;
	v31 =	vld [tilespmem:s7+$0x4650];
	[tilespmem:s8+$0x610] =	vst v59;
	v48 =	vmul.f32 v27, v12  }
0x122: {  	v42 =	vmul.f32 v45, v42;
	v26 =	vld [tilespmem:s7+$0x4660];
	[tilespmem:s8+$0x4620] =	vst v62  }
0x123: {  	s9 =	sor.u32 $0x5, s21;
	v49 =	vmul.f32 v45, v18;
	v18 =	vld [tilespmem:s7+$0x4670];
	[tilespmem:s8+$0x620] =	vst v63;
	v50 =	vmul.f32 v32, v9;
	v23 =	vadd.f32 v48, v23  }
0x124: {  	s0 =	sshll.u32 s9, $0x7;
	v51 =	vmul.f32 v45, v43;
	v43 =	vld.idx.msk [tilespmem:v6+s22+$0x0], $0xffff;
	[tilespmem:s8+$0x4630] =	vst v42  }
0x125: {  	v52 =	vmul.f32 v45, v19;
	v19 =	vld [tilespmem:s0+$0x610];
	[tilespmem:s8+$0x630] =	vst v49;
	v54 =	vmul.f32 v29, v2;
	v53 =	vadd.f32 v50, v23  }
0x126: {  	v40 =	vmul.f32 v45, v40;
	v6 =	vld [tilespmem:s0+$0x630];
	v14 =	vmul.f32 v45, v14;
	[tilespmem:s8+$0x4640] =	vst v51  }
0x127: {  	v61 =	vmul.f32 v45, v13;
	v13 =	vld [tilespmem:s0+$0x640];
	[tilespmem:s8+$0x640] =	vst v52;
	v57 =	vmul.f32 v31, v7;
	v41 =	vadd.f32 v54, v53  }
0x128: {  	v34 =	vmul.f32 v45, v34;
	v55 =	vmul.f32 v45, v20;
	v20 =	vld [tilespmem:s0+$0x620];
	[tilespmem:s8+$0x4650] =	vst v40  }
0x129: {  	v58 =	vmul.f32 v45, v37;
	v37 =	vld [tilespmem:s0+$0x4600];
	[tilespmem:s8+$0x660] =	vst v14;
	v56, _, _ =	vpop (xrf2);
	v60 =	vmul.f32 v26, v4;
	v41 =	vadd.f32 v57, v41  }
0x12a: {  	v46 =	vsub.f32 $0.0e+00, v46;
	v40 =	vld [tilespmem:s0+$0x4610];
	[tilespmem:s8+$0x4670] =	vst v34;
	v59 =	vbroadcast v56, $0xF  }
0x12b: {  	v34 =	vld [tilespmem:s0+$0x4620];
	[tilespmem:s8+$0x670] =	vst v61;
	v62 =	vmul.f32 v18, v0;
	v41 =	vadd.f32 v60, v41  }
0x12c: {  	v14 =	vld [tilespmem:s0+$0x650];
	[tilespmem:s8+$0x650] =	vst v55;
	v48 =	vmov s9;
	s9 =	sor.u32 $0x6, s21;
	v46 =	vmul.f32 v59, v46  }
0x12d: {  	[tilespmem:s8+$0x4660] =	vst v58;
	s8 =	sshll.u32 s9, $0x7;
	v23 =	vld [tilespmem:s0+$0x600];
	v41 =	vadd.f32 v62, v41  }
0x12e: {  	v44 =	vld [tilespmem:s8+$0x4600];
	v38 =	vmul.f32 v46, v38  }
0x12f: {  	v33 =	vmul.f32 v46, v33;
	v63 =	vmul.f32 v46, v36;
	v36 =	vld [tilespmem:s0+$0x4630];
	(xrf2) =	vadd.scan.msk.f32 $0xffff, v41  }
0x130: {  	v52 =	vmul.f32 v40, v19;
	v49 =	vmul.f32 v46, v15;
	v15 =	vld [tilespmem:s0+$0x660];
	[tilespmem:s3+$0x4600] =	vst v38  }
0x131: {  	v30 =	vmul.f32 v46, v30;
	v59 =	vmul.f32 v46, v24;
	v24 =	vld [tilespmem:s8+$0x600];
	[tilespmem:s3+$0x600] =	vst v33  }
0x132: {  	v28 =	vmul.f32 v46, v28;
	v61 =	vmul.f32 v46, v22;
	v22 =	vld [tilespmem:s8+$0x610];
	[tilespmem:s3+$0x4610] =	vst v63  }
0x133: {  	v54 =	vmul.f32 v46, v10;
	v10 =	vld [tilespmem:s0+$0x670];
	[tilespmem:s3+$0x610] =	vst v49;
	v50 =	vmul.f32 v37, v23  }
0x134: {  	v16 =	vmul.f32 v46, v16;
	v38 =	vld [tilespmem:s0+$0x4640];
	[tilespmem:s3+$0x4620] =	vst v30  }
0x135: {  	v56 =	vmul.f32 v34, v20;
	v33 =	vld [tilespmem:s0+$0x4650];
	[tilespmem:s3+$0x4630] =	vst v28;
	v55 =	vadd.f32 v52, v50  }
0x136: {  	v51 =	vand.u32 $0xFFFFFFF5, v48;
	v11 =	vmul.f32 v46, v11;
	v30 =	vld [tilespmem:s0+$0x4660];
	[tilespmem:s3+$0x630] =	vst v16  }
0x137: {  	v53 =	vbroadcast v51, $0x0;
	v28 =	vld [tilespmem:s0+$0x4670];
	[tilespmem:s3+$0x4640] =	vst v59;
	v58 =	vmul.f32 v36, v6;
	v57 =	vadd.f32 v56, v55  }
0x138: {  	v8 =	vmul.f32 v46, v8;
	v25 =	vmul.f32 v46, v25;
	[tilespmem:s3+$0x640] =	vst v11;
	v16 =	vld [tilespmem:s8+$0x620]  }
0x139: {  	v21 =	vmul.f32 v46, v21;
	[tilespmem:s3+$0x4650] =	vst v61;
	v11 =	vld [tilespmem:s8+$0x630];
	v60 =	vmul.f32 v38, v13;
	v42 =	vadd.f32 v58, v57;
	v63, _, _ =	vpop (xrf2)  }
0x13a: {  	v43 =	vsub.f32 $0.0e+00, v43;
	[tilespmem:s3+$0x650] =	vst v8;
	v49 =	vmul.f32 v46, v3;
	v3 =	vld [tilespmem:s8+$0x640];
	v45 =	vbroadcast v63, $0xF  }
0x13b: {  	v8 =	vld [tilespmem:s8+$0x650];
	[tilespmem:s3+$0x620] =	vst v54;
	v54 =	vmov s9;
	v62 =	vmul.f32 v33, v14;
	v42 =	vadd.f32 v60, v42  }
0x13c: {  	v1 =	vmul.f32 v46, v1;
	[tilespmem:s3+$0x4660] =	vst v25;
	v46 =	vld [tilespmem:s8+$0x4630];
	v56 =	vand.u32 $0xFFFFFFF6, v54;
	v47 =	vmul.f32 v45, v43  }
0x13d: {  	[tilespmem:s3+$0x4670] =	vst v21;
	v48 =	vmul.f32 v30, v15;
	v41 =	vld.idx.msk [tilespmem:v53+s22+$0x0], $0xffff;
	v21 =	vbroadcast v56, $0x0;
	v42 =	vadd.f32 v62, v42  }
0x13e: {  	[tilespmem:s3+$0x670] =	vst v1;
	v45 =	vld [tilespmem:s8+$0x4610];
	v53 =	vmul.f32 v47, v35  }
0x13f: {  	v1 =	vld [tilespmem:s8+$0x670];
	s9 =	sor.u32 $0x7, s21;
	[tilespmem:s3+$0x660] =	vst v49;
	v51 =	vmul.f32 v28, v10;
	v50 =	vadd.f32 v48, v42;
	v55 =	vmul.f32 v47, v5  }
0x140: {  	s3 =	sshll.u32 s9, $0x7;
	v42 =	vld [tilespmem:s8+$0x4620];
	v39 =	vmul.f32 v47, v39;
	[tilespmem:s7+$0x4600] =	vst v53  }
0x141: {  	v25 =	vld [tilespmem:s3+$0x610];
	v52 =	vadd.f32 v51, v50;
	v17 =	vmul.f32 v47, v17;
	[tilespmem:s7+$0x600] =	vst v55  }
0x142: {  	v57 =	vmul.f32 v44, v24;
	v54 =	vsub.f32 $0.0e+00, v41;
	v41 =	vld [tilespmem:s3+$0x4640];
	v27 =	vmul.f32 v47, v27;
	[tilespmem:s7+$0x4610] =	vst v39  }
0x143: {  	v50 =	vld.idx.msk [tilespmem:v21+s22+$0x0], $0xffff;
	(xrf2) =	vadd.scan.msk.f32 $0xffff, v52;
	v12 =	vmul.f32 v47, v12;
	[tilespmem:s7+$0x610] =	vst v17;
	v48 =	vmul.f32 v45, v22  }
0x144: {  	v43 =	vld [tilespmem:s8+$0x4640];
	v60 =	vmul.f32 v47, v32;
	[tilespmem:s7+$0x4620] =	vst v27  }
0x145: {  	v59 =	vmul.f32 v42, v16;
	v5 =	vld [tilespmem:s8+$0x660];
	v9 =	vmul.f32 v47, v9;
	[tilespmem:s7+$0x620] =	vst v12;
	v58 =	vadd.f32 v48, v57  }
0x146: {  	v35 =	vld [tilespmem:s8+$0x4650];
	v63 =	vmul.f32 v47, v29;
	[tilespmem:s7+$0x4630] =	vst v60  }
0x147: {  	v62 =	vmul.f32 v46, v11;
	v32 =	vld [tilespmem:s8+$0x4660];
	v2 =	vmul.f32 v47, v2;
	[tilespmem:s7+$0x630] =	vst v9;
	v61 =	vadd.f32 v59, v58  }
0x148: {  	v29 =	vld [tilespmem:s3+$0x600];
	v7 =	vmul.f32 v47, v7;
	[tilespmem:s7+$0x4640] =	vst v63  }
0x149: {  	v52 =	vmul.f32 v47, v26;
	v27 =	vld [tilespmem:s8+$0x4670];
	[tilespmem:s7+$0x640] =	vst v2;
	v39 =	vmul.f32 v43, v3;
	v21 =	vadd.f32 v62, v61  }
0x14a: {  	v4 =	vmul.f32 v47, v4;
	v0 =	vmul.f32 v47, v0;
	v2 =	vld [tilespmem:s3+$0x630];
	[tilespmem:s7+$0x650] =	vst v7  }
0x14b: {  	[tilespmem:s7+$0x4660] =	vst v52;
	v17 =	vld [tilespmem:s3+$0x640];
	v63 =	vmov s9;
	v51 =	vmul.f32 v35, v8;
	v9 =	vadd.f32 v39, v21  }
0x14c: {  	[tilespmem:s7+$0x660] =	vst v4;
	v7 =	vand.u32 $0xFFFFFFF7, v63;
	v48 =	vmul.f32 v47, v31;
	v57 =	vmul.f32 v47, v18;
	v18 =	vld [tilespmem:s3+$0x650]  }
0x14d: {  	[tilespmem:s7+$0x670] =	vst v0;
	v56 =	vmul.f32 v32, v5;
	v47 =	vbroadcast v7, $0x0;
	v7 =	vld [tilespmem:s3+$0x670];
	v49, _, _ =	vpop (xrf2);
	v55 =	vadd.f32 v51, v9  }
0x14e: {  	s9 =	sor.u32 $0x8, s21;
	[tilespmem:s7+$0x4650] =	vst v48;
	v53 =	vbroadcast v49, $0xF;
	v48 =	vld [tilespmem:s3+$0x4600]  }
0x14f: {  	v49 =	vld [tilespmem:s3+$0x4610];
	v59 =	vmul.f32 v27, v1;
	[tilespmem:s7+$0x4670] =	vst v57;
	s7 =	sshll.u32 s9, $0x7;
	v58 =	vadd.f32 v56, v55  }
0x150: {  	v12 =	vld [tilespmem:s7+$0x630];
	v51 =	vmul.f32 v53, v54  }
0x151: {  	v21 =	vld [tilespmem:s3+$0x620];
	v4 =	vadd.f32 v59, v58  }
0x152: {  	v39 =	vld [tilespmem:s3+$0x4620];
	v60 =	vmul.f32 v51, v37  }
0x153: {  	v0 =	vld [tilespmem:s7+$0x670];
	v61 =	vmul.f32 v51, v23;
	(xrf2) =	vadd.scan.msk.f32 $0xffff, v4  }
0x154: {  	v31 =	vmul.f32 v48, v29;
	v62 =	vmul.f32 v51, v40;
	v40 =	vld [tilespmem:s3+$0x4630];
	[tilespmem:s0+$0x4600] =	vst v60  }
0x155: {  	v26 =	vmul.f32 v51, v19;
	v19 =	vld [tilespmem:s3+$0x660];
	v37 =	vmul.f32 v49, v25;
	[tilespmem:s0+$0x600] =	vst v61  }
0x156: {  	v52 =	vmul.f32 v51, v34;
	v34 =	vld [tilespmem:s3+$0x4660];
	[tilespmem:s0+$0x4610] =	vst v62  }
0x157: {  	v53 =	vmul.f32 v51, v20;
	v23 =	vld [tilespmem:s7+$0x610];
	v54 =	vmul.f32 v39, v21;
	[tilespmem:s0+$0x610] =	vst v26;
	v4 =	vadd.f32 v37, v31  }
0x158: {  	v55 =	vmul.f32 v51, v36;
	[tilespmem:s0+$0x4620] =	vst v52;
	v37 =	vld [tilespmem:s3+$0x4650]  }
0x159: {  	v63 =	vmul.f32 v51, v14;
	v14 =	vld [tilespmem:s7+$0x620];
	[tilespmem:s0+$0x620] =	vst v53;
	v56 =	vmul.f32 v40, v2;
	v4 =	vadd.f32 v54, v4  }
0x15a: {  	v57 =	vmul.f32 v51, v6;
	v6 =	vld [tilespmem:s7+$0x660];
	[tilespmem:s0+$0x4630] =	vst v55  }
0x15b: {  	v58 =	vmul.f32 v51, v38;
	v59 =	vmul.f32 v41, v17;
	v38 =	vld.idx.msk [tilespmem:v47+s22+$0x0], $0xffff;
	v4 =	vadd.f32 v56, v4  }
0x15c: {  	[tilespmem:s0+$0x630] =	vst v57;
	v60 =	vmul.f32 v51, v13;
	v61 =	vmul.f32 v51, v33;
	v31 =	vld [tilespmem:s3+$0x4670]  }
0x15d: {  	v26 =	vld [tilespmem:s7+$0x600];
	v33 =	vmul.f32 v51, v30;
	[tilespmem:s0+$0x650] =	vst v63;
	v62 =	vmul.f32 v37, v18;
	v4 =	vadd.f32 v59, v4;
	v36, _, _ =	vpop (xrf2)  }
0x15e: {  	v52 =	vmul.f32 v51, v15;
	v53 =	vsub.f32 $0.0e+00, v50;
	v50 =	vld [tilespmem:s7+$0x4600];
	[tilespmem:s0+$0x4640] =	vst v58;
	v13 =	vbroadcast v36, $0xF  }
0x15f: {  	[tilespmem:s0+$0x4660] =	vst v33;
	v33 =	vld [tilespmem:s7+$0x4660];
	v47 =	vmul.f32 v34, v19;
	v54 =	vmul.f32 v51, v28;
	v9 =	vadd.f32 v62, v4  }
0x160: {  	[tilespmem:s0+$0x640] =	vst v60;
	v56 =	vmul.f32 v51, v10;
	v51 =	vld [tilespmem:s7+$0x4610];
	v10 =	vmul.f32 v13, v53  }
0x161: {  	[tilespmem:s0+$0x4650] =	vst v61;
	v28 =	vld [tilespmem:s7+$0x4670];
	v55 =	vmul.f32 v31, v7;
	v9 =	vadd.f32 v47, v9  }
0x162: {  	[tilespmem:s0+$0x660] =	vst v52;
	v58 =	vmul.f32 v10, v44;
	v44 =	vld [tilespmem:s7+$0x4620]  }
0x163: {  	[tilespmem:s0+$0x4670] =	vst v54;
	v59 =	vmov s9;
	s9 =	sor.u32 $0x9, s21;
	v4 =	vld [tilespmem:s7+$0x640];
	v57 =	vadd.f32 v55, v9  }
0x164: {  	v61 =	vmul.f32 v50, v26;
	[tilespmem:s0+$0x670] =	vst v56;
	s0 =	sshll.u32 s9, $0x7;
	v47 =	vld [tilespmem:s7+$0x4630]  }
0x165: {  	v30 =	vld [tilespmem:s0+$0x600];
	v62 =	vmul.f32 v51, v23;
	(xrf2) =	vadd.scan.msk.f32 $0xffff, v57;
	v15 =	vmul.f32 v10, v24  }
0x166: {  	v13 =	vand.u32 $0xFFFFFFF8, v59;
	v60 =	vmul.f32 v10, v45;
	v45 =	vld [tilespmem:s7+$0x4640];
	[tilespmem:s8+$0x4600] =	vst v58  }
0x167: {  	v36 =	vld [tilespmem:s7+$0x4650];
	v22 =	vmul.f32 v10, v22;
	[tilespmem:s8+$0x600] =	vst v15;
	v15 =	vadd.f32 v62, v61;
	v24 =	vmul.f32 v44, v14  }
0x168: {  	v9 =	vld [tilespmem:s7+$0x650];
	v13 =	vbroadcast v13, $0x0;
	v63 =	vmul.f32 v10, v42;
	[tilespmem:s8+$0x4610] =	vst v60  }
0x169: {  	v20 =	vld [tilespmem:s0+$0x620];
	v42 =	vmul.f32 v10, v46;
	v46 =	vmul.f32 v47, v12;
	[tilespmem:s8+$0x610] =	vst v22;
	v15 =	vadd.f32 v24, v15  }
0x16a: {  	v56 =	vmul.f32 v10, v43;
	v3 =	vmul.f32 v10, v3;
	v43 =	vld [tilespmem:s0+$0x4600];
	[tilespmem:s8+$0x4620] =	vst v63  }
0x16b: {  	v11 =	vmul.f32 v10, v11;
	[tilespmem:s8+$0x4630] =	vst v42;
	v22 =	vld [tilespmem:s0+$0x610];
	v58 =	vmul.f32 v45, v4;
	v57 =	vadd.f32 v46, v15  }
0x16c: {  	v16 =	vmul.f32 v10, v16;
	v59 =	vmul.f32 v10, v35;
	[tilespmem:s8+$0x640] =	vst v3;
	v3 =	vld [tilespmem:s0+$0x630]  }
0x16d: {  	v8 =	vmul.f32 v10, v8;
	[tilespmem:s8+$0x630] =	vst v11;
	v61 =	vmul.f32 v36, v9;
	v42 =	vld [tilespmem:s0+$0x4630];
	v11 =	vadd.f32 v58, v57  }
0x16e: {  	[tilespmem:s8+$0x4640] =	vst v56;
	v62 =	vmul.f32 v10, v32;
	v56 =	vmul.f32 v10, v27;
	v27 =	vld [tilespmem:s0+$0x4670]  }
0x16f: {  	[tilespmem:s8+$0x620] =	vst v16;
	v32 =	vsub.f32 $0.0e+00, v38;
	v38 =	vmul.f32 v33, v6;
	v52 =	vld.idx.msk [tilespmem:v13+s22+$0x0], $0xffff;
	v60, _, _ =	vpop (xrf2);
	v35 =	vadd.f32 v61, v11  }
0x170: {  	v5 =	vmul.f32 v10, v5;
	[tilespmem:s8+$0x4650] =	vst v59;
	v46 =	vld [tilespmem:s0+$0x4610];
	v63 =	vbroadcast v60, $0xF  }
0x171: {  	[tilespmem:s8+$0x650] =	vst v8;
	v15 =	vld [tilespmem:s0+$0x660];
	v58 =	vmul.f32 v28, v0;
	v8 =	vadd.f32 v38, v35  }
0x172: {  	[tilespmem:s8+$0x660] =	vst v5;
	v57 =	vmul.f32 v10, v1;
	v1 =	vld [tilespmem:s0+$0x640];
	v53 =	vmul.f32 v63, v32  }
0x173: {  	[tilespmem:s8+$0x4660] =	vst v62;
	v62 =	vmov s9;
	v11 =	vld [tilespmem:s0+$0x670];
	v10 =	vadd.f32 v58, v8  }
0x174: {  	[tilespmem:s8+$0x4670] =	vst v56;
	v32 =	vand.u32 $0xFFFFFFF9, v62;
	v59 =	vmul.f32 v53, v48;
	v60 =	vmul.f32 v53, v29;
	v38 =	vld [tilespmem:s0+$0x4620]  }
0x175: {  	s9 =	sor.u32 $0xA, s21;
	[tilespmem:s8+$0x670] =	vst v57;
	v61 =	vmul.f32 v53, v49;
	v49 =	vmul.f32 v53, v39;
	v39 =	vld [tilespmem:s0+$0x4640];
	(xrf2) =	vadd.scan.msk.f32 $0xffff, v10  }
0x176: {  	s8 =	sshll.u32 s9, $0x7;
	v63 =	vmul.f32 v53, v25;
	v48 =	vbroadcast v32, $0x0;
	v32 =	vld [tilespmem:s0+$0x4660];
	[tilespmem:s3+$0x4600] =	vst v59  }
0x177: {  	v29 =	vmul.f32 v43, v30;
	v24 =	vld [tilespmem:s8+$0x600];
	v35 =	vmul.f32 v46, v22;
	[tilespmem:s3+$0x600] =	vst v60  }
0x178: {  	v16 =	vld [tilespmem:s8+$0x620];
	[tilespmem:s3+$0x4610] =	vst v61  }
0x179: {  	v21 =	vmul.f32 v53, v21;
	[tilespmem:s3+$0x610] =	vst v63;
	v8 =	vld [tilespmem:s0+$0x650];
	v10 =	vadd.f32 v35, v29;
	v54 =	vmul.f32 v38, v20  }
0x17a: {  	v56 =	vmul.f32 v42, v3;
	v55 =	vmul.f32 v53, v40;
	[tilespmem:s3+$0x4620] =	vst v49;
	v35 =	vld [tilespmem:s0+$0x4650]  }
0x17b: {  	v2 =	vmul.f32 v53, v2;
	v57 =	vmul.f32 v53, v41;
	v13 =	vld [tilespmem:s8+$0x630];
	[tilespmem:s3+$0x620] =	vst v21;
	v10 =	vadd.f32 v54, v10  }
0x17c: {  	v62 =	vmul.f32 v53, v18;
	v5 =	vld [tilespmem:s8+$0x640];
	v41 =	vmul.f32 v53, v31;
	[tilespmem:s3+$0x4630] =	vst v55  }
0x17d: {  	v31 =	vld [tilespmem:s8+$0x4650];
	[tilespmem:s3+$0x630] =	vst v2;
	v59 =	vmul.f32 v53, v17;
	v58 =	vmul.f32 v39, v1;
	v10 =	vadd.f32 v56, v10  }
0x17e: {  	[tilespmem:s3+$0x4640] =	vst v57;
	v60 =	vmul.f32 v53, v37;
	v21 =	vld [tilespmem:s8+$0x610];
	v63 =	vmul.f32 v53, v34  }
0x17f: {  	[tilespmem:s3+$0x650] =	vst v62;
	v34 =	vmul.f32 v53, v19;
	v49 =	vld [tilespmem:s8+$0x4610];
	v61 =	vmul.f32 v35, v8;
	v10 =	vadd.f32 v58, v10;
	v25, _, _ =	vpop (xrf2)  }
0x180: {  	v40 =	vsub.f32 $0.0e+00, v52;
	v53 =	vmul.f32 v53, v7;
	[tilespmem:s3+$0x4670] =	vst v41;
	v7 =	vld [tilespmem:s8+$0x660];
	v37 =	vbroadcast v25, $0xF  }
0x181: {  	[tilespmem:s3+$0x640] =	vst v59;
	v29 =	vmul.f32 v32, v15;
	v54 =	vld.idx.msk [tilespmem:v48+s22+$0x0], $0xffff;
	v10 =	vadd.f32 v61, v10  }
0x182: {  	v57 =	vmov s9;
	[tilespmem:s3+$0x4650] =	vst v60;
	v48 =	vld [tilespmem:s8+$0x4600];
	v37 =	vmul.f32 v37, v40  }
0x183: {  	v41 =	vld [tilespmem:s8+$0x4630];
	v17 =	vand.u32 $0xFFFFFFFA, v57;
	[tilespmem:s3+$0x4660] =	vst v63;
	v52 =	vmul.f32 v27, v11;
	v10 =	vadd.f32 v29, v10  }
0x184: {  	[tilespmem:s3+$0x660] =	vst v34;
	v34 =	vld [tilespmem:s8+$0x4620];
	v17 =	vbroadcast v17, $0x0;
	v56 =	vmul.f32 v37, v50  }
0x185: {  	v2 =	vld [tilespmem:s8+$0x670];
	[tilespmem:s3+$0x670] =	vst v53;
	v55 =	vadd.f32 v52, v10;
	v58 =	vmul.f32 v37, v26  }
0x186: {  	v60 =	vmul.f32 v49, v21;
	v29 =	vld [tilespmem:s8+$0x4660];
	v19 =	vmul.f32 v37, v51;
	[tilespmem:s7+$0x4600] =	vst v56  }
0x187: {  	v59 =	vmul.f32 v48, v24;
	v25 =	vld [tilespmem:s8+$0x4670];
	(xrf2) =	vadd.scan.msk.f32 $0xffff, v55;
	v23 =	vmul.f32 v37, v23;
	[tilespmem:s7+$0x600] =	vst v58  }
0x188: {  	v40 =	vld [tilespmem:s8+$0x4640];
	v61 =	vmul.f32 v37, v44;
	[tilespmem:s7+$0x4610] =	vst v19  }
0x189: {  	s9 =	sor.u32 $0xB, s21;
	v62 =	vmul.f32 v34, v16;
	v18 =	vadd.f32 v60, v59;
	v10 =	vld [tilespmem:s8+$0x650];
	v14 =	vmul.f32 v37, v14;
	[tilespmem:s7+$0x610] =	vst v23  }
0x18a: {  	s3 =	sshll.u32 s9, $0x7;
	v63 =	vmul.f32 v37, v47;
	v47 =	vld.idx.msk [tilespmem:v17+s22+$0x0], $0xffff;
	[tilespmem:s7+$0x4620] =	vst v61  }
0x18b: {  	v12 =	vmul.f32 v37, v12;
	v26 =	vadd.f32 v62, v18;
	v50 =	vmul.f32 v41, v13;
	v44 =	vld [tilespmem:s3+$0x4600];
	[tilespmem:s7+$0x620] =	vst v14  }
0x18c: {  	v51 =	vmul.f32 v37, v45;
	v4 =	vmul.f32 v37, v4;
	v45 =	vld [tilespmem:s3+$0x4610];
	[tilespmem:s7+$0x4630] =	vst v63  }
0x18d: {  	v55 =	vmul.f32 v37, v36;
	v36 =	vld [tilespmem:s3+$0x4620];
	[tilespmem:s7+$0x630] =	vst v12;
	v52 =	vadd.f32 v50, v26;
	v53 =	vmul.f32 v40, v5  }
0x18e: {  	v17 =	vld [tilespmem:s3+$0x650];
	[tilespmem:s7+$0x4640] =	vst v51  }
0x18f: {  	v9 =	vmul.f32 v37, v9;
	v26 =	vld [tilespmem:s3+$0x600];
	[tilespmem:s7+$0x640] =	vst v4;
	v57 =	vmul.f32 v31, v10;
	v12 =	vadd.f32 v53, v52  }
0x190: {  	v6 =	vmul.f32 v37, v6;
	v0 =	vmul.f32 v37, v0;
	v23 =	vld [tilespmem:s3+$0x610];
	[tilespmem:s7+$0x4650] =	vst v55  }
0x191: {  	v62 =	vmul.f32 v29, v7;
	v19 =	vld [tilespmem:s3+$0x620];
	v58 =	vmul.f32 v37, v33;
	[tilespmem:s7+$0x650] =	vst v9;
	v61 =	vadd.f32 v57, v12;
	v56, _, _ =	vpop (xrf2)  }
0x192: {  	v60 =	vsub.f32 $0.0e+00, v54;
	v4 =	vld [tilespmem:s3+$0x630];
	v63 =	vmul.f32 v37, v28;
	[tilespmem:s7+$0x660] =	vst v6;
	v59 =	vbroadcast v56, $0xF  }
0x193: {  	v33 =	vmul.f32 v25, v2;
	v14 =	vld [tilespmem:s3+$0x640];
	[tilespmem:s7+$0x670] =	vst v0;
	v51 =	vmov s9;
	v28 =	vadd.f32 v62, v61  }
0x194: {  	v37 =	vld [tilespmem:s3+$0x4630];
	s9 =	sor.u32 $0xC, s21;
	v9 =	vand.u32 $0xFFFFFFFB, v51;
	[tilespmem:s7+$0x4660] =	vst v58;
	v50 =	vmul.f32 v59, v60  }
0x195: {  	[tilespmem:s7+$0x4670] =	vst v63;
	v55 =	vbroadcast v9, $0x0;
	v9 =	vld [tilespmem:s3+$0x670];
	s7 =	sshll.u32 s9, $0x7;
	v53 =	vmul.f32 v44, v26;
	v6 =	vadd.f32 v33, v28  }
0x196: {  	v0 =	vld [tilespmem:s7+$0x670];
	v54 =	vmul.f32 v45, v23;
	v43 =	vmul.f32 v50, v43  }
0x197: {  	(xrf2) =	vadd.scan.msk.f32 $0xffff, v6;
	v18 =	vmul.f32 v50, v30;
	v56 =	vmul.f32 v50, v38;
	v38 =	vld [tilespmem:s3+$0x4640]  }
0x198: {  	v58 =	vmul.f32 v36, v19;
	v12 =	vld [tilespmem:s7+$0x620];
	v6 =	vadd.f32 v54, v53;
	v46 =	vmul.f32 v50, v46;
	[tilespmem:s0+$0x4600] =	vst v43  }
0x199: {  	v33 =	vld [tilespmem:s3+$0x4650];
	v52 =	vmul.f32 v50, v22;
	[tilespmem:s0+$0x600] =	vst v18  }
0x19a: {  	v60 =	vmul.f32 v37, v4;
	v30 =	vld [tilespmem:s3+$0x4660];
	v6 =	vadd.f32 v58, v6;
	[tilespmem:s0+$0x4610] =	vst v46  }
0x19b: {  	v57 =	vmul.f32 v50, v20;
	v18 =	vld [tilespmem:s3+$0x660];
	[tilespmem:s0+$0x610] =	vst v52  }
0x19c: {  	v28 =	vld [tilespmem:s3+$0x4670];
	v59 =	vmul.f32 v50, v42;
	[tilespmem:s0+$0x4620] =	vst v56;
	v6 =	vadd.f32 v60, v6;
	v63 =	vmul.f32 v38, v14  }
0x19d: {  	v61 =	vmul.f32 v50, v3;
	v62 =	vmul.f32 v50, v39;
	v22 =	vld [tilespmem:s7+$0x600];
	[tilespmem:s0+$0x620] =	vst v57  }
0x19e: {  	v39 =	vmul.f32 v50, v1;
	v20 =	vld [tilespmem:s7+$0x610];
	v51 =	vmul.f32 v33, v17;
	[tilespmem:s0+$0x4630] =	vst v59;
	v46 =	vadd.f32 v63, v6  }
0x19f: {  	v42 =	vmul.f32 v50, v35;
	v32 =	vmul.f32 v50, v32;
	v1 =	vld [tilespmem:s7+$0x640];
	[tilespmem:s0+$0x630] =	vst v61  }
0x1a0: {  	v27 =	vmul.f32 v50, v27;
	v35 =	vld [tilespmem:s7+$0x4630];
	[tilespmem:s0+$0x4640] =	vst v62;
	v54 =	vmul.f32 v30, v18;
	v3 =	vadd.f32 v51, v46  }
0x1a1: {  	v58 =	vmul.f32 v28, v9;
	v52 =	vmul.f32 v50, v8;
	[tilespmem:s0+$0x4650] =	vst v42;
	v42 =	vld [tilespmem:s7+$0x4600];
	v53, _, _ =	vpop (xrf2)  }
0x1a2: {  	v43 =	vld.idx.msk [tilespmem:v55+s22+$0x0], $0xffff;
	[tilespmem:s0+$0x640] =	vst v39;
	v57 =	vsub.f32 $0.0e+00, v47;
	v56 =	vbroadcast v53, $0xF;
	v3 =	vadd.f32 v54, v3  }
0x1a3: {  	v55 =	vmul.f32 v50, v15;
	[tilespmem:s0+$0x4660] =	vst v32;
	v59 =	vmul.f32 v50, v11;
	v39 =	vld [tilespmem:s7+$0x4610];
	v61 =	vmov s9  }
0x1a4: {  	v8 =	vld [tilespmem:s7+$0x630];
	[tilespmem:s0+$0x4670] =	vst v27;
	v11 =	vand.u32 $0xFFFFFFFC, v61;
	v15 =	vmul.f32 v56, v57;
	v3 =	vadd.f32 v58, v3  }
0x1a5: {  	v32 =	vld [tilespmem:s7+$0x4620];
	[tilespmem:s0+$0x650] =	vst v52;
	v11 =	vbroadcast v11, $0x0  }
0x1a6: {  	v27 =	vld [tilespmem:s7+$0x4650];
	[tilespmem:s0+$0x660] =	vst v55;
	v63 =	vmul.f32 v42, v22;
	v60 =	vmul.f32 v15, v48;
	(xrf2) =	vadd.scan.msk.f32 $0xffff, v3  }
0x1a7: {  	s9 =	sor.u32 $0xD, s21;
	[tilespmem:s0+$0x670] =	vst v59;
	v6 =	vld [tilespmem:s7+$0x650];
	v24 =	vmul.f32 v15, v24;
	v62 =	vmul.f32 v15, v49  }
0x1a8: {  	s0 =	sshll.u32 s9, $0x7;
	v48 =	vmul.f32 v39, v20;
	v49 =	vmul.f32 v15, v34;
	v34 =	vld [tilespmem:s7+$0x4640];
	[tilespmem:s8+$0x4600] =	vst v60  }
0x1a9: {  	v21 =	vmul.f32 v15, v21;
	v55 =	vmul.f32 v15, v10;
	v10 =	vld [tilespmem:s0+$0x620];
	[tilespmem:s8+$0x600] =	vst v24  }
0x1aa: {  	v51 =	vmul.f32 v32, v12;
	v16 =	vmul.f32 v15, v16;
	v3 =	vld [tilespmem:s7+$0x660];
	[tilespmem:s8+$0x4610] =	vst v62;
	v50 =	vadd.f32 v48, v63  }
0x1ab: {  	v41 =	vmul.f32 v15, v41;
	[tilespmem:s8+$0x610] =	vst v21;
	v24 =	vld [tilespmem:s7+$0x4660]  }
0x1ac: {  	v52 =	vmul.f32 v35, v8;
	v13 =	vmul.f32 v15, v13;
	[tilespmem:s8+$0x620] =	vst v16;
	v16 =	vld [tilespmem:s7+$0x4670];
	v21 =	vadd.f32 v51, v50  }
0x1ad: {  	v5 =	vmul.f32 v15, v5;
	[tilespmem:s8+$0x4630] =	vst v41;
	v41 =	vld.idx.msk [tilespmem:v11+s22+$0x0], $0xffff  }
0x1ae: {  	v40 =	vmul.f32 v15, v40;
	[tilespmem:s8+$0x630] =	vst v13;
	v11 =	vld [tilespmem:s0+$0x610];
	v54 =	vmul.f32 v34, v1;
	v53 =	vadd.f32 v52, v21  }
0x1af: {  	v47 =	vmov s9;
	v29 =	vmul.f32 v15, v29;
	[tilespmem:s8+$0x640] =	vst v5;
	v5 =	vld [tilespmem:s0+$0x630]  }
0x1b0: {  	v57 =	vmul.f32 v27, v6;
	v31 =	vmul.f32 v15, v31;
	[tilespmem:s8+$0x4640] =	vst v40;
	v40 =	vld [tilespmem:s0+$0x4600];
	v13 =	vadd.f32 v54, v53;
	v56, _, _ =	vpop (xrf2)  }
0x1b1: {  	v43 =	vsub.f32 $0.0e+00, v43;
	v7 =	vmul.f32 v15, v7;
	[tilespmem:s8+$0x4660] =	vst v29;
	v29 =	vld [tilespmem:s0+$0x4610];
	v58 =	vbroadcast v56, $0xF  }
0x1b2: {  	[tilespmem:s8+$0x4620] =	vst v49;
	v60 =	vmul.f32 v15, v2;
	v2 =	vld [tilespmem:s0+$0x640];
	v59 =	vmul.f32 v24, v3;
	v13 =	vadd.f32 v57, v13  }
0x1b3: {  	v25 =	vmul.f32 v15, v25;
	[tilespmem:s8+$0x4650] =	vst v31;
	v15 =	vand.u32 $0xFFFFFFFD, v47;
	v21 =	vld [tilespmem:s0+$0x600];
	v43 =	vmul.f32 v58, v43  }
0x1b4: {  	[tilespmem:s8+$0x660] =	vst v7;
	v7 =	vld [tilespmem:s0+$0x650];
	v50 =	vbroadcast v15, $0x0;
	v61 =	vmul.f32 v16, v0;
	v13 =	vadd.f32 v59, v13  }
0x1b5: {  	[tilespmem:s8+$0x650] =	vst v55;
	v63 =	vmul.f32 v43, v26;
	v26 =	vld [tilespmem:s0+$0x4620]  }
0x1b6: {  	[tilespmem:s8+$0x4670] =	vst v25;
	v31 =	vld [tilespmem:s0+$0x4630];
	v13 =	vadd.f32 v61, v13;
	v62 =	vmul.f32 v43, v44  }
0x1b7: {  	v25 =	vld [tilespmem:s0+$0x4660];
	[tilespmem:s8+$0x670] =	vst v60;
	v49 =	vmul.f32 v29, v11  }
0x1b8: {  	v15 =	vld [tilespmem:s0+$0x670];
	v48 =	vmul.f32 v40, v21;
	(xrf2) =	vadd.scan.msk.f32 $0xffff, v13;
	v45 =	vmul.f32 v43, v45;
	[tilespmem:s3+$0x4600] =	vst v62  }
0x1b9: {  	v23 =	vmul.f32 v43, v23;
	v51 =	vmul.f32 v43, v36;
	v36 =	vld [tilespmem:s0+$0x4640];
	[tilespmem:s3+$0x600] =	vst v63  }
0x1ba: {  	v46 =	vld.idx.msk [tilespmem:v50+s22+$0x0], $0xffff;
	v52 =	vadd.f32 v49, v48;
	[tilespmem:s3+$0x4610] =	vst v45;
	v53 =	vmul.f32 v26, v10  }
0x1bb: {  	v19 =	vmul.f32 v43, v19;
	v54 =	vmul.f32 v43, v37;
	v37 =	vld [tilespmem:s0+$0x4650];
	[tilespmem:s3+$0x610] =	vst v23  }
0x1bc: {  	s9 =	sor.u32 $0xE, s21;
	v56 =	vmul.f32 v31, v5;
	v13 =	vld [tilespmem:s0+$0x660];
	[tilespmem:s3+$0x4620] =	vst v51;
	v55 =	vadd.f32 v53, v52  }
0x1bd: {  	s8 =	sshll.u32 s9, $0x7;
	v57 =	vmul.f32 v43, v4;
	v4 =	vld [tilespmem:s0+$0x4670];
	v38 =	vmul.f32 v43, v38;
	[tilespmem:s3+$0x620] =	vst v19  }
0x1be: {  	v61 =	vmul.f32 v43, v30;
	v30 =	vld [tilespmem:s8+$0x4610];
	[tilespmem:s3+$0x4630] =	vst v54;
	v58 =	vmul.f32 v36, v2;
	v19 =	vadd.f32 v56, v55  }
0x1bf: {  	v14 =	vmul.f32 v43, v14;
	v49 =	vmul.f32 v43, v28;
	v28 =	vld [tilespmem:s8+$0x4620];
	[tilespmem:s3+$0x630] =	vst v57  }
0x1c0: {  	v33 =	vmul.f32 v43, v33;
	v23 =	vld [tilespmem:s8+$0x600];
	[tilespmem:s3+$0x4640] =	vst v38;
	v60 =	vmul.f32 v37, v7;
	v59 =	vadd.f32 v58, v19  }
0x1c1: {  	v17 =	vmul.f32 v43, v17;
	[tilespmem:s3+$0x640] =	vst v14;
	v14 =	vld [tilespmem:s8+$0x620]  }
0x1c2: {  	[tilespmem:s3+$0x4650] =	vst v33;
	v33 =	vld [tilespmem:s8+$0x4600];
	v63 =	vmul.f32 v25, v13;
	v62, _, _ =	vpop (xrf2);
	v38 =	vadd.f32 v60, v59  }
0x1c3: {  	v41 =	vsub.f32 $0.0e+00, v41;
	v18 =	vmul.f32 v43, v18;
	[tilespmem:s3+$0x650] =	vst v17;
	v48 =	vbroadcast v62, $0xF;
	v19 =	vld [tilespmem:s8+$0x610]  }
0x1c4: {  	[tilespmem:s3+$0x4660] =	vst v61;
	v17 =	vld [tilespmem:s8+$0x630];
	v50 =	vmul.f32 v4, v15;
	v38 =	vadd.f32 v63, v38  }
0x1c5: {  	[tilespmem:s3+$0x660] =	vst v18;
	v51 =	vmul.f32 v43, v9;
	v9 =	vld [tilespmem:s8+$0x640];
	v41 =	vmul.f32 v48, v41  }
0x1c6: {  	[tilespmem:s3+$0x4670] =	vst v49;
	v18 =	vld [tilespmem:s8+$0x650];
	v53 =	vmov s9;
	s9 =	sor.u32 $0xF, s21;
	v38 =	vadd.f32 v50, v38  }
0x1c7: {  	[tilespmem:s3+$0x670] =	vst v51;
	s3 =	sshll.u32 s9, $0x7;
	v42 =	vmul.f32 v41, v42;
	v52 =	vmul.f32 v41, v22;
	v22 =	vld [tilespmem:s8+$0x4630]  }
0x1c8: {  	v54 =	vmul.f32 v33, v23;
	v44 =	vand.u32 $0xFFFFFFFE, v53;
	v45 =	vld [tilespmem:s3+$0x4600];
	v55 =	vmul.f32 v30, v19;
	(xrf2) =	vadd.scan.msk.f32 $0xffff, v38  }
0x1c9: {  	v56 =	vbroadcast v44, $0x0;
	v39 =	vmul.f32 v41, v39;
	[tilespmem:s7+$0x4600] =	vst v42;
	v38 =	vld [tilespmem:s8+$0x4640]  }
0x1ca: {  	v59 =	vmul.f32 v28, v14;
	v57 =	vmul.f32 v41, v20;
	v20 =	vld [tilespmem:s8+$0x660];
	[tilespmem:s7+$0x600] =	vst v52;
	v58 =	vadd.f32 v55, v54  }
0x1cb: {  	v60 =	vmul.f32 v41, v32;
	v32 =	vld [tilespmem:s8+$0x4650];
	[tilespmem:s7+$0x4610] =	vst v39  }
0x1cc: {  	v61 =	vmul.f32 v41, v12;
	v12 =	vld [tilespmem:s8+$0x670];
	[tilespmem:s7+$0x610] =	vst v57;
	v62 =	vmul.f32 v22, v17;
	v44 =	vadd.f32 v59, v58  }
0x1cd: {  	v48 =	vmul.f32 v41, v8;
	v63 =	vmul.f32 v41, v35;
	v35 =	vld [tilespmem:s8+$0x4660];
	[tilespmem:s7+$0x4620] =	vst v60  }
0x1ce: {  	v8 =	vld [tilespmem:s8+$0x4670];
	v51 =	vmul.f32 v41, v1;
	[tilespmem:s7+$0x620] =	vst v61;
	v44 =	vadd.f32 v62, v44;
	v49 =	vmul.f32 v38, v9  }
0x1cf: {  	v27 =	vmul.f32 v41, v27;
	v1 =	vld [tilespmem:s3+$0x610];
	v6 =	vmul.f32 v41, v6;
	[tilespmem:s7+$0x630] =	vst v48  }
0x1d0: {  	v42 =	vld.idx.msk [tilespmem:v56+s22+$0x0], $0xffff;
	[tilespmem:s7+$0x640] =	vst v51;
	v52 =	vmul.f32 v32, v18;
	v44 =	vadd.f32 v49, v44  }
0x1d1: {  	v24 =	vmul.f32 v41, v24;
	v3 =	vmul.f32 v41, v3;
	[tilespmem:s7+$0x4650] =	vst v27;
	v57 =	vsub.f32 $0.0e+00, v46;
	v46 =	vld [tilespmem:s3+$0x4610]  }
0x1d2: {  	v16 =	vmul.f32 v41, v16;
	[tilespmem:s7+$0x650] =	vst v6;
	v27 =	vld [tilespmem:s3+$0x4620];
	v55 =	vmul.f32 v35, v20;
	v54 =	vadd.f32 v52, v44;
	v53, _, _ =	vpop (xrf2)  }
0x1d3: {  	[tilespmem:s7+$0x4660] =	vst v24;
	v50 =	vmul.f32 v41, v34;
	v34 =	vld [tilespmem:s3+$0x600];
	v56 =	vbroadcast v53, $0xF  }
0x1d4: {  	v0 =	vmul.f32 v41, v0;
	[tilespmem:s7+$0x660] =	vst v3;
	v59 =	vmul.f32 v8, v12;
	v44 =	vld [tilespmem:s3+$0x620];
	v58 =	vadd.f32 v55, v54  }
0x1d5: {  	v6 =	vld [tilespmem:s3+$0x630];
	[tilespmem:s7+$0x4670] =	vst v16;
	v24 =	vmul.f32 v56, v57  }
0x1d6: {  	v39 =	vld [tilespmem:s3+$0x4630];
	[tilespmem:s7+$0x670] =	vst v0;
	v60 =	vadd.f32 v59, v58  }
0x1d7: {  	[tilespmem:s7+$0x4630] =	vst v63;
	v63 =	vmul.f32 v46, v1;
	v61 =	vmul.f32 v24, v40  }
0x1d8: {  	v0 =	vld [tilespmem:s3+$0x640];
	[tilespmem:s7+$0x4640] =	vst v50;
	v62 =	vmul.f32 v45, v34;
	v21 =	vmul.f32 v24, v21;
	(xrf2) =	vadd.scan.msk.f32 $0xffff, v60  }
0x1d9: {  	v48 =	vmul.f32 v27, v44;
	v47 =	vmul.f32 v24, v29;
	v29 =	vld [tilespmem:s3+$0x4640];
	[tilespmem:s0+$0x4600] =	vst v61  }
0x1da: {  	v3 =	vadd.f32 v63, v62;
	v11 =	vmul.f32 v24, v11;
	v49 =	vmul.f32 v24, v26;
	v26 =	vld [tilespmem:s3+$0x4650];
	[tilespmem:s0+$0x600] =	vst v21  }
0x1db: {  	v50 =	vmul.f32 v39, v6;
	v21 =	vld [tilespmem:s3+$0x650];
	[tilespmem:s0+$0x4610] =	vst v47  }
0x1dc: {  	v10 =	vmul.f32 v24, v10;
	v51 =	vmul.f32 v24, v31;
	v31 =	vld [tilespmem:s3+$0x4660];
	v3 =	vadd.f32 v48, v3;
	[tilespmem:s0+$0x610] =	vst v11  }
0x1dd: {  	v5 =	vmul.f32 v24, v5;
	v11 =	vld [tilespmem:s3+$0x660];
	[tilespmem:s0+$0x4620] =	vst v49  }
0x1de: {  	v53 =	vmul.f32 v24, v36;
	v36 =	vld [tilespmem:s3+$0x4670];
	[tilespmem:s0+$0x620] =	vst v10;
	v3 =	vadd.f32 v50, v3;
	v52 =	vmul.f32 v29, v0  }
0x1df: {  	v10 =	vld [tilespmem:s3+$0x670];
	[tilespmem:s0+$0x4630] =	vst v51  }
0x1e0: {  	v2 =	vmul.f32 v24, v2;
	[tilespmem:s0+$0x630] =	vst v5;
	v3 =	vadd.f32 v52, v3;
	v54 =	vmul.f32 v26, v21  }
0x1e1: {  	v55 =	vmul.f32 v24, v37;
	[tilespmem:s0+$0x4640] =	vst v53  }
0x1e2: {  	v56 =	vmul.f32 v24, v7;
	[tilespmem:s0+$0x640] =	vst v2;
	v58 =	vmul.f32 v31, v11;
	v3 =	vadd.f32 v54, v3;
	v57, _, _ =	vpop (xrf2)  }
0x1e3: {  	v59 =	vmul.f32 v24, v25;
	v60 =	vsub.f32 $0.0e+00, v42;
	[tilespmem:s0+$0x4650] =	vst v55;
	v7 =	vbroadcast v57, $0xF  }
0x1e4: {  	v4 =	vmul.f32 v24, v4;
	[tilespmem:s0+$0x650] =	vst v56;
	v62 =	vmul.f32 v36, v10;
	v3 =	vadd.f32 v58, v3  }
0x1e5: {  	v63 =	vmul.f32 v24, v15;
	[tilespmem:s0+$0x4660] =	vst v59;
	v7 =	vmul.f32 v7, v60  }
0x1e6: {  	v61 =	vmul.f32 v24, v13;
	[tilespmem:s0+$0x4670] =	vst v4;
	v3 =	vadd.f32 v62, v3  }
0x1e7: {  	[tilespmem:s0+$0x670] =	vst v63;
	v13 =	vmul.f32 v7, v33  }
0x1e8: {  	[tilespmem:s0+$0x660] =	vst v61;
	v15 =	vmul.f32 v7, v23;
	(xrf2) =	vadd.scan.msk.f32 $0xffff, v3  }
0x1e9: {  	v16 =	vmov s9;
	v23 =	vmul.f32 v7, v30;
	[tilespmem:s8+$0x4600] =	vst v13  }
0x1ea: {  	v24 =	vmul.f32 v7, v19;
	[tilespmem:s8+$0x600] =	vst v15  }
0x1eb: {  	v25 =	vmul.f32 v7, v28;
	[tilespmem:s8+$0x4610] =	vst v23  }
0x1ec: {  	v28 =	vmul.f32 v7, v14;
	[tilespmem:s8+$0x610] =	vst v24  }
0x1ed: {  	v30 =	vmul.f32 v7, v22;
	[tilespmem:s8+$0x4620] =	vst v25  }
0x1ee: {  	v33 =	vmul.f32 v7, v17;
	v3 =	vld.idx.msk [tilespmem:v16+s22+$0x0], $0xffff;
	[tilespmem:s8+$0x620] =	vst v28  }
0x1ef: {  	v37 =	vmul.f32 v7, v38;
	[tilespmem:s8+$0x4630] =	vst v30  }
0x1f0: {  	v38 =	vmul.f32 v7, v9;
	[tilespmem:s8+$0x630] =	vst v33  }
0x1f1: {  	v40 =	vmul.f32 v7, v32;
	[tilespmem:s8+$0x4640] =	vst v37  }
0x1f2: {  	v41 =	vmul.f32 v7, v18;
	[tilespmem:s8+$0x640] =	vst v38;
	v42, _, _ =	vpop (xrf2)  }
0x1f3: {  	v43 =	vmul.f32 v7, v35;
	[tilespmem:s8+$0x4650] =	vst v40;
	v3 =	vsub.f32 $0.0e+00, v3;
	v5 =	vbroadcast v42, $0xF  }
0x1f4: {  	v47 =	vmul.f32 v7, v20;
	[tilespmem:s8+$0x650] =	vst v41  }
0x1f5: {  	v48 =	vmul.f32 v7, v8;
	[tilespmem:s8+$0x4660] =	vst v43;
	v3 =	vmul.f32 v5, v3  }
0x1f6: {  	v49 =	vmul.f32 v7, v12;
	[tilespmem:s8+$0x660] =	vst v47  }
0x1f7: {  	[tilespmem:s8+$0x4670] =	vst v48;
	v50 =	vmul.f32 v3, v45  }
0x1f8: {  	[tilespmem:s8+$0x670] =	vst v49;
	v51 =	vmul.f32 v3, v34  }
0x1f9: {  	v52 =	vmul.f32 v3, v46;
	[tilespmem:s3+$0x4600] =	vst v50  }
0x1fa: {  	v1 =	vmul.f32 v3, v1;
	[tilespmem:s3+$0x600] =	vst v51  }
0x1fb: {  	v53 =	vmul.f32 v3, v27;
	[tilespmem:s3+$0x4610] =	vst v52  }
0x1fc: {  	v54 =	vmul.f32 v3, v44;
	[tilespmem:s3+$0x610] =	vst v1  }
0x1fd: {  	v55 =	vmul.f32 v3, v39;
	[tilespmem:s3+$0x4620] =	vst v53  }
0x1fe: {  	v56 =	vmul.f32 v3, v6;
	[tilespmem:s3+$0x620] =	vst v54  }
0x1ff: {  	v57 =	vmul.f32 v3, v29;
	[tilespmem:s3+$0x4630] =	vst v55  }
0x200: {  	v0 =	vmul.f32 v3, v0;
	[tilespmem:s3+$0x630] =	vst v56  }
0x201: {  	v58 =	vmul.f32 v3, v26;
	[tilespmem:s3+$0x4640] =	vst v57  }
0x202: {  	v59 =	vmul.f32 v3, v21;
	[tilespmem:s3+$0x640] =	vst v0  }
0x203: {  	p0 =	slt.u32 s21, $0x70;
	v60 =	vmul.f32 v3, v31;
	[tilespmem:s3+$0x4650] =	vst v58  }
.Ltmp4:
0x204: {  	v61 =	vmul.f32 v3, v11;
	[tilespmem:s3+$0x650] =	vst v59;
	(pc) =	sbr.rel @p0 .LBB2_7-.Ltmp4, $4  }
0x205: {  	v62 =	vmul.f32 v3, v36;
	[tilespmem:s3+$0x4660] =	vst v60  }
0x206: {  	v63 =	vmul.f32 v3, v10;
	[tilespmem:s3+$0x660] =	vst v61  }
0x207: {  	s9 =	sadd.s32 $0x10, s21;
	[tilespmem:s3+$0x4670] =	vst v62  }
0x208: {  	s21 =	smov.u32 s9;
	[tilespmem:s3+$0x670] =	vst v63  }
0x209: {  	p0 =	seq.s32 s26, $0x1F  }
0x20a: {  	s0 =	simm.s32 @p0 $0x80;
	s3 =	simm.s32 @p0 $0x200;
	s7 =	simm.s32 @p0 $0x4600  }
0x20b: {  	[spmem:s4] =	stream.indirect.scatter.add.f32 @p0 [tilespmem:s7], [sflag:$0x3], $0x80, s3, s0, $0xb8;
	[tilespmem:$0x1A600] =	vst v63  }
0x20c: {  	s3 =	simm.s32 @p0 $0x280;
	s7 =	simm.s32 @p0 $0x600  }
0x20d: {  	[spmem:s4] =	stream.indirect.scatter.add.f32 @p0 [tilespmem:s7], [sflag:$0x3], $0x80, s3, s0, $0xb8;
	[tilespmem:$0x1A600] =	vst v63  }
0x20e: {  	s0 =	simm.s32 @p0 $0x3  }
0x20f: {  	_ =	swait.ge @p0 [sflag:s0], $0x4000  }
0x210: {  	[sflag:s0] =	ssyncset.done @p0 $0x0  }
0x211: {  	s3 =	sshll.u32 @!p0 s26, $0x8;
	[sflag:s0] =	ssyncadd.s32 @p0 $0xFFFFC000  }
0x212: {  	s3 =	sadd.s32 @!p0 s3, s10;
	_ =	swait.ge @p0 [sflag:s0], $0x4000  }
0x213: {  	s3 =	sshrl.u32 @!p0 s3, $0x3;
	[sflag:s0] =	ssyncset.done @p0 $0x0  }
0x214: {  	s7 =	simm.s32 @!p0 $0x0;
	[sflag:s0] =	ssyncadd.s32 @p0 $0xFFFFC000;
	s0 =	sadd.s32 @!p0 s14, s3  }
0x215: {  	[tilespmem:s7], [sflag:$0x5] =	stream.linear.gather @!p0 [hbm4b:s0+s7], $0x80, $0x38;
	[tilespmem:$0x1A600] =	vst v63  }
0x216: {  	s8 =	simm.s32 @!p0 $0x80;
	s0 =	sadd.s32 @!p0 s15, s3  }
0x217: {  	[tilespmem:s8], [sflag:$0x5] =	stream.linear.gather @!p0 [hbm4b:s0+s7], $0x80, $0x38;
	[tilespmem:$0x1A600] =	vst v63  }
0x218: {  	s0 =	sadd.s32 @!p0 s12, s3;
	s3 =	simm.s32 @!p0 $0x400  }
0x219: {  	[tilespmem:s3], [sflag:$0x5] =	stream.linear.gather @!p0 [hbm4b:s0+s7], $0x80, $0x38;
	[tilespmem:$0x1A600] =	vst v63  }
0x21a: {  	s0 =	simm.s32 @!p0 $0x200;
	s3 =	simm.s32 @!p0 $0x4600  }
0x21b: {  	[spmem:s4] =	stream.indirect.scatter.add.f32 @!p0 [tilespmem:s3], [sflag:$0x3], $0x80, s0, s8, $0xb8;
	[tilespmem:$0x1A600] =	vst v63  }
0x21c: {  	s9 =	simm.s32 @!p0 $0x600;
	s0 =	simm.s32 @!p0 $0x280  }
0x21d: {  	[spmem:s4] =	stream.indirect.scatter.add.f32 @!p0 [tilespmem:s9], [sflag:$0x3], $0x80, s0, s8, $0xb8;
	[tilespmem:$0x1A600] =	vst v63  }
0x21e: {  	s0 =	simm.s32 @!p0 $0x3  }
0x21f: {  	_ =	swait.ge @!p0 [sflag:s0], $0x4000  }
0x220: {  	[sflag:s0] =	ssyncset.done @!p0 $0x0  }
0x221: {  	[sflag:s0] =	ssyncadd.s32 @!p0 $0xFFFFC000  }
0x222: {  	_ =	swait.ge @!p0 [sflag:s0], $0x4000  }
0x223: {  	[sflag:s0] =	ssyncset.done @!p0 $0x0  }
0x224: {  	[sflag:s0] =	ssyncadd.s32 @!p0 $0xFFFFC000;
	s0 =	simm.s32 @!p0 $0x5  }
0x225: {  	_ =	swait.ge @!p0 [sflag:s0], $0x80  }
0x226: {  	[sflag:s0] =	ssyncset.done @!p0 $0x0  }
0x227: {  	[sflag:s0] =	ssyncadd.s32 @!p0 $0xFFFFFF80  }
0x228: {  	_ =	swait.ge @!p0 [sflag:s0], $0x80  }
0x229: {  	[sflag:s0] =	ssyncset.done @!p0 $0x0  }
0x22a: {  	[sflag:s0] =	ssyncadd.s32 @!p0 $0xFFFFFF80  }
0x22b: {  	_ =	swait.ge @!p0 [sflag:s0], $0x80  }
0x22c: {  	[sflag:s0] =	ssyncset.done @!p0 $0x0  }
0x22d: {  	[sflag:s0] =	ssyncadd.s32 @!p0 $0xFFFFFF80  }
0x22e: {  	[tilespmem:s9], [sflag:$0x1] =	stream.indirect.gather @!p0 [hbm4b:s1+s8], $0x80, s7, s8, $0xb8;
	[tilespmem:$0x1A600] =	vst v63  }
0x22f: {  	_ = 	snop  }
0x230: {  	[tilespmem:s3], [sflag:$0x1] =	stream.indirect.gather @!p0 [hbm4b:s1+s8], $0x80, s8, s8, $0xb8;
	[tilespmem:$0x1A600] =	vst v63  }
0x231: {  	_ =	swait.ge [sflag:s5], $0x4000  }
0x232: {  	[sflag:s5] =	ssyncset.done $0x0  }
0x233: {  	[sflag:s5] =	ssyncadd.s32 $0xFFFFC000  }
0x234: {  	_ =	swait.ge [sflag:s5], $0x4000  }
0x235: {  	[sflag:s5] =	ssyncset.done $0x0  }
0x236: {  	[sflag:s5] =	ssyncadd.s32 $0xFFFFC000  }
0x237: {  	v0 =	vld [tilespmem:$0x100]  }
0x238: {  	v1 =	vld [tilespmem:$0x180]  }
0x239: {  	v2 =	vld [tilespmem:$0x110]  }
0x23a: {  	v3 =	vld [tilespmem:$0x190]  }
0x23b: {  	v4 =	vld [tilespmem:$0x120]  }
0x23c: {  	v53 =	vld [tilespmem:$0x1A0];
	[tilespmem:$0x300] =	vst v0  }
0x23d: {  	v54 =	vld [tilespmem:$0x130];
	[tilespmem:$0x380] =	vst v1  }
0x23e: {  	v55 =	vld [tilespmem:$0x1B0];
	[tilespmem:$0x310] =	vst v2  }
0x23f: {  	v56 =	vld [tilespmem:$0x140];
	[tilespmem:$0x390] =	vst v3  }
0x240: {  	v57 =	vld [tilespmem:$0x1C0];
	[tilespmem:$0x320] =	vst v4  }
0x241: {  	v58 =	vld [tilespmem:$0x150];
	[tilespmem:$0x3A0] =	vst v53  }
0x242: {  	v59 =	vld [tilespmem:$0x1D0];
	[tilespmem:$0x330] =	vst v54  }
0x243: {  	v60 =	vld [tilespmem:$0x160];
	[tilespmem:$0x3B0] =	vst v55  }
0x244: {  	v61 =	vld [tilespmem:$0x1E0];
	[tilespmem:$0x340] =	vst v56  }
0x245: {  	v62 =	vld [tilespmem:$0x170];
	[tilespmem:$0x3C0] =	vst v57  }
0x246: {  	v63 =	vld [tilespmem:$0x1F0];
	[tilespmem:$0x350] =	vst v58  }
0x247: {  	[tilespmem:$0x3D0] =	vst v59  }
0x248: {  	[tilespmem:$0x360] =	vst v60  }
0x249: {  	[tilespmem:$0x3E0] =	vst v61  }
0x24a: {  	[tilespmem:$0x370] =	vst v62  }
0x24b: {  	s21 =	simm.s32 $0x0;
	[tilespmem:$0x3F0] =	vst v63  }
.LBB2_9:
0x24c: {  	s3 =	sshll.u32 s21, $0x7  }
0x24d: {  	v1 =	vld [tilespmem:s3+$0x8600]  }
0x24e: {  	v3 =	vld [tilespmem:s3+$0x8610]  }
0x24f: {  	v8 =	vld [tilespmem:s3+$0x8620]  }
0x250: {  	v10 =	vld [tilespmem:s3+$0xC600]  }
0x251: {  	v11 =	vld [tilespmem:s3+$0xC610]  }
0x252: {  	v13 =	vld [tilespmem:s3+$0x8630]  }
0x253: {  	v14 =	vld [tilespmem:s3+$0xC620]  }
0x254: {  	v15 =	vld [tilespmem:s3+$0x8640]  }
0x255: {  	v16 =	vld [tilespmem:s3+$0xC630]  }
0x256: {  	v18 =	vld [tilespmem:s3+$0x8650];
	v2 =	vmul.f32 v10, v1;
	v4 =	vmul.f32 v11, v3  }
0x257: {  	v19 =	vld [tilespmem:s3+$0xC640]  }
0x258: {  	v0 =	vmov s21;
	v20 =	vld [tilespmem:s3+$0x8660];
	v44 =	vmul.f32 v14, v8;
	v2 =	vadd.f32 v4, v2  }
0x259: {  	v0 =	vand.u32 $0xFFFFFFF0, v0;
	v21 =	vld [tilespmem:s3+$0xC650]  }
0x25a: {  	v22 =	vld [tilespmem:s3+$0x8670];
	v0 =	vbroadcast v0, $0x0;
	v45 =	vmul.f32 v16, v13;
	v2 =	vadd.f32 v44, v2  }
0x25b: {  	s7 =	sor.u32 $0x1, s21;
	v23 =	vld [tilespmem:s3+$0xC660]  }
0x25c: {  	v24 =	vld [tilespmem:s3+$0xC670];
	s0 =	sshll.u32 s7, $0x7;
	v46 =	vmul.f32 v19, v15;
	v2 =	vadd.f32 v45, v2  }
0x25d: {  	v26 =	vld [tilespmem:s0+$0x8600]  }
0x25e: {  	v27 =	vld [tilespmem:s0+$0x8610];
	v48 =	vmul.f32 v21, v18;
	v47 =	vadd.f32 v46, v2  }
0x25f: {  	v28 =	vld [tilespmem:s0+$0xC600]  }
0x260: {  	v49 =	vmul.f32 v23, v20;
	v25 =	vld.idx.msk [tilespmem:v0+s25+$0x0], $0xffff;
	v0 =	vadd.f32 v48, v47  }
0x261: {  	v29 =	vld [tilespmem:s0+$0xC610]  }
0x262: {  	v30 =	vld [tilespmem:s0+$0x8620];
	v50 =	vmul.f32 v24, v22;
	v0 =	vadd.f32 v49, v0  }
0x263: {  	v31 =	vld [tilespmem:s0+$0xC620]  }
0x264: {  	v12 =	vld [tilespmem:s0+$0x8630];
	v0 =	vadd.f32 v50, v0  }
0x265: {  	v32 =	vld [tilespmem:s0+$0xC630]  }
0x266: {  	v5 =	vld [tilespmem:s0+$0x8640];
	v51 =	vmul.f32 v28, v26;
	v52 =	vmul.f32 v29, v27;
	(xrf2) =	vadd.scan.msk.f32 $0xffff, v0  }
0x267: {  	v17 =	vld [tilespmem:s0+$0xC640]  }
0x268: {  	v6 =	vld [tilespmem:s0+$0x8650];
	v53 =	vmul.f32 v31, v30;
	v0 =	vadd.f32 v52, v51  }
0x269: {  	v9 =	vld [tilespmem:s0+$0xC650]  }
0x26a: {  	v7 =	vld [tilespmem:s0+$0xC660];
	v33 =	vmul.f32 v32, v12;
	v4 =	vadd.f32 v53, v0  }
0x26b: {  	v2 =	vld [tilespmem:s0+$0x8660]  }
0x26c: {  	v34 =	vmul.f32 v17, v5;
	v0 =	vld [tilespmem:s0+$0x8670];
	v33 =	vadd.f32 v33, v4  }
0x26d: {  	v4 =	vld [tilespmem:s0+$0xC670]  }
0x26e: {  	v54 =	vmul.f32 v9, v6;
	v33 =	vadd.f32 v34, v33;
	_ =	sdelay $0x1  }
0x26f: {  	v55 =	vmul.f32 v7, v2;
	v33 =	vadd.f32 v54, v33;
	v35, _, _ =	vpop (xrf2)  }
0x270: {  	v25 =	vsub.f32 $0.0e+00, v25;
	v35 =	vbroadcast v35, $0xF  }
0x271: {  	v56 =	vmul.f32 v4, v0;
	v33 =	vadd.f32 v55, v33  }
0x272: {  	v25 =	vmul.f32 v35, v25  }
0x273: {  	v57 =	vmov s7;
	v33 =	vadd.f32 v56, v33  }
0x274: {  	v34 =	vand.u32 $0xFFFFFFF1, v57;
	v10 =	vmul.f32 v25, v10  }
0x275: {  	v58 =	vbroadcast v34, $0x0;
	(xrf2) =	vadd.scan.msk.f32 $0xffff, v33;
	v1 =	vmul.f32 v25, v1  }
0x276: {  	v59 =	vmul.f32 v25, v11;
	[tilespmem:s3+$0xC600] =	vst v10  }
0x277: {  	v60 =	vmul.f32 v25, v3;
	[tilespmem:s3+$0x8600] =	vst v1  }
0x278: {  	v61 =	vmul.f32 v25, v14;
	[tilespmem:s3+$0xC610] =	vst v59  }
0x279: {  	v62 =	vmul.f32 v25, v8;
	[tilespmem:s3+$0x8610] =	vst v60  }
0x27a: {  	v63 =	vmul.f32 v25, v16;
	[tilespmem:s3+$0xC620] =	vst v61  }
0x27b: {  	v13 =	vmul.f32 v25, v13;
	v14 =	vld.idx.msk [tilespmem:v58+s25+$0x0], $0xffff;
	[tilespmem:s3+$0x8620] =	vst v62  }
0x27c: {  	v16 =	vmul.f32 v25, v19;
	[tilespmem:s3+$0xC630] =	vst v63  }
0x27d: {  	v19 =	vmul.f32 v25, v15;
	[tilespmem:s3+$0x8630] =	vst v13  }
0x27e: {  	v33 =	vmul.f32 v25, v21;
	[tilespmem:s3+$0xC640] =	vst v16  }
0x27f: {  	v34 =	vmul.f32 v25, v18;
	[tilespmem:s3+$0x8640] =	vst v19;
	v35, _, _ =	vpop (xrf2)  }
0x280: {  	v36 =	vmul.f32 v25, v23;
	[tilespmem:s3+$0xC650] =	vst v33;
	v8 =	vsub.f32 $0.0e+00, v14;
	v10 =	vbroadcast v35, $0xF  }
0x281: {  	v37 =	vmul.f32 v25, v20;
	[tilespmem:s3+$0x8650] =	vst v34  }
0x282: {  	v38 =	vmul.f32 v25, v24;
	[tilespmem:s3+$0xC660] =	vst v36;
	v23 =	vmul.f32 v10, v8  }
0x283: {  	v39 =	vmul.f32 v25, v22;
	[tilespmem:s3+$0x8660] =	vst v37  }
0x284: {  	[tilespmem:s3+$0xC670] =	vst v38;
	v40 =	vmul.f32 v23, v28  }
0x285: {  	[tilespmem:s3+$0x8670] =	vst v39;
	v41 =	vmul.f32 v23, v26  }
0x286: {  	v42 =	vmul.f32 v23, v29;
	[tilespmem:s0+$0xC600] =	vst v40  }
0x287: {  	v43 =	vmul.f32 v23, v27;
	[tilespmem:s0+$0x8600] =	vst v41  }
0x288: {  	v44 =	vmul.f32 v23, v31;
	[tilespmem:s0+$0xC610] =	vst v42  }
0x289: {  	v45 =	vmul.f32 v23, v30;
	[tilespmem:s0+$0x8610] =	vst v43  }
0x28a: {  	v46 =	vmul.f32 v23, v32;
	[tilespmem:s0+$0xC620] =	vst v44  }
0x28b: {  	s7 =	sor.u32 $0x2, s21;
	[tilespmem:s0+$0x8620] =	vst v45  }
0x28c: {  	s8 =	sshll.u32 s7, $0x7;
	[tilespmem:s0+$0xC630] =	vst v46  }
0x28d: {  	v26 =	vld [tilespmem:s8+$0x8600]  }
0x28e: {  	v29 =	vld [tilespmem:s8+$0x8610]  }
0x28f: {  	v31 =	vld [tilespmem:s8+$0x8620]  }
0x290: {  	v18 =	vld [tilespmem:s8+$0x8630]  }
0x291: {  	v19 =	vld [tilespmem:s8+$0x8640]  }
0x292: {  	v27 =	vld [tilespmem:s8+$0xC600]  }
0x293: {  	v32 =	vld [tilespmem:s8+$0xC610]  }
0x294: {  	v20 =	vld [tilespmem:s8+$0x8650]  }
0x295: {  	v47 =	vmov s7;
	v41 =	vld [tilespmem:s8+$0xC620]  }
0x296: {  	v1 =	vand.u32 $0xFFFFFFF2, v47;
	v14 =	vld [tilespmem:s8+$0x8660]  }
0x297: {  	v1 =	vbroadcast v1, $0x0;
	v42 =	vld [tilespmem:s8+$0xC630]  }
0x298: {  	v13 =	vld [tilespmem:s8+$0x8670];
	v48 =	vmul.f32 v27, v26;
	v49 =	vmul.f32 v32, v29  }
0x299: {  	v43 =	vld [tilespmem:s8+$0xC640]  }
0x29a: {  	v40 =	vld [tilespmem:s8+$0xC650];
	v50 =	vmul.f32 v41, v31;
	v3 =	vadd.f32 v49, v48  }
0x29b: {  	v37 =	vld [tilespmem:s8+$0xC660]  }
0x29c: {  	s9 =	sor.u32 $0x3, s21;
	v34 =	vld [tilespmem:s8+$0xC670];
	v51 =	vmul.f32 v42, v18;
	v3 =	vadd.f32 v50, v3  }
0x29d: {  	s3 =	sshll.u32 s9, $0x7;
	v35 =	vld.idx.msk [tilespmem:v1+s25+$0x0], $0xffff  }
0x29e: {  	v33 =	vld [tilespmem:s3+$0x8600];
	v53 =	vmul.f32 v43, v19;
	v52 =	vadd.f32 v51, v3  }
0x29f: {  	v15 =	vld [tilespmem:s3+$0x8610]  }
0x2a0: {  	v10 =	vld [tilespmem:s3+$0x8620];
	v54 =	vmul.f32 v40, v20;
	v1 =	vadd.f32 v53, v52  }
0x2a1: {  	v16 =	vld [tilespmem:s3+$0x8630]  }
0x2a2: {  	v38 =	vld [tilespmem:s3+$0xC600];
	v55 =	vmul.f32 v37, v14;
	v1 =	vadd.f32 v54, v1  }
0x2a3: {  	v57 =	vmov s9;
	v36 =	vld [tilespmem:s3+$0xC610]  }
0x2a4: {  	v59 =	vand.u32 $0xFFFFFFF3, v57;
	v11 =	vld [tilespmem:s3+$0x8640];
	v56 =	vmul.f32 v34, v13;
	v1 =	vadd.f32 v55, v1  }
0x2a5: {  	v39 =	vbroadcast v59, $0x0;
	v30 =	vld [tilespmem:s3+$0xC620]  }
0x2a6: {  	v8 =	vld [tilespmem:s3+$0x8650];
	v1 =	vadd.f32 v56, v1  }
0x2a7: {  	v28 =	vld [tilespmem:s3+$0xC630]  }
0x2a8: {  	v24 =	vld [tilespmem:s3+$0xC640];
	(xrf2) =	vadd.scan.msk.f32 $0xffff, v1  }
0x2a9: {  	v22 =	vld [tilespmem:s3+$0xC650];
	v58 =	vmul.f32 v38, v33;
	v60 =	vmul.f32 v36, v15  }
0x2aa: {  	s9 =	sor.u32 $0x4, s21;
	v25 =	vld [tilespmem:s3+$0xC660]  }
0x2ab: {  	s7 =	sshll.u32 s9, $0x7;
	v17 =	vmul.f32 v23, v17;
	v46 =	vld.idx.msk [tilespmem:v39+s25+$0x0], $0xffff;
	v44 =	vmul.f32 v30, v10;
	v21 =	vadd.f32 v60, v58  }
0x2ac: {  	v62 =	vmul.f32 v23, v5;
	v5 =	vld [tilespmem:s7+$0x8600]  }
0x2ad: {  	v12 =	vmul.f32 v23, v12;
	[tilespmem:s0+$0xC640] =	vst v17;
	v17 =	vld [tilespmem:s7+$0x8610];
	v45 =	vmul.f32 v28, v16;
	v44 =	vadd.f32 v44, v21  }
0x2ae: {  	v3 =	vld [tilespmem:s3+$0x8660]  }
0x2af: {  	[tilespmem:s0+$0x8630] =	vst v12;
	v12 =	vld [tilespmem:s7+$0x8620];
	v61 =	vmul.f32 v24, v11;
	v44 =	vadd.f32 v45, v44  }
0x2b0: {  	v21 =	vld [tilespmem:s3+$0xC670]  }
0x2b1: {  	v9 =	vmul.f32 v23, v9;
	v48 =	vmul.f32 v22, v8;
	v63 =	vadd.f32 v61, v44;
	v1 =	vld [tilespmem:s3+$0x8670]  }
0x2b2: {  	v6 =	vmul.f32 v23, v6;
	v7 =	vmul.f32 v23, v7;
	[tilespmem:s0+$0x8640] =	vst v62;
	v47 =	vsub.f32 $0.0e+00, v35;
	v35 =	vld [tilespmem:s7+$0xC600];
	v49, _, _ =	vpop (xrf2)  }
0x2b3: {  	[tilespmem:s0+$0xC650] =	vst v9;
	v9 =	vld [tilespmem:s7+$0x8630];
	v39 =	vadd.f32 v48, v63;
	v50 =	vmul.f32 v25, v3;
	v45 =	vbroadcast v49, $0xF  }
0x2b4: {  	v4 =	vmul.f32 v23, v4;
	[tilespmem:s0+$0xC660] =	vst v7;
	v7 =	vld [tilespmem:s7+$0x8650]  }
0x2b5: {  	v0 =	vmul.f32 v23, v0;
	[tilespmem:s0+$0x8650] =	vst v6;
	v52 =	vadd.f32 v50, v39;
	v39 =	vld [tilespmem:s7+$0xC610];
	v45 =	vmul.f32 v45, v47  }
0x2b6: {  	[tilespmem:s0+$0xC670] =	vst v4;
	v4 =	vld [tilespmem:s7+$0x8660];
	v51 =	vmul.f32 v23, v2;
	v53 =	vmul.f32 v21, v1  }
0x2b7: {  	[tilespmem:s0+$0x8670] =	vst v0;
	v60 =	vmul.f32 v35, v5;
	v56 =	vmov s9;
	v55 =	vmul.f32 v45, v27;
	v27 =	vld [tilespmem:s7+$0xC620]  }
0x2b8: {  	v0 =	vld [tilespmem:s7+$0x8670];
	[tilespmem:s0+$0x8660] =	vst v51;
	v6 =	vand.u32 $0xFFFFFFF4, v56;
	v54 =	vadd.f32 v53, v52;
	v57 =	vmul.f32 v45, v26  }
0x2b9: {  	v6 =	vbroadcast v6, $0x0;
	v58 =	vmul.f32 v45, v32;
	v32 =	vld [tilespmem:s7+$0xC630];
	[tilespmem:s8+$0xC600] =	vst v55  }
0x2ba: {  	v2 =	vld [tilespmem:s7+$0x8640];
	v61 =	vmul.f32 v39, v17;
	(xrf2) =	vadd.scan.msk.f32 $0xffff, v54;
	v59 =	vmul.f32 v45, v29;
	[tilespmem:s8+$0x8600] =	vst v57  }
0x2bb: {  	v62 =	vmul.f32 v45, v41;
	v29 =	vld [tilespmem:s7+$0xC640];
	[tilespmem:s8+$0xC610] =	vst v58  }
0x2bc: {  	v23 =	vadd.f32 v61, v60;
	v63 =	vmul.f32 v45, v31;
	v31 =	vld [tilespmem:s7+$0xC650];
	[tilespmem:s8+$0x8610] =	vst v59;
	v48 =	vmul.f32 v27, v12  }
0x2bd: {  	v42 =	vmul.f32 v45, v42;
	v26 =	vld [tilespmem:s7+$0xC660];
	[tilespmem:s8+$0xC620] =	vst v62  }
0x2be: {  	s9 =	sor.u32 $0x5, s21;
	v49 =	vmul.f32 v45, v18;
	v18 =	vld [tilespmem:s7+$0xC670];
	[tilespmem:s8+$0x8620] =	vst v63;
	v50 =	vmul.f32 v32, v9;
	v23 =	vadd.f32 v48, v23  }
0x2bf: {  	s0 =	sshll.u32 s9, $0x7;
	v51 =	vmul.f32 v45, v43;
	v43 =	vld.idx.msk [tilespmem:v6+s25+$0x0], $0xffff;
	[tilespmem:s8+$0xC630] =	vst v42  }
0x2c0: {  	v52 =	vmul.f32 v45, v19;
	v19 =	vld [tilespmem:s0+$0x8610];
	[tilespmem:s8+$0x8630] =	vst v49;
	v54 =	vmul.f32 v29, v2;
	v53 =	vadd.f32 v50, v23  }
0x2c1: {  	v40 =	vmul.f32 v45, v40;
	v6 =	vld [tilespmem:s0+$0x8630];
	v14 =	vmul.f32 v45, v14;
	[tilespmem:s8+$0xC640] =	vst v51  }
0x2c2: {  	v61 =	vmul.f32 v45, v13;
	v13 =	vld [tilespmem:s0+$0x8640];
	[tilespmem:s8+$0x8640] =	vst v52;
	v57 =	vmul.f32 v31, v7;
	v41 =	vadd.f32 v54, v53  }
0x2c3: {  	v34 =	vmul.f32 v45, v34;
	v55 =	vmul.f32 v45, v20;
	v20 =	vld [tilespmem:s0+$0x8620];
	[tilespmem:s8+$0xC650] =	vst v40  }
0x2c4: {  	v58 =	vmul.f32 v45, v37;
	v37 =	vld [tilespmem:s0+$0xC600];
	[tilespmem:s8+$0x8660] =	vst v14;
	v56, _, _ =	vpop (xrf2);
	v60 =	vmul.f32 v26, v4;
	v41 =	vadd.f32 v57, v41  }
0x2c5: {  	v46 =	vsub.f32 $0.0e+00, v46;
	v40 =	vld [tilespmem:s0+$0xC610];
	[tilespmem:s8+$0xC670] =	vst v34;
	v59 =	vbroadcast v56, $0xF  }
0x2c6: {  	v34 =	vld [tilespmem:s0+$0xC620];
	[tilespmem:s8+$0x8670] =	vst v61;
	v62 =	vmul.f32 v18, v0;
	v41 =	vadd.f32 v60, v41  }
0x2c7: {  	v14 =	vld [tilespmem:s0+$0x8650];
	[tilespmem:s8+$0x8650] =	vst v55;
	v48 =	vmov s9;
	s9 =	sor.u32 $0x6, s21;
	v46 =	vmul.f32 v59, v46  }
0x2c8: {  	[tilespmem:s8+$0xC660] =	vst v58;
	s8 =	sshll.u32 s9, $0x7;
	v23 =	vld [tilespmem:s0+$0x8600];
	v41 =	vadd.f32 v62, v41  }
0x2c9: {  	v44 =	vld [tilespmem:s8+$0xC600];
	v38 =	vmul.f32 v46, v38  }
0x2ca: {  	v33 =	vmul.f32 v46, v33;
	v63 =	vmul.f32 v46, v36;
	v36 =	vld [tilespmem:s0+$0xC630];
	(xrf2) =	vadd.scan.msk.f32 $0xffff, v41  }
0x2cb: {  	v52 =	vmul.f32 v40, v19;
	v49 =	vmul.f32 v46, v15;
	v15 =	vld [tilespmem:s0+$0x8660];
	[tilespmem:s3+$0xC600] =	vst v38  }
0x2cc: {  	v30 =	vmul.f32 v46, v30;
	v59 =	vmul.f32 v46, v24;
	v24 =	vld [tilespmem:s8+$0x8600];
	[tilespmem:s3+$0x8600] =	vst v33  }
0x2cd: {  	v28 =	vmul.f32 v46, v28;
	v61 =	vmul.f32 v46, v22;
	v22 =	vld [tilespmem:s8+$0x8610];
	[tilespmem:s3+$0xC610] =	vst v63  }
0x2ce: {  	v54 =	vmul.f32 v46, v10;
	v10 =	vld [tilespmem:s0+$0x8670];
	[tilespmem:s3+$0x8610] =	vst v49;
	v50 =	vmul.f32 v37, v23  }
0x2cf: {  	v16 =	vmul.f32 v46, v16;
	v38 =	vld [tilespmem:s0+$0xC640];
	[tilespmem:s3+$0xC620] =	vst v30  }
0x2d0: {  	v56 =	vmul.f32 v34, v20;
	v33 =	vld [tilespmem:s0+$0xC650];
	[tilespmem:s3+$0xC630] =	vst v28;
	v55 =	vadd.f32 v52, v50  }
0x2d1: {  	v51 =	vand.u32 $0xFFFFFFF5, v48;
	v11 =	vmul.f32 v46, v11;
	v30 =	vld [tilespmem:s0+$0xC660];
	[tilespmem:s3+$0x8630] =	vst v16  }
0x2d2: {  	v53 =	vbroadcast v51, $0x0;
	v28 =	vld [tilespmem:s0+$0xC670];
	[tilespmem:s3+$0xC640] =	vst v59;
	v58 =	vmul.f32 v36, v6;
	v57 =	vadd.f32 v56, v55  }
0x2d3: {  	v8 =	vmul.f32 v46, v8;
	v25 =	vmul.f32 v46, v25;
	[tilespmem:s3+$0x8640] =	vst v11;
	v16 =	vld [tilespmem:s8+$0x8620]  }
0x2d4: {  	v21 =	vmul.f32 v46, v21;
	[tilespmem:s3+$0xC650] =	vst v61;
	v11 =	vld [tilespmem:s8+$0x8630];
	v60 =	vmul.f32 v38, v13;
	v42 =	vadd.f32 v58, v57;
	v63, _, _ =	vpop (xrf2)  }
0x2d5: {  	v43 =	vsub.f32 $0.0e+00, v43;
	[tilespmem:s3+$0x8650] =	vst v8;
	v49 =	vmul.f32 v46, v3;
	v3 =	vld [tilespmem:s8+$0x8640];
	v45 =	vbroadcast v63, $0xF  }
0x2d6: {  	v8 =	vld [tilespmem:s8+$0x8650];
	[tilespmem:s3+$0x8620] =	vst v54;
	v54 =	vmov s9;
	v62 =	vmul.f32 v33, v14;
	v42 =	vadd.f32 v60, v42  }
0x2d7: {  	v1 =	vmul.f32 v46, v1;
	[tilespmem:s3+$0xC660] =	vst v25;
	v46 =	vld [tilespmem:s8+$0xC630];
	v56 =	vand.u32 $0xFFFFFFF6, v54;
	v47 =	vmul.f32 v45, v43  }
0x2d8: {  	[tilespmem:s3+$0xC670] =	vst v21;
	v48 =	vmul.f32 v30, v15;
	v41 =	vld.idx.msk [tilespmem:v53+s25+$0x0], $0xffff;
	v21 =	vbroadcast v56, $0x0;
	v42 =	vadd.f32 v62, v42  }
0x2d9: {  	[tilespmem:s3+$0x8670] =	vst v1;
	v45 =	vld [tilespmem:s8+$0xC610];
	v53 =	vmul.f32 v47, v35  }
0x2da: {  	v1 =	vld [tilespmem:s8+$0x8670];
	s9 =	sor.u32 $0x7, s21;
	[tilespmem:s3+$0x8660] =	vst v49;
	v51 =	vmul.f32 v28, v10;
	v50 =	vadd.f32 v48, v42;
	v55 =	vmul.f32 v47, v5  }
0x2db: {  	s3 =	sshll.u32 s9, $0x7;
	v42 =	vld [tilespmem:s8+$0xC620];
	v39 =	vmul.f32 v47, v39;
	[tilespmem:s7+$0xC600] =	vst v53  }
0x2dc: {  	v25 =	vld [tilespmem:s3+$0x8610];
	v52 =	vadd.f32 v51, v50;
	v17 =	vmul.f32 v47, v17;
	[tilespmem:s7+$0x8600] =	vst v55  }
0x2dd: {  	v57 =	vmul.f32 v44, v24;
	v54 =	vsub.f32 $0.0e+00, v41;
	v41 =	vld [tilespmem:s3+$0xC640];
	v27 =	vmul.f32 v47, v27;
	[tilespmem:s7+$0xC610] =	vst v39  }
0x2de: {  	v50 =	vld.idx.msk [tilespmem:v21+s25+$0x0], $0xffff;
	(xrf2) =	vadd.scan.msk.f32 $0xffff, v52;
	v12 =	vmul.f32 v47, v12;
	[tilespmem:s7+$0x8610] =	vst v17;
	v48 =	vmul.f32 v45, v22  }
0x2df: {  	v43 =	vld [tilespmem:s8+$0xC640];
	v60 =	vmul.f32 v47, v32;
	[tilespmem:s7+$0xC620] =	vst v27  }
0x2e0: {  	v59 =	vmul.f32 v42, v16;
	v5 =	vld [tilespmem:s8+$0x8660];
	v9 =	vmul.f32 v47, v9;
	[tilespmem:s7+$0x8620] =	vst v12;
	v58 =	vadd.f32 v48, v57  }
0x2e1: {  	v35 =	vld [tilespmem:s8+$0xC650];
	v63 =	vmul.f32 v47, v29;
	[tilespmem:s7+$0xC630] =	vst v60  }
0x2e2: {  	v62 =	vmul.f32 v46, v11;
	v32 =	vld [tilespmem:s8+$0xC660];
	v2 =	vmul.f32 v47, v2;
	[tilespmem:s7+$0x8630] =	vst v9;
	v61 =	vadd.f32 v59, v58  }
0x2e3: {  	v29 =	vld [tilespmem:s3+$0x8600];
	v7 =	vmul.f32 v47, v7;
	[tilespmem:s7+$0xC640] =	vst v63  }
0x2e4: {  	v52 =	vmul.f32 v47, v26;
	v27 =	vld [tilespmem:s8+$0xC670];
	[tilespmem:s7+$0x8640] =	vst v2;
	v39 =	vmul.f32 v43, v3;
	v21 =	vadd.f32 v62, v61  }
0x2e5: {  	v4 =	vmul.f32 v47, v4;
	v0 =	vmul.f32 v47, v0;
	v2 =	vld [tilespmem:s3+$0x8630];
	[tilespmem:s7+$0x8650] =	vst v7  }
0x2e6: {  	[tilespmem:s7+$0xC660] =	vst v52;
	v17 =	vld [tilespmem:s3+$0x8640];
	v63 =	vmov s9;
	v51 =	vmul.f32 v35, v8;
	v9 =	vadd.f32 v39, v21  }
0x2e7: {  	[tilespmem:s7+$0x8660] =	vst v4;
	v7 =	vand.u32 $0xFFFFFFF7, v63;
	v48 =	vmul.f32 v47, v31;
	v57 =	vmul.f32 v47, v18;
	v18 =	vld [tilespmem:s3+$0x8650]  }
0x2e8: {  	[tilespmem:s7+$0x8670] =	vst v0;
	v56 =	vmul.f32 v32, v5;
	v47 =	vbroadcast v7, $0x0;
	v7 =	vld [tilespmem:s3+$0x8670];
	v49, _, _ =	vpop (xrf2);
	v55 =	vadd.f32 v51, v9  }
0x2e9: {  	s9 =	sor.u32 $0x8, s21;
	[tilespmem:s7+$0xC650] =	vst v48;
	v53 =	vbroadcast v49, $0xF;
	v48 =	vld [tilespmem:s3+$0xC600]  }
0x2ea: {  	v49 =	vld [tilespmem:s3+$0xC610];
	v59 =	vmul.f32 v27, v1;
	[tilespmem:s7+$0xC670] =	vst v57;
	s7 =	sshll.u32 s9, $0x7;
	v58 =	vadd.f32 v56, v55  }
0x2eb: {  	v12 =	vld [tilespmem:s7+$0x8630];
	v51 =	vmul.f32 v53, v54  }
0x2ec: {  	v21 =	vld [tilespmem:s3+$0x8620];
	v4 =	vadd.f32 v59, v58  }
0x2ed: {  	v39 =	vld [tilespmem:s3+$0xC620];
	v60 =	vmul.f32 v51, v37  }
0x2ee: {  	v0 =	vld [tilespmem:s7+$0x8670];
	v61 =	vmul.f32 v51, v23;
	(xrf2) =	vadd.scan.msk.f32 $0xffff, v4  }
0x2ef: {  	v31 =	vmul.f32 v48, v29;
	v62 =	vmul.f32 v51, v40;
	v40 =	vld [tilespmem:s3+$0xC630];
	[tilespmem:s0+$0xC600] =	vst v60  }
0x2f0: {  	v26 =	vmul.f32 v51, v19;
	v19 =	vld [tilespmem:s3+$0x8660];
	v37 =	vmul.f32 v49, v25;
	[tilespmem:s0+$0x8600] =	vst v61  }
0x2f1: {  	v52 =	vmul.f32 v51, v34;
	v34 =	vld [tilespmem:s3+$0xC660];
	[tilespmem:s0+$0xC610] =	vst v62  }
0x2f2: {  	v53 =	vmul.f32 v51, v20;
	v23 =	vld [tilespmem:s7+$0x8610];
	v54 =	vmul.f32 v39, v21;
	[tilespmem:s0+$0x8610] =	vst v26;
	v4 =	vadd.f32 v37, v31  }
0x2f3: {  	v55 =	vmul.f32 v51, v36;
	[tilespmem:s0+$0xC620] =	vst v52;
	v37 =	vld [tilespmem:s3+$0xC650]  }
0x2f4: {  	v63 =	vmul.f32 v51, v14;
	v14 =	vld [tilespmem:s7+$0x8620];
	[tilespmem:s0+$0x8620] =	vst v53;
	v56 =	vmul.f32 v40, v2;
	v4 =	vadd.f32 v54, v4  }
0x2f5: {  	v57 =	vmul.f32 v51, v6;
	v6 =	vld [tilespmem:s7+$0x8660];
	[tilespmem:s0+$0xC630] =	vst v55  }
0x2f6: {  	v58 =	vmul.f32 v51, v38;
	v59 =	vmul.f32 v41, v17;
	v38 =	vld.idx.msk [tilespmem:v47+s25+$0x0], $0xffff;
	v4 =	vadd.f32 v56, v4  }
0x2f7: {  	[tilespmem:s0+$0x8630] =	vst v57;
	v60 =	vmul.f32 v51, v13;
	v61 =	vmul.f32 v51, v33;
	v31 =	vld [tilespmem:s3+$0xC670]  }
0x2f8: {  	v26 =	vld [tilespmem:s7+$0x8600];
	v33 =	vmul.f32 v51, v30;
	[tilespmem:s0+$0x8650] =	vst v63;
	v62 =	vmul.f32 v37, v18;
	v4 =	vadd.f32 v59, v4;
	v36, _, _ =	vpop (xrf2)  }
0x2f9: {  	v52 =	vmul.f32 v51, v15;
	v53 =	vsub.f32 $0.0e+00, v50;
	v50 =	vld [tilespmem:s7+$0xC600];
	[tilespmem:s0+$0xC640] =	vst v58;
	v13 =	vbroadcast v36, $0xF  }
0x2fa: {  	[tilespmem:s0+$0xC660] =	vst v33;
	v33 =	vld [tilespmem:s7+$0xC660];
	v47 =	vmul.f32 v34, v19;
	v54 =	vmul.f32 v51, v28;
	v9 =	vadd.f32 v62, v4  }
0x2fb: {  	[tilespmem:s0+$0x8640] =	vst v60;
	v56 =	vmul.f32 v51, v10;
	v51 =	vld [tilespmem:s7+$0xC610];
	v10 =	vmul.f32 v13, v53  }
0x2fc: {  	[tilespmem:s0+$0xC650] =	vst v61;
	v28 =	vld [tilespmem:s7+$0xC670];
	v55 =	vmul.f32 v31, v7;
	v9 =	vadd.f32 v47, v9  }
0x2fd: {  	[tilespmem:s0+$0x8660] =	vst v52;
	v58 =	vmul.f32 v10, v44;
	v44 =	vld [tilespmem:s7+$0xC620]  }
0x2fe: {  	[tilespmem:s0+$0xC670] =	vst v54;
	v59 =	vmov s9;
	s9 =	sor.u32 $0x9, s21;
	v4 =	vld [tilespmem:s7+$0x8640];
	v57 =	vadd.f32 v55, v9  }
0x2ff: {  	v61 =	vmul.f32 v50, v26;
	[tilespmem:s0+$0x8670] =	vst v56;
	s0 =	sshll.u32 s9, $0x7;
	v47 =	vld [tilespmem:s7+$0xC630]  }
0x300: {  	v30 =	vld [tilespmem:s0+$0x8600];
	v62 =	vmul.f32 v51, v23;
	(xrf2) =	vadd.scan.msk.f32 $0xffff, v57;
	v15 =	vmul.f32 v10, v24  }
0x301: {  	v13 =	vand.u32 $0xFFFFFFF8, v59;
	v60 =	vmul.f32 v10, v45;
	v45 =	vld [tilespmem:s7+$0xC640];
	[tilespmem:s8+$0xC600] =	vst v58  }
0x302: {  	v36 =	vld [tilespmem:s7+$0xC650];
	v22 =	vmul.f32 v10, v22;
	[tilespmem:s8+$0x8600] =	vst v15;
	v15 =	vadd.f32 v62, v61;
	v24 =	vmul.f32 v44, v14  }
0x303: {  	v9 =	vld [tilespmem:s7+$0x8650];
	v13 =	vbroadcast v13, $0x0;
	v63 =	vmul.f32 v10, v42;
	[tilespmem:s8+$0xC610] =	vst v60  }
0x304: {  	v20 =	vld [tilespmem:s0+$0x8620];
	v42 =	vmul.f32 v10, v46;
	v46 =	vmul.f32 v47, v12;
	[tilespmem:s8+$0x8610] =	vst v22;
	v15 =	vadd.f32 v24, v15  }
0x305: {  	v56 =	vmul.f32 v10, v43;
	v3 =	vmul.f32 v10, v3;
	v43 =	vld [tilespmem:s0+$0xC600];
	[tilespmem:s8+$0xC620] =	vst v63  }
0x306: {  	v11 =	vmul.f32 v10, v11;
	[tilespmem:s8+$0xC630] =	vst v42;
	v22 =	vld [tilespmem:s0+$0x8610];
	v58 =	vmul.f32 v45, v4;
	v57 =	vadd.f32 v46, v15  }
0x307: {  	v16 =	vmul.f32 v10, v16;
	v59 =	vmul.f32 v10, v35;
	[tilespmem:s8+$0x8640] =	vst v3;
	v3 =	vld [tilespmem:s0+$0x8630]  }
0x308: {  	v8 =	vmul.f32 v10, v8;
	[tilespmem:s8+$0x8630] =	vst v11;
	v61 =	vmul.f32 v36, v9;
	v42 =	vld [tilespmem:s0+$0xC630];
	v11 =	vadd.f32 v58, v57  }
0x309: {  	[tilespmem:s8+$0xC640] =	vst v56;
	v62 =	vmul.f32 v10, v32;
	v56 =	vmul.f32 v10, v27;
	v27 =	vld [tilespmem:s0+$0xC670]  }
0x30a: {  	[tilespmem:s8+$0x8620] =	vst v16;
	v32 =	vsub.f32 $0.0e+00, v38;
	v38 =	vmul.f32 v33, v6;
	v52 =	vld.idx.msk [tilespmem:v13+s25+$0x0], $0xffff;
	v60, _, _ =	vpop (xrf2);
	v35 =	vadd.f32 v61, v11  }
0x30b: {  	v5 =	vmul.f32 v10, v5;
	[tilespmem:s8+$0xC650] =	vst v59;
	v46 =	vld [tilespmem:s0+$0xC610];
	v63 =	vbroadcast v60, $0xF  }
0x30c: {  	[tilespmem:s8+$0x8650] =	vst v8;
	v15 =	vld [tilespmem:s0+$0x8660];
	v58 =	vmul.f32 v28, v0;
	v8 =	vadd.f32 v38, v35  }
0x30d: {  	[tilespmem:s8+$0x8660] =	vst v5;
	v57 =	vmul.f32 v10, v1;
	v1 =	vld [tilespmem:s0+$0x8640];
	v53 =	vmul.f32 v63, v32  }
0x30e: {  	[tilespmem:s8+$0xC660] =	vst v62;
	v62 =	vmov s9;
	v11 =	vld [tilespmem:s0+$0x8670];
	v10 =	vadd.f32 v58, v8  }
0x30f: {  	[tilespmem:s8+$0xC670] =	vst v56;
	v32 =	vand.u32 $0xFFFFFFF9, v62;
	v59 =	vmul.f32 v53, v48;
	v60 =	vmul.f32 v53, v29;
	v38 =	vld [tilespmem:s0+$0xC620]  }
0x310: {  	s9 =	sor.u32 $0xA, s21;
	[tilespmem:s8+$0x8670] =	vst v57;
	v61 =	vmul.f32 v53, v49;
	v49 =	vmul.f32 v53, v39;
	v39 =	vld [tilespmem:s0+$0xC640];
	(xrf2) =	vadd.scan.msk.f32 $0xffff, v10  }
0x311: {  	s8 =	sshll.u32 s9, $0x7;
	v63 =	vmul.f32 v53, v25;
	v48 =	vbroadcast v32, $0x0;
	v32 =	vld [tilespmem:s0+$0xC660];
	[tilespmem:s3+$0xC600] =	vst v59  }
0x312: {  	v29 =	vmul.f32 v43, v30;
	v24 =	vld [tilespmem:s8+$0x8600];
	v35 =	vmul.f32 v46, v22;
	[tilespmem:s3+$0x8600] =	vst v60  }
0x313: {  	v16 =	vld [tilespmem:s8+$0x8620];
	[tilespmem:s3+$0xC610] =	vst v61  }
0x314: {  	v21 =	vmul.f32 v53, v21;
	[tilespmem:s3+$0x8610] =	vst v63;
	v8 =	vld [tilespmem:s0+$0x8650];
	v10 =	vadd.f32 v35, v29;
	v54 =	vmul.f32 v38, v20  }
0x315: {  	v56 =	vmul.f32 v42, v3;
	v55 =	vmul.f32 v53, v40;
	[tilespmem:s3+$0xC620] =	vst v49;
	v35 =	vld [tilespmem:s0+$0xC650]  }
0x316: {  	v2 =	vmul.f32 v53, v2;
	v57 =	vmul.f32 v53, v41;
	v13 =	vld [tilespmem:s8+$0x8630];
	[tilespmem:s3+$0x8620] =	vst v21;
	v10 =	vadd.f32 v54, v10  }
0x317: {  	v62 =	vmul.f32 v53, v18;
	v5 =	vld [tilespmem:s8+$0x8640];
	v41 =	vmul.f32 v53, v31;
	[tilespmem:s3+$0xC630] =	vst v55  }
0x318: {  	v31 =	vld [tilespmem:s8+$0xC650];
	[tilespmem:s3+$0x8630] =	vst v2;
	v59 =	vmul.f32 v53, v17;
	v58 =	vmul.f32 v39, v1;
	v10 =	vadd.f32 v56, v10  }
0x319: {  	[tilespmem:s3+$0xC640] =	vst v57;
	v60 =	vmul.f32 v53, v37;
	v21 =	vld [tilespmem:s8+$0x8610];
	v63 =	vmul.f32 v53, v34  }
0x31a: {  	[tilespmem:s3+$0x8650] =	vst v62;
	v34 =	vmul.f32 v53, v19;
	v49 =	vld [tilespmem:s8+$0xC610];
	v61 =	vmul.f32 v35, v8;
	v10 =	vadd.f32 v58, v10;
	v25, _, _ =	vpop (xrf2)  }
0x31b: {  	v40 =	vsub.f32 $0.0e+00, v52;
	v53 =	vmul.f32 v53, v7;
	[tilespmem:s3+$0xC670] =	vst v41;
	v7 =	vld [tilespmem:s8+$0x8660];
	v37 =	vbroadcast v25, $0xF  }
0x31c: {  	[tilespmem:s3+$0x8640] =	vst v59;
	v29 =	vmul.f32 v32, v15;
	v54 =	vld.idx.msk [tilespmem:v48+s25+$0x0], $0xffff;
	v10 =	vadd.f32 v61, v10  }
0x31d: {  	v57 =	vmov s9;
	[tilespmem:s3+$0xC650] =	vst v60;
	v48 =	vld [tilespmem:s8+$0xC600];
	v37 =	vmul.f32 v37, v40  }
0x31e: {  	v41 =	vld [tilespmem:s8+$0xC630];
	v17 =	vand.u32 $0xFFFFFFFA, v57;
	[tilespmem:s3+$0xC660] =	vst v63;
	v52 =	vmul.f32 v27, v11;
	v10 =	vadd.f32 v29, v10  }
0x31f: {  	[tilespmem:s3+$0x8660] =	vst v34;
	v34 =	vld [tilespmem:s8+$0xC620];
	v17 =	vbroadcast v17, $0x0;
	v56 =	vmul.f32 v37, v50  }
0x320: {  	v2 =	vld [tilespmem:s8+$0x8670];
	[tilespmem:s3+$0x8670] =	vst v53;
	v55 =	vadd.f32 v52, v10;
	v58 =	vmul.f32 v37, v26  }
0x321: {  	v60 =	vmul.f32 v49, v21;
	v29 =	vld [tilespmem:s8+$0xC660];
	v19 =	vmul.f32 v37, v51;
	[tilespmem:s7+$0xC600] =	vst v56  }
0x322: {  	v59 =	vmul.f32 v48, v24;
	v25 =	vld [tilespmem:s8+$0xC670];
	(xrf2) =	vadd.scan.msk.f32 $0xffff, v55;
	v23 =	vmul.f32 v37, v23;
	[tilespmem:s7+$0x8600] =	vst v58  }
0x323: {  	v40 =	vld [tilespmem:s8+$0xC640];
	v61 =	vmul.f32 v37, v44;
	[tilespmem:s7+$0xC610] =	vst v19  }
0x324: {  	s9 =	sor.u32 $0xB, s21;
	v62 =	vmul.f32 v34, v16;
	v18 =	vadd.f32 v60, v59;
	v10 =	vld [tilespmem:s8+$0x8650];
	v14 =	vmul.f32 v37, v14;
	[tilespmem:s7+$0x8610] =	vst v23  }
0x325: {  	s3 =	sshll.u32 s9, $0x7;
	v63 =	vmul.f32 v37, v47;
	v47 =	vld.idx.msk [tilespmem:v17+s25+$0x0], $0xffff;
	[tilespmem:s7+$0xC620] =	vst v61  }
0x326: {  	v12 =	vmul.f32 v37, v12;
	v26 =	vadd.f32 v62, v18;
	v50 =	vmul.f32 v41, v13;
	v44 =	vld [tilespmem:s3+$0xC600];
	[tilespmem:s7+$0x8620] =	vst v14  }
0x327: {  	v51 =	vmul.f32 v37, v45;
	v4 =	vmul.f32 v37, v4;
	v45 =	vld [tilespmem:s3+$0xC610];
	[tilespmem:s7+$0xC630] =	vst v63  }
0x328: {  	v55 =	vmul.f32 v37, v36;
	v36 =	vld [tilespmem:s3+$0xC620];
	[tilespmem:s7+$0x8630] =	vst v12;
	v52 =	vadd.f32 v50, v26;
	v53 =	vmul.f32 v40, v5  }
0x329: {  	v17 =	vld [tilespmem:s3+$0x8650];
	[tilespmem:s7+$0xC640] =	vst v51  }
0x32a: {  	v9 =	vmul.f32 v37, v9;
	v26 =	vld [tilespmem:s3+$0x8600];
	[tilespmem:s7+$0x8640] =	vst v4;
	v57 =	vmul.f32 v31, v10;
	v12 =	vadd.f32 v53, v52  }
0x32b: {  	v6 =	vmul.f32 v37, v6;
	v0 =	vmul.f32 v37, v0;
	v23 =	vld [tilespmem:s3+$0x8610];
	[tilespmem:s7+$0xC650] =	vst v55  }
0x32c: {  	v62 =	vmul.f32 v29, v7;
	v19 =	vld [tilespmem:s3+$0x8620];
	v58 =	vmul.f32 v37, v33;
	[tilespmem:s7+$0x8650] =	vst v9;
	v61 =	vadd.f32 v57, v12;
	v56, _, _ =	vpop (xrf2)  }
0x32d: {  	v60 =	vsub.f32 $0.0e+00, v54;
	v4 =	vld [tilespmem:s3+$0x8630];
	v63 =	vmul.f32 v37, v28;
	[tilespmem:s7+$0x8660] =	vst v6;
	v59 =	vbroadcast v56, $0xF  }
0x32e: {  	v33 =	vmul.f32 v25, v2;
	v14 =	vld [tilespmem:s3+$0x8640];
	[tilespmem:s7+$0x8670] =	vst v0;
	v51 =	vmov s9;
	v28 =	vadd.f32 v62, v61  }
0x32f: {  	v37 =	vld [tilespmem:s3+$0xC630];
	s9 =	sor.u32 $0xC, s21;
	v9 =	vand.u32 $0xFFFFFFFB, v51;
	[tilespmem:s7+$0xC660] =	vst v58;
	v50 =	vmul.f32 v59, v60  }
0x330: {  	[tilespmem:s7+$0xC670] =	vst v63;
	v55 =	vbroadcast v9, $0x0;
	v9 =	vld [tilespmem:s3+$0x8670];
	s7 =	sshll.u32 s9, $0x7;
	v53 =	vmul.f32 v44, v26;
	v6 =	vadd.f32 v33, v28  }
0x331: {  	v0 =	vld [tilespmem:s7+$0x8670];
	v54 =	vmul.f32 v45, v23;
	v43 =	vmul.f32 v50, v43  }
0x332: {  	(xrf2) =	vadd.scan.msk.f32 $0xffff, v6;
	v18 =	vmul.f32 v50, v30;
	v56 =	vmul.f32 v50, v38;
	v38 =	vld [tilespmem:s3+$0xC640]  }
0x333: {  	v58 =	vmul.f32 v36, v19;
	v12 =	vld [tilespmem:s7+$0x8620];
	v6 =	vadd.f32 v54, v53;
	v46 =	vmul.f32 v50, v46;
	[tilespmem:s0+$0xC600] =	vst v43  }
0x334: {  	v33 =	vld [tilespmem:s3+$0xC650];
	v52 =	vmul.f32 v50, v22;
	[tilespmem:s0+$0x8600] =	vst v18  }
0x335: {  	v60 =	vmul.f32 v37, v4;
	v30 =	vld [tilespmem:s3+$0xC660];
	v6 =	vadd.f32 v58, v6;
	[tilespmem:s0+$0xC610] =	vst v46  }
0x336: {  	v57 =	vmul.f32 v50, v20;
	v18 =	vld [tilespmem:s3+$0x8660];
	[tilespmem:s0+$0x8610] =	vst v52  }
0x337: {  	v28 =	vld [tilespmem:s3+$0xC670];
	v59 =	vmul.f32 v50, v42;
	[tilespmem:s0+$0xC620] =	vst v56;
	v6 =	vadd.f32 v60, v6;
	v63 =	vmul.f32 v38, v14  }
0x338: {  	v61 =	vmul.f32 v50, v3;
	v62 =	vmul.f32 v50, v39;
	v22 =	vld [tilespmem:s7+$0x8600];
	[tilespmem:s0+$0x8620] =	vst v57  }
0x339: {  	v39 =	vmul.f32 v50, v1;
	v20 =	vld [tilespmem:s7+$0x8610];
	v51 =	vmul.f32 v33, v17;
	[tilespmem:s0+$0xC630] =	vst v59;
	v46 =	vadd.f32 v63, v6  }
0x33a: {  	v42 =	vmul.f32 v50, v35;
	v32 =	vmul.f32 v50, v32;
	v1 =	vld [tilespmem:s7+$0x8640];
	[tilespmem:s0+$0x8630] =	vst v61  }
0x33b: {  	v27 =	vmul.f32 v50, v27;
	v35 =	vld [tilespmem:s7+$0xC630];
	[tilespmem:s0+$0xC640] =	vst v62;
	v54 =	vmul.f32 v30, v18;
	v3 =	vadd.f32 v51, v46  }
0x33c: {  	v58 =	vmul.f32 v28, v9;
	v52 =	vmul.f32 v50, v8;
	[tilespmem:s0+$0xC650] =	vst v42;
	v42 =	vld [tilespmem:s7+$0xC600];
	v53, _, _ =	vpop (xrf2)  }
0x33d: {  	v43 =	vld.idx.msk [tilespmem:v55+s25+$0x0], $0xffff;
	[tilespmem:s0+$0x8640] =	vst v39;
	v57 =	vsub.f32 $0.0e+00, v47;
	v56 =	vbroadcast v53, $0xF;
	v3 =	vadd.f32 v54, v3  }
0x33e: {  	v55 =	vmul.f32 v50, v15;
	[tilespmem:s0+$0xC660] =	vst v32;
	v59 =	vmul.f32 v50, v11;
	v39 =	vld [tilespmem:s7+$0xC610];
	v61 =	vmov s9  }
0x33f: {  	v8 =	vld [tilespmem:s7+$0x8630];
	[tilespmem:s0+$0xC670] =	vst v27;
	v11 =	vand.u32 $0xFFFFFFFC, v61;
	v15 =	vmul.f32 v56, v57;
	v3 =	vadd.f32 v58, v3  }
0x340: {  	v32 =	vld [tilespmem:s7+$0xC620];
	[tilespmem:s0+$0x8650] =	vst v52;
	v11 =	vbroadcast v11, $0x0  }
0x341: {  	v27 =	vld [tilespmem:s7+$0xC650];
	[tilespmem:s0+$0x8660] =	vst v55;
	v63 =	vmul.f32 v42, v22;
	v60 =	vmul.f32 v15, v48;
	(xrf2) =	vadd.scan.msk.f32 $0xffff, v3  }
0x342: {  	s9 =	sor.u32 $0xD, s21;
	[tilespmem:s0+$0x8670] =	vst v59;
	v6 =	vld [tilespmem:s7+$0x8650];
	v24 =	vmul.f32 v15, v24;
	v62 =	vmul.f32 v15, v49  }
0x343: {  	s0 =	sshll.u32 s9, $0x7;
	v48 =	vmul.f32 v39, v20;
	v49 =	vmul.f32 v15, v34;
	v34 =	vld [tilespmem:s7+$0xC640];
	[tilespmem:s8+$0xC600] =	vst v60  }
0x344: {  	v21 =	vmul.f32 v15, v21;
	v55 =	vmul.f32 v15, v10;
	v10 =	vld [tilespmem:s0+$0x8620];
	[tilespmem:s8+$0x8600] =	vst v24  }
0x345: {  	v51 =	vmul.f32 v32, v12;
	v16 =	vmul.f32 v15, v16;
	v3 =	vld [tilespmem:s7+$0x8660];
	[tilespmem:s8+$0xC610] =	vst v62;
	v50 =	vadd.f32 v48, v63  }
0x346: {  	v41 =	vmul.f32 v15, v41;
	[tilespmem:s8+$0x8610] =	vst v21;
	v24 =	vld [tilespmem:s7+$0xC660]  }
0x347: {  	v52 =	vmul.f32 v35, v8;
	v13 =	vmul.f32 v15, v13;
	[tilespmem:s8+$0x8620] =	vst v16;
	v16 =	vld [tilespmem:s7+$0xC670];
	v21 =	vadd.f32 v51, v50  }
0x348: {  	v5 =	vmul.f32 v15, v5;
	[tilespmem:s8+$0xC630] =	vst v41;
	v41 =	vld.idx.msk [tilespmem:v11+s25+$0x0], $0xffff  }
0x349: {  	v40 =	vmul.f32 v15, v40;
	[tilespmem:s8+$0x8630] =	vst v13;
	v11 =	vld [tilespmem:s0+$0x8610];
	v54 =	vmul.f32 v34, v1;
	v53 =	vadd.f32 v52, v21  }
0x34a: {  	v47 =	vmov s9;
	v29 =	vmul.f32 v15, v29;
	[tilespmem:s8+$0x8640] =	vst v5;
	v5 =	vld [tilespmem:s0+$0x8630]  }
0x34b: {  	v57 =	vmul.f32 v27, v6;
	v31 =	vmul.f32 v15, v31;
	[tilespmem:s8+$0xC640] =	vst v40;
	v40 =	vld [tilespmem:s0+$0xC600];
	v13 =	vadd.f32 v54, v53;
	v56, _, _ =	vpop (xrf2)  }
0x34c: {  	v43 =	vsub.f32 $0.0e+00, v43;
	v7 =	vmul.f32 v15, v7;
	[tilespmem:s8+$0xC660] =	vst v29;
	v29 =	vld [tilespmem:s0+$0xC610];
	v58 =	vbroadcast v56, $0xF  }
0x34d: {  	[tilespmem:s8+$0xC620] =	vst v49;
	v60 =	vmul.f32 v15, v2;
	v2 =	vld [tilespmem:s0+$0x8640];
	v59 =	vmul.f32 v24, v3;
	v13 =	vadd.f32 v57, v13  }
0x34e: {  	v25 =	vmul.f32 v15, v25;
	[tilespmem:s8+$0xC650] =	vst v31;
	v15 =	vand.u32 $0xFFFFFFFD, v47;
	v21 =	vld [tilespmem:s0+$0x8600];
	v43 =	vmul.f32 v58, v43  }
0x34f: {  	[tilespmem:s8+$0x8660] =	vst v7;
	v7 =	vld [tilespmem:s0+$0x8650];
	v50 =	vbroadcast v15, $0x0;
	v61 =	vmul.f32 v16, v0;
	v13 =	vadd.f32 v59, v13  }
0x350: {  	[tilespmem:s8+$0x8650] =	vst v55;
	v63 =	vmul.f32 v43, v26;
	v26 =	vld [tilespmem:s0+$0xC620]  }
0x351: {  	[tilespmem:s8+$0xC670] =	vst v25;
	v31 =	vld [tilespmem:s0+$0xC630];
	v13 =	vadd.f32 v61, v13;
	v62 =	vmul.f32 v43, v44  }
0x352: {  	v25 =	vld [tilespmem:s0+$0xC660];
	[tilespmem:s8+$0x8670] =	vst v60;
	v49 =	vmul.f32 v29, v11  }
0x353: {  	v15 =	vld [tilespmem:s0+$0x8670];
	v48 =	vmul.f32 v40, v21;
	(xrf2) =	vadd.scan.msk.f32 $0xffff, v13;
	v45 =	vmul.f32 v43, v45;
	[tilespmem:s3+$0xC600] =	vst v62  }
0x354: {  	v23 =	vmul.f32 v43, v23;
	v51 =	vmul.f32 v43, v36;
	v36 =	vld [tilespmem:s0+$0xC640];
	[tilespmem:s3+$0x8600] =	vst v63  }
0x355: {  	v46 =	vld.idx.msk [tilespmem:v50+s25+$0x0], $0xffff;
	v52 =	vadd.f32 v49, v48;
	[tilespmem:s3+$0xC610] =	vst v45;
	v53 =	vmul.f32 v26, v10  }
0x356: {  	v19 =	vmul.f32 v43, v19;
	v54 =	vmul.f32 v43, v37;
	v37 =	vld [tilespmem:s0+$0xC650];
	[tilespmem:s3+$0x8610] =	vst v23  }
0x357: {  	s9 =	sor.u32 $0xE, s21;
	v56 =	vmul.f32 v31, v5;
	v13 =	vld [tilespmem:s0+$0x8660];
	[tilespmem:s3+$0xC620] =	vst v51;
	v55 =	vadd.f32 v53, v52  }
0x358: {  	s8 =	sshll.u32 s9, $0x7;
	v57 =	vmul.f32 v43, v4;
	v4 =	vld [tilespmem:s0+$0xC670];
	v38 =	vmul.f32 v43, v38;
	[tilespmem:s3+$0x8620] =	vst v19  }
0x359: {  	v61 =	vmul.f32 v43, v30;
	v30 =	vld [tilespmem:s8+$0xC610];
	[tilespmem:s3+$0xC630] =	vst v54;
	v58 =	vmul.f32 v36, v2;
	v19 =	vadd.f32 v56, v55  }
0x35a: {  	v14 =	vmul.f32 v43, v14;
	v49 =	vmul.f32 v43, v28;
	v28 =	vld [tilespmem:s8+$0xC620];
	[tilespmem:s3+$0x8630] =	vst v57  }
0x35b: {  	v33 =	vmul.f32 v43, v33;
	v23 =	vld [tilespmem:s8+$0x8600];
	[tilespmem:s3+$0xC640] =	vst v38;
	v60 =	vmul.f32 v37, v7;
	v59 =	vadd.f32 v58, v19  }
0x35c: {  	v17 =	vmul.f32 v43, v17;
	[tilespmem:s3+$0x8640] =	vst v14;
	v14 =	vld [tilespmem:s8+$0x8620]  }
0x35d: {  	[tilespmem:s3+$0xC650] =	vst v33;
	v33 =	vld [tilespmem:s8+$0xC600];
	v63 =	vmul.f32 v25, v13;
	v62, _, _ =	vpop (xrf2);
	v38 =	vadd.f32 v60, v59  }
0x35e: {  	v41 =	vsub.f32 $0.0e+00, v41;
	v18 =	vmul.f32 v43, v18;
	[tilespmem:s3+$0x8650] =	vst v17;
	v48 =	vbroadcast v62, $0xF;
	v19 =	vld [tilespmem:s8+$0x8610]  }
0x35f: {  	[tilespmem:s3+$0xC660] =	vst v61;
	v17 =	vld [tilespmem:s8+$0x8630];
	v50 =	vmul.f32 v4, v15;
	v38 =	vadd.f32 v63, v38  }
0x360: {  	[tilespmem:s3+$0x8660] =	vst v18;
	v51 =	vmul.f32 v43, v9;
	v9 =	vld [tilespmem:s8+$0x8640];
	v41 =	vmul.f32 v48, v41  }
0x361: {  	[tilespmem:s3+$0xC670] =	vst v49;
	v18 =	vld [tilespmem:s8+$0x8650];
	v53 =	vmov s9;
	s9 =	sor.u32 $0xF, s21;
	v38 =	vadd.f32 v50, v38  }
0x362: {  	[tilespmem:s3+$0x8670] =	vst v51;
	s3 =	sshll.u32 s9, $0x7;
	v42 =	vmul.f32 v41, v42;
	v52 =	vmul.f32 v41, v22;
	v22 =	vld [tilespmem:s8+$0xC630]  }
0x363: {  	v54 =	vmul.f32 v33, v23;
	v44 =	vand.u32 $0xFFFFFFFE, v53;
	v45 =	vld [tilespmem:s3+$0xC600];
	v55 =	vmul.f32 v30, v19;
	(xrf2) =	vadd.scan.msk.f32 $0xffff, v38  }
0x364: {  	v56 =	vbroadcast v44, $0x0;
	v39 =	vmul.f32 v41, v39;
	[tilespmem:s7+$0xC600] =	vst v42;
	v38 =	vld [tilespmem:s8+$0xC640]  }
0x365: {  	v59 =	vmul.f32 v28, v14;
	v57 =	vmul.f32 v41, v20;
	v20 =	vld [tilespmem:s8+$0x8660];
	[tilespmem:s7+$0x8600] =	vst v52;
	v58 =	vadd.f32 v55, v54  }
0x366: {  	v60 =	vmul.f32 v41, v32;
	v32 =	vld [tilespmem:s8+$0xC650];
	[tilespmem:s7+$0xC610] =	vst v39  }
0x367: {  	v61 =	vmul.f32 v41, v12;
	v12 =	vld [tilespmem:s8+$0x8670];
	[tilespmem:s7+$0x8610] =	vst v57;
	v62 =	vmul.f32 v22, v17;
	v44 =	vadd.f32 v59, v58  }
0x368: {  	v48 =	vmul.f32 v41, v8;
	v63 =	vmul.f32 v41, v35;
	v35 =	vld [tilespmem:s8+$0xC660];
	[tilespmem:s7+$0xC620] =	vst v60  }
0x369: {  	v8 =	vld [tilespmem:s8+$0xC670];
	v51 =	vmul.f32 v41, v1;
	[tilespmem:s7+$0x8620] =	vst v61;
	v44 =	vadd.f32 v62, v44;
	v49 =	vmul.f32 v38, v9  }
0x36a: {  	v27 =	vmul.f32 v41, v27;
	v1 =	vld [tilespmem:s3+$0x8610];
	v6 =	vmul.f32 v41, v6;
	[tilespmem:s7+$0x8630] =	vst v48  }
0x36b: {  	v42 =	vld.idx.msk [tilespmem:v56+s25+$0x0], $0xffff;
	[tilespmem:s7+$0x8640] =	vst v51;
	v52 =	vmul.f32 v32, v18;
	v44 =	vadd.f32 v49, v44  }
0x36c: {  	v24 =	vmul.f32 v41, v24;
	v3 =	vmul.f32 v41, v3;
	[tilespmem:s7+$0xC650] =	vst v27;
	v57 =	vsub.f32 $0.0e+00, v46;
	v46 =	vld [tilespmem:s3+$0xC610]  }
0x36d: {  	v16 =	vmul.f32 v41, v16;
	[tilespmem:s7+$0x8650] =	vst v6;
	v27 =	vld [tilespmem:s3+$0xC620];
	v55 =	vmul.f32 v35, v20;
	v54 =	vadd.f32 v52, v44;
	v53, _, _ =	vpop (xrf2)  }
0x36e: {  	[tilespmem:s7+$0xC660] =	vst v24;
	v50 =	vmul.f32 v41, v34;
	v34 =	vld [tilespmem:s3+$0x8600];
	v56 =	vbroadcast v53, $0xF  }
0x36f: {  	v0 =	vmul.f32 v41, v0;
	[tilespmem:s7+$0x8660] =	vst v3;
	v59 =	vmul.f32 v8, v12;
	v44 =	vld [tilespmem:s3+$0x8620];
	v58 =	vadd.f32 v55, v54  }
0x370: {  	v6 =	vld [tilespmem:s3+$0x8630];
	[tilespmem:s7+$0xC670] =	vst v16;
	v24 =	vmul.f32 v56, v57  }
0x371: {  	v39 =	vld [tilespmem:s3+$0xC630];
	[tilespmem:s7+$0x8670] =	vst v0;
	v60 =	vadd.f32 v59, v58  }
0x372: {  	[tilespmem:s7+$0xC630] =	vst v63;
	v63 =	vmul.f32 v46, v1;
	v61 =	vmul.f32 v24, v40  }
0x373: {  	v0 =	vld [tilespmem:s3+$0x8640];
	[tilespmem:s7+$0xC640] =	vst v50;
	v62 =	vmul.f32 v45, v34;
	v21 =	vmul.f32 v24, v21;
	(xrf2) =	vadd.scan.msk.f32 $0xffff, v60  }
0x374: {  	v48 =	vmul.f32 v27, v44;
	v47 =	vmul.f32 v24, v29;
	v29 =	vld [tilespmem:s3+$0xC640];
	[tilespmem:s0+$0xC600] =	vst v61  }
0x375: {  	v3 =	vadd.f32 v63, v62;
	v11 =	vmul.f32 v24, v11;
	v49 =	vmul.f32 v24, v26;
	v26 =	vld [tilespmem:s3+$0xC650];
	[tilespmem:s0+$0x8600] =	vst v21  }
0x376: {  	v50 =	vmul.f32 v39, v6;
	v21 =	vld [tilespmem:s3+$0x8650];
	[tilespmem:s0+$0xC610] =	vst v47  }
0x377: {  	v10 =	vmul.f32 v24, v10;
	v51 =	vmul.f32 v24, v31;
	v31 =	vld [tilespmem:s3+$0xC660];
	v3 =	vadd.f32 v48, v3;
	[tilespmem:s0+$0x8610] =	vst v11  }
0x378: {  	v5 =	vmul.f32 v24, v5;
	v11 =	vld [tilespmem:s3+$0x8660];
	[tilespmem:s0+$0xC620] =	vst v49  }
0x379: {  	v53 =	vmul.f32 v24, v36;
	v36 =	vld [tilespmem:s3+$0xC670];
	[tilespmem:s0+$0x8620] =	vst v10;
	v3 =	vadd.f32 v50, v3;
	v52 =	vmul.f32 v29, v0  }
0x37a: {  	v10 =	vld [tilespmem:s3+$0x8670];
	[tilespmem:s0+$0xC630] =	vst v51  }
0x37b: {  	v2 =	vmul.f32 v24, v2;
	[tilespmem:s0+$0x8630] =	vst v5;
	v3 =	vadd.f32 v52, v3;
	v54 =	vmul.f32 v26, v21  }
0x37c: {  	v55 =	vmul.f32 v24, v37;
	[tilespmem:s0+$0xC640] =	vst v53  }
0x37d: {  	v56 =	vmul.f32 v24, v7;
	[tilespmem:s0+$0x8640] =	vst v2;
	v58 =	vmul.f32 v31, v11;
	v3 =	vadd.f32 v54, v3;
	v57, _, _ =	vpop (xrf2)  }
0x37e: {  	v59 =	vmul.f32 v24, v25;
	v60 =	vsub.f32 $0.0e+00, v42;
	[tilespmem:s0+$0xC650] =	vst v55;
	v7 =	vbroadcast v57, $0xF  }
0x37f: {  	v4 =	vmul.f32 v24, v4;
	[tilespmem:s0+$0x8650] =	vst v56;
	v62 =	vmul.f32 v36, v10;
	v3 =	vadd.f32 v58, v3  }
0x380: {  	v63 =	vmul.f32 v24, v15;
	[tilespmem:s0+$0xC660] =	vst v59;
	v7 =	vmul.f32 v7, v60  }
0x381: {  	v61 =	vmul.f32 v24, v13;
	[tilespmem:s0+$0xC670] =	vst v4;
	v3 =	vadd.f32 v62, v3  }
0x382: {  	[tilespmem:s0+$0x8670] =	vst v63;
	v13 =	vmul.f32 v7, v33  }
0x383: {  	[tilespmem:s0+$0x8660] =	vst v61;
	v15 =	vmul.f32 v7, v23;
	(xrf2) =	vadd.scan.msk.f32 $0xffff, v3  }
0x384: {  	v16 =	vmov s9;
	v23 =	vmul.f32 v7, v30;
	[tilespmem:s8+$0xC600] =	vst v13  }
0x385: {  	v24 =	vmul.f32 v7, v19;
	[tilespmem:s8+$0x8600] =	vst v15  }
0x386: {  	v25 =	vmul.f32 v7, v28;
	[tilespmem:s8+$0xC610] =	vst v23  }
0x387: {  	v28 =	vmul.f32 v7, v14;
	[tilespmem:s8+$0x8610] =	vst v24  }
0x388: {  	v30 =	vmul.f32 v7, v22;
	[tilespmem:s8+$0xC620] =	vst v25  }
0x389: {  	v33 =	vmul.f32 v7, v17;
	v3 =	vld.idx.msk [tilespmem:v16+s25+$0x0], $0xffff;
	[tilespmem:s8+$0x8620] =	vst v28  }
0x38a: {  	v37 =	vmul.f32 v7, v38;
	[tilespmem:s8+$0xC630] =	vst v30  }
0x38b: {  	v38 =	vmul.f32 v7, v9;
	[tilespmem:s8+$0x8630] =	vst v33  }
0x38c: {  	v40 =	vmul.f32 v7, v32;
	[tilespmem:s8+$0xC640] =	vst v37  }
0x38d: {  	v41 =	vmul.f32 v7, v18;
	[tilespmem:s8+$0x8640] =	vst v38;
	v42, _, _ =	vpop (xrf2)  }
0x38e: {  	v43 =	vmul.f32 v7, v35;
	[tilespmem:s8+$0xC650] =	vst v40;
	v3 =	vsub.f32 $0.0e+00, v3;
	v5 =	vbroadcast v42, $0xF  }
0x38f: {  	v47 =	vmul.f32 v7, v20;
	[tilespmem:s8+$0x8650] =	vst v41  }
0x390: {  	v48 =	vmul.f32 v7, v8;
	[tilespmem:s8+$0xC660] =	vst v43;
	v3 =	vmul.f32 v5, v3  }
0x391: {  	v49 =	vmul.f32 v7, v12;
	[tilespmem:s8+$0x8660] =	vst v47  }
0x392: {  	[tilespmem:s8+$0xC670] =	vst v48;
	v50 =	vmul.f32 v3, v45  }
0x393: {  	[tilespmem:s8+$0x8670] =	vst v49;
	v51 =	vmul.f32 v3, v34  }
0x394: {  	v52 =	vmul.f32 v3, v46;
	[tilespmem:s3+$0xC600] =	vst v50  }
0x395: {  	v1 =	vmul.f32 v3, v1;
	[tilespmem:s3+$0x8600] =	vst v51  }
0x396: {  	v53 =	vmul.f32 v3, v27;
	[tilespmem:s3+$0xC610] =	vst v52  }
0x397: {  	v54 =	vmul.f32 v3, v44;
	[tilespmem:s3+$0x8610] =	vst v1  }
0x398: {  	v55 =	vmul.f32 v3, v39;
	[tilespmem:s3+$0xC620] =	vst v53  }
0x399: {  	v56 =	vmul.f32 v3, v6;
	[tilespmem:s3+$0x8620] =	vst v54  }
0x39a: {  	v57 =	vmul.f32 v3, v29;
	[tilespmem:s3+$0xC630] =	vst v55  }
0x39b: {  	v0 =	vmul.f32 v3, v0;
	[tilespmem:s3+$0x8630] =	vst v56  }
0x39c: {  	v58 =	vmul.f32 v3, v26;
	[tilespmem:s3+$0xC640] =	vst v57  }
0x39d: {  	v59 =	vmul.f32 v3, v21;
	[tilespmem:s3+$0x8640] =	vst v0  }
0x39e: {  	p1 =	slt.u32 s21, $0x70;
	v60 =	vmul.f32 v3, v31;
	[tilespmem:s3+$0xC650] =	vst v58  }
.Ltmp5:
0x39f: {  	v61 =	vmul.f32 v3, v11;
	[tilespmem:s3+$0x8650] =	vst v59;
	(pc) =	sbr.rel @p1 .LBB2_9-.Ltmp5, $4  }
0x3a0: {  	v62 =	vmul.f32 v3, v36;
	[tilespmem:s3+$0xC660] =	vst v60  }
0x3a1: {  	v63 =	vmul.f32 v3, v10;
	[tilespmem:s3+$0x8660] =	vst v61  }
0x3a2: {  	s9 =	sadd.s32 $0x10, s21;
	[tilespmem:s3+$0xC670] =	vst v62  }
0x3a3: {  	s21 =	smov.u32 s9;
	[tilespmem:s3+$0x8670] =	vst v63  }
.Ltmp6:
0x3a4: {  	(pc) =	sbr.rel @p0 .LBB2_12-.Ltmp6, $1  }
0x3a5: {  	_ =	sdelay $0x3  }
0x3a6: {  	s0 =	sshll.u32 s26, $0x8  }
0x3a7: {  	s0 =	sadd.s32 s0, s11  }
0x3a8: {  	s0 =	sshrl.u32 s0, $0x3  }
0x3a9: {  	s3 =	sadd.s32 s14, s0  }
0x3aa: {  	[tilespmem:s23], [sflag:$0x6] =	stream.linear.gather [hbm4b:s3+s6], $0x80, $0x38;
	[tilespmem:$0x1A600] =	vst v63  }
0x3ab: {  	s9 =	sadd.s32 s15, s0  }
0x3ac: {  	[tilespmem:s24], [sflag:$0x6] =	stream.linear.gather [hbm4b:s9+s6], $0x80, $0x38;
	[tilespmem:$0x1A600] =	vst v63  }
0x3ad: {  	s0 =	sadd.s32 s12, s0  }
0x3ae: {  	[tilespmem:s25], [sflag:$0x6] =	stream.linear.gather [hbm4b:s0+s6], $0x80, $0x38;
	[tilespmem:$0x1A600] =	vst v63  }
.Ltmp7:
0x3af: {  	_ = 	snop;
	(pc) =	sbr.rel .LBB2_6-.Ltmp7, $4  }
0x3b0: {  	_ = 	snop  }
0x3b1: {  	[spmem:s4] =	stream.indirect.scatter.add.f32 [tilespmem:s30], [sflag:$0x4], $0x80, s31, s19, $0xb8;
	[tilespmem:$0x1A600] =	vst v63  }
0x3b2: {  	s21 =	simm.s32 $0x380;
	s26 =	sadd.s32 $0x1, s26  }
0x3b3: {  	[spmem:s4] =	stream.indirect.scatter.add.f32 [tilespmem:s29], [sflag:$0x4], $0x80, s21, s19, $0xb8;
	[tilespmem:$0x1A600] =	vst v63  }
.LBB2_12:
0x3b4: {  	[spmem:s4] =	stream.indirect.scatter.add.f32 [tilespmem:s30], [sflag:$0x4], $0x80, s31, s19, $0xb8;
	[tilespmem:$0x1A600] =	vst v63  }
0x3b5: {  	s0 =	simm.s32 $0x380;
	s3 =	simm.s32 $0x4  }
0x3b6: {  	[spmem:s4] =	stream.indirect.scatter.add.f32 [tilespmem:s29], [sflag:$0x4], $0x80, s0, s19, $0xb8;
	[tilespmem:$0x1A600] =	vst v63  }
0x3b7: {  	_ =	swait.ge [sflag:s3], $0x4000  }
0x3b8: {  	[sflag:s3] =	ssyncset.done $0x0  }
0x3b9: {  	[sflag:s3] =	ssyncadd.s32 $0xFFFFC000  }
0x3ba: {  	_ =	swait.ge [sflag:s3], $0x4000  }
0x3bb: {  	[sflag:s3] =	ssyncset.done $0x0  }
0x3bc: {  	s26 =	simm.s32 $0x0;
	s7 =	rddreg [dreg:$0x15];
	[sflag:s3] =	ssyncadd.s32 $0xFFFFC000  }
0x3bd: {  	[tilespmem:s26], [sflag:$0x5] =	stream.linear.gather [hbm4b:s7+s26], $0x80, $0x38;
	[tilespmem:$0x1A600] =	vst v63  }
0x3be: {  	s8 =	rddreg [dreg:$0x16]  }
0x3bf: {  	[tilespmem:s19], [sflag:$0x5] =	stream.linear.gather [hbm4b:s8+s26], $0x80, $0x38;
	[tilespmem:$0x1A600] =	vst v63  }
0x3c0: {  	s9 =	rddreg [dreg:$0x17]  }
0x3c1: {  	[tilespmem:s22], [sflag:$0x5] =	stream.linear.gather [hbm4b:s9+s26], $0x80, $0x38;
	[tilespmem:$0x1A600] =	vst v63  }
0x3c2: {  	s10 =	rddreg [dreg:$0x18]  }
0x3c3: {  	[tilespmem:s13], [sflag:$0x5] =	stream.linear.gather [hbm4b:s10+s26], $0x80, $0x38;
	[tilespmem:$0x1A600] =	vst v63  }
0x3c4: {  	s11 =	rddreg [dreg:$0x19]  }
0x3c5: {  	[tilespmem:s23], [sflag:$0x6] =	stream.linear.gather [hbm4b:s11+s26], $0x80, $0x38;
	[tilespmem:$0x1A600] =	vst v63  }
0x3c6: {  	s12 =	rddreg [dreg:$0x1a]  }
0x3c7: {  	[tilespmem:s24], [sflag:$0x6] =	stream.linear.gather [hbm4b:s12+s26], $0x80, $0x38;
	[tilespmem:$0x1A600] =	vst v63  }
0x3c8: {  	s14 =	rddreg [dreg:$0x1b]  }
0x3c9: {  	[tilespmem:s25], [sflag:$0x6] =	stream.linear.gather [hbm4b:s14+s26], $0x80, $0x38;
	[tilespmem:$0x1A600] =	vst v63  }
0x3ca: {  	s21 =	simm.s32 $0x5;
	s15 =	rddreg [dreg:$0x1c]  }
0x3cb: {  	[tilespmem:s18], [sflag:$0x6] =	stream.linear.gather [hbm4b:s15+s26], $0x80, $0x38;
	[tilespmem:$0x1A600] =	vst v63  }
0x3cc: {  	_ =	swait.ge [sflag:s21], $0x80  }
0x3cd: {  	[sflag:s21] =	ssyncset.done $0x0  }
0x3ce: {  	[sflag:s21] =	ssyncadd.s32 $0xFFFFFF80  }
0x3cf: {  	_ =	swait.ge [sflag:s21], $0x80  }
0x3d0: {  	[sflag:s21] =	ssyncset.done $0x0  }
0x3d1: {  	[sflag:s21] =	ssyncadd.s32 $0xFFFFFF80  }
0x3d2: {  	_ =	swait.ge [sflag:s21], $0x80  }
0x3d3: {  	[sflag:s21] =	ssyncset.done $0x0  }
0x3d4: {  	[sflag:s21] =	ssyncadd.s32 $0xFFFFFF80  }
0x3d5: {  	_ =	swait.ge [sflag:s21], $0x80  }
0x3d6: {  	[sflag:s21] =	ssyncset.done $0x0  }
0x3d7: {  	[sflag:s21] =	ssyncadd.s32 $0xFFFFFF80  }
0x3d8: {  	[tilespmem:s20], [sflag:$0x1] =	stream.indirect.gather [hbm4b:s1+s19], $0x80, s26, s19, $0xb8;
	[tilespmem:$0x1A600] =	vst v63  }
0x3d9: {  	s31 =	simm.s32 $0x4600  }
0x3da: {  	[tilespmem:s31], [sflag:$0x1] =	stream.indirect.gather [hbm4b:s1+s19], $0x80, s19, s19, $0xb8;
	[tilespmem:$0x1A600] =	vst v63  }
.LBB2_13:
0x3db: {  	p0 =	seq.s32 s26, $0x0  }
0x3dc: {  	s0 =	simm.s32 @!p0 $0x4  }
0x3dd: {  	_ =	swait.ge @!p0 [sflag:s0], $0x4000  }
0x3de: {  	[sflag:s0] =	ssyncset.done @!p0 $0x0  }
0x3df: {  	[sflag:s0] =	ssyncadd.s32 @!p0 $0xFFFFC000  }
0x3e0: {  	_ =	swait.ge @!p0 [sflag:s0], $0x4000  }
0x3e1: {  	[sflag:s0] =	ssyncset.done @!p0 $0x0  }
0x3e2: {  	[sflag:s0] =	ssyncadd.s32 @!p0 $0xFFFFC000  }
0x3e3: {  	_ =	swait.ge [sflag:s28], $0x80  }
0x3e4: {  	[sflag:s28] =	ssyncset.done $0x0  }
0x3e5: {  	[sflag:s28] =	ssyncadd.s32 $0xFFFFFF80  }
0x3e6: {  	_ =	swait.ge [sflag:s28], $0x80  }
0x3e7: {  	[sflag:s28] =	ssyncset.done $0x0  }
0x3e8: {  	[sflag:s28] =	ssyncadd.s32 $0xFFFFFF80  }
0x3e9: {  	_ =	swait.ge [sflag:s28], $0x80  }
0x3ea: {  	[sflag:s28] =	ssyncset.done $0x0  }
0x3eb: {  	[sflag:s28] =	ssyncadd.s32 $0xFFFFFF80  }
0x3ec: {  	_ =	swait.ge [sflag:s28], $0x80  }
0x3ed: {  	[sflag:s28] =	ssyncset.done $0x0  }
0x3ee: {  	[sflag:s28] =	ssyncadd.s32 $0xFFFFFF80  }
0x3ef: {  	[tilespmem:s29], [sflag:$0x2] =	stream.indirect.gather [hbm4b:s1+s19], $0x80, s23, s19, $0xb8;
	[tilespmem:$0x1A600] =	vst v63  }
0x3f0: {  	_ = 	snop  }
0x3f1: {  	[tilespmem:s30], [sflag:$0x2] =	stream.indirect.gather [hbm4b:s1+s19], $0x80, s24, s19, $0xb8;
	[tilespmem:$0x1A600] =	vst v63  }
0x3f2: {  	_ =	swait.ge [sflag:s2], $0x4000  }
0x3f3: {  	[sflag:s2] =	ssyncset.done $0x0  }
0x3f4: {  	[sflag:s2] =	ssyncadd.s32 $0xFFFFC000  }
0x3f5: {  	_ =	swait.ge [sflag:s2], $0x4000  }
0x3f6: {  	[sflag:s2] =	ssyncset.done $0x0  }
0x3f7: {  	[sflag:s2] =	ssyncadd.s32 $0xFFFFC000  }
0x3f8: {  	v0 =	vld [tilespmem:$0x0]  }
0x3f9: {  	v1 =	vld [tilespmem:$0x80]  }
0x3fa: {  	v2 =	vld [tilespmem:$0x10]  }
0x3fb: {  	v3 =	vld [tilespmem:$0x90]  }
0x3fc: {  	v4 =	vld [tilespmem:$0x20]  }
0x3fd: {  	v53 =	vld [tilespmem:$0xA0];
	[tilespmem:$0x200] =	vst v0  }
0x3fe: {  	v54 =	vld [tilespmem:$0x30];
	[tilespmem:$0x280] =	vst v1  }
0x3ff: {  	v55 =	vld [tilespmem:$0xB0];
	[tilespmem:$0x210] =	vst v2  }
0x400: {  	v56 =	vld [tilespmem:$0x40];
	[tilespmem:$0x290] =	vst v3  }
0x401: {  	v57 =	vld [tilespmem:$0xC0];
	[tilespmem:$0x220] =	vst v4  }
0x402: {  	v58 =	vld [tilespmem:$0x50];
	[tilespmem:$0x2A0] =	vst v53  }
0x403: {  	v59 =	vld [tilespmem:$0xD0];
	[tilespmem:$0x230] =	vst v54  }
0x404: {  	v60 =	vld [tilespmem:$0x60];
	[tilespmem:$0x2B0] =	vst v55  }
0x405: {  	v61 =	vld [tilespmem:$0xE0];
	[tilespmem:$0x240] =	vst v56  }
0x406: {  	v62 =	vld [tilespmem:$0x70];
	[tilespmem:$0x2C0] =	vst v57  }
0x407: {  	v63 =	vld [tilespmem:$0xF0];
	[tilespmem:$0x250] =	vst v58  }
0x408: {  	[tilespmem:$0x2D0] =	vst v59  }
0x409: {  	[tilespmem:$0x260] =	vst v60  }
0x40a: {  	[tilespmem:$0x2E0] =	vst v61  }
0x40b: {  	[tilespmem:$0x270] =	vst v62  }
0x40c: {  	s21 =	simm.s32 $0x0;
	[tilespmem:$0x2F0] =	vst v63  }
.LBB2_14:
0x40d: {  	s3 =	sshll.u32 s21, $0x7  }
0x40e: {  	v34 =	vld [tilespmem:s3+$0x600]  }
0x40f: {  	v43 =	vld [tilespmem:s3+$0x610]  }
0x410: {  	v40 =	vld [tilespmem:s3+$0x620]  }
0x411: {  	v41 =	vld [tilespmem:s3+$0x630]  }
0x412: {  	v38 =	vld [tilespmem:s3+$0x640]  }
0x413: {  	v26 =	vld [tilespmem:s3+$0x650]  }
0x414: {  	v20 =	vld [tilespmem:s3+$0x660]  }
0x415: {  	v13 =	vld [tilespmem:s3+$0x670]  }
0x416: {  	v35 =	vld [tilespmem:s3+$0x4600]  }
0x417: {  	v44 =	vld [tilespmem:s3+$0x4610]  }
0x418: {  	v47 =	vld [tilespmem:s3+$0x4620]  }
0x419: {  	v45 =	vld [tilespmem:s3+$0x4630]  }
0x41a: {  	v46 =	vld [tilespmem:s3+$0x4640]  }
0x41b: {  	v39 =	vld [tilespmem:s3+$0x4650]  }
0x41c: {  	s7 =	sor.u32 $0x1, s21;
	v32 =	vld [tilespmem:s3+$0x4660]  }
0x41d: {  	v24 =	vld [tilespmem:s3+$0x4670];
	s0 =	sshll.u32 s7, $0x7  }
0x41e: {  	v14 =	vld [tilespmem:s0+$0x600]  }
0x41f: {  	v12 =	vld [tilespmem:s0+$0x610];
	v0 =	vmul.f32 v35, v34;
	v1 =	vmul.f32 v44, v43  }
0x420: {  	v21 =	vld [tilespmem:s0+$0x4600]  }
0x421: {  	v16 =	vld [tilespmem:s0+$0x4610];
	v2 =	vmul.f32 v47, v40;
	v1 =	vadd.f32 v1, v0  }
0x422: {  	v5 =	vld [tilespmem:s0+$0x620]  }
0x423: {  	v11 =	vld [tilespmem:s0+$0x4620];
	v9 =	vmul.f32 v45, v41;
	v2 =	vadd.f32 v2, v1  }
0x424: {  	v3 =	vld [tilespmem:s0+$0x630]  }
0x425: {  	v8 =	vld [tilespmem:s0+$0x4630];
	v15 =	vmul.f32 v46, v38;
	v9 =	vadd.f32 v9, v2  }
0x426: {  	v6 =	vld [tilespmem:s0+$0x4640];
	v4 =	vmul.f32 v21, v14;
	v7 =	vmul.f32 v16, v12  }
0x427: {  	v19 =	vmov s21;
	v18 =	vmul.f32 v39, v26;
	v0 =	vld [tilespmem:s0+$0x640];
	v15 =	vadd.f32 v15, v9  }
0x428: {  	v19 =	vand.u32 $0xFFFFFFF0, v19;
	v10 =	vmul.f32 v11, v5;
	v4 =	vadd.f32 v7, v4;
	v7 =	vld [tilespmem:s0+$0x4650]  }
0x429: {  	v19 =	vbroadcast v19, $0x0;
	v29 =	vmul.f32 v32, v20;
	v1 =	vld [tilespmem:s0+$0x650];
	v15 =	vadd.f32 v18, v15  }
0x42a: {  	v17 =	vmul.f32 v8, v3;
	v10 =	vadd.f32 v10, v4;
	v2 =	vld [tilespmem:s0+$0x660]  }
0x42b: {  	v31 =	vmul.f32 v24, v13;
	v9 =	vld [tilespmem:s0+$0x4660];
	v15 =	vadd.f32 v29, v15  }
0x42c: {  	v4 =	vld [tilespmem:s0+$0x670];
	v17 =	vadd.f32 v17, v10;
	v22 =	vmul.f32 v6, v0  }
0x42d: {  	v23 =	vmov s7;
	v10 =	vld [tilespmem:s0+$0x4670];
	v15 =	vadd.f32 v31, v15  }
0x42e: {  	v36 =	vand.u32 $0xFFFFFFF1, v23;
	v17 =	vadd.f32 v22, v17;
	v30 =	vmul.f32 v7, v1  }
0x42f: {  	s8 =	sor.u32 $0x2, s21;
	v52 =	vld.idx.msk [tilespmem:v19+s19+$0x0], $0xffff;
	v18 =	vbroadcast v36, $0x0;
	(xrf2) =	vadd.scan.msk.f32 $0xffff, v15  }
0x430: {  	s15 =	sshll.u32 s8, $0x7;
	v42 =	vld.idx.msk [tilespmem:v19+s6+$0x0], $0xffff;
	v17 =	vadd.f32 v30, v17;
	v33 =	vmul.f32 v9, v2  }
0x431: {  	v23 =	vld [tilespmem:s15+$0x620]  }
0x432: {  	v25 =	vld.idx.msk [tilespmem:v19+s13+$0x0], $0xffff;
	v37 =	vmul.f32 v10, v4;
	v17 =	vadd.f32 v33, v17  }
0x433: {  	v22 =	vld [tilespmem:s15+$0x630]  }
0x434: {  	v36 =	vld [tilespmem:s15+$0x600];
	v17 =	vadd.f32 v37, v17  }
0x435: {  	v53 =	vld.idx.msk [tilespmem:v18+s19+$0x0], $0xffff  }
0x436: {  	v54 =	vld.idx.msk [tilespmem:v18+s6+$0x0], $0xffff;
	(xrf2) =	vadd.scan.msk.f32 $0xffff, v17  }
0x437: {  	v30 =	vld.idx.msk [tilespmem:v52+s16+$0x0], $0xffff  }
0x438: {  	v29 =	vld.idx.msk [tilespmem:v42+s16+$0x0], $0xffff  }
0x439: {  	v33 =	vld [tilespmem:s15+$0x4620];
	v27, _, _ =	vpop (xrf2)  }
0x43a: {  	v28 =	vld.idx.msk [tilespmem:v18+s13+$0x0], $0xffff;
	v27 =	vbroadcast v27, $0xF  }
0x43b: {  	v15 =	vld [tilespmem:s15+$0x650]  }
0x43c: {  	v37 =	vld [tilespmem:s15+$0x4610];
	v25 =	vmul.f32 v27, v25  }
0x43d: {  	v48 =	vld.idx.msk [tilespmem:v53+s16+$0x0], $0xffff  }
0x43e: {  	v49 =	vld.idx.msk [tilespmem:v54+s16+$0x0], $0xffff;
	v31 =	vmul.f32 v25, v30  }
0x43f: {  	v25 =	vmul.f32 v25, v29;
	v30 =	vmul.f32 v30, v29;
	v29 =	vld [tilespmem:s15+$0x4650]  }
0x440: {  	v55, _, _ =	vpop (xrf2);
	[tilespmem:v42+s17+$0x0] =	vst.idx.add.f32.msk $0x1, v31  }
0x441: {  	v27 =	vbroadcast v55, $0xF;
	v31 =	vld [tilespmem:s15+$0x610]  }
0x442: {  	v42 =	vld [tilespmem:s15+$0x4600]  }
0x443: {  	v27 =	vmul.f32 v27, v28;
	v28 =	vld [tilespmem:s15+$0x4640]  }
0x444: {  	[tilespmem:v52+s17+$0x0] =	vst.idx.add.f32.msk $0x1, v25  }
0x445: {  	v56 =	vmul.f32 v27, v48;
	v57 =	vmul.f32 v27, v49;
	v27 =	vld [tilespmem:s15+$0x4630]  }
0x446: {  	v25 =	vld.idx.msk [tilespmem:v19+s22+$0x0], $0xffff  }
0x447: {  	v19 =	vld [tilespmem:s15+$0x640];
	v59 =	vmul.f32 v42, v36;
	v51 =	vmul.f32 v37, v31  }
0x448: {  	v58 =	vmov s8;
	[tilespmem:v54+s17+$0x0] =	vst.idx.add.f32.msk $0x1, v56  }
0x449: {  	v17 =	vand.u32 $0xFFFFFFF2, v58;
	[tilespmem:v53+s17+$0x0] =	vst.idx.add.f32.msk $0x1, v57;
	v53 =	vmul.f32 v33, v23;
	v51 =	vadd.f32 v51, v59  }
0x44a: {  	v52 =	vbroadcast v17, $0x0;
	v17 =	vld [tilespmem:s15+$0x660]  }
0x44b: {  	v50 =	vld.idx.msk [tilespmem:v18+s22+$0x0], $0xffff;
	v60 =	vmul.f32 v27, v22;
	v51 =	vadd.f32 v53, v51  }
0x44c: {  	v54 =	vmul.f32 v25, v30;
	v30 =	vld [tilespmem:s15+$0x4660]  }
0x44d: {  	v18 =	vld [tilespmem:s15+$0x670];
	v61 =	vmul.f32 v28, v19;
	v51 =	vadd.f32 v60, v51  }
0x44e: {  	v25 =	vld [tilespmem:s15+$0x4670]  }
0x44f: {  	v62 =	vmul.f32 v29, v15;
	v51 =	vadd.f32 v61, v51  }
0x450: {  	v55 =	vld.idx.msk [tilespmem:v52+s6+$0x0], $0xffff;
	v54 =	vsub.f32 $0.0e+00, v54  }
0x451: {  	s9 =	sor.u32 $0x3, s21;
	v56 =	vld.idx.msk [tilespmem:v52+s19+$0x0], $0xffff;
	v63 =	vmul.f32 v30, v17;
	v51 =	vadd.f32 v62, v51  }
0x452: {  	s20 =	sshll.u32 s9, $0x7;
	v58 =	vld.idx.msk [tilespmem:v52+s13+$0x0], $0xffff;
	v57 =	vmul.f32 v54, v35  }
0x453: {  	v59 =	vmul.f32 v54, v34;
	v35 =	vld [tilespmem:s20+$0x600];
	v62 =	vmul.f32 v25, v18;
	v51 =	vadd.f32 v63, v51  }
0x454: {  	v60 =	vmul.f32 v54, v44;
	v34 =	vld [tilespmem:s20+$0x610];
	[tilespmem:s3+$0x4600] =	vst v57  }
0x455: {  	v44 =	vld [tilespmem:s20+$0x4600];
	[tilespmem:s3+$0x600] =	vst v59;
	v61 =	vmul.f32 v54, v43;
	v51 =	vadd.f32 v62, v51  }
0x456: {  	[tilespmem:s3+$0x4610] =	vst v60;
	v43 =	vld [tilespmem:s20+$0x4610];
	v59 =	vmul.f32 v54, v45  }
0x457: {  	v45 =	vld [tilespmem:s20+$0x4620];
	v60 =	vmul.f32 v54, v41;
	[tilespmem:s3+$0x610] =	vst v61;
	(xrf2) =	vadd.scan.msk.f32 $0xffff, v51  }
0x458: {  	[tilespmem:s3+$0x4630] =	vst v59;
	v61 =	vmul.f32 v54, v46;
	v63 =	vmul.f32 v54, v40;
	v40 =	vld [tilespmem:s20+$0x620]  }
0x459: {  	v41 =	vld [tilespmem:s20+$0x630];
	[tilespmem:s3+$0x630] =	vst v60;
	v59 =	vmul.f32 v54, v32  }
0x45a: {  	v46 =	vld [tilespmem:s20+$0x4630];
	[tilespmem:s3+$0x4640] =	vst v61;
	v61 =	vmul.f32 v54, v39;
	v62 =	vmul.f32 v54, v38  }
0x45b: {  	v39 =	vld [tilespmem:s20+$0x4640];
	v60 =	vmul.f32 v43, v34;
	[tilespmem:s3+$0x620] =	vst v63;
	v63 =	vmul.f32 v44, v35  }
0x45c: {  	v48 =	vmul.f32 v48, v49;
	v38 =	vld [tilespmem:s20+$0x640];
	[tilespmem:s3+$0x640] =	vst v62;
	v62 =	vmul.f32 v54, v26  }
0x45d: {  	v32 =	vld [tilespmem:s20+$0x4650];
	[tilespmem:s3+$0x4660] =	vst v59;
	v63 =	vadd.f32 v60, v63;
	v60 =	vmul.f32 v54, v20;
	v57 =	vmul.f32 v45, v40  }
0x45e: {  	[tilespmem:s3+$0x4650] =	vst v61;
	v26 =	vld [tilespmem:s20+$0x650]  }
0x45f: {  	v48 =	vmul.f32 v50, v48;
	v20 =	vld [tilespmem:s20+$0x660];
	[tilespmem:s3+$0x650] =	vst v62;
	v62 =	vmul.f32 v46, v41;
	v61 =	vadd.f32 v57, v63  }
0x460: {  	v47 =	vmul.f32 v54, v47;
	[tilespmem:s3+$0x660] =	vst v60;
	v63 =	vmul.f32 v54, v24;
	v24 =	vld [tilespmem:s20+$0x4660]  }
0x461: {  	v57 =	vmul.f32 v54, v13;
	v59 =	vmul.f32 v39, v38;
	v54 =	vld.idx.msk [tilespmem:v56+s16+$0x0], $0xffff;
	v50 =	vadd.f32 v62, v61;
	v60, _, _ =	vpop (xrf2)  }
0x462: {  	v53 =	vld.idx.msk [tilespmem:v55+s16+$0x0], $0xffff;
	v62 =	vbroadcast v60, $0xF  }
0x463: {  	v48 =	vsub.f32 $0.0e+00, v48;
	v61 =	vmul.f32 v32, v26;
	v50 =	vadd.f32 v59, v50  }
0x464: {  	[tilespmem:s3+$0x4670] =	vst v63;
	v60 =	vmul.f32 v62, v58  }
0x465: {  	v21 =	vmul.f32 v48, v21;
	[tilespmem:s3+$0x670] =	vst v57;
	v57 =	vmul.f32 v24, v20;
	v63 =	vadd.f32 v61, v50  }
0x466: {  	[tilespmem:s3+$0x4620] =	vst v47;
	v47 =	vmul.f32 v48, v14;
	v14 =	vld [tilespmem:s20+$0x4670];
	v51 =	vmul.f32 v60, v54  }
0x467: {  	[tilespmem:s0+$0x4600] =	vst v21;
	v13 =	vld [tilespmem:s20+$0x670];
	v62 =	vadd.f32 v57, v63;
	v57 =	vmul.f32 v60, v53  }
0x468: {  	[tilespmem:v55+s17+$0x0] =	vst.idx.add.f32.msk $0x1, v51  }
0x469: {  	v16 =	vmul.f32 v48, v16;
	[tilespmem:v56+s17+$0x0] =	vst.idx.add.f32.msk $0x1, v57  }
0x46a: {  	v12 =	vmul.f32 v48, v12;
	[tilespmem:s0+$0x600] =	vst v47;
	v58 =	vld.idx.msk [tilespmem:v52+s22+$0x0], $0xffff  }
0x46b: {  	v11 =	vmul.f32 v48, v11;
	[tilespmem:s0+$0x4610] =	vst v16;
	v59 =	vmov s9  }
0x46c: {  	v5 =	vmul.f32 v48, v5;
	v8 =	vmul.f32 v48, v8;
	[tilespmem:s0+$0x610] =	vst v12;
	v61 =	vand.u32 $0xFFFFFFF3, v59  }
0x46d: {  	[tilespmem:s0+$0x4620] =	vst v11;
	v49 =	vbroadcast v61, $0x0;
	v61 =	vmul.f32 v54, v53  }
0x46e: {  	v3 =	vmul.f32 v48, v3;
	[tilespmem:s0+$0x620] =	vst v5;
	v63 =	vmul.f32 v14, v13  }
0x46f: {  	v6 =	vmul.f32 v48, v6;
	[tilespmem:s0+$0x4630] =	vst v8;
	v5 =	vmul.f32 v58, v61  }
0x470: {  	[tilespmem:s0+$0x630] =	vst v3;
	v16 =	vadd.f32 v63, v62;
	v60 =	vmul.f32 v48, v7  }
0x471: {  	[tilespmem:s0+$0x4640] =	vst v6;
	v62 =	vmul.f32 v48, v1;
	v12 =	vsub.f32 $0.0e+00, v5  }
0x472: {  	v63 =	vmul.f32 v48, v9;
	v9 =	vmul.f32 v48, v2;
	(xrf2) =	vadd.scan.msk.f32 $0xffff, v16;
	[tilespmem:s0+$0x4650] =	vst v60  }
0x473: {  	[tilespmem:s0+$0x650] =	vst v62;
	v42 =	vmul.f32 v12, v42  }
0x474: {  	v8 =	vld.idx.msk [tilespmem:v49+s19+$0x0], $0xffff;
	[tilespmem:s0+$0x660] =	vst v9;
	v50 =	vmul.f32 v12, v36  }
0x475: {  	v59 =	vld.idx.msk [tilespmem:v49+s6+$0x0], $0xffff;
	v52 =	vmul.f32 v12, v37;
	[tilespmem:s15+$0x4600] =	vst v42  }
0x476: {  	v53 =	vmul.f32 v12, v31;
	[tilespmem:s15+$0x600] =	vst v50  }
0x477: {  	v54 =	vmul.f32 v12, v33;
	[tilespmem:s15+$0x4610] =	vst v52  }
0x478: {  	v57 =	vmul.f32 v12, v23;
	[tilespmem:s15+$0x610] =	vst v53  }
0x479: {  	v58 =	vmul.f32 v12, v27;
	[tilespmem:s15+$0x4620] =	vst v54  }
0x47a: {  	v0 =	vmul.f32 v48, v0;
	v16 =	vld.idx.msk [tilespmem:v49+s13+$0x0], $0xffff;
	v60 =	vmul.f32 v12, v28;
	[tilespmem:s15+$0x620] =	vst v57  }
0x47b: {  	v11 =	vmul.f32 v48, v10;
	v61 =	vmul.f32 v12, v19;
	[tilespmem:s15+$0x4630] =	vst v58  }
0x47c: {  	v21 =	vmul.f32 v48, v4;
	v48 =	vld.idx.msk [tilespmem:v8+s16+$0x0], $0xffff;
	v47, _, _ =	vpop (xrf2);
	v62 =	vmul.f32 v12, v29;
	[tilespmem:s15+$0x4640] =	vst v60  }
0x47d: {  	s3 =	sor.u32 $0x6, s21;
	v51 =	vld.idx.msk [tilespmem:v59+s16+$0x0], $0xffff;
	v4 =	vbroadcast v47, $0xF;
	v6 =	vmul.f32 v12, v15;
	[tilespmem:s15+$0x640] =	vst v61  }
0x47e: {  	s7 =	sshll.u32 s3, $0x7;
	s9 =	sor.u32 $0x7, s21;
	v10 =	vmul.f32 v12, v18;
	[tilespmem:s15+$0x4650] =	vst v62  }
0x47f: {  	s14 =	sshll.u32 s9, $0x7;
	v9 =	vmul.f32 v12, v25;
	v4 =	vmul.f32 v4, v16;
	[tilespmem:s15+$0x650] =	vst v6;
	v60 =	vld [tilespmem:s7+$0x4610]  }
0x480: {  	s29 =	sor.u32 $0x4, s21;
	v7 =	vmul.f32 v12, v30;
	[tilespmem:s15+$0x670] =	vst v10;
	v10 =	vld [tilespmem:s14+$0x660]  }
0x481: {  	[tilespmem:s15+$0x4670] =	vst v9;
	v54 =	vmov s29;
	v9 =	vld [tilespmem:s14+$0x670];
	v55 =	vmul.f32 v4, v48  }
0x482: {  	[tilespmem:s15+$0x4660] =	vst v7;
	v2 =	vand.u32 $0xFFFFFFF4, v54;
	v54 =	vld [tilespmem:s7+$0x4620];
	v56 =	vmul.f32 v4, v51  }
0x483: {  	s31 =	sor.u32 $0x5, s21;
	[tilespmem:v59+s17+$0x0] =	vst.idx.add.f32.msk $0x1, v55;
	v59 =	vmul.f32 v12, v22  }
0x484: {  	s8 =	sshll.u32 s31, $0x7;
	[tilespmem:v8+s17+$0x0] =	vst.idx.add.f32.msk $0x1, v56;
	v8 =	vmul.f32 v12, v17  }
0x485: {  	v4 =	vld [tilespmem:s8+$0x600];
	[tilespmem:s15+$0x630] =	vst v59  }
0x486: {  	v3 =	vld.idx.msk [tilespmem:v49+s22+$0x0], $0xffff;
	[tilespmem:s15+$0x660] =	vst v8;
	s15 =	sshll.u32 s29, $0x7  }
0x487: {  	v31 =	vld [tilespmem:s15+$0x600]  }
0x488: {  	v33 =	vld [tilespmem:s15+$0x610]  }
0x489: {  	v49 =	vld [tilespmem:s15+$0x670]  }
0x48a: {  	[tilespmem:s0+$0x4660] =	vst v63;
	v63 =	vmul.f32 v48, v51;
	v51 =	vld [tilespmem:s15+$0x4670]  }
0x48b: {  	v37 =	vld [tilespmem:s15+$0x4600]  }
0x48c: {  	v36 =	vld [tilespmem:s15+$0x640]  }
0x48d: {  	v42 =	vld [tilespmem:s15+$0x4640]  }
0x48e: {  	[tilespmem:s0+$0x640] =	vst v0;
	v48 =	vld [tilespmem:s15+$0x4660]  }
0x48f: {  	[tilespmem:$0x1F7E0] =	vst v49;
	v55 =	vmul.f32 v51, v49;
	v49 =	vld [tilespmem:s8+$0x4660]  }
0x490: {  	v3 =	vmul.f32 v3, v63;
	[tilespmem:$0x1F6E0] =	vst v37;
	v0 =	vmul.f32 v37, v31;
	v37 =	vld [tilespmem:s14+$0x600]  }
0x491: {  	[tilespmem:$0x1F6F0] =	vst v31;
	v31 =	vld [tilespmem:s14+$0x620]  }
0x492: {  	v3 =	vsub.f32 $0.0e+00, v3;
	[tilespmem:$0x1F760] =	vst v42;
	v50 =	vmul.f32 v42, v36;
	v42 =	vld [tilespmem:s14+$0x4620]  }
0x493: {  	[tilespmem:$0x1F770] =	vst v36;
	v36 =	vld [tilespmem:s14+$0x4640]  }
0x494: {  	v16 =	vmul.f32 v3, v34;
	v34 =	vld [tilespmem:s15+$0x620]  }
0x495: {  	v12 =	vmul.f32 v3, v35;
	v35 =	vld [tilespmem:s15+$0x630]  }
0x496: {  	v23 =	vmul.f32 v3, v38;
	v38 =	vld [tilespmem:s15+$0x4610]  }
0x497: {  	v22 =	vmul.f32 v3, v39;
	v39 =	vld [tilespmem:s15+$0x4620]  }
0x498: {  	v18 =	vmul.f32 v3, v40;
	v40 =	vld [tilespmem:s15+$0x4630]  }
0x499: {  	v15 =	vmul.f32 v3, v43;
	v43 =	vld [tilespmem:s15+$0x650]  }
0x49a: {  	[tilespmem:s0+$0x4670] =	vst v11;
	v17 =	vmul.f32 v3, v45;
	v45 =	vld [tilespmem:s15+$0x4650]  }
0x49b: {  	[tilespmem:s0+$0x670] =	vst v21;
	v19 =	vmul.f32 v3, v46;
	v46 =	vld [tilespmem:s15+$0x660]  }
0x49c: {  	[tilespmem:$0x1F920] =	vst v60;
	v25 =	vmul.f32 v3, v32;
	v32 =	vmul.f32 v3, v13;
	v13 =	vld [tilespmem:s8+$0x620]  }
0x49d: {  	[tilespmem:$0x1F940] =	vst v54;
	v27 =	vmul.f32 v3, v26;
	v26 =	vld [tilespmem:s8+$0x630]  }
0x49e: {  	[tilespmem:$0x1F800] =	vst v4;
	v29 =	vmul.f32 v3, v20;
	v20 =	vld [tilespmem:s8+$0x660]  }
0x49f: {  	[tilespmem:$0x1F710] =	vst v33;
	v30 =	vmul.f32 v3, v14;
	v14 =	vld [tilespmem:s7+$0x600]  }
0x4a0: {  	[tilespmem:$0x1F7B0] =	vst v48;
	v28 =	vmul.f32 v3, v24;
	v24 =	vld [tilespmem:s7+$0x610]  }
0x4a1: {  	[tilespmem:s20+$0x650] =	vst v27;
	v27 =	vld [tilespmem:s8+$0x610]  }
0x4a2: {  	[tilespmem:s20+$0x660] =	vst v29;
	v29 =	vld [tilespmem:s8+$0x640]  }
0x4a3: {  	[tilespmem:s20+$0x610] =	vst v16;
	v16 =	vld [tilespmem:s8+$0x670]  }
0x4a4: {  	[tilespmem:s20+$0x600] =	vst v12;
	v12 =	vld [tilespmem:s8+$0x4600]  }
0x4a5: {  	[tilespmem:s20+$0x670] =	vst v32;
	v32 =	vld [tilespmem:s8+$0x4620]  }
0x4a6: {  	[tilespmem:s20+$0x4670] =	vst v30;
	v30 =	vld [tilespmem:s8+$0x4650]  }
0x4a7: {  	[tilespmem:s20+$0x4640] =	vst v22;
	v22 =	vld [tilespmem:s8+$0x4670]  }
0x4a8: {  	[tilespmem:s20+$0x640] =	vst v23;
	v23 =	vld [tilespmem:s7+$0x620]  }
0x4a9: {  	v11 =	vmul.f32 v3, v44;
	[tilespmem:s20+$0x620] =	vst v18;
	v18 =	vld [tilespmem:s7+$0x630]  }
0x4aa: {  	[tilespmem:s20+$0x4630] =	vst v19;
	v19 =	vld [tilespmem:s7+$0x640]  }
0x4ab: {  	[tilespmem:s20+$0x4600] =	vst v11;
	v11 =	vld [tilespmem:s7+$0x650]  }
0x4ac: {  	[tilespmem:s20+$0x4610] =	vst v15;
	v15 =	vld [tilespmem:s7+$0x660]  }
0x4ad: {  	v21 =	vmul.f32 v3, v41;
	[tilespmem:s20+$0x4650] =	vst v25;
	v25 =	vld [tilespmem:s7+$0x670]  }
0x4ae: {  	[tilespmem:s20+$0x4660] =	vst v28;
	v28 =	vld [tilespmem:s14+$0x630]  }
0x4af: {  	[tilespmem:s20+$0x630] =	vst v21;
	v21 =	vld [tilespmem:s14+$0x640]  }
0x4b0: {  	[tilespmem:s20+$0x4620] =	vst v17;
	v17 =	vld [tilespmem:s14+$0x650]  }
0x4b1: {  	[tilespmem:$0x1F7A0] =	vst v43;
	v52 =	vmul.f32 v45, v43;
	v43 =	vld [tilespmem:s8+$0x650]  }
0x4b2: {  	[tilespmem:$0x1F730] =	vst v34;
	v41 =	vmul.f32 v38, v33;
	v44 =	vmul.f32 v39, v34;
	v34 =	vld [tilespmem:s8+$0x4610]  }
0x4b3: {  	[tilespmem:$0x1F7D0] =	vst v51;
	v53 =	vmul.f32 v48, v46;
	v48 =	vld [tilespmem:s7+$0x4640]  }
0x4b4: {  	[tilespmem:$0x1F700] =	vst v38;
	v38 =	vld [tilespmem:s7+$0x4650];
	v0 =	vadd.f32 v41, v0  }
0x4b5: {  	[tilespmem:$0x1F720] =	vst v39;
	v39 =	vld [tilespmem:s7+$0x4670]  }
0x4b6: {  	[tilespmem:$0x1F750] =	vst v35;
	v47 =	vmul.f32 v40, v35;
	v35 =	vld [tilespmem:s14+$0x610];
	v0 =	vadd.f32 v44, v0  }
0x4b7: {  	[tilespmem:$0x1F7C0] =	vst v46;
	v46 =	vld [tilespmem:s14+$0x4600]  }
0x4b8: {  	s10 =	sor.u32 $0x8, s21;
	[tilespmem:$0x1F740] =	vst v40;
	v40 =	vld [tilespmem:s14+$0x4630];
	v0 =	vadd.f32 v47, v0  }
0x4b9: {  	s20 =	sshll.u32 s10, $0x7;
	[tilespmem:$0x1F790] =	vst v45;
	v45 =	vbroadcast v2, $0x0;
	v33 =	vld [tilespmem:s14+$0x4670]  }
0x4ba: {  	[tilespmem:$0x1F930] =	vst v24;
	v60 =	vmul.f32 v60, v24;
	v24 =	vld [tilespmem:s20+$0x620];
	v0 =	vadd.f32 v50, v0  }
0x4bb: {  	v58 =	vmov s31;
	[tilespmem:$0x1F8C0] =	vst v49;
	v41 =	vld [tilespmem:s7+$0x4660]  }
0x4bc: {  	v1 =	vand.u32 $0xFFFFFFF5, v58;
	[tilespmem:$0x1F820] =	vst v27;
	v44 =	vld [tilespmem:s14+$0x4610];
	v0 =	vadd.f32 v52, v0  }
0x4bd: {  	[tilespmem:$0x1F810] =	vst v34;
	v63 =	vmul.f32 v34, v27;
	v34 =	vld [tilespmem:s14+$0x4650];
	v47 =	vbroadcast v1, $0x0  }
0x4be: {  	[tilespmem:$0x1F830] =	vst v32;
	v4 =	vmul.f32 v12, v4;
	v27 =	vmul.f32 v32, v13;
	v32 =	vld [tilespmem:s14+$0x4660];
	v0 =	vadd.f32 v53, v0  }
0x4bf: {  	[tilespmem:$0x1FA10] =	vst v37;
	v56 =	vld.idx.msk [tilespmem:v45+s6+$0x0], $0xffff  }
0x4c0: {  	v59 =	vmov s3;
	[tilespmem:$0x1FA50] =	vst v31;
	v2 =	vld.idx.msk [tilespmem:v45+s13+$0x0], $0xffff;
	v4 =	vadd.f32 v63, v4;
	v0 =	vadd.f32 v55, v0  }
0x4c1: {  	[tilespmem:$0x1FA40] =	vst v42;
	v1 =	vand.u32 $0xFFFFFFF6, v59;
	v50 =	vld [tilespmem:s7+$0x4630]  }
0x4c2: {  	[tilespmem:$0x1FA80] =	vst v36;
	v51 =	vbroadcast v1, $0x0;
	v4 =	vadd.f32 v27, v4;
	v27 =	vld [tilespmem:s20+$0x600];
	(xrf2) =	vadd.scan.msk.f32 $0xffff, v0  }
0x4c3: {  	[tilespmem:$0x1F840] =	vst v13;
	v6 =	vld.idx.msk [tilespmem:v47+s6+$0x0], $0xffff  }
0x4c4: {  	[tilespmem:$0x1F860] =	vst v26;
	v0 =	vld.idx.msk [tilespmem:v45+s19+$0x0], $0xffff  }
0x4c5: {  	[tilespmem:$0x1F8D0] =	vst v20;
	v5 =	vld.idx.msk [tilespmem:v47+s19+$0x0], $0xffff  }
0x4c6: {  	[tilespmem:$0x1F910] =	vst v14;
	v55 =	vld [tilespmem:s8+$0x4640]  }
0x4c7: {  	[tilespmem:$0x1F880] =	vst v29;
	v7 =	vld.idx.msk [tilespmem:v47+s13+$0x0], $0xffff  }
0x4c8: {  	[tilespmem:$0x1F8F0] =	vst v16;
	v1 =	vld.idx.msk [tilespmem:v51+s19+$0x0], $0xffff  }
0x4c9: {  	[tilespmem:$0x1F950] =	vst v23;
	v8 =	vld.idx.msk [tilespmem:v51+s13+$0x0], $0xffff  }
0x4ca: {  	[tilespmem:$0x1F970] =	vst v18;
	v23 =	vmul.f32 v54, v23;
	v53 =	vld.idx.msk [tilespmem:v56+s16+$0x0], $0xffff  }
0x4cb: {  	[tilespmem:$0x1F870] =	vst v55;
	v54 =	vmul.f32 v55, v29;
	v55 =	vmul.f32 v50, v18;
	v18 =	vld [tilespmem:s20+$0x640]  }
0x4cc: {  	s11 =	sor.u32 $0x9, s21;
	[tilespmem:$0x1F7F0] =	vst v12;
	v61 =	vld.idx.msk [tilespmem:v0+s16+$0x0], $0xffff;
	v57, _, _ =	vpop (xrf2)  }
0x4cd: {  	s31 =	sshll.u32 s11, $0x7;
	[tilespmem:$0x1FA60] =	vst v40;
	v29 =	vld [tilespmem:s20+$0x4650];
	v3 =	vbroadcast v57, $0xF  }
0x4ce: {  	[tilespmem:$0x1F960] =	vst v50;
	v50 =	vmul.f32 v46, v37;
	v37 =	vmul.f32 v40, v28;
	v40 =	vld [tilespmem:s31+$0x610]  }
0x4cf: {  	[tilespmem:$0x1FA70] =	vst v28;
	v28 =	vld [tilespmem:s31+$0x640];
	v2 =	vmul.f32 v3, v2  }
0x4d0: {  	[tilespmem:$0x1F8A0] =	vst v30;
	v62 =	vld.idx.msk [tilespmem:v6+s16+$0x0], $0xffff  }
0x4d1: {  	[tilespmem:$0x1F8E0] =	vst v22;
	v57 =	vld [tilespmem:s8+$0x4630];
	v3 =	vmul.f32 v2, v61  }
0x4d2: {  	[tilespmem:$0x1F990] =	vst v19;
	v58 =	vld.idx.msk [tilespmem:v5+s16+$0x0], $0xffff  }
0x4d3: {  	[tilespmem:v56+s17+$0x0] =	vst.idx.add.f32.msk $0x1, v3  }
0x4d4: {  	[tilespmem:$0x1F9B0] =	vst v11;
	v56 =	vld [tilespmem:s7+$0x4600]  }
0x4d5: {  	[tilespmem:$0x1F9D0] =	vst v15;
	v52 =	vld.idx.msk [tilespmem:v1+s16+$0x0], $0xffff  }
0x4d6: {  	[tilespmem:$0x1F9F0] =	vst v25;
	v63 =	vmul.f32 v57, v26;
	v26 =	vld [tilespmem:s20+$0x610]  }
0x4d7: {  	v2 =	vmul.f32 v2, v53;
	[tilespmem:$0x1F850] =	vst v57;
	v57 =	vmul.f32 v48, v19;
	v19 =	vld [tilespmem:s20+$0x650]  }
0x4d8: {  	[tilespmem:$0x1F8B0] =	vst v43;
	v3 =	vld.idx.msk [tilespmem:v51+s6+$0x0], $0xffff  }
0x4d9: {  	[tilespmem:v0+s17+$0x0] =	vst.idx.add.f32.msk $0x1, v2;
	v59 =	vmul.f32 v56, v14  }
0x4da: {  	v4 =	vadd.f32 v63, v4;
	[tilespmem:$0x1F900] =	vst v56;
	v56 =	vmul.f32 v30, v43;
	v43 =	vmul.f32 v22, v16;
	v22 =	vld [tilespmem:s20+$0x4630]  }
0x4db: {  	[tilespmem:$0x1F980] =	vst v48;
	v13 =	vadd.f32 v60, v59;
	v59 =	vmul.f32 v49, v20;
	v20 =	vld [tilespmem:s20+$0x660]  }
0x4dc: {  	[tilespmem:$0x1F9A0] =	vst v38;
	v4 =	vadd.f32 v54, v4;
	v60 =	vmul.f32 v38, v11;
	v11 =	vld [tilespmem:s20+$0x670]  }
0x4dd: {  	[tilespmem:$0x1F9E0] =	vst v39;
	v54 =	vmul.f32 v44, v35;
	v38 =	vld [tilespmem:s20+$0x4600]  }
0x4de: {  	[tilespmem:$0x1FA30] =	vst v35;
	v4 =	vadd.f32 v56, v4;
	v49 =	vld [tilespmem:s20+$0x4610]  }
0x4df: {  	[tilespmem:$0x1FA00] =	vst v46;
	v56 =	vadd.f32 v54, v50;
	v50 =	vld [tilespmem:s31+$0x620]  }
0x4e0: {  	[tilespmem:$0x1FAE0] =	vst v33;
	v13 =	vadd.f32 v23, v13;
	v23 =	vld [tilespmem:s20+$0x630];
	v4 =	vadd.f32 v59, v4  }
0x4e1: {  	[tilespmem:$0x1F9C0] =	vst v41;
	v59 =	vmul.f32 v42, v31;
	v31 =	vld [tilespmem:s20+$0x4640]  }
0x4e2: {  	[tilespmem:$0x1FA20] =	vst v44;
	v13 =	vadd.f32 v55, v13;
	v55 =	vld [tilespmem:s20+$0x4620];
	v4 =	vadd.f32 v43, v4  }
0x4e3: {  	[tilespmem:$0x1FAC0] =	vst v32;
	v42 =	vmul.f32 v36, v21;
	v36 =	vld [tilespmem:s31+$0x4640]  }
0x4e4: {  	[tilespmem:$0x1FB10] =	vst v27;
	v43 =	vld [tilespmem:s31+$0x4600];
	v13 =	vadd.f32 v57, v13;
	(xrf2) =	vadd.scan.msk.f32 $0xffff, v4  }
0x4e5: {  	[tilespmem:$0x1FBA0] =	vst v29;
	v44 =	vmul.f32 v38, v27;
	v27 =	vld [tilespmem:s31+$0x4670]  }
0x4e6: {  	[tilespmem:$0x1FC30] =	vst v40;
	v48 =	vmul.f32 v41, v15;
	v57 =	vmul.f32 v39, v25;
	v39 =	vld [tilespmem:s31+$0x600];
	v63 =	vadd.f32 v60, v13  }
0x4e7: {  	s12 =	sor.u32 $0xA, s21;
	v46 =	vmul.f32 v49, v26;
	[tilespmem:$0x1FB40] =	vst v55;
	v54 =	vmul.f32 v55, v24;
	v55 =	vld [tilespmem:s31+$0x4620]  }
0x4e8: {  	[tilespmem:$0x1FB30] =	vst v26;
	v26 =	vmov s10;
	s10 =	sshll.u32 s12, $0x7;
	v12 =	vadd.f32 v48, v63;
	v63 =	vadd.f32 v59, v56;
	v48 =	vld [tilespmem:s31+$0x4610]  }
0x4e9: {  	[tilespmem:$0x1FC90] =	vst v28;
	v2 =	vld [tilespmem:s10+$0x660];
	v13 =	vadd.f32 v46, v44  }
0x4ea: {  	[tilespmem:$0x1FB00] =	vst v38;
	v46 =	vld [tilespmem:s31+$0x650];
	v60 =	vadd.f32 v57, v12;
	v41 =	vadd.f32 v37, v63  }
0x4eb: {  	[tilespmem:$0x1FB20] =	vst v49;
	v49 =	vmul.f32 v34, v17;
	v56 =	vld [tilespmem:s31+$0x630];
	v15 =	vmul.f32 v43, v39;
	v57 =	vadd.f32 v54, v13  }
0x4ec: {  	v63 =	vld [tilespmem:s31+$0x4630];
	v54 =	vmul.f32 v29, v19;
	(xrf2) =	vadd.scan.msk.f32 $0xffff, v60;
	v4 =	vadd.f32 v42, v41;
	v60 =	vmul.f32 v22, v23  }
0x4ed: {  	[tilespmem:$0x1FC50] =	vst v50;
	v29 =	vand.u32 $0xFFFFFFF8, v26;
	v41 =	vmul.f32 v55, v50;
	v42 =	vld [tilespmem:s20+$0x4670];
	v35 =	vmul.f32 v48, v40  }
0x4ee: {  	[tilespmem:$0x1FC10] =	vst v39;
	v50 =	vld [tilespmem:s31+$0x4650];
	v4 =	vadd.f32 v49, v4;
	v38, _, _ =	vpop (xrf2);
	v49 =	vmul.f32 v33, v9;
	v33 =	vbroadcast v29, $0x0  }
0x4ef: {  	v59 =	vmul.f32 v32, v10;
	v39 =	vmov s9;
	[tilespmem:$0x1FC40] =	vst v55;
	v55 =	vld [tilespmem:s31+$0x660];
	v14 =	vbroadcast v38, $0xF  }
0x4f0: {  	[tilespmem:$0x1FC00] =	vst v43;
	v43 =	vmul.f32 v31, v18;
	v40 =	vld [tilespmem:s20+$0x4660];
	v12 =	vadd.f32 v60, v57;
	v37 =	vadd.f32 v35, v15  }
0x4f1: {  	[tilespmem:$0x1FC20] =	vst v48;
	v57 =	vld [tilespmem:s31+$0x4660];
	v15 =	vand.u32 $0xFFFFFFF7, v39;
	v48 =	vmul.f32 v63, v56;
	v7 =	vmul.f32 v14, v7  }
0x4f2: {  	[tilespmem:$0x1FC70] =	vst v56;
	v60 =	vld [tilespmem:s31+$0x670];
	v56 =	vmul.f32 v36, v28;
	v32 =	vbroadcast v15, $0x0;
	v16 =	vadd.f32 v41, v37  }
0x4f3: {  	[tilespmem:$0x1FC60] =	vst v63;
	v13 =	vadd.f32 v59, v4;
	v63 =	vmul.f32 v7, v58;
	v28 =	vmul.f32 v7, v62;
	v7 =	vld [tilespmem:s10+$0x670]  }
0x4f4: {  	[tilespmem:$0x1FB80] =	vst v31;
	v12 =	vadd.f32 v43, v12;
	v16 =	vadd.f32 v48, v16;
	v48 =	vld.idx.msk [tilespmem:v33+s19+$0x0], $0xffff  }
0x4f5: {  	[tilespmem:$0x1FBC0] =	vst v40;
	v13 =	vadd.f32 v49, v13;
	v25 =	vmul.f32 v40, v20;
	v40 =	vmov s11;
	v49 =	vld.idx.msk [tilespmem:v33+s6+$0x0], $0xffff  }
0x4f6: {  	[tilespmem:$0x1FCD0] =	vst v55;
	v12 =	vadd.f32 v54, v12;
	v39 =	vmul.f32 v57, v55;
	v41 =	vand.u32 $0xFFFFFFF9, v40;
	v55 =	vld.idx.msk [tilespmem:v33+s13+$0x0], $0xffff  }
0x4f7: {  	v35 =	vbroadcast v41, $0x0;
	[tilespmem:v6+s17+$0x0] =	vst.idx.add.f32.msk $0x1, v63  }
0x4f8: {  	[tilespmem:$0x1FC80] =	vst v36;
	v37 =	vmul.f32 v42, v11;
	v36 =	vadd.f32 v25, v12;
	v30 =	vld.idx.msk [tilespmem:v32+s6+$0x0], $0xffff  }
0x4f9: {  	[tilespmem:v5+s17+$0x0] =	vst.idx.add.f32.msk $0x1, v28  }
0x4fa: {  	v31 =	vmul.f32 v50, v46;
	v59 =	vadd.f32 v56, v16;
	v44, _, _ =	vpop (xrf2);
	v0 =	vadd.f32 v37, v36;
	v36 =	vld.idx.msk [tilespmem:v3+s16+$0x0], $0xffff  }
0x4fb: {  	[tilespmem:$0x1FCB0] =	vst v46;
	v46 =	vld.idx.msk [tilespmem:v32+s19+$0x0], $0xffff;
	v15 =	vbroadcast v44, $0xF  }
0x4fc: {  	[tilespmem:$0x1F780] =	vst v58;
	(xrf2) =	vadd.scan.msk.f32 $0xffff, v13;
	v54 =	vld.idx.msk [tilespmem:v32+s13+$0x0], $0xffff;
	v38 =	vadd.f32 v31, v59  }
0x4fd: {  	[tilespmem:$0x1FCA0] =	vst v50;
	v8 =	vmul.f32 v15, v8;
	v50 =	vld.idx.msk [tilespmem:v35+s19+$0x0], $0xffff  }
0x4fe: {  	[tilespmem:$0x1F890] =	vst v52;
	v43 =	vmul.f32 v27, v60;
	v12 =	vadd.f32 v39, v38;
	v58 =	vld.idx.msk [tilespmem:v35+s13+$0x0], $0xffff  }
0x4ff: {  	[tilespmem:$0x1FBE0] =	vst v42;
	v42 =	vmul.f32 v8, v52;
	v52 =	vld.idx.msk [tilespmem:v35+s6+$0x0], $0xffff  }
0x500: {  	v44 =	vadd.f32 v43, v12;
	v12 =	vld [tilespmem:s10+$0x650]  }
0x501: {  	(xrf2) =	vadd.scan.msk.f32 $0xffff, v0;
	v40 =	vld.idx.msk [tilespmem:v48+s16+$0x0], $0xffff  }
0x502: {  	v39 =	vld.idx.msk [tilespmem:v49+s16+$0x0], $0xffff  }
0x503: {  	[tilespmem:v3+s17+$0x0] =	vst.idx.add.f32.msk $0x1, v42  }
0x504: {  	(xrf2) =	vadd.scan.msk.f32 $0xffff, v44;
	v44 =	vld [tilespmem:s10+$0x4600]  }
0x505: {  	v8 =	vmul.f32 v8, v36;
	v38 =	vld.idx.msk [tilespmem:v30+s16+$0x0], $0xffff  }
0x506: {  	[tilespmem:$0x1FAB0] =	vst v17;
	v56, _, _ =	vpop (xrf2);
	v37 =	vld.idx.msk [tilespmem:v46+s16+$0x0], $0xffff  }
0x507: {  	[tilespmem:v1+s17+$0x0] =	vst.idx.add.f32.msk $0x1, v8;
	v17 =	vbroadcast v56, $0xF  }
0x508: {  	v56 =	vld [tilespmem:s10+$0x630]  }
0x509: {  	v16 =	vmul.f32 v17, v54;
	v54 =	vld [tilespmem:s10+$0x610]  }
0x50a: {  	v43 =	vld.idx.msk [tilespmem:v50+s16+$0x0], $0xffff  }
0x50b: {  	[tilespmem:$0x1FCC0] =	vst v57;
	v57, _, _ =	vpop (xrf2);
	v63 =	vmul.f32 v16, v37;
	v42 =	vld.idx.msk [tilespmem:v52+s16+$0x0], $0xffff  }
0x50c: {  	[tilespmem:$0x1FA90] =	vst v21;
	v21 =	vbroadcast v57, $0xF;
	v57 =	vld [tilespmem:s10+$0x4650]  }
0x50d: {  	v4 =	vmul.f32 v16, v38;
	[tilespmem:v30+s17+$0x0] =	vst.idx.add.f32.msk $0x1, v63  }
0x50e: {  	[tilespmem:$0x1FB90] =	vst v18;
	v18 =	vmul.f32 v21, v55;
	v55 =	vld [tilespmem:s10+$0x620]  }
0x50f: {  	v21 =	vmov s12;
	s12 =	sor.u32 $0xB, s21;
	[tilespmem:v46+s17+$0x0] =	vst.idx.add.f32.msk $0x1, v4  }
0x510: {  	[tilespmem:$0x1FAD0] =	vst v10;
	v46 =	vld [tilespmem:s10+$0x4610];
	s9 =	sshll.u32 s12, $0x7  }
0x511: {  	[tilespmem:$0x1FAF0] =	vst v9;
	v16 =	vld [tilespmem:s9+$0x600]  }
0x512: {  	[tilespmem:$0x1FB50] =	vst v24;
	v15 =	vld [tilespmem:s9+$0x610]  }
0x513: {  	[tilespmem:$0x1FAA0] =	vst v34;
	v5 =	vld [tilespmem:s9+$0x620]  }
0x514: {  	[tilespmem:$0x1FBB0] =	vst v19;
	v1 =	vld [tilespmem:s9+$0x630]  }
0x515: {  	[tilespmem:$0x1FB60] =	vst v22;
	v17 =	vld [tilespmem:s9+$0x640]  }
0x516: {  	[tilespmem:$0x1FBD0] =	vst v20;
	v0 =	vand.u32 $0xFFFFFFFA, v21;
	v21 =	vld [tilespmem:s9+$0x660]  }
0x517: {  	[tilespmem:$0x1FBF0] =	vst v11;
	v28 =	vld [tilespmem:s9+$0x670]  }
0x518: {  	[tilespmem:$0x1FB70] =	vst v23;
	v63 =	vld [tilespmem:s9+$0x4610]  }
0x519: {  	[tilespmem:$0x1FCE0] =	vst v27;
	v34 =	vbroadcast v0, $0x0;
	v0 =	vld [tilespmem:s9+$0x4640]  }
0x51a: {  	[tilespmem:$0x1FD10] =	vst v2;
	v59, _, _ =	vpop (xrf2);
	v14 =	vmul.f32 v18, v40;
	v6 =	vld [tilespmem:s9+$0x4650]  }
0x51b: {  	[tilespmem:$0x1FCF0] =	vst v60;
	v60 =	vbroadcast v59, $0xF;
	v59 =	vld [tilespmem:s10+$0x4660]  }
0x51c: {  	[tilespmem:v49+s17+$0x0] =	vst.idx.add.f32.msk $0x1, v14  }
0x51d: {  	[tilespmem:$0x1FD30] =	vst v7;
	v18 =	vmul.f32 v18, v39;
	v49 =	vld [tilespmem:s10+$0x4630]  }
0x51e: {  	[tilespmem:$0x1FD00] =	vst v12;
	v14 =	vld [tilespmem:s9+$0x4630]  }
0x51f: {  	[tilespmem:v48+s17+$0x0] =	vst.idx.add.f32.msk $0x1, v18  }
0x520: {  	v13 =	vmul.f32 v60, v58;
	v60 =	vld [tilespmem:s10+$0x640];
	[tilespmem:$0x1FD40] =	vst v16  }
0x521: {  	v48 =	vld [tilespmem:s10+$0x4620];
	[tilespmem:$0x1FD50] =	vst v15  }
0x522: {  	v18 =	vld [tilespmem:s9+$0x650];
	[tilespmem:$0x1FD70] =	vst v5  }
0x523: {  	v58 =	vld [tilespmem:s9+$0x4600];
	[tilespmem:$0x1FD90] =	vst v1  }
0x524: {  	v19 =	vmul.f32 v13, v43;
	v20 =	vmul.f32 v13, v42;
	v13 =	vld [tilespmem:s10+$0x4670];
	[tilespmem:$0x1FDB0] =	vst v17  }
0x525: {  	[tilespmem:$0x1FDF0] =	vst v21;
	v31 =	vld.idx.msk [tilespmem:v34+s19+$0x0], $0xffff  }
0x526: {  	[tilespmem:v52+s17+$0x0] =	vst.idx.add.f32.msk $0x1, v19  }
0x527: {  	[tilespmem:$0x1FDA0] =	vst v0;
	v19 =	vld [tilespmem:s9+$0x4620]  }
0x528: {  	v29 =	vld.idx.msk [tilespmem:v34+s6+$0x0], $0xffff;
	[tilespmem:$0x1FD80] =	vst v14  }
0x529: {  	[tilespmem:v50+s17+$0x0] =	vst.idx.add.f32.msk $0x1, v20  }
0x52a: {  	v30 =	vld.idx.msk [tilespmem:v34+s13+$0x0], $0xffff;
	[tilespmem:$0x1FDD0] =	vst v18  }
0x52b: {  	v52 =	vld [tilespmem:s10+$0x600];
	[tilespmem:$0x1FD20] =	vst v13  }
0x52c: {  	v50 =	vld [tilespmem:s10+$0x4640];
	[tilespmem:$0x1FD60] =	vst v19  }
0x52d: {  	v41 =	vld.idx.msk [tilespmem:v31+s16+$0x0], $0xffff;
	[tilespmem:$0x1FDC0] =	vst v6  }
0x52e: {  	s11 =	sor.u32 $0xC, s21;
	v11 =	vld [tilespmem:s9+$0x4660]  }
0x52f: {  	s3 =	sshll.u32 s11, $0x7;
	v24 =	vld [tilespmem:s9+$0x4670]  }
0x530: {  	v9 =	vld [tilespmem:s3+$0x600]  }
0x531: {  	v23 =	vmul.f32 v46, v54;
	v22 =	vmul.f32 v44, v52;
	v4 =	vld [tilespmem:s3+$0x610]  }
0x532: {  	v10 =	vld [tilespmem:s3+$0x620]  }
0x533: {  	v25 =	vmul.f32 v48, v55;
	v3 =	vadd.f32 v23, v22;
	v20 =	vld [tilespmem:s3+$0x630]  }
0x534: {  	v23 =	vld [tilespmem:s3+$0x640]  }
0x535: {  	v26 =	vmul.f32 v49, v56;
	v22 =	vld [tilespmem:s3+$0x650];
	v3 =	vadd.f32 v25, v3  }
0x536: {  	s29 =	sor.u32 $0xD, s21;
	v19 =	vmul.f32 v19, v5;
	v5 =	vld [tilespmem:s3+$0x4640]  }
0x537: {  	s0 =	sshll.u32 s29, $0x7;
	v1 =	vmul.f32 v14, v1;
	v27 =	vmul.f32 v50, v60;
	v14 =	vld [tilespmem:s3+$0x4660];
	v3 =	vadd.f32 v26, v3;
	[tilespmem:$0x1FDE0] =	vst v11  }
0x538: {  	v17 =	vmul.f32 v0, v17;
	v0 =	vld [tilespmem:s0+$0x600];
	[tilespmem:$0x1FE10] =	vst v9  }
0x539: {  	v37 =	vmul.f32 v37, v38;
	v12 =	vmul.f32 v57, v12;
	v38 =	vld [tilespmem:$0x1F9A0];
	[tilespmem:$0x1FE30] =	vst v4;
	v3 =	vadd.f32 v27, v3  }
0x53a: {  	v25 =	vld [tilespmem:s3+$0x660];
	[tilespmem:$0x1FE50] =	vst v10  }
0x53b: {  	v26 =	vmul.f32 v59, v2;
	[tilespmem:$0x1FE70] =	vst v20;
	v3 =	vadd.f32 v12, v3;
	v12 =	vmul.f32 v13, v7;
	v13 =	vld [tilespmem:s3+$0x4610]  }
0x53c: {  	v2 =	vld [tilespmem:s3+$0x4600];
	[tilespmem:$0x1FE90] =	vst v23  }
0x53d: {  	v8 =	vmul.f32 v58, v16;
	[tilespmem:$0x1FEB0] =	vst v22;
	v27 =	vld [tilespmem:s3+$0x670];
	v7 =	vmul.f32 v63, v15;
	v3 =	vadd.f32 v26, v3  }
0x53e: {  	[tilespmem:$0x1FE80] =	vst v5;
	v15 =	vld [tilespmem:s3+$0x4620]  }
0x53f: {  	[tilespmem:$0x1FEC0] =	vst v14;
	v26 =	vld [tilespmem:s3+$0x4630];
	v8 =	vadd.f32 v7, v8;
	v3 =	vadd.f32 v12, v3  }
0x540: {  	v7 =	vld [tilespmem:s3+$0x4650];
	[tilespmem:$0x1FE20] =	vst v13  }
0x541: {  	v13 =	vmul.f32 v13, v4;
	v4 =	vmul.f32 v11, v21;
	v11 =	vld [tilespmem:s0+$0x4620];
	(xrf2) =	vadd.scan.msk.f32 $0xffff, v3;
	v3 =	vadd.f32 v19, v8  }
0x542: {  	[tilespmem:$0x1FF10] =	vst v0;
	v8 =	vmul.f32 v6, v18;
	v18 =	vld [tilespmem:s0+$0x4600]  }
0x543: {  	[tilespmem:$0x1FE00] =	vst v2;
	v6 =	vmul.f32 v2, v9;
	v2 =	vld [tilespmem:s0+$0x4610];
	v3 =	vadd.f32 v1, v3  }
0x544: {  	[tilespmem:$0x1FED0] =	vst v25;
	v1 =	vld [tilespmem:s0+$0x610]  }
0x545: {  	[tilespmem:$0x1FEF0] =	vst v27;
	v19 =	vld [tilespmem:s3+$0x4670];
	v3 =	vadd.f32 v17, v3  }
0x546: {  	[tilespmem:$0x1FE40] =	vst v15;
	v9 =	vld [tilespmem:s0+$0x620]  }
0x547: {  	[tilespmem:$0x1FE60] =	vst v26;
	v3 =	vadd.f32 v8, v3;
	v8 =	vadd.f32 v13, v6;
	v6 =	vmul.f32 v15, v10;
	v10 =	vld [tilespmem:s0+$0x630]  }
0x548: {  	v21 =	vmov s12;
	[tilespmem:$0x1FF40] =	vst v11;
	v15 =	vld [tilespmem:s0+$0x4630]  }
0x549: {  	[tilespmem:$0x1FF00] =	vst v18;
	v18 =	vmul.f32 v18, v0;
	v13 =	vld [tilespmem:s0+$0x640];
	v0 =	vmul.f32 v2, v1;
	v12 =	vadd.f32 v4, v3  }
0x54a: {  	[tilespmem:$0x1FF20] =	vst v2;
	v8 =	vadd.f32 v6, v8;
	v3 =	vand.u32 $0xFFFFFFFB, v21;
	v6 =	vmul.f32 v26, v20;
	v20 =	vld [tilespmem:s0+$0x4640]  }
0x54b: {  	[tilespmem:$0x1FF50] =	vst v9;
	v2 =	vadd.f32 v0, v18;
	v26 =	vbroadcast v3, $0x0;
	v3 =	vld [tilespmem:s0+$0x650]  }
0x54c: {  	[tilespmem:$0x1FF30] =	vst v1;
	v0 =	vmul.f32 v5, v23;
	v23 =	vld [tilespmem:s0+$0x4650];
	v4, _, _ =	vpop (xrf2);
	v1 =	vadd.f32 v6, v8;
	v8 =	vmul.f32 v24, v28  }
0x54d: {  	v17 =	vmov s11;
	v5 =	vld [tilespmem:s0+$0x660];
	[tilespmem:$0x1FF70] =	vst v10;
	v16 =	vbroadcast v4, $0xF  }
0x54e: {  	v21 =	vand.u32 $0xFFFFFFFC, v17;
	[tilespmem:$0x1FF60] =	vst v15;
	v4 =	vmul.f32 v11, v9;
	v9 =	vld [tilespmem:s0+$0x670];
	v18 =	vadd.f32 v8, v12  }
0x54f: {  	v0 =	vadd.f32 v0, v1;
	v12 =	vld.idx.msk [tilespmem:v45+s22+$0x0], $0xffff;
	v11 =	vmul.f32 v16, v30;
	v30 =	vmul.f32 v15, v10  }
0x550: {  	[tilespmem:$0x1FF80] =	vst v20;
	v2 =	vadd.f32 v4, v2;
	v4 =	vmul.f32 v7, v22;
	v10 =	vld [tilespmem:s0+$0x4660];
	v20 =	vmul.f32 v20, v13  }
0x551: {  	[tilespmem:$0x1FF90] =	vst v13;
	v22 =	vmul.f32 v14, v25;
	v25 =	vld [tilespmem:s0+$0x4670];
	v15 =	vbroadcast v21, $0x0  }
0x552: {  	v14 =	vld.idx.msk [tilespmem:v29+s16+$0x0], $0xffff;
	v2 =	vadd.f32 v30, v2;
	v0 =	vadd.f32 v4, v0;
	v17 =	vmul.f32 v11, v41  }
0x553: {  	[tilespmem:$0x1FFA0] =	vst v23;
	v13 =	vmul.f32 v23, v3;
	v16 =	vld.idx.msk [tilespmem:v26+s6+$0x0], $0xffff  }
0x554: {  	v30 =	vadd.f32 v20, v2;
	v8 =	vadd.f32 v22, v0;
	v22 =	vmov s29;
	[tilespmem:v29+s17+$0x0] =	vst.idx.add.f32.msk $0x1, v17  }
0x555: {  	[tilespmem:$0x1FFD0] =	vst v5;
	(xrf2) =	vadd.scan.msk.f32 $0xffff, v18;
	v20 =	vmul.f32 v19, v27;
	v27 =	vld.idx.msk [tilespmem:v26+s13+$0x0], $0xffff;
	v0 =	vand.u32 $0xFFFFFFFD, v22  }
0x556: {  	[tilespmem:$0x1FFF0] =	vst v9;
	v23 =	vmul.f32 v10, v5;
	v5 =	vld.idx.msk [tilespmem:v26+s19+$0x0], $0xffff;
	v21 =	vadd.f32 v13, v30;
	v13 =	vbroadcast v0, $0x0  }
0x557: {  	[tilespmem:$0x1FFE0] =	vst v25;
	v25 =	vmul.f32 v25, v9;
	v9 =	vld.idx.msk [tilespmem:v15+s19+$0x0], $0xffff  }
0x558: {  	v2 =	vadd.f32 v20, v8;
	v8 =	vld.idx.msk [tilespmem:v15+s6+$0x0], $0xffff  }
0x559: {  	v29 =	vld.idx.msk [tilespmem:v15+s13+$0x0], $0xffff  }
0x55a: {  	v1 =	vadd.f32 v23, v21;
	(xrf2) =	vadd.scan.msk.f32 $0xffff, v2;
	v21 =	vld [tilespmem:$0x1F720]  }
0x55b: {  	v23 =	vld.idx.msk [tilespmem:v16+s16+$0x0], $0xffff  }
0x55c: {  	[tilespmem:$0x1FFC0] =	vst v10;
	v10 =	vld.idx.msk [tilespmem:v13+s19+$0x0], $0xffff  }
0x55d: {  	v1 =	vadd.f32 v25, v1;
	v25 =	vmul.f32 v11, v14;
	v6 =	vld.idx.msk [tilespmem:v13+s6+$0x0], $0xffff  }
0x55e: {  	[tilespmem:$0x1FEE0] =	vst v19;
	v19 =	vmul.f32 v61, v53;
	v17 =	vld.idx.msk [tilespmem:v13+s13+$0x0], $0xffff  }
0x55f: {  	v30, _, _ =	vpop (xrf2);
	[tilespmem:v31+s17+$0x0] =	vst.idx.add.f32.msk $0x1, v25  }
0x560: {  	(xrf2) =	vadd.scan.msk.f32 $0xffff, v1;
	v45 =	vbroadcast v30, $0xF;
	v30 =	vmul.f32 v12, v19;
	v12 =	vld [tilespmem:$0x1F6E0]  }
0x561: {  	v19 =	vld [tilespmem:$0x1F710]  }
0x562: {  	v18 =	vld.idx.msk [tilespmem:v5+s16+$0x0], $0xffff  }
0x563: {  	v25 =	vld [tilespmem:$0x1F730]  }
0x564: {  	[tilespmem:$0x1FEA0] =	vst v7;
	v20 =	vld.idx.msk [tilespmem:v9+s16+$0x0], $0xffff;
	v7, _, _ =	vpop (xrf2)  }
0x565: {  	v1 =	vmul.f32 v45, v27;
	v22 =	vld.idx.msk [tilespmem:v8+s16+$0x0], $0xffff;
	v0 =	vbroadcast v7, $0xF  }
0x566: {  	v7 =	vld [tilespmem:$0x1FA10]  }
0x567: {  	v45 =	vld.idx.msk [tilespmem:v10+s16+$0x0], $0xffff;
	v0 =	vmul.f32 v0, v29;
	v29 =	vmul.f32 v1, v18  }
0x568: {  	v53 =	vld.idx.msk [tilespmem:v6+s16+$0x0], $0xffff  }
0x569: {  	[tilespmem:v16+s17+$0x0] =	vst.idx.add.f32.msk $0x1, v29  }
0x56a: {  	v27, _, _ =	vpop (xrf2);
	v16 =	vld [tilespmem:$0x1F6F0]  }
0x56b: {  	v1 =	vmul.f32 v1, v23;
	v11 =	vbroadcast v27, $0xF;
	v27 =	vld [tilespmem:$0x1F740]  }
0x56c: {  	v29 =	vld [tilespmem:$0x1F750]  }
0x56d: {  	[tilespmem:v5+s17+$0x0] =	vst.idx.add.f32.msk $0x1, v1  }
0x56e: {  	v1 =	vsub.f32 $0.0e+00, v30;
	v30 =	vld.idx.msk [tilespmem:v47+s22+$0x0], $0xffff  }
0x56f: {  	v61 =	vmul.f32 v0, v20;
	v47 =	vld [tilespmem:$0x1F770]  }
0x570: {  	v5 =	vld [tilespmem:$0x1F9F0]  }
0x571: {  	[tilespmem:v8+s17+$0x0] =	vst.idx.add.f32.msk $0x1, v61  }
0x572: {  	v0 =	vmul.f32 v0, v22;
	v31 =	vmul.f32 v11, v17;
	v17 =	vld [tilespmem:$0x1F700]  }
0x573: {  	v61 =	vld [tilespmem:$0x1F780]  }
0x574: {  	[tilespmem:v9+s17+$0x0] =	vst.idx.add.f32.msk $0x1, v0  }
0x575: {  	v9 =	vld [tilespmem:$0x1F7B0]  }
0x576: {  	v2 =	vmul.f32 v1, v12;
	v12 =	vld [tilespmem:$0x1F7E0]  }
0x577: {  	v8 =	vmul.f32 v31, v45;
	v11 =	vmul.f32 v31, v53;
	v31 =	vld [tilespmem:$0x1F760]  }
0x578: {  	v0 =	vmul.f32 v1, v16;
	v16 =	vld [tilespmem:$0x1F7F0]  }
0x579: {  	[tilespmem:v6+s17+$0x0] =	vst.idx.add.f32.msk $0x1, v8  }
0x57a: {  	v8 =	vld [tilespmem:$0x1F7A0]  }
0x57b: {  	v6 =	vld [tilespmem:$0x1FA00]  }
0x57c: {  	[tilespmem:v10+s17+$0x0] =	vst.idx.add.f32.msk $0x1, v11  }
0x57d: {  	v10 =	vld [tilespmem:$0x1F7C0]  }
0x57e: {  	v11 =	vld [tilespmem:$0x1F7D0]  }
0x57f: {  	[tilespmem:s15+$0x4600] =	vst v2;
	v2 =	vmul.f32 v1, v17;
	v17 =	vld [tilespmem:$0x1F800]  }
0x580: {  	[tilespmem:s15+$0x600] =	vst v0;
	v0 =	vmul.f32 v1, v19;
	v19 =	vld [tilespmem:$0x1F810]  }
0x581: {  	[tilespmem:$0x1FFB0] =	vst v3;
	v3 =	vmul.f32 v1, v9;
	v9 =	vld [tilespmem:$0x1F8C0]  }
0x582: {  	[tilespmem:s15+$0x4610] =	vst v2;
	v2 =	vmul.f32 v1, v21;
	v21 =	vld [tilespmem:$0x1F820]  }
0x583: {  	[tilespmem:s15+$0x610] =	vst v0;
	v0 =	vmul.f32 v1, v25;
	v25 =	vld [tilespmem:$0x1F830]  }
0x584: {  	[tilespmem:s15+$0x4620] =	vst v2;
	v2 =	vmul.f32 v1, v27;
	v27 =	vld [tilespmem:$0x1F840]  }
0x585: {  	[tilespmem:s15+$0x620] =	vst v0;
	v0 =	vmul.f32 v1, v29;
	v29 =	vld [tilespmem:$0x1F850]  }
0x586: {  	[tilespmem:s15+$0x4660] =	vst v3;
	v3 =	vmul.f32 v1, v11;
	v11 =	vld [tilespmem:$0x1F8E0]  }
0x587: {  	[tilespmem:s15+$0x4630] =	vst v2;
	v2 =	vmul.f32 v1, v31;
	v31 =	vld.idx.msk [tilespmem:v51+s22+$0x0], $0xffff  }
0x588: {  	[tilespmem:s15+$0x630] =	vst v0;
	v0 =	vmul.f32 v1, v47;
	v47 =	vld [tilespmem:$0x1F870]  }
0x589: {  	v51 =	vld [tilespmem:$0x1F880]  }
0x58a: {  	[tilespmem:s15+$0x4640] =	vst v2;
	v2 =	vmul.f32 v61, v62;
	v62 =	vld [tilespmem:$0x1F790]  }
0x58b: {  	[tilespmem:s15+$0x640] =	vst v0;
	v0 =	vmul.f32 v1, v8;
	v61 =	vld [tilespmem:$0x1F890]  }
0x58c: {  	v8 =	vld [tilespmem:$0x1F8B0]  }
0x58d: {  	v2 =	vmul.f32 v30, v2;
	[tilespmem:s15+$0x650] =	vst v0;
	v0 =	vmul.f32 v1, v10;
	v30 =	vld [tilespmem:$0x1F860]  }
0x58e: {  	v10 =	vld [tilespmem:$0x1F8D0]  }
0x58f: {  	v2 =	vsub.f32 $0.0e+00, v2;
	[tilespmem:s15+$0x660] =	vst v0;
	v0 =	vmul.f32 v1, v12;
	v12 =	vld [tilespmem:$0x1F8F0]  }
0x590: {  	[tilespmem:s15+$0x4670] =	vst v3;
	v4 =	vmul.f32 v1, v62;
	v62 =	vld [tilespmem:$0x1F8A0]  }
0x591: {  	v1 =	vmul.f32 v2, v16;
	[tilespmem:s15+$0x670] =	vst v0;
	v16 =	vld [tilespmem:$0x1F900]  }
0x592: {  	v0 =	vmul.f32 v2, v17;
	v17 =	vld [tilespmem:$0x1F910];
	[tilespmem:s15+$0x4650] =	vst v4  }
0x593: {  	v3 =	vmul.f32 v2, v9;
	v9 =	vld [tilespmem:$0x1FA30];
	[tilespmem:s8+$0x4600] =	vst v1  }
0x594: {  	v1 =	vmul.f32 v2, v19;
	[tilespmem:s8+$0x600] =	vst v0;
	v19 =	vld [tilespmem:$0x1F920]  }
0x595: {  	v0 =	vmul.f32 v2, v21;
	[tilespmem:s8+$0x4660] =	vst v3;
	v21 =	vld [tilespmem:$0x1F930]  }
0x596: {  	v3 =	vmul.f32 v2, v11;
	v11 =	vld [tilespmem:$0x1FA50];
	[tilespmem:s8+$0x4610] =	vst v1;
	v1 =	vmul.f32 v2, v25  }
0x597: {  	[tilespmem:s8+$0x610] =	vst v0;
	v0 =	vmul.f32 v2, v27;
	v25 =	vld [tilespmem:$0x1F940]  }
0x598: {  	v27 =	vld [tilespmem:$0x1F950];
	[tilespmem:s8+$0x4620] =	vst v1;
	v1 =	vmul.f32 v2, v29  }
0x599: {  	v4 =	vmul.f32 v2, v62;
	v62 =	vld [tilespmem:$0x1F9E0];
	[tilespmem:s8+$0x620] =	vst v0;
	v0 =	vmul.f32 v2, v30  }
0x59a: {  	v29 =	vld [tilespmem:$0x1F960];
	[tilespmem:s8+$0x4630] =	vst v1;
	v1 =	vmul.f32 v2, v47  }
0x59b: {  	v30 =	vld [tilespmem:$0x1F970];
	[tilespmem:s8+$0x630] =	vst v0;
	v0 =	vmul.f32 v2, v51  }
0x59c: {  	v47 =	vld [tilespmem:$0x1F9B0];
	[tilespmem:s8+$0x4640] =	vst v1;
	v1 =	vmul.f32 v61, v36  }
0x59d: {  	v51 =	vld [tilespmem:$0x1F9C0];
	[tilespmem:s8+$0x640] =	vst v0;
	v0 =	vmul.f32 v2, v8  }
0x59e: {  	v36 =	vld [tilespmem:$0x1F990];
	v1 =	vmul.f32 v31, v1  }
0x59f: {  	v61 =	vld [tilespmem:$0x1F9D0];
	[tilespmem:s8+$0x650] =	vst v0;
	v0 =	vmul.f32 v2, v10  }
0x5a0: {  	[tilespmem:s8+$0x4670] =	vst v3;
	v8 =	vld [tilespmem:$0x1FA20];
	v1 =	vsub.f32 $0.0e+00, v1  }
0x5a1: {  	v31 =	vld.idx.msk [tilespmem:v32+s22+$0x0], $0xffff;
	[tilespmem:s8+$0x660] =	vst v0;
	v0 =	vmul.f32 v2, v12  }
0x5a2: {  	[tilespmem:s8+$0x4650] =	vst v4;
	v32 =	vld [tilespmem:$0x1F980];
	v2 =	vmul.f32 v1, v16  }
0x5a3: {  	v10 =	vld [tilespmem:$0x1FA40];
	[tilespmem:s8+$0x670] =	vst v0;
	v0 =	vmul.f32 v1, v17  }
0x5a4: {  	v12 =	vld [tilespmem:$0x1FA60];
	v3 =	vmul.f32 v1, v51;
	[tilespmem:s7+$0x4600] =	vst v2  }
0x5a5: {  	v16 =	vld [tilespmem:$0x1FA70];
	[tilespmem:s7+$0x600] =	vst v0;
	v0 =	vmul.f32 v1, v21  }
0x5a6: {  	v17 =	vld.idx.msk [tilespmem:v33+s22+$0x0], $0xffff;
	v2 =	vmul.f32 v1, v19;
	[tilespmem:s7+$0x4660] =	vst v3  }
0x5a7: {  	v33 =	vld [tilespmem:$0x1FAF0];
	[tilespmem:s7+$0x610] =	vst v0;
	v0 =	vmul.f32 v1, v27  }
0x5a8: {  	v4 =	vmul.f32 v1, v38;
	v38 =	vld [tilespmem:$0x1FB20];
	[tilespmem:s7+$0x4610] =	vst v2;
	v2 =	vmul.f32 v1, v25  }
0x5a9: {  	v51 =	vld [tilespmem:$0x1FB60];
	[tilespmem:s7+$0x620] =	vst v0;
	v0 =	vmul.f32 v1, v30  }
0x5aa: {  	v19 =	vld [tilespmem:$0x1FA80];
	[tilespmem:s7+$0x4620] =	vst v2;
	v2 =	vmul.f32 v1, v29  }
0x5ab: {  	v21 =	vld [tilespmem:$0x1FA90];
	[tilespmem:s7+$0x630] =	vst v0;
	v0 =	vmul.f32 v1, v36  }
0x5ac: {  	v3 =	vmul.f32 v1, v62;
	v62 =	vld.idx.msk [tilespmem:v35+s22+$0x0], $0xffff;
	[tilespmem:s7+$0x4630] =	vst v2;
	v2 =	vmul.f32 v1, v32  }
0x5ad: {  	v35 =	vld [tilespmem:$0x1FC90];
	[tilespmem:s7+$0x640] =	vst v0;
	v0 =	vmul.f32 v1, v47  }
0x5ae: {  	v27 =	vld [tilespmem:$0x1FAA0];
	[tilespmem:s7+$0x4640] =	vst v2;
	v2 =	vmul.f32 v31, v37  }
0x5af: {  	v30 =	vld [tilespmem:$0x1FAC0];
	[tilespmem:s7+$0x650] =	vst v0;
	v0 =	vmul.f32 v1, v61  }
0x5b0: {  	[tilespmem:s7+$0x4650] =	vst v4;
	v25 =	vmul.f32 v40, v39;
	v39 =	vld [tilespmem:$0x1FB30];
	v2 =	vsub.f32 $0.0e+00, v2  }
0x5b1: {  	v40 =	vld [tilespmem:$0x1FB40];
	[tilespmem:s7+$0x660] =	vst v0;
	v0 =	vmul.f32 v1, v5  }
0x5b2: {  	[tilespmem:s7+$0x4670] =	vst v3;
	v29 =	vld [tilespmem:$0x1FAB0];
	v1 =	vmul.f32 v2, v6  }
0x5b3: {  	v32 =	vld [tilespmem:$0x1FAE0];
	[tilespmem:s7+$0x670] =	vst v0;
	v0 =	vmul.f32 v2, v7  }
0x5b4: {  	v36 =	vld [tilespmem:$0x1FB00];
	v3 =	vmul.f32 v2, v30;
	[tilespmem:s14+$0x4600] =	vst v1  }
0x5b5: {  	v31 =	vld [tilespmem:$0x1FAD0];
	[tilespmem:s14+$0x600] =	vst v0;
	v0 =	vmul.f32 v2, v9  }
0x5b6: {  	v37 =	vld [tilespmem:$0x1FB10];
	v1 =	vmul.f32 v2, v8;
	[tilespmem:s14+$0x4660] =	vst v3  }
0x5b7: {  	v47 =	vld [tilespmem:$0x1FB50];
	[tilespmem:s14+$0x610] =	vst v0;
	v0 =	vmul.f32 v2, v11  }
0x5b8: {  	v61 =	vld [tilespmem:$0x1FB70];
	[tilespmem:s14+$0x4610] =	vst v1;
	v1 =	vmul.f32 v2, v10  }
0x5b9: {  	v6 =	vld [tilespmem:$0x1FB80];
	[tilespmem:s14+$0x620] =	vst v0;
	v0 =	vmul.f32 v2, v16  }
0x5ba: {  	v4 =	vmul.f32 v2, v27;
	v27 =	vld [tilespmem:$0x1FC30];
	[tilespmem:s14+$0x4620] =	vst v1;
	v1 =	vmul.f32 v2, v12  }
0x5bb: {  	v30 =	vld [tilespmem:$0x1FC50];
	[tilespmem:s14+$0x630] =	vst v0;
	v0 =	vmul.f32 v2, v21  }
0x5bc: {  	v7 =	vld [tilespmem:$0x1FB90];
	[tilespmem:s14+$0x4630] =	vst v1;
	v1 =	vmul.f32 v2, v19  }
0x5bd: {  	v3 =	vmul.f32 v2, v32;
	v32 =	vld [tilespmem:$0x1FC70];
	[tilespmem:s14+$0x640] =	vst v0;
	v0 =	vmul.f32 v2, v29  }
0x5be: {  	v8 =	vmul.f32 v43, v42;
	v43 =	vld [tilespmem:$0x1FCF0];
	[tilespmem:s14+$0x4640] =	vst v1;
	v1 =	vmul.f32 v17, v25  }
0x5bf: {  	v9 =	vld [tilespmem:$0x1FBA0];
	[tilespmem:s14+$0x650] =	vst v0;
	v0 =	vmul.f32 v2, v31  }
0x5c0: {  	[tilespmem:s14+$0x4650] =	vst v4;
	v10 =	vld [tilespmem:$0x1FBB0];
	v1 =	vsub.f32 $0.0e+00, v1  }
0x5c1: {  	v11 =	vld [tilespmem:$0x1FBC0];
	[tilespmem:s14+$0x660] =	vst v0;
	v0 =	vmul.f32 v2, v33  }
0x5c2: {  	[tilespmem:s14+$0x4670] =	vst v3;
	v12 =	vld [tilespmem:$0x1FBD0];
	v2 =	vmul.f32 v1, v36  }
0x5c3: {  	v16 =	vld [tilespmem:$0x1FBE0];
	[tilespmem:s14+$0x670] =	vst v0;
	v0 =	vmul.f32 v1, v37  }
0x5c4: {  	v19 =	vld [tilespmem:$0x1FC00];
	[tilespmem:s20+$0x4600] =	vst v2;
	v2 =	vmul.f32 v1, v38  }
0x5c5: {  	v17 =	vld [tilespmem:$0x1FBF0];
	[tilespmem:s20+$0x600] =	vst v0;
	v0 =	vmul.f32 v1, v39  }
0x5c6: {  	v21 =	vld [tilespmem:$0x1FC10];
	[tilespmem:s20+$0x4610] =	vst v2;
	v2 =	vmul.f32 v1, v40  }
0x5c7: {  	v25 =	vld [tilespmem:$0x1FC20];
	[tilespmem:s20+$0x610] =	vst v0;
	v0 =	vmul.f32 v1, v47  }
0x5c8: {  	v29 =	vld [tilespmem:$0x1FC40];
	[tilespmem:s20+$0x4620] =	vst v2;
	v2 =	vmul.f32 v1, v51  }
0x5c9: {  	v31 =	vld [tilespmem:$0x1FC60];
	[tilespmem:s20+$0x620] =	vst v0;
	v0 =	vmul.f32 v1, v61  }
0x5ca: {  	v33 =	vld.idx.msk [tilespmem:v34+s22+$0x0], $0xffff;
	[tilespmem:s20+$0x4630] =	vst v2;
	v2 =	vmul.f32 v1, v6  }
0x5cb: {  	v39 =	vld [tilespmem:$0x1FCC0];
	[tilespmem:s20+$0x630] =	vst v0;
	v0 =	vmul.f32 v1, v7  }
0x5cc: {  	v3 =	vmul.f32 v1, v11;
	v34 =	vld [tilespmem:$0x1FC80];
	[tilespmem:s20+$0x4640] =	vst v2;
	v2 =	vmul.f32 v62, v8  }
0x5cd: {  	v36 =	vmul.f32 v41, v14;
	v41 =	vld [tilespmem:$0x1FCE0];
	[tilespmem:s20+$0x640] =	vst v0;
	v0 =	vmul.f32 v1, v10  }
0x5ce: {  	[tilespmem:s20+$0x4660] =	vst v3;
	v3 =	vmul.f32 v1, v16;
	v14 =	vld.idx.msk [tilespmem:v15+s22+$0x0], $0xffff;
	v2 =	vsub.f32 $0.0e+00, v2  }
0x5cf: {  	v37 =	vld [tilespmem:$0x1FCA0];
	[tilespmem:s20+$0x650] =	vst v0;
	v0 =	vmul.f32 v1, v12  }
0x5d0: {  	v4 =	vmul.f32 v1, v9;
	[tilespmem:s20+$0x4670] =	vst v3;
	v38 =	vld [tilespmem:$0x1FCB0];
	s14 =	sor.u32 $0xE, s21;
	v3 =	vmul.f32 v2, v39  }
0x5d1: {  	s15 =	sshll.u32 s14, $0x7;
	v40 =	vld [tilespmem:$0x1FCD0];
	[tilespmem:s20+$0x660] =	vst v0;
	v0 =	vmul.f32 v1, v17;
	v1 =	vmul.f32 v2, v19  }
0x5d2: {  	v6 =	vld [tilespmem:s15+$0x4600];
	[tilespmem:s31+$0x4660] =	vst v3  }
0x5d3: {  	v62 =	vmul.f32 v18, v23;
	v18 =	vld [tilespmem:$0x1FD20];
	[tilespmem:s31+$0x4600] =	vst v1;
	v1 =	vmul.f32 v2, v25  }
0x5d4: {  	v7 =	vld [tilespmem:s15+$0x4610];
	[tilespmem:s20+$0x670] =	vst v0;
	v0 =	vmul.f32 v2, v21  }
0x5d5: {  	v23 =	vld [tilespmem:$0x1FD40];
	[tilespmem:s31+$0x4610] =	vst v1;
	v1 =	vmul.f32 v2, v29  }
0x5d6: {  	v8 =	vld [tilespmem:s15+$0x660];
	[tilespmem:s31+$0x600] =	vst v0;
	v0 =	vmul.f32 v2, v27  }
0x5d7: {  	v10 =	vld [tilespmem:$0x1FD00];
	[tilespmem:s31+$0x4620] =	vst v1;
	v1 =	vmul.f32 v2, v31  }
0x5d8: {  	v19 =	vld [tilespmem:$0x1FD30];
	[tilespmem:s31+$0x610] =	vst v0;
	v0 =	vmul.f32 v2, v30  }
0x5d9: {  	v3 =	vmul.f32 v2, v41;
	v41 =	vld [tilespmem:$0x1FD70];
	[tilespmem:s31+$0x4630] =	vst v1;
	v1 =	vmul.f32 v2, v34  }
0x5da: {  	v17 =	vld [tilespmem:s15+$0x4660];
	[tilespmem:s31+$0x620] =	vst v0;
	v0 =	vmul.f32 v2, v32  }
0x5db: {  	v27 =	vld [tilespmem:$0x1FD50];
	[tilespmem:s31+$0x4640] =	vst v1;
	v1 =	vmul.f32 v33, v36  }
0x5dc: {  	v34 =	vld [tilespmem:$0x1FE00];
	[tilespmem:s31+$0x630] =	vst v0;
	v0 =	vmul.f32 v2, v35  }
0x5dd: {  	v33 =	vld.idx.msk [tilespmem:v13+s22+$0x0], $0xffff;
	v42 =	vsub.f32 $0.0e+00, v1  }
0x5de: {  	v13 =	vld [tilespmem:$0x1FD10];
	[tilespmem:s31+$0x640] =	vst v0;
	v0 =	vmul.f32 v2, v38  }
0x5df: {  	v51 =	vmul.f32 v42, v55;
	v55 =	vld.idx.msk [tilespmem:v26+s22+$0x0], $0xffff  }
0x5e0: {  	[tilespmem:s31+$0x650] =	vst v0;
	v0 =	vmul.f32 v2, v40;
	v47 =	vmul.f32 v42, v54;
	v40 =	vld [tilespmem:$0x1FD60]  }
0x5e1: {  	v54 =	vmul.f32 v42, v56;
	v56 =	vmul.f32 v42, v50;
	v50 =	vld [tilespmem:$0x1FDA0]  }
0x5e2: {  	[tilespmem:s20+$0x4650] =	vst v4;
	v4 =	vmul.f32 v2, v37;
	v9 =	vmul.f32 v42, v57;
	v57 =	vld [tilespmem:$0x1FDC0]  }
0x5e3: {  	v12 =	vmul.f32 v42, v59;
	v59 =	vld [tilespmem:$0x1FDD0]  }
0x5e4: {  	[tilespmem:s31+$0x4650] =	vst v4;
	v1 =	vmul.f32 v42, v44;
	v15 =	vmul.f32 v42, v13;
	v13 =	vld [tilespmem:s15+$0x4650]  }
0x5e5: {  	[tilespmem:s31+$0x660] =	vst v0;
	v0 =	vmul.f32 v2, v43;
	v2 =	vld [tilespmem:s15+$0x600]  }
0x5e6: {  	v4 =	vmul.f32 v42, v19;
	[tilespmem:s10+$0x4600] =	vst v1;
	v1 =	vld [tilespmem:s15+$0x620]  }
0x5e7: {  	v11 =	vmul.f32 v42, v10;
	[tilespmem:s10+$0x4650] =	vst v9;
	v9 =	vld [tilespmem:s15+$0x4620]  }
0x5e8: {  	v5 =	vmul.f32 v42, v18;
	[tilespmem:s10+$0x670] =	vst v4;
	v4 =	vld [tilespmem:s15+$0x640]  }
0x5e9: {  	v36 =	vmov s14;
	[tilespmem:s10+$0x650] =	vst v11;
	v11 =	vld [tilespmem:s15+$0x4630]  }
0x5ea: {  	v37 =	vand.u32 $0xFFFFFFFE, v36;
	v44 =	vmul.f32 v42, v52;
	[tilespmem:s10+$0x4670] =	vst v5;
	v5 =	vld [tilespmem:s15+$0x650]  }
0x5eb: {  	v32 =	vbroadcast v37, $0x0;
	[tilespmem:s10+$0x4660] =	vst v12;
	v12 =	vld [tilespmem:s15+$0x4640]  }
0x5ec: {  	[tilespmem:s10+$0x600] =	vst v44;
	v44 =	vld [tilespmem:$0x1FD80]  }
0x5ed: {  	v61 =	vmul.f32 v42, v60;
	[tilespmem:s10+$0x610] =	vst v47;
	v47 =	vld [tilespmem:$0x1FD90]  }
0x5ee: {  	[tilespmem:s10+$0x4640] =	vst v56;
	v56 =	vld [tilespmem:$0x1FDB0]  }
0x5ef: {  	[tilespmem:s10+$0x640] =	vst v61;
	v61 =	vld [tilespmem:$0x1FDE0]  }
0x5f0: {  	[tilespmem:s31+$0x670] =	vst v0;
	v0 =	vld [tilespmem:s15+$0x610]  }
0x5f1: {  	[tilespmem:s31+$0x4670] =	vst v3;
	v35 =	vld.idx.msk [tilespmem:v32+s19+$0x0], $0xffff;
	v3 =	vmul.f32 v55, v62  }
0x5f2: {  	s20 =	sor.u32 $0xF, s21;
	v36 =	vld.idx.msk [tilespmem:v32+s13+$0x0], $0xffff;
	v55 =	vmul.f32 v20, v22  }
0x5f3: {  	s29 =	sshll.u32 s20, $0x7;
	v18 =	vsub.f32 $0.0e+00, v3;
	v3 =	vld [tilespmem:s15+$0x630]  }
0x5f4: {  	v19 =	vmul.f32 v14, v55;
	v14 =	vld [tilespmem:s29+$0x600]  }
0x5f5: {  	v29 =	vmul.f32 v18, v27;
	v27 =	vld [tilespmem:$0x1FDF0]  }
0x5f6: {  	v46 =	vmul.f32 v42, v46;
	v37 =	vsub.f32 $0.0e+00, v19;
	v19 =	vld [tilespmem:s29+$0x4610]  }
0x5f7: {  	v48 =	vmul.f32 v42, v48;
	v25 =	vmul.f32 v18, v23;
	v23 =	vld [tilespmem:s29+$0x4620]  }
0x5f8: {  	v52 =	vmul.f32 v42, v49;
	v42 =	vmul.f32 v18, v41;
	v41 =	vld [tilespmem:$0x1FE20]  }
0x5f9: {  	[tilespmem:s10+$0x620] =	vst v51;
	v51 =	vmul.f32 v18, v50;
	v50 =	vld [tilespmem:$0x1FE50]  }
0x5fa: {  	v31 =	vmul.f32 v18, v28;
	v28 =	vld [tilespmem:s29+$0x4640]  }
0x5fb: {  	[tilespmem:s10+$0x4610] =	vst v46;
	v10 =	vmul.f32 v18, v40;
	v20 =	vmul.f32 v18, v56;
	v56 =	vld [tilespmem:$0x1FE70]  }
0x5fc: {  	[tilespmem:s10+$0x4630] =	vst v52;
	v26 =	vmul.f32 v18, v63;
	v62 =	vmul.f32 v18, v61;
	v61 =	vld [tilespmem:$0x1FE90]  }
0x5fd: {  	v38 =	vmul.f32 v6, v2;
	v39 =	vmul.f32 v7, v0;
	[tilespmem:s9+$0x4620] =	vst v10;
	v10 =	vld [tilespmem:s15+$0x670]  }
0x5fe: {  	[tilespmem:s9+$0x4610] =	vst v26;
	v26 =	vld.idx.msk [tilespmem:v32+s6+$0x0], $0xffff  }
0x5ff: {  	[tilespmem:s10+$0x660] =	vst v15;
	v46 =	vmul.f32 v18, v44;
	v15 =	vadd.f32 v39, v38;
	v39 =	vld [tilespmem:$0x1FE10]  }
0x600: {  	v24 =	vmul.f32 v18, v24;
	[tilespmem:s9+$0x640] =	vst v20;
	v20 =	vld [tilespmem:s29+$0x630]  }
0x601: {  	v21 =	vmul.f32 v18, v58;
	[tilespmem:s9+$0x4630] =	vst v46;
	v46 =	vld [tilespmem:$0x1FE40]  }
0x602: {  	v43 =	vmul.f32 v9, v1;
	[tilespmem:s9+$0x4670] =	vst v24;
	v24 =	vld [tilespmem:s29+$0x650]  }
0x603: {  	[tilespmem:s9+$0x4600] =	vst v21;
	v21 =	vmul.f32 v18, v57;
	v57 =	vld [tilespmem:$0x1FE80]  }
0x604: {  	[tilespmem:s10+$0x630] =	vst v54;
	v38 =	vmul.f32 v37, v34;
	v34 =	vld [tilespmem:s29+$0x4660];
	v49 =	vmul.f32 v11, v3;
	v15 =	vadd.f32 v43, v15  }
0x605: {  	[tilespmem:s9+$0x4660] =	vst v62;
	v62 =	vld [tilespmem:$0x1FEA0]  }
0x606: {  	v54 =	vmul.f32 v12, v4;
	[tilespmem:s9+$0x4650] =	vst v21;
	v21 =	vld [tilespmem:s29+$0x4600];
	v52 =	vadd.f32 v49, v15  }
0x607: {  	[tilespmem:s10+$0x4620] =	vst v48;
	v15 =	vld [tilespmem:s15+$0x4670]  }
0x608: {  	v48 =	vmul.f32 v18, v47;
	v58 =	vmul.f32 v13, v5;
	[tilespmem:s9+$0x600] =	vst v25;
	v43 =	vld [tilespmem:$0x1FE30];
	v16 =	vadd.f32 v54, v52  }
0x609: {  	v60 =	vmul.f32 v18, v59;
	[tilespmem:s9+$0x610] =	vst v29;
	v29 =	vmul.f32 v18, v27;
	v18 =	vld [tilespmem:s29+$0x620]  }
0x60a: {  	v63 =	vmul.f32 v17, v8;
	[tilespmem:s9+$0x620] =	vst v42;
	v42 =	vmul.f32 v37, v41;
	v22 =	vadd.f32 v58, v16;
	v16 =	vld [tilespmem:s29+$0x610]  }
0x60b: {  	[tilespmem:s9+$0x4640] =	vst v51;
	v27 =	vld [tilespmem:s29+$0x4630];
	v51 =	vmul.f32 v37, v50;
	v25 =	vmul.f32 v37, v56  }
0x60c: {  	v41 =	vld.idx.msk [tilespmem:v35+s16+$0x0], $0xffff;
	[tilespmem:s9+$0x660] =	vst v29;
	v30 =	vmul.f32 v15, v10;
	v22 =	vadd.f32 v63, v22  }
0x60d: {  	[tilespmem:s3+$0x620] =	vst v51;
	v29 =	vld [tilespmem:s29+$0x660]  }
0x60e: {  	[tilespmem:s3+$0x630] =	vst v25;
	v25 =	vmul.f32 v37, v61;
	v51 =	vmul.f32 v45, v53;
	v45 =	vld [tilespmem:$0x1FF40];
	v22 =	vadd.f32 v30, v22  }
0x60f: {  	[tilespmem:s9+$0x630] =	vst v48;
	v52 =	vld [tilespmem:$0x1FE60];
	v48 =	vmul.f32 v21, v14;
	v49 =	vmul.f32 v19, v16  }
0x610: {  	[tilespmem:s9+$0x670] =	vst v31;
	(xrf2) =	vadd.scan.msk.f32 $0xffff, v22;
	v22 =	vld [tilespmem:s29+$0x640]  }
0x611: {  	v47 =	vmul.f32 v37, v46;
	[tilespmem:s3+$0x640] =	vst v25;
	v25 =	vld [tilespmem:s29+$0x4670];
	v55 =	vmul.f32 v23, v18;
	v31 =	vadd.f32 v49, v48  }
0x612: {  	[tilespmem:s9+$0x650] =	vst v60;
	v30 =	vld [tilespmem:s29+$0x4650]  }
0x613: {  	v40 =	vmul.f32 v37, v39;
	[tilespmem:s3+$0x4620] =	vst v47;
	v47 =	vld [tilespmem:$0x1FF50];
	v60 =	vmul.f32 v27, v20;
	v59 =	vadd.f32 v55, v31  }
0x614: {  	v58 =	vmul.f32 v37, v57;
	v57 =	vld [tilespmem:$0x1FED0]  }
0x615: {  	[tilespmem:s3+$0x600] =	vst v40;
	v54 =	vmul.f32 v37, v52;
	v40 =	vadd.f32 v60, v59;
	v48 =	vmul.f32 v28, v22;
	v59 =	vld [tilespmem:$0x1FEE0]  }
0x616: {  	[tilespmem:s3+$0x4600] =	vst v38;
	v31 =	vld [tilespmem:s29+$0x670]  }
0x617: {  	v52 =	vld [tilespmem:$0x1FEC0];
	[tilespmem:s3+$0x4630] =	vst v54;
	v54 =	vmul.f32 v30, v24;
	v40 =	vadd.f32 v48, v40  }
0x618: {  	[tilespmem:s3+$0x4610] =	vst v42;
	v44 =	vmul.f32 v37, v43;
	v49 =	vld [tilespmem:$0x1FEB0]  }
0x619: {  	[tilespmem:s3+$0x4640] =	vst v58;
	v63 =	vmul.f32 v37, v62;
	v58 =	vmul.f32 v34, v29;
	v60 =	vld [tilespmem:$0x1FEF0];
	v40 =	vadd.f32 v54, v40  }
0x61a: {  	v56 =	vld.idx.msk [tilespmem:v26+s16+$0x0], $0xffff;
	[tilespmem:s3+$0x610] =	vst v44;
	v42 =	vmul.f32 v37, v57;
	v53, _, _ =	vpop (xrf2);
	v38 =	vmul.f32 v37, v59  }
0x61b: {  	v44 =	vld [tilespmem:$0x1FF30];
	[tilespmem:s3+$0x4650] =	vst v63;
	v61 =	vmul.f32 v25, v31;
	v55 =	vbroadcast v53, $0xF;
	v40 =	vadd.f32 v58, v40  }
0x61c: {  	v33 =	vmul.f32 v33, v51;
	v43 =	vmul.f32 v37, v52;
	[tilespmem:s3+$0x4670] =	vst v38;
	v38 =	vld [tilespmem:$0x1FF00]  }
0x61d: {  	[tilespmem:s3+$0x660] =	vst v42;
	v50 =	vmul.f32 v37, v49;
	v36 =	vmul.f32 v55, v36;
	v63 =	vadd.f32 v61, v40;
	v40 =	vld [tilespmem:$0x1FF10]  }
0x61e: {  	[tilespmem:s3+$0x4660] =	vst v43;
	v37 =	vmul.f32 v37, v60;
	v61 =	vld [tilespmem:$0x1FFE0]  }
0x61f: {  	v33 =	vsub.f32 $0.0e+00, v33;
	v42 =	vld [tilespmem:$0x1FF20];
	[tilespmem:s3+$0x650] =	vst v50;
	v62 =	vmul.f32 v36, v41  }
0x620: {  	v49 =	vld [tilespmem:$0x1FF70];
	[tilespmem:s3+$0x670] =	vst v37;
	v36 =	vmul.f32 v36, v56  }
0x621: {  	[tilespmem:v26+s17+$0x0] =	vst.idx.add.f32.msk $0x1, v62;
	v26 =	vmul.f32 v33, v38  }
0x622: {  	[tilespmem:v35+s17+$0x0] =	vst.idx.add.f32.msk $0x1, v36;
	v35 =	vmul.f32 v33, v40  }
0x623: {  	v48 =	vld [tilespmem:$0x1FF60];
	v38 =	vmul.f32 v33, v61;
	[tilespmem:s0+$0x4600] =	vst v26  }
0x624: {  	v43 =	vmov s20;
	v50 =	vld [tilespmem:$0x1FF80];
	v26 =	vmul.f32 v33, v42;
	[tilespmem:s0+$0x600] =	vst v35  }
0x625: {  	v32 =	vld.idx.msk [tilespmem:v32+s22+$0x0], $0xffff;
	v35 =	vmul.f32 v33, v44;
	[tilespmem:s0+$0x4670] =	vst v38  }
0x626: {  	v51 =	vld [tilespmem:$0x1FF90];
	(xrf2) =	vadd.scan.msk.f32 $0xffff, v63;
	[tilespmem:s0+$0x4610] =	vst v26;
	v26 =	vmul.f32 v33, v45  }
0x627: {  	v53 =	vld [tilespmem:$0x1FFA0];
	[tilespmem:s0+$0x610] =	vst v35;
	v35 =	vmul.f32 v33, v47  }
0x628: {  	v39 =	vmul.f32 v41, v56;
	v54 =	vld [tilespmem:$0x1FFB0];
	[tilespmem:s0+$0x4620] =	vst v26;
	v26 =	vmul.f32 v33, v48  }
0x629: {  	v36 =	vld.idx.msk [tilespmem:v43+s19+$0x0], $0xffff;
	[tilespmem:s0+$0x620] =	vst v35;
	v35 =	vmul.f32 v33, v49  }
0x62a: {  	v46 =	vld.idx.msk [tilespmem:v43+s6+$0x0], $0xffff;
	v32 =	vmul.f32 v32, v39;
	[tilespmem:s0+$0x4630] =	vst v26;
	v26 =	vmul.f32 v33, v50  }
0x62b: {  	[tilespmem:s0+$0x630] =	vst v35;
	v35 =	vmul.f32 v33, v51  }
0x62c: {  	v32 =	vsub.f32 $0.0e+00, v32;
	[tilespmem:s0+$0x4640] =	vst v26;
	v26 =	vmul.f32 v33, v53  }
0x62d: {  	[tilespmem:s0+$0x640] =	vst v35;
	v35 =	vmul.f32 v33, v54  }
0x62e: {  	v52 =	vld.idx.msk [tilespmem:v43+s13+$0x0], $0xffff;
	v6 =	vmul.f32 v32, v6;
	[tilespmem:s0+$0x4650] =	vst v26  }
0x62f: {  	v2 =	vmul.f32 v32, v2;
	[tilespmem:s0+$0x650] =	vst v35  }
0x630: {  	v57 =	vld [tilespmem:$0x1FFC0];
	v55, _, _ =	vpop (xrf2);
	v0 =	vmul.f32 v32, v0;
	[tilespmem:s15+$0x4600] =	vst v6  }
0x631: {  	v56 =	vld.idx.msk [tilespmem:v36+s16+$0x0], $0xffff;
	v40 =	vbroadcast v55, $0xF;
	v37 =	vmul.f32 v32, v3;
	[tilespmem:s15+$0x600] =	vst v2  }
0x632: {  	v58 =	vld.idx.msk [tilespmem:v46+s16+$0x0], $0xffff;
	v39 =	vmul.f32 v32, v12;
	[tilespmem:s15+$0x610] =	vst v0  }
0x633: {  	v60 =	vmul.f32 v40, v52;
	v40 =	vmul.f32 v32, v4;
	[tilespmem:s15+$0x630] =	vst v37  }
0x634: {  	v42 =	vmul.f32 v32, v13;
	[tilespmem:s15+$0x4640] =	vst v39  }
0x635: {  	v59 =	vld [tilespmem:$0x1FFD0];
	v26 =	vmul.f32 v33, v57;
	[tilespmem:s15+$0x640] =	vst v40  }
0x636: {  	v62 =	vld [tilespmem:$0x1FFF0];
	[tilespmem:s15+$0x4650] =	vst v42;
	v63 =	vmul.f32 v60, v56  }
0x637: {  	[tilespmem:s0+$0x4660] =	vst v26;
	v26 =	vmul.f32 v60, v58  }
0x638: {  	v44 =	vmul.f32 v32, v17;
	[tilespmem:v46+s17+$0x0] =	vst.idx.add.f32.msk $0x1, v63  }
0x639: {  	v45 =	vmul.f32 v32, v8;
	[tilespmem:v36+s17+$0x0] =	vst.idx.add.f32.msk $0x1, v26  }
0x63a: {  	v47 =	vmul.f32 v32, v10;
	[tilespmem:s15+$0x4660] =	vst v44;
	v38 =	vld.idx.msk [tilespmem:v43+s22+$0x0], $0xffff  }
0x63b: {  	v35 =	vmul.f32 v33, v59;
	v33 =	vmul.f32 v33, v62;
	[tilespmem:s15+$0x660] =	vst v45  }
0x63c: {  	[tilespmem:s15+$0x670] =	vst v47  }
0x63d: {  	v41 =	vmul.f32 v56, v58;
	[tilespmem:s0+$0x670] =	vst v33;
	v33 =	vmul.f32 v32, v9  }
0x63e: {  	[tilespmem:s0+$0x660] =	vst v35;
	v35 =	vmul.f32 v32, v1  }
0x63f: {  	v46 =	vmul.f32 v32, v15;
	[tilespmem:s15+$0x4620] =	vst v33;
	v1 =	vmul.f32 v38, v41  }
0x640: {  	v26 =	vmul.f32 v32, v7;
	[tilespmem:s15+$0x620] =	vst v35  }
0x641: {  	v36 =	vmul.f32 v32, v11;
	[tilespmem:s15+$0x4670] =	vst v46;
	v1 =	vsub.f32 $0.0e+00, v1  }
0x642: {  	v43 =	vmul.f32 v32, v5;
	[tilespmem:s15+$0x4610] =	vst v26  }
0x643: {  	[tilespmem:s15+$0x4630] =	vst v36;
	v48 =	vmul.f32 v1, v21  }
0x644: {  	[tilespmem:s15+$0x650] =	vst v43;
	v49 =	vmul.f32 v1, v14  }
0x645: {  	v50 =	vmul.f32 v1, v19;
	[tilespmem:s29+$0x4600] =	vst v48  }
0x646: {  	v51 =	vmul.f32 v1, v16;
	[tilespmem:s29+$0x600] =	vst v49  }
0x647: {  	v52 =	vmul.f32 v1, v23;
	[tilespmem:s29+$0x4610] =	vst v50  }
0x648: {  	v53 =	vmul.f32 v1, v18;
	[tilespmem:s29+$0x610] =	vst v51  }
0x649: {  	v54 =	vmul.f32 v1, v27;
	[tilespmem:s29+$0x4620] =	vst v52  }
0x64a: {  	v55 =	vmul.f32 v1, v20;
	[tilespmem:s29+$0x620] =	vst v53  }
0x64b: {  	v56 =	vmul.f32 v1, v28;
	[tilespmem:s29+$0x4630] =	vst v54  }
0x64c: {  	v57 =	vmul.f32 v1, v22;
	[tilespmem:s29+$0x630] =	vst v55  }
0x64d: {  	v58 =	vmul.f32 v1, v30;
	[tilespmem:s29+$0x4640] =	vst v56  }
0x64e: {  	v59 =	vmul.f32 v1, v24;
	[tilespmem:s29+$0x640] =	vst v57  }
0x64f: {  	p0 =	slt.u32 s21, $0x70;
	v60 =	vmul.f32 v1, v34;
	[tilespmem:s29+$0x4650] =	vst v58  }
.Ltmp8:
0x650: {  	v61 =	vmul.f32 v1, v29;
	[tilespmem:s29+$0x650] =	vst v59;
	(pc) =	sbr.rel @p0 .LBB2_14-.Ltmp8, $4  }
0x651: {  	v62 =	vmul.f32 v1, v25;
	[tilespmem:s29+$0x4660] =	vst v60  }
0x652: {  	v63 =	vmul.f32 v1, v31;
	[tilespmem:s29+$0x660] =	vst v61  }
0x653: {  	s31 =	sadd.s32 $0x10, s21;
	[tilespmem:s29+$0x4670] =	vst v62  }
0x654: {  	s21 =	smov.u32 s31;
	[tilespmem:s29+$0x670] =	vst v63  }
0x655: {  	p0 =	seq.s32 s26, $0xF  }
0x656: {  	s0 =	simm.s32 @p0 $0x80;
	s3 =	simm.s32 @p0 $0x200;
	s7 =	simm.s32 @p0 $0x4600  }
0x657: {  	[spmem:s4] =	stream.indirect.scatter.add.f32 @p0 [tilespmem:s7], [sflag:$0x3], $0x80, s3, s0, $0xb8;
	[tilespmem:$0x1A600] =	vst v63  }
0x658: {  	s3 =	simm.s32 @p0 $0x280;
	s7 =	simm.s32 @p0 $0x600  }
0x659: {  	[spmem:s4] =	stream.indirect.scatter.add.f32 @p0 [tilespmem:s7], [sflag:$0x3], $0x80, s3, s0, $0xb8;
	[tilespmem:$0x1A600] =	vst v63  }
0x65a: {  	s0 =	simm.s32 @p0 $0x3  }
0x65b: {  	_ =	swait.ge @p0 [sflag:s0], $0x4000  }
0x65c: {  	[sflag:s0] =	ssyncset.done @p0 $0x0  }
0x65d: {  	[sflag:s0] =	ssyncadd.s32 @p0 $0xFFFFC000  }
0x65e: {  	_ =	swait.ge @p0 [sflag:s0], $0x4000  }
0x65f: {  	s3 =	sshll.u32 @!p0 s26, $0x8;
	s7 =	rddreg [dreg:$0x1d]  }
0x660: {  	[sflag:s0] =	ssyncset.done @p0 $0x0;
	s3 =	sadd.s32 @!p0 s3, s7  }
0x661: {  	[sflag:s0] =	ssyncadd.s32 @p0 $0xFFFFC000;
	s0 =	rddreg [dreg:$0x8];
	s3 =	sshrl.u32 @!p0 s3, $0x3  }
0x662: {  	s7 =	simm.s32 @!p0 $0x0;
	s0 =	sadd.s32 @!p0 s0, s3  }
0x663: {  	[tilespmem:s7], [sflag:$0x5] =	stream.linear.gather @!p0 [hbm4b:s0+s7], $0x80, $0x38;
	[tilespmem:$0x1A600] =	vst v63  }
0x664: {  	s0 =	rddreg [dreg:$0x9]  }
0x665: {  	s8 =	simm.s32 @!p0 $0x80;
	s0 =	sadd.s32 @!p0 s0, s3  }
0x666: {  	[tilespmem:s8], [sflag:$0x5] =	stream.linear.gather @!p0 [hbm4b:s0+s7], $0x80, $0x38;
	[tilespmem:$0x1A600] =	vst v63  }
0x667: {  	s0 =	rddreg [dreg:$0xa]  }
0x668: {  	s9 =	simm.s32 @!p0 $0x400;
	s0 =	sadd.s32 @!p0 s0, s3  }
0x669: {  	[tilespmem:s9], [sflag:$0x5] =	stream.linear.gather @!p0 [hbm4b:s0+s7], $0x80, $0x38;
	[tilespmem:$0x1A600] =	vst v63  }
0x66a: {  	s0 =	rddreg [dreg:$0xb]  }
0x66b: {  	s0 =	sadd.s32 @!p0 s0, s3;
	s3 =	simm.s32 @!p0 $0x500  }
0x66c: {  	[tilespmem:s3], [sflag:$0x5] =	stream.linear.gather @!p0 [hbm4b:s0+s7], $0x80, $0x38;
	[tilespmem:$0x1A600] =	vst v63  }
0x66d: {  	s0 =	simm.s32 @!p0 $0x200;
	s3 =	simm.s32 @!p0 $0x4600  }
0x66e: {  	[spmem:s4] =	stream.indirect.scatter.add.f32 @!p0 [tilespmem:s3], [sflag:$0x3], $0x80, s0, s8, $0xb8;
	[tilespmem:$0x1A600] =	vst v63  }
0x66f: {  	s9 =	simm.s32 @!p0 $0x600;
	s0 =	simm.s32 @!p0 $0x280  }
0x670: {  	[spmem:s4] =	stream.indirect.scatter.add.f32 @!p0 [tilespmem:s9], [sflag:$0x3], $0x80, s0, s8, $0xb8;
	[tilespmem:$0x1A600] =	vst v63  }
0x671: {  	s0 =	simm.s32 @!p0 $0x3  }
0x672: {  	_ =	swait.ge @!p0 [sflag:s0], $0x4000  }
0x673: {  	[sflag:s0] =	ssyncset.done @!p0 $0x0  }
0x674: {  	[sflag:s0] =	ssyncadd.s32 @!p0 $0xFFFFC000  }
0x675: {  	_ =	swait.ge @!p0 [sflag:s0], $0x4000  }
0x676: {  	[sflag:s0] =	ssyncset.done @!p0 $0x0  }
0x677: {  	[sflag:s0] =	ssyncadd.s32 @!p0 $0xFFFFC000;
	s0 =	simm.s32 @!p0 $0x5  }
0x678: {  	_ =	swait.ge @!p0 [sflag:s0], $0x80  }
0x679: {  	[sflag:s0] =	ssyncset.done @!p0 $0x0  }
0x67a: {  	[sflag:s0] =	ssyncadd.s32 @!p0 $0xFFFFFF80  }
0x67b: {  	_ =	swait.ge @!p0 [sflag:s0], $0x80  }
0x67c: {  	[sflag:s0] =	ssyncset.done @!p0 $0x0  }
0x67d: {  	[sflag:s0] =	ssyncadd.s32 @!p0 $0xFFFFFF80  }
0x67e: {  	_ =	swait.ge @!p0 [sflag:s0], $0x80  }
0x67f: {  	[sflag:s0] =	ssyncset.done @!p0 $0x0  }
0x680: {  	[sflag:s0] =	ssyncadd.s32 @!p0 $0xFFFFFF80  }
0x681: {  	_ =	swait.ge @!p0 [sflag:s0], $0x80  }
0x682: {  	[sflag:s0] =	ssyncset.done @!p0 $0x0  }
0x683: {  	[sflag:s0] =	ssyncadd.s32 @!p0 $0xFFFFFF80  }
0x684: {  	[tilespmem:s9], [sflag:$0x1] =	stream.indirect.gather @!p0 [hbm4b:s1+s8], $0x80, s7, s8, $0xb8;
	[tilespmem:$0x1A600] =	vst v63  }
0x685: {  	_ = 	snop  }
0x686: {  	[tilespmem:s3], [sflag:$0x1] =	stream.indirect.gather @!p0 [hbm4b:s1+s8], $0x80, s8, s8, $0xb8;
	[tilespmem:$0x1A600] =	vst v63  }
0x687: {  	_ =	swait.ge [sflag:s5], $0x4000  }
0x688: {  	[sflag:s5] =	ssyncset.done $0x0  }
0x689: {  	[sflag:s5] =	ssyncadd.s32 $0xFFFFC000  }
0x68a: {  	_ =	swait.ge [sflag:s5], $0x4000  }
0x68b: {  	[sflag:s5] =	ssyncset.done $0x0  }
0x68c: {  	[sflag:s5] =	ssyncadd.s32 $0xFFFFC000  }
0x68d: {  	v0 =	vld [tilespmem:$0x100]  }
0x68e: {  	v1 =	vld [tilespmem:$0x180]  }
0x68f: {  	v2 =	vld [tilespmem:$0x110]  }
0x690: {  	v3 =	vld [tilespmem:$0x190]  }
0x691: {  	v4 =	vld [tilespmem:$0x120]  }
0x692: {  	v53 =	vld [tilespmem:$0x1A0];
	[tilespmem:$0x300] =	vst v0  }
0x693: {  	v54 =	vld [tilespmem:$0x130];
	[tilespmem:$0x380] =	vst v1  }
0x694: {  	v55 =	vld [tilespmem:$0x1B0];
	[tilespmem:$0x310] =	vst v2  }
0x695: {  	v56 =	vld [tilespmem:$0x140];
	[tilespmem:$0x390] =	vst v3  }
0x696: {  	v57 =	vld [tilespmem:$0x1C0];
	[tilespmem:$0x320] =	vst v4  }
0x697: {  	v58 =	vld [tilespmem:$0x150];
	[tilespmem:$0x3A0] =	vst v53  }
0x698: {  	v59 =	vld [tilespmem:$0x1D0];
	[tilespmem:$0x330] =	vst v54  }
0x699: {  	v60 =	vld [tilespmem:$0x160];
	[tilespmem:$0x3B0] =	vst v55  }
0x69a: {  	v61 =	vld [tilespmem:$0x1E0];
	[tilespmem:$0x340] =	vst v56  }
0x69b: {  	v62 =	vld [tilespmem:$0x170];
	[tilespmem:$0x3C0] =	vst v57  }
0x69c: {  	v63 =	vld [tilespmem:$0x1F0];
	[tilespmem:$0x350] =	vst v58  }
0x69d: {  	[tilespmem:$0x3D0] =	vst v59  }
0x69e: {  	[tilespmem:$0x360] =	vst v60  }
0x69f: {  	[tilespmem:$0x3E0] =	vst v61  }
0x6a0: {  	[tilespmem:$0x370] =	vst v62  }
0x6a1: {  	s21 =	simm.s32 $0x0;
	[tilespmem:$0x3F0] =	vst v63  }
.LBB2_16:
0x6a2: {  	s3 =	sshll.u32 s21, $0x7  }
0x6a3: {  	v34 =	vld [tilespmem:s3+$0x8600]  }
0x6a4: {  	v43 =	vld [tilespmem:s3+$0x8610]  }
0x6a5: {  	v40 =	vld [tilespmem:s3+$0x8620]  }
0x6a6: {  	v41 =	vld [tilespmem:s3+$0x8630]  }
0x6a7: {  	v38 =	vld [tilespmem:s3+$0x8640]  }
0x6a8: {  	v26 =	vld [tilespmem:s3+$0x8650]  }
0x6a9: {  	v20 =	vld [tilespmem:s3+$0x8660]  }
0x6aa: {  	v13 =	vld [tilespmem:s3+$0x8670]  }
0x6ab: {  	v35 =	vld [tilespmem:s3+$0xC600]  }
0x6ac: {  	v44 =	vld [tilespmem:s3+$0xC610]  }
0x6ad: {  	v47 =	vld [tilespmem:s3+$0xC620]  }
0x6ae: {  	v45 =	vld [tilespmem:s3+$0xC630]  }
0x6af: {  	v46 =	vld [tilespmem:s3+$0xC640]  }
0x6b0: {  	v39 =	vld [tilespmem:s3+$0xC650]  }
0x6b1: {  	s7 =	sor.u32 $0x1, s21;
	v32 =	vld [tilespmem:s3+$0xC660]  }
0x6b2: {  	v24 =	vld [tilespmem:s3+$0xC670];
	s0 =	sshll.u32 s7, $0x7  }
0x6b3: {  	v14 =	vld [tilespmem:s0+$0x8600]  }
0x6b4: {  	v12 =	vld [tilespmem:s0+$0x8610];
	v0 =	vmul.f32 v35, v34;
	v1 =	vmul.f32 v44, v43  }
0x6b5: {  	v21 =	vld [tilespmem:s0+$0xC600]  }
0x6b6: {  	v16 =	vld [tilespmem:s0+$0xC610];
	v2 =	vmul.f32 v47, v40;
	v1 =	vadd.f32 v1, v0  }
0x6b7: {  	v5 =	vld [tilespmem:s0+$0x8620]  }
0x6b8: {  	v11 =	vld [tilespmem:s0+$0xC620];
	v9 =	vmul.f32 v45, v41;
	v2 =	vadd.f32 v2, v1  }
0x6b9: {  	v3 =	vld [tilespmem:s0+$0x8630]  }
0x6ba: {  	v8 =	vld [tilespmem:s0+$0xC630];
	v15 =	vmul.f32 v46, v38;
	v9 =	vadd.f32 v9, v2  }
0x6bb: {  	v6 =	vld [tilespmem:s0+$0xC640];
	v4 =	vmul.f32 v21, v14;
	v7 =	vmul.f32 v16, v12  }
0x6bc: {  	v19 =	vmov s21;
	v18 =	vmul.f32 v39, v26;
	v0 =	vld [tilespmem:s0+$0x8640];
	v15 =	vadd.f32 v15, v9  }
0x6bd: {  	v19 =	vand.u32 $0xFFFFFFF0, v19;
	v10 =	vmul.f32 v11, v5;
	v4 =	vadd.f32 v7, v4;
	v7 =	vld [tilespmem:s0+$0xC650]  }
0x6be: {  	v19 =	vbroadcast v19, $0x0;
	v29 =	vmul.f32 v32, v20;
	v1 =	vld [tilespmem:s0+$0x8650];
	v15 =	vadd.f32 v18, v15  }
0x6bf: {  	v17 =	vmul.f32 v8, v3;
	v10 =	vadd.f32 v10, v4;
	v2 =	vld [tilespmem:s0+$0x8660]  }
0x6c0: {  	v31 =	vmul.f32 v24, v13;
	v9 =	vld [tilespmem:s0+$0xC660];
	v15 =	vadd.f32 v29, v15  }
0x6c1: {  	v4 =	vld [tilespmem:s0+$0x8670];
	v17 =	vadd.f32 v17, v10;
	v22 =	vmul.f32 v6, v0  }
0x6c2: {  	v23 =	vmov s7;
	v10 =	vld [tilespmem:s0+$0xC670];
	v15 =	vadd.f32 v31, v15  }
0x6c3: {  	v36 =	vand.u32 $0xFFFFFFF1, v23;
	v17 =	vadd.f32 v22, v17;
	v30 =	vmul.f32 v7, v1  }
0x6c4: {  	s8 =	sor.u32 $0x2, s21;
	v52 =	vld.idx.msk [tilespmem:v19+s24+$0x0], $0xffff;
	v18 =	vbroadcast v36, $0x0;
	(xrf2) =	vadd.scan.msk.f32 $0xffff, v15  }
0x6c5: {  	s15 =	sshll.u32 s8, $0x7;
	v42 =	vld.idx.msk [tilespmem:v19+s23+$0x0], $0xffff;
	v17 =	vadd.f32 v30, v17;
	v33 =	vmul.f32 v9, v2  }
0x6c6: {  	v23 =	vld [tilespmem:s15+$0x8620]  }
0x6c7: {  	v25 =	vld.idx.msk [tilespmem:v19+s18+$0x0], $0xffff;
	v37 =	vmul.f32 v10, v4;
	v17 =	vadd.f32 v33, v17  }
0x6c8: {  	v22 =	vld [tilespmem:s15+$0x8630]  }
0x6c9: {  	v36 =	vld [tilespmem:s15+$0x8600];
	v17 =	vadd.f32 v37, v17  }
0x6ca: {  	v53 =	vld.idx.msk [tilespmem:v18+s24+$0x0], $0xffff  }
0x6cb: {  	v54 =	vld.idx.msk [tilespmem:v18+s23+$0x0], $0xffff;
	(xrf2) =	vadd.scan.msk.f32 $0xffff, v17  }
0x6cc: {  	v30 =	vld.idx.msk [tilespmem:v52+s16+$0x0], $0xffff  }
0x6cd: {  	v29 =	vld.idx.msk [tilespmem:v42+s16+$0x0], $0xffff  }
0x6ce: {  	v33 =	vld [tilespmem:s15+$0xC620];
	v27, _, _ =	vpop (xrf2)  }
0x6cf: {  	v28 =	vld.idx.msk [tilespmem:v18+s18+$0x0], $0xffff;
	v27 =	vbroadcast v27, $0xF  }
0x6d0: {  	v15 =	vld [tilespmem:s15+$0x8650]  }
0x6d1: {  	v37 =	vld [tilespmem:s15+$0xC610];
	v25 =	vmul.f32 v27, v25  }
0x6d2: {  	v48 =	vld.idx.msk [tilespmem:v53+s16+$0x0], $0xffff  }
0x6d3: {  	v49 =	vld.idx.msk [tilespmem:v54+s16+$0x0], $0xffff;
	v31 =	vmul.f32 v25, v30  }
0x6d4: {  	v25 =	vmul.f32 v25, v29;
	v30 =	vmul.f32 v30, v29;
	v29 =	vld [tilespmem:s15+$0xC650]  }
0x6d5: {  	v55, _, _ =	vpop (xrf2);
	[tilespmem:v42+s17+$0x0] =	vst.idx.add.f32.msk $0x1, v31  }
0x6d6: {  	v27 =	vbroadcast v55, $0xF;
	v31 =	vld [tilespmem:s15+$0x8610]  }
0x6d7: {  	v42 =	vld [tilespmem:s15+$0xC600]  }
0x6d8: {  	v27 =	vmul.f32 v27, v28;
	v28 =	vld [tilespmem:s15+$0xC640]  }
0x6d9: {  	[tilespmem:v52+s17+$0x0] =	vst.idx.add.f32.msk $0x1, v25  }
0x6da: {  	v56 =	vmul.f32 v27, v48;
	v57 =	vmul.f32 v27, v49;
	v27 =	vld [tilespmem:s15+$0xC630]  }
0x6db: {  	v25 =	vld.idx.msk [tilespmem:v19+s25+$0x0], $0xffff  }
0x6dc: {  	v19 =	vld [tilespmem:s15+$0x8640];
	v59 =	vmul.f32 v42, v36;
	v51 =	vmul.f32 v37, v31  }
0x6dd: {  	v58 =	vmov s8;
	[tilespmem:v54+s17+$0x0] =	vst.idx.add.f32.msk $0x1, v56  }
0x6de: {  	v17 =	vand.u32 $0xFFFFFFF2, v58;
	[tilespmem:v53+s17+$0x0] =	vst.idx.add.f32.msk $0x1, v57;
	v53 =	vmul.f32 v33, v23;
	v51 =	vadd.f32 v51, v59  }
0x6df: {  	v52 =	vbroadcast v17, $0x0;
	v17 =	vld [tilespmem:s15+$0x8660]  }
0x6e0: {  	v50 =	vld.idx.msk [tilespmem:v18+s25+$0x0], $0xffff;
	v60 =	vmul.f32 v27, v22;
	v51 =	vadd.f32 v53, v51  }
0x6e1: {  	v54 =	vmul.f32 v25, v30;
	v30 =	vld [tilespmem:s15+$0xC660]  }
0x6e2: {  	v18 =	vld [tilespmem:s15+$0x8670];
	v61 =	vmul.f32 v28, v19;
	v51 =	vadd.f32 v60, v51  }
0x6e3: {  	v25 =	vld [tilespmem:s15+$0xC670]  }
0x6e4: {  	v62 =	vmul.f32 v29, v15;
	v51 =	vadd.f32 v61, v51  }
0x6e5: {  	v55 =	vld.idx.msk [tilespmem:v52+s23+$0x0], $0xffff;
	v54 =	vsub.f32 $0.0e+00, v54  }
0x6e6: {  	s9 =	sor.u32 $0x3, s21;
	v56 =	vld.idx.msk [tilespmem:v52+s24+$0x0], $0xffff;
	v63 =	vmul.f32 v30, v17;
	v51 =	vadd.f32 v62, v51  }
0x6e7: {  	s20 =	sshll.u32 s9, $0x7;
	v58 =	vld.idx.msk [tilespmem:v52+s18+$0x0], $0xffff;
	v57 =	vmul.f32 v54, v35  }
0x6e8: {  	v59 =	vmul.f32 v54, v34;
	v35 =	vld [tilespmem:s20+$0x8600];
	v62 =	vmul.f32 v25, v18;
	v51 =	vadd.f32 v63, v51  }
0x6e9: {  	v60 =	vmul.f32 v54, v44;
	v34 =	vld [tilespmem:s20+$0x8610];
	[tilespmem:s3+$0xC600] =	vst v57  }
0x6ea: {  	v44 =	vld [tilespmem:s20+$0xC600];
	[tilespmem:s3+$0x8600] =	vst v59;
	v61 =	vmul.f32 v54, v43;
	v51 =	vadd.f32 v62, v51  }
0x6eb: {  	[tilespmem:s3+$0xC610] =	vst v60;
	v43 =	vld [tilespmem:s20+$0xC610];
	v59 =	vmul.f32 v54, v45  }
0x6ec: {  	v45 =	vld [tilespmem:s20+$0xC620];
	v60 =	vmul.f32 v54, v41;
	[tilespmem:s3+$0x8610] =	vst v61;
	(xrf2) =	vadd.scan.msk.f32 $0xffff, v51  }
0x6ed: {  	[tilespmem:s3+$0xC630] =	vst v59;
	v61 =	vmul.f32 v54, v46;
	v63 =	vmul.f32 v54, v40;
	v40 =	vld [tilespmem:s20+$0x8620]  }
0x6ee: {  	v41 =	vld [tilespmem:s20+$0x8630];
	[tilespmem:s3+$0x8630] =	vst v60;
	v59 =	vmul.f32 v54, v32  }
0x6ef: {  	v46 =	vld [tilespmem:s20+$0xC630];
	[tilespmem:s3+$0xC640] =	vst v61;
	v61 =	vmul.f32 v54, v39;
	v62 =	vmul.f32 v54, v38  }
0x6f0: {  	v39 =	vld [tilespmem:s20+$0xC640];
	v60 =	vmul.f32 v43, v34;
	[tilespmem:s3+$0x8620] =	vst v63;
	v63 =	vmul.f32 v44, v35  }
0x6f1: {  	v48 =	vmul.f32 v48, v49;
	v38 =	vld [tilespmem:s20+$0x8640];
	[tilespmem:s3+$0x8640] =	vst v62;
	v62 =	vmul.f32 v54, v26  }
0x6f2: {  	v32 =	vld [tilespmem:s20+$0xC650];
	[tilespmem:s3+$0xC660] =	vst v59;
	v63 =	vadd.f32 v60, v63;
	v60 =	vmul.f32 v54, v20;
	v57 =	vmul.f32 v45, v40  }
0x6f3: {  	[tilespmem:s3+$0xC650] =	vst v61;
	v26 =	vld [tilespmem:s20+$0x8650]  }
0x6f4: {  	v48 =	vmul.f32 v50, v48;
	v20 =	vld [tilespmem:s20+$0x8660];
	[tilespmem:s3+$0x8650] =	vst v62;
	v62 =	vmul.f32 v46, v41;
	v61 =	vadd.f32 v57, v63  }
0x6f5: {  	v47 =	vmul.f32 v54, v47;
	[tilespmem:s3+$0x8660] =	vst v60;
	v63 =	vmul.f32 v54, v24;
	v24 =	vld [tilespmem:s20+$0xC660]  }
0x6f6: {  	v57 =	vmul.f32 v54, v13;
	v59 =	vmul.f32 v39, v38;
	v54 =	vld.idx.msk [tilespmem:v56+s16+$0x0], $0xffff;
	v50 =	vadd.f32 v62, v61;
	v60, _, _ =	vpop (xrf2)  }
0x6f7: {  	v53 =	vld.idx.msk [tilespmem:v55+s16+$0x0], $0xffff;
	v62 =	vbroadcast v60, $0xF  }
0x6f8: {  	v48 =	vsub.f32 $0.0e+00, v48;
	v61 =	vmul.f32 v32, v26;
	v50 =	vadd.f32 v59, v50  }
0x6f9: {  	[tilespmem:s3+$0xC670] =	vst v63;
	v60 =	vmul.f32 v62, v58  }
0x6fa: {  	v21 =	vmul.f32 v48, v21;
	[tilespmem:s3+$0x8670] =	vst v57;
	v57 =	vmul.f32 v24, v20;
	v63 =	vadd.f32 v61, v50  }
0x6fb: {  	[tilespmem:s3+$0xC620] =	vst v47;
	v47 =	vmul.f32 v48, v14;
	v14 =	vld [tilespmem:s20+$0xC670];
	v51 =	vmul.f32 v60, v54  }
0x6fc: {  	[tilespmem:s0+$0xC600] =	vst v21;
	v13 =	vld [tilespmem:s20+$0x8670];
	v62 =	vadd.f32 v57, v63;
	v57 =	vmul.f32 v60, v53  }
0x6fd: {  	[tilespmem:v55+s17+$0x0] =	vst.idx.add.f32.msk $0x1, v51  }
0x6fe: {  	v16 =	vmul.f32 v48, v16;
	[tilespmem:v56+s17+$0x0] =	vst.idx.add.f32.msk $0x1, v57  }
0x6ff: {  	v12 =	vmul.f32 v48, v12;
	[tilespmem:s0+$0x8600] =	vst v47;
	v58 =	vld.idx.msk [tilespmem:v52+s25+$0x0], $0xffff  }
0x700: {  	v11 =	vmul.f32 v48, v11;
	[tilespmem:s0+$0xC610] =	vst v16;
	v59 =	vmov s9  }
0x701: {  	v5 =	vmul.f32 v48, v5;
	v8 =	vmul.f32 v48, v8;
	[tilespmem:s0+$0x8610] =	vst v12;
	v61 =	vand.u32 $0xFFFFFFF3, v59  }
0x702: {  	[tilespmem:s0+$0xC620] =	vst v11;
	v49 =	vbroadcast v61, $0x0;
	v61 =	vmul.f32 v54, v53  }
0x703: {  	v3 =	vmul.f32 v48, v3;
	[tilespmem:s0+$0x8620] =	vst v5;
	v63 =	vmul.f32 v14, v13  }
0x704: {  	v6 =	vmul.f32 v48, v6;
	[tilespmem:s0+$0xC630] =	vst v8;
	v5 =	vmul.f32 v58, v61  }
0x705: {  	[tilespmem:s0+$0x8630] =	vst v3;
	v16 =	vadd.f32 v63, v62;
	v60 =	vmul.f32 v48, v7  }
0x706: {  	[tilespmem:s0+$0xC640] =	vst v6;
	v62 =	vmul.f32 v48, v1;
	v12 =	vsub.f32 $0.0e+00, v5  }
0x707: {  	v63 =	vmul.f32 v48, v9;
	v9 =	vmul.f32 v48, v2;
	(xrf2) =	vadd.scan.msk.f32 $0xffff, v16;
	[tilespmem:s0+$0xC650] =	vst v60  }
0x708: {  	[tilespmem:s0+$0x8650] =	vst v62;
	v42 =	vmul.f32 v12, v42  }
0x709: {  	v8 =	vld.idx.msk [tilespmem:v49+s24+$0x0], $0xffff;
	[tilespmem:s0+$0x8660] =	vst v9;
	v50 =	vmul.f32 v12, v36  }
0x70a: {  	v59 =	vld.idx.msk [tilespmem:v49+s23+$0x0], $0xffff;
	v52 =	vmul.f32 v12, v37;
	[tilespmem:s15+$0xC600] =	vst v42  }
0x70b: {  	v53 =	vmul.f32 v12, v31;
	[tilespmem:s15+$0x8600] =	vst v50  }
0x70c: {  	v54 =	vmul.f32 v12, v33;
	[tilespmem:s15+$0xC610] =	vst v52  }
0x70d: {  	v57 =	vmul.f32 v12, v23;
	[tilespmem:s15+$0x8610] =	vst v53  }
0x70e: {  	v58 =	vmul.f32 v12, v27;
	[tilespmem:s15+$0xC620] =	vst v54  }
0x70f: {  	v0 =	vmul.f32 v48, v0;
	v16 =	vld.idx.msk [tilespmem:v49+s18+$0x0], $0xffff;
	v60 =	vmul.f32 v12, v28;
	[tilespmem:s15+$0x8620] =	vst v57  }
0x710: {  	v11 =	vmul.f32 v48, v10;
	v61 =	vmul.f32 v12, v19;
	[tilespmem:s15+$0xC630] =	vst v58  }
0x711: {  	v21 =	vmul.f32 v48, v4;
	v48 =	vld.idx.msk [tilespmem:v8+s16+$0x0], $0xffff;
	v47, _, _ =	vpop (xrf2);
	v62 =	vmul.f32 v12, v29;
	[tilespmem:s15+$0xC640] =	vst v60  }
0x712: {  	s3 =	sor.u32 $0x6, s21;
	v51 =	vld.idx.msk [tilespmem:v59+s16+$0x0], $0xffff;
	v4 =	vbroadcast v47, $0xF;
	v6 =	vmul.f32 v12, v15;
	[tilespmem:s15+$0x8640] =	vst v61  }
0x713: {  	s7 =	sshll.u32 s3, $0x7;
	s9 =	sor.u32 $0x7, s21;
	v10 =	vmul.f32 v12, v18;
	[tilespmem:s15+$0xC650] =	vst v62  }
0x714: {  	s14 =	sshll.u32 s9, $0x7;
	v9 =	vmul.f32 v12, v25;
	v4 =	vmul.f32 v4, v16;
	[tilespmem:s15+$0x8650] =	vst v6;
	v60 =	vld [tilespmem:s7+$0xC610]  }
0x715: {  	s29 =	sor.u32 $0x4, s21;
	v7 =	vmul.f32 v12, v30;
	[tilespmem:s15+$0x8670] =	vst v10;
	v10 =	vld [tilespmem:s14+$0x8660]  }
0x716: {  	[tilespmem:s15+$0xC670] =	vst v9;
	v54 =	vmov s29;
	v9 =	vld [tilespmem:s14+$0x8670];
	v55 =	vmul.f32 v4, v48  }
0x717: {  	[tilespmem:s15+$0xC660] =	vst v7;
	v2 =	vand.u32 $0xFFFFFFF4, v54;
	v54 =	vld [tilespmem:s7+$0xC620];
	v56 =	vmul.f32 v4, v51  }
0x718: {  	s31 =	sor.u32 $0x5, s21;
	[tilespmem:v59+s17+$0x0] =	vst.idx.add.f32.msk $0x1, v55;
	v59 =	vmul.f32 v12, v22  }
0x719: {  	s8 =	sshll.u32 s31, $0x7;
	[tilespmem:v8+s17+$0x0] =	vst.idx.add.f32.msk $0x1, v56;
	v8 =	vmul.f32 v12, v17  }
0x71a: {  	v4 =	vld [tilespmem:s8+$0x8600];
	[tilespmem:s15+$0x8630] =	vst v59  }
0x71b: {  	v3 =	vld.idx.msk [tilespmem:v49+s25+$0x0], $0xffff;
	[tilespmem:s15+$0x8660] =	vst v8;
	s15 =	sshll.u32 s29, $0x7  }
0x71c: {  	v31 =	vld [tilespmem:s15+$0x8600]  }
0x71d: {  	v33 =	vld [tilespmem:s15+$0x8610]  }
0x71e: {  	v49 =	vld [tilespmem:s15+$0x8670]  }
0x71f: {  	[tilespmem:s0+$0xC660] =	vst v63;
	v63 =	vmul.f32 v48, v51;
	v51 =	vld [tilespmem:s15+$0xC670]  }
0x720: {  	v37 =	vld [tilespmem:s15+$0xC600]  }
0x721: {  	v36 =	vld [tilespmem:s15+$0x8640]  }
0x722: {  	v42 =	vld [tilespmem:s15+$0xC640]  }
0x723: {  	[tilespmem:s0+$0x8640] =	vst v0;
	v48 =	vld [tilespmem:s15+$0xC660]  }
0x724: {  	[tilespmem:$0x1EEC0] =	vst v49;
	v55 =	vmul.f32 v51, v49;
	v49 =	vld [tilespmem:s8+$0xC660]  }
0x725: {  	v3 =	vmul.f32 v3, v63;
	[tilespmem:$0x1EDC0] =	vst v37;
	v0 =	vmul.f32 v37, v31;
	v37 =	vld [tilespmem:s14+$0x8600]  }
0x726: {  	[tilespmem:$0x1EDD0] =	vst v31;
	v31 =	vld [tilespmem:s14+$0x8620]  }
0x727: {  	v3 =	vsub.f32 $0.0e+00, v3;
	[tilespmem:$0x1EE40] =	vst v42;
	v50 =	vmul.f32 v42, v36;
	v42 =	vld [tilespmem:s14+$0xC620]  }
0x728: {  	[tilespmem:$0x1EE50] =	vst v36;
	v36 =	vld [tilespmem:s14+$0xC640]  }
0x729: {  	v16 =	vmul.f32 v3, v34;
	v34 =	vld [tilespmem:s15+$0x8620]  }
0x72a: {  	v12 =	vmul.f32 v3, v35;
	v35 =	vld [tilespmem:s15+$0x8630]  }
0x72b: {  	v23 =	vmul.f32 v3, v38;
	v38 =	vld [tilespmem:s15+$0xC610]  }
0x72c: {  	v22 =	vmul.f32 v3, v39;
	v39 =	vld [tilespmem:s15+$0xC620]  }
0x72d: {  	v18 =	vmul.f32 v3, v40;
	v40 =	vld [tilespmem:s15+$0xC630]  }
0x72e: {  	v15 =	vmul.f32 v3, v43;
	v43 =	vld [tilespmem:s15+$0x8650]  }
0x72f: {  	[tilespmem:s0+$0xC670] =	vst v11;
	v17 =	vmul.f32 v3, v45;
	v45 =	vld [tilespmem:s15+$0xC650]  }
0x730: {  	[tilespmem:s0+$0x8670] =	vst v21;
	v19 =	vmul.f32 v3, v46;
	v46 =	vld [tilespmem:s15+$0x8660]  }
0x731: {  	[tilespmem:$0x1F000] =	vst v60;
	v25 =	vmul.f32 v3, v32;
	v32 =	vmul.f32 v3, v13;
	v13 =	vld [tilespmem:s8+$0x8620]  }
0x732: {  	[tilespmem:$0x1F020] =	vst v54;
	v27 =	vmul.f32 v3, v26;
	v26 =	vld [tilespmem:s8+$0x8630]  }
0x733: {  	[tilespmem:$0x1EEE0] =	vst v4;
	v29 =	vmul.f32 v3, v20;
	v20 =	vld [tilespmem:s8+$0x8660]  }
0x734: {  	[tilespmem:$0x1EDF0] =	vst v33;
	v30 =	vmul.f32 v3, v14;
	v14 =	vld [tilespmem:s7+$0x8600]  }
0x735: {  	[tilespmem:$0x1EE90] =	vst v48;
	v28 =	vmul.f32 v3, v24;
	v24 =	vld [tilespmem:s7+$0x8610]  }
0x736: {  	[tilespmem:s20+$0x8650] =	vst v27;
	v27 =	vld [tilespmem:s8+$0x8610]  }
0x737: {  	[tilespmem:s20+$0x8660] =	vst v29;
	v29 =	vld [tilespmem:s8+$0x8640]  }
0x738: {  	[tilespmem:s20+$0x8610] =	vst v16;
	v16 =	vld [tilespmem:s8+$0x8670]  }
0x739: {  	[tilespmem:s20+$0x8600] =	vst v12;
	v12 =	vld [tilespmem:s8+$0xC600]  }
0x73a: {  	[tilespmem:s20+$0x8670] =	vst v32;
	v32 =	vld [tilespmem:s8+$0xC620]  }
0x73b: {  	[tilespmem:s20+$0xC670] =	vst v30;
	v30 =	vld [tilespmem:s8+$0xC650]  }
0x73c: {  	[tilespmem:s20+$0xC640] =	vst v22;
	v22 =	vld [tilespmem:s8+$0xC670]  }
0x73d: {  	[tilespmem:s20+$0x8640] =	vst v23;
	v23 =	vld [tilespmem:s7+$0x8620]  }
0x73e: {  	v11 =	vmul.f32 v3, v44;
	[tilespmem:s20+$0x8620] =	vst v18;
	v18 =	vld [tilespmem:s7+$0x8630]  }
0x73f: {  	[tilespmem:s20+$0xC630] =	vst v19;
	v19 =	vld [tilespmem:s7+$0x8640]  }
0x740: {  	[tilespmem:s20+$0xC600] =	vst v11;
	v11 =	vld [tilespmem:s7+$0x8650]  }
0x741: {  	[tilespmem:s20+$0xC610] =	vst v15;
	v15 =	vld [tilespmem:s7+$0x8660]  }
0x742: {  	v21 =	vmul.f32 v3, v41;
	[tilespmem:s20+$0xC650] =	vst v25;
	v25 =	vld [tilespmem:s7+$0x8670]  }
0x743: {  	[tilespmem:s20+$0xC660] =	vst v28;
	v28 =	vld [tilespmem:s14+$0x8630]  }
0x744: {  	[tilespmem:s20+$0x8630] =	vst v21;
	v21 =	vld [tilespmem:s14+$0x8640]  }
0x745: {  	[tilespmem:s20+$0xC620] =	vst v17;
	v17 =	vld [tilespmem:s14+$0x8650]  }
0x746: {  	[tilespmem:$0x1EE80] =	vst v43;
	v52 =	vmul.f32 v45, v43;
	v43 =	vld [tilespmem:s8+$0x8650]  }
0x747: {  	[tilespmem:$0x1EE10] =	vst v34;
	v41 =	vmul.f32 v38, v33;
	v44 =	vmul.f32 v39, v34;
	v34 =	vld [tilespmem:s8+$0xC610]  }
0x748: {  	[tilespmem:$0x1EEB0] =	vst v51;
	v53 =	vmul.f32 v48, v46;
	v48 =	vld [tilespmem:s7+$0xC640]  }
0x749: {  	[tilespmem:$0x1EDE0] =	vst v38;
	v38 =	vld [tilespmem:s7+$0xC650];
	v0 =	vadd.f32 v41, v0  }
0x74a: {  	[tilespmem:$0x1EE00] =	vst v39;
	v39 =	vld [tilespmem:s7+$0xC670]  }
0x74b: {  	[tilespmem:$0x1EE30] =	vst v35;
	v47 =	vmul.f32 v40, v35;
	v35 =	vld [tilespmem:s14+$0x8610];
	v0 =	vadd.f32 v44, v0  }
0x74c: {  	[tilespmem:$0x1EEA0] =	vst v46;
	v46 =	vld [tilespmem:s14+$0xC600]  }
0x74d: {  	s10 =	sor.u32 $0x8, s21;
	[tilespmem:$0x1EE20] =	vst v40;
	v40 =	vld [tilespmem:s14+$0xC630];
	v0 =	vadd.f32 v47, v0  }
0x74e: {  	s20 =	sshll.u32 s10, $0x7;
	[tilespmem:$0x1EE70] =	vst v45;
	v45 =	vbroadcast v2, $0x0;
	v33 =	vld [tilespmem:s14+$0xC670]  }
0x74f: {  	[tilespmem:$0x1F010] =	vst v24;
	v60 =	vmul.f32 v60, v24;
	v24 =	vld [tilespmem:s20+$0x8620];
	v0 =	vadd.f32 v50, v0  }
0x750: {  	v58 =	vmov s31;
	[tilespmem:$0x1EFA0] =	vst v49;
	v41 =	vld [tilespmem:s7+$0xC660]  }
0x751: {  	v1 =	vand.u32 $0xFFFFFFF5, v58;
	[tilespmem:$0x1EF00] =	vst v27;
	v44 =	vld [tilespmem:s14+$0xC610];
	v0 =	vadd.f32 v52, v0  }
0x752: {  	[tilespmem:$0x1EEF0] =	vst v34;
	v63 =	vmul.f32 v34, v27;
	v34 =	vld [tilespmem:s14+$0xC650];
	v47 =	vbroadcast v1, $0x0  }
0x753: {  	[tilespmem:$0x1EF10] =	vst v32;
	v4 =	vmul.f32 v12, v4;
	v27 =	vmul.f32 v32, v13;
	v32 =	vld [tilespmem:s14+$0xC660];
	v0 =	vadd.f32 v53, v0  }
0x754: {  	[tilespmem:$0x1F0F0] =	vst v37;
	v56 =	vld.idx.msk [tilespmem:v45+s23+$0x0], $0xffff  }
0x755: {  	v59 =	vmov s3;
	[tilespmem:$0x1F130] =	vst v31;
	v2 =	vld.idx.msk [tilespmem:v45+s18+$0x0], $0xffff;
	v4 =	vadd.f32 v63, v4;
	v0 =	vadd.f32 v55, v0  }
0x756: {  	[tilespmem:$0x1F120] =	vst v42;
	v1 =	vand.u32 $0xFFFFFFF6, v59;
	v50 =	vld [tilespmem:s7+$0xC630]  }
0x757: {  	[tilespmem:$0x1F160] =	vst v36;
	v51 =	vbroadcast v1, $0x0;
	v4 =	vadd.f32 v27, v4;
	v27 =	vld [tilespmem:s20+$0x8600];
	(xrf2) =	vadd.scan.msk.f32 $0xffff, v0  }
0x758: {  	[tilespmem:$0x1EF20] =	vst v13;
	v6 =	vld.idx.msk [tilespmem:v47+s23+$0x0], $0xffff  }
0x759: {  	[tilespmem:$0x1EF40] =	vst v26;
	v0 =	vld.idx.msk [tilespmem:v45+s24+$0x0], $0xffff  }
0x75a: {  	[tilespmem:$0x1EFB0] =	vst v20;
	v5 =	vld.idx.msk [tilespmem:v47+s24+$0x0], $0xffff  }
0x75b: {  	[tilespmem:$0x1EFF0] =	vst v14;
	v55 =	vld [tilespmem:s8+$0xC640]  }
0x75c: {  	[tilespmem:$0x1EF60] =	vst v29;
	v7 =	vld.idx.msk [tilespmem:v47+s18+$0x0], $0xffff  }
0x75d: {  	[tilespmem:$0x1EFD0] =	vst v16;
	v1 =	vld.idx.msk [tilespmem:v51+s24+$0x0], $0xffff  }
0x75e: {  	[tilespmem:$0x1F030] =	vst v23;
	v8 =	vld.idx.msk [tilespmem:v51+s18+$0x0], $0xffff  }
0x75f: {  	[tilespmem:$0x1F050] =	vst v18;
	v23 =	vmul.f32 v54, v23;
	v53 =	vld.idx.msk [tilespmem:v56+s16+$0x0], $0xffff  }
0x760: {  	[tilespmem:$0x1EF50] =	vst v55;
	v54 =	vmul.f32 v55, v29;
	v55 =	vmul.f32 v50, v18;
	v18 =	vld [tilespmem:s20+$0x8640]  }
0x761: {  	s11 =	sor.u32 $0x9, s21;
	[tilespmem:$0x1EED0] =	vst v12;
	v61 =	vld.idx.msk [tilespmem:v0+s16+$0x0], $0xffff;
	v57, _, _ =	vpop (xrf2)  }
0x762: {  	s31 =	sshll.u32 s11, $0x7;
	[tilespmem:$0x1F140] =	vst v40;
	v29 =	vld [tilespmem:s20+$0xC650];
	v3 =	vbroadcast v57, $0xF  }
0x763: {  	[tilespmem:$0x1F040] =	vst v50;
	v50 =	vmul.f32 v46, v37;
	v37 =	vmul.f32 v40, v28;
	v40 =	vld [tilespmem:s31+$0x8610]  }
0x764: {  	[tilespmem:$0x1F150] =	vst v28;
	v28 =	vld [tilespmem:s31+$0x8640];
	v2 =	vmul.f32 v3, v2  }
0x765: {  	[tilespmem:$0x1EF80] =	vst v30;
	v62 =	vld.idx.msk [tilespmem:v6+s16+$0x0], $0xffff  }
0x766: {  	[tilespmem:$0x1EFC0] =	vst v22;
	v57 =	vld [tilespmem:s8+$0xC630];
	v3 =	vmul.f32 v2, v61  }
0x767: {  	[tilespmem:$0x1F070] =	vst v19;
	v58 =	vld.idx.msk [tilespmem:v5+s16+$0x0], $0xffff  }
0x768: {  	[tilespmem:v56+s17+$0x0] =	vst.idx.add.f32.msk $0x1, v3  }
0x769: {  	[tilespmem:$0x1F090] =	vst v11;
	v56 =	vld [tilespmem:s7+$0xC600]  }
0x76a: {  	[tilespmem:$0x1F0B0] =	vst v15;
	v52 =	vld.idx.msk [tilespmem:v1+s16+$0x0], $0xffff  }
0x76b: {  	[tilespmem:$0x1F0D0] =	vst v25;
	v63 =	vmul.f32 v57, v26;
	v26 =	vld [tilespmem:s20+$0x8610]  }
0x76c: {  	v2 =	vmul.f32 v2, v53;
	[tilespmem:$0x1EF30] =	vst v57;
	v57 =	vmul.f32 v48, v19;
	v19 =	vld [tilespmem:s20+$0x8650]  }
0x76d: {  	[tilespmem:$0x1EF90] =	vst v43;
	v3 =	vld.idx.msk [tilespmem:v51+s23+$0x0], $0xffff  }
0x76e: {  	[tilespmem:v0+s17+$0x0] =	vst.idx.add.f32.msk $0x1, v2;
	v59 =	vmul.f32 v56, v14  }
0x76f: {  	v4 =	vadd.f32 v63, v4;
	[tilespmem:$0x1EFE0] =	vst v56;
	v56 =	vmul.f32 v30, v43;
	v43 =	vmul.f32 v22, v16;
	v22 =	vld [tilespmem:s20+$0xC630]  }
0x770: {  	[tilespmem:$0x1F060] =	vst v48;
	v13 =	vadd.f32 v60, v59;
	v59 =	vmul.f32 v49, v20;
	v20 =	vld [tilespmem:s20+$0x8660]  }
0x771: {  	[tilespmem:$0x1F080] =	vst v38;
	v4 =	vadd.f32 v54, v4;
	v60 =	vmul.f32 v38, v11;
	v11 =	vld [tilespmem:s20+$0x8670]  }
0x772: {  	[tilespmem:$0x1F0C0] =	vst v39;
	v54 =	vmul.f32 v44, v35;
	v38 =	vld [tilespmem:s20+$0xC600]  }
0x773: {  	[tilespmem:$0x1F110] =	vst v35;
	v4 =	vadd.f32 v56, v4;
	v49 =	vld [tilespmem:s20+$0xC610]  }
0x774: {  	[tilespmem:$0x1F0E0] =	vst v46;
	v56 =	vadd.f32 v54, v50;
	v50 =	vld [tilespmem:s31+$0x8620]  }
0x775: {  	[tilespmem:$0x1F1C0] =	vst v33;
	v13 =	vadd.f32 v23, v13;
	v23 =	vld [tilespmem:s20+$0x8630];
	v4 =	vadd.f32 v59, v4  }
0x776: {  	[tilespmem:$0x1F0A0] =	vst v41;
	v59 =	vmul.f32 v42, v31;
	v31 =	vld [tilespmem:s20+$0xC640]  }
0x777: {  	[tilespmem:$0x1F100] =	vst v44;
	v13 =	vadd.f32 v55, v13;
	v55 =	vld [tilespmem:s20+$0xC620];
	v4 =	vadd.f32 v43, v4  }
0x778: {  	[tilespmem:$0x1F1A0] =	vst v32;
	v42 =	vmul.f32 v36, v21;
	v36 =	vld [tilespmem:s31+$0xC640]  }
0x779: {  	[tilespmem:$0x1F1F0] =	vst v27;
	v43 =	vld [tilespmem:s31+$0xC600];
	v13 =	vadd.f32 v57, v13;
	(xrf2) =	vadd.scan.msk.f32 $0xffff, v4  }
0x77a: {  	[tilespmem:$0x1F280] =	vst v29;
	v44 =	vmul.f32 v38, v27;
	v27 =	vld [tilespmem:s31+$0xC670]  }
0x77b: {  	[tilespmem:$0x1F310] =	vst v40;
	v48 =	vmul.f32 v41, v15;
	v57 =	vmul.f32 v39, v25;
	v39 =	vld [tilespmem:s31+$0x8600];
	v63 =	vadd.f32 v60, v13  }
0x77c: {  	s12 =	sor.u32 $0xA, s21;
	v46 =	vmul.f32 v49, v26;
	[tilespmem:$0x1F220] =	vst v55;
	v54 =	vmul.f32 v55, v24;
	v55 =	vld [tilespmem:s31+$0xC620]  }
0x77d: {  	[tilespmem:$0x1F210] =	vst v26;
	v26 =	vmov s10;
	s10 =	sshll.u32 s12, $0x7;
	v12 =	vadd.f32 v48, v63;
	v63 =	vadd.f32 v59, v56;
	v48 =	vld [tilespmem:s31+$0xC610]  }
0x77e: {  	[tilespmem:$0x1F370] =	vst v28;
	v2 =	vld [tilespmem:s10+$0x8660];
	v13 =	vadd.f32 v46, v44  }
0x77f: {  	[tilespmem:$0x1F1E0] =	vst v38;
	v46 =	vld [tilespmem:s31+$0x8650];
	v60 =	vadd.f32 v57, v12;
	v41 =	vadd.f32 v37, v63  }
0x780: {  	[tilespmem:$0x1F200] =	vst v49;
	v49 =	vmul.f32 v34, v17;
	v56 =	vld [tilespmem:s31+$0x8630];
	v15 =	vmul.f32 v43, v39;
	v57 =	vadd.f32 v54, v13  }
0x781: {  	v63 =	vld [tilespmem:s31+$0xC630];
	v54 =	vmul.f32 v29, v19;
	(xrf2) =	vadd.scan.msk.f32 $0xffff, v60;
	v4 =	vadd.f32 v42, v41;
	v60 =	vmul.f32 v22, v23  }
0x782: {  	[tilespmem:$0x1F330] =	vst v50;
	v29 =	vand.u32 $0xFFFFFFF8, v26;
	v41 =	vmul.f32 v55, v50;
	v42 =	vld [tilespmem:s20+$0xC670];
	v35 =	vmul.f32 v48, v40  }
0x783: {  	[tilespmem:$0x1F2F0] =	vst v39;
	v50 =	vld [tilespmem:s31+$0xC650];
	v4 =	vadd.f32 v49, v4;
	v38, _, _ =	vpop (xrf2);
	v49 =	vmul.f32 v33, v9;
	v33 =	vbroadcast v29, $0x0  }
0x784: {  	v59 =	vmul.f32 v32, v10;
	v39 =	vmov s9;
	[tilespmem:$0x1F320] =	vst v55;
	v55 =	vld [tilespmem:s31+$0x8660];
	v14 =	vbroadcast v38, $0xF  }
0x785: {  	[tilespmem:$0x1F2E0] =	vst v43;
	v43 =	vmul.f32 v31, v18;
	v40 =	vld [tilespmem:s20+$0xC660];
	v12 =	vadd.f32 v60, v57;
	v37 =	vadd.f32 v35, v15  }
0x786: {  	[tilespmem:$0x1F300] =	vst v48;
	v57 =	vld [tilespmem:s31+$0xC660];
	v15 =	vand.u32 $0xFFFFFFF7, v39;
	v48 =	vmul.f32 v63, v56;
	v7 =	vmul.f32 v14, v7  }
0x787: {  	[tilespmem:$0x1F350] =	vst v56;
	v60 =	vld [tilespmem:s31+$0x8670];
	v56 =	vmul.f32 v36, v28;
	v32 =	vbroadcast v15, $0x0;
	v16 =	vadd.f32 v41, v37  }
0x788: {  	[tilespmem:$0x1F340] =	vst v63;
	v13 =	vadd.f32 v59, v4;
	v63 =	vmul.f32 v7, v58;
	v28 =	vmul.f32 v7, v62;
	v7 =	vld [tilespmem:s10+$0x8670]  }
0x789: {  	[tilespmem:$0x1F260] =	vst v31;
	v12 =	vadd.f32 v43, v12;
	v16 =	vadd.f32 v48, v16;
	v48 =	vld.idx.msk [tilespmem:v33+s24+$0x0], $0xffff  }
0x78a: {  	[tilespmem:$0x1F2A0] =	vst v40;
	v13 =	vadd.f32 v49, v13;
	v25 =	vmul.f32 v40, v20;
	v40 =	vmov s11;
	v49 =	vld.idx.msk [tilespmem:v33+s23+$0x0], $0xffff  }
0x78b: {  	[tilespmem:$0x1F3B0] =	vst v55;
	v12 =	vadd.f32 v54, v12;
	v39 =	vmul.f32 v57, v55;
	v41 =	vand.u32 $0xFFFFFFF9, v40;
	v55 =	vld.idx.msk [tilespmem:v33+s18+$0x0], $0xffff  }
0x78c: {  	v35 =	vbroadcast v41, $0x0;
	[tilespmem:v6+s17+$0x0] =	vst.idx.add.f32.msk $0x1, v63  }
0x78d: {  	[tilespmem:$0x1F360] =	vst v36;
	v37 =	vmul.f32 v42, v11;
	v36 =	vadd.f32 v25, v12;
	v30 =	vld.idx.msk [tilespmem:v32+s23+$0x0], $0xffff  }
0x78e: {  	[tilespmem:v5+s17+$0x0] =	vst.idx.add.f32.msk $0x1, v28  }
0x78f: {  	v31 =	vmul.f32 v50, v46;
	v59 =	vadd.f32 v56, v16;
	v44, _, _ =	vpop (xrf2);
	v0 =	vadd.f32 v37, v36;
	v36 =	vld.idx.msk [tilespmem:v3+s16+$0x0], $0xffff  }
0x790: {  	[tilespmem:$0x1F390] =	vst v46;
	v46 =	vld.idx.msk [tilespmem:v32+s24+$0x0], $0xffff;
	v15 =	vbroadcast v44, $0xF  }
0x791: {  	[tilespmem:$0x1EE60] =	vst v58;
	(xrf2) =	vadd.scan.msk.f32 $0xffff, v13;
	v54 =	vld.idx.msk [tilespmem:v32+s18+$0x0], $0xffff;
	v38 =	vadd.f32 v31, v59  }
0x792: {  	[tilespmem:$0x1F380] =	vst v50;
	v8 =	vmul.f32 v15, v8;
	v50 =	vld.idx.msk [tilespmem:v35+s24+$0x0], $0xffff  }
0x793: {  	[tilespmem:$0x1EF70] =	vst v52;
	v43 =	vmul.f32 v27, v60;
	v12 =	vadd.f32 v39, v38;
	v58 =	vld.idx.msk [tilespmem:v35+s18+$0x0], $0xffff  }
0x794: {  	[tilespmem:$0x1F2C0] =	vst v42;
	v42 =	vmul.f32 v8, v52;
	v52 =	vld.idx.msk [tilespmem:v35+s23+$0x0], $0xffff  }
0x795: {  	v44 =	vadd.f32 v43, v12;
	v12 =	vld [tilespmem:s10+$0x8650]  }
0x796: {  	(xrf2) =	vadd.scan.msk.f32 $0xffff, v0;
	v40 =	vld.idx.msk [tilespmem:v48+s16+$0x0], $0xffff  }
0x797: {  	v39 =	vld.idx.msk [tilespmem:v49+s16+$0x0], $0xffff  }
0x798: {  	[tilespmem:v3+s17+$0x0] =	vst.idx.add.f32.msk $0x1, v42  }
0x799: {  	(xrf2) =	vadd.scan.msk.f32 $0xffff, v44;
	v44 =	vld [tilespmem:s10+$0xC600]  }
0x79a: {  	v8 =	vmul.f32 v8, v36;
	v38 =	vld.idx.msk [tilespmem:v30+s16+$0x0], $0xffff  }
0x79b: {  	[tilespmem:$0x1F190] =	vst v17;
	v56, _, _ =	vpop (xrf2);
	v37 =	vld.idx.msk [tilespmem:v46+s16+$0x0], $0xffff  }
0x79c: {  	[tilespmem:v1+s17+$0x0] =	vst.idx.add.f32.msk $0x1, v8;
	v17 =	vbroadcast v56, $0xF  }
0x79d: {  	v56 =	vld [tilespmem:s10+$0x8630]  }
0x79e: {  	v16 =	vmul.f32 v17, v54;
	v54 =	vld [tilespmem:s10+$0x8610]  }
0x79f: {  	v43 =	vld.idx.msk [tilespmem:v50+s16+$0x0], $0xffff  }
0x7a0: {  	[tilespmem:$0x1F3A0] =	vst v57;
	v57, _, _ =	vpop (xrf2);
	v63 =	vmul.f32 v16, v37;
	v42 =	vld.idx.msk [tilespmem:v52+s16+$0x0], $0xffff  }
0x7a1: {  	[tilespmem:$0x1F170] =	vst v21;
	v21 =	vbroadcast v57, $0xF;
	v57 =	vld [tilespmem:s10+$0xC650]  }
0x7a2: {  	v4 =	vmul.f32 v16, v38;
	[tilespmem:v30+s17+$0x0] =	vst.idx.add.f32.msk $0x1, v63  }
0x7a3: {  	[tilespmem:$0x1F270] =	vst v18;
	v18 =	vmul.f32 v21, v55;
	v55 =	vld [tilespmem:s10+$0x8620]  }
0x7a4: {  	v21 =	vmov s12;
	s12 =	sor.u32 $0xB, s21;
	[tilespmem:v46+s17+$0x0] =	vst.idx.add.f32.msk $0x1, v4  }
0x7a5: {  	[tilespmem:$0x1F1B0] =	vst v10;
	v46 =	vld [tilespmem:s10+$0xC610];
	s9 =	sshll.u32 s12, $0x7  }
0x7a6: {  	[tilespmem:$0x1F1D0] =	vst v9;
	v16 =	vld [tilespmem:s9+$0x8600]  }
0x7a7: {  	[tilespmem:$0x1F230] =	vst v24;
	v15 =	vld [tilespmem:s9+$0x8610]  }
0x7a8: {  	[tilespmem:$0x1F180] =	vst v34;
	v5 =	vld [tilespmem:s9+$0x8620]  }
0x7a9: {  	[tilespmem:$0x1F290] =	vst v19;
	v1 =	vld [tilespmem:s9+$0x8630]  }
0x7aa: {  	[tilespmem:$0x1F240] =	vst v22;
	v17 =	vld [tilespmem:s9+$0x8640]  }
0x7ab: {  	[tilespmem:$0x1F2B0] =	vst v20;
	v0 =	vand.u32 $0xFFFFFFFA, v21;
	v21 =	vld [tilespmem:s9+$0x8660]  }
0x7ac: {  	[tilespmem:$0x1F2D0] =	vst v11;
	v28 =	vld [tilespmem:s9+$0x8670]  }
0x7ad: {  	[tilespmem:$0x1F250] =	vst v23;
	v63 =	vld [tilespmem:s9+$0xC610]  }
0x7ae: {  	[tilespmem:$0x1F3C0] =	vst v27;
	v34 =	vbroadcast v0, $0x0;
	v0 =	vld [tilespmem:s9+$0xC640]  }
0x7af: {  	[tilespmem:$0x1F3F0] =	vst v2;
	v59, _, _ =	vpop (xrf2);
	v14 =	vmul.f32 v18, v40;
	v6 =	vld [tilespmem:s9+$0xC650]  }
0x7b0: {  	[tilespmem:$0x1F3D0] =	vst v60;
	v60 =	vbroadcast v59, $0xF;
	v59 =	vld [tilespmem:s10+$0xC660]  }
0x7b1: {  	[tilespmem:v49+s17+$0x0] =	vst.idx.add.f32.msk $0x1, v14  }
0x7b2: {  	[tilespmem:$0x1F410] =	vst v7;
	v18 =	vmul.f32 v18, v39;
	v49 =	vld [tilespmem:s10+$0xC630]  }
0x7b3: {  	[tilespmem:$0x1F3E0] =	vst v12;
	v14 =	vld [tilespmem:s9+$0xC630]  }
0x7b4: {  	[tilespmem:v48+s17+$0x0] =	vst.idx.add.f32.msk $0x1, v18  }
0x7b5: {  	v13 =	vmul.f32 v60, v58;
	v60 =	vld [tilespmem:s10+$0x8640];
	[tilespmem:$0x1F420] =	vst v16  }
0x7b6: {  	v48 =	vld [tilespmem:s10+$0xC620];
	[tilespmem:$0x1F430] =	vst v15  }
0x7b7: {  	v18 =	vld [tilespmem:s9+$0x8650];
	[tilespmem:$0x1F450] =	vst v5  }
0x7b8: {  	v58 =	vld [tilespmem:s9+$0xC600];
	[tilespmem:$0x1F470] =	vst v1  }
0x7b9: {  	v19 =	vmul.f32 v13, v43;
	v20 =	vmul.f32 v13, v42;
	v13 =	vld [tilespmem:s10+$0xC670];
	[tilespmem:$0x1F490] =	vst v17  }
0x7ba: {  	[tilespmem:$0x1F4D0] =	vst v21;
	v31 =	vld.idx.msk [tilespmem:v34+s24+$0x0], $0xffff  }
0x7bb: {  	[tilespmem:v52+s17+$0x0] =	vst.idx.add.f32.msk $0x1, v19  }
0x7bc: {  	[tilespmem:$0x1F480] =	vst v0;
	v19 =	vld [tilespmem:s9+$0xC620]  }
0x7bd: {  	v29 =	vld.idx.msk [tilespmem:v34+s23+$0x0], $0xffff;
	[tilespmem:$0x1F460] =	vst v14  }
0x7be: {  	[tilespmem:v50+s17+$0x0] =	vst.idx.add.f32.msk $0x1, v20  }
0x7bf: {  	v30 =	vld.idx.msk [tilespmem:v34+s18+$0x0], $0xffff;
	[tilespmem:$0x1F4B0] =	vst v18  }
0x7c0: {  	v52 =	vld [tilespmem:s10+$0x8600];
	[tilespmem:$0x1F400] =	vst v13  }
0x7c1: {  	v50 =	vld [tilespmem:s10+$0xC640];
	[tilespmem:$0x1F440] =	vst v19  }
0x7c2: {  	v41 =	vld.idx.msk [tilespmem:v31+s16+$0x0], $0xffff;
	[tilespmem:$0x1F4A0] =	vst v6  }
0x7c3: {  	s11 =	sor.u32 $0xC, s21;
	v11 =	vld [tilespmem:s9+$0xC660]  }
0x7c4: {  	s3 =	sshll.u32 s11, $0x7;
	v24 =	vld [tilespmem:s9+$0xC670]  }
0x7c5: {  	v9 =	vld [tilespmem:s3+$0x8600]  }
0x7c6: {  	v23 =	vmul.f32 v46, v54;
	v22 =	vmul.f32 v44, v52;
	v4 =	vld [tilespmem:s3+$0x8610]  }
0x7c7: {  	v10 =	vld [tilespmem:s3+$0x8620]  }
0x7c8: {  	v25 =	vmul.f32 v48, v55;
	v3 =	vadd.f32 v23, v22;
	v20 =	vld [tilespmem:s3+$0x8630]  }
0x7c9: {  	v23 =	vld [tilespmem:s3+$0x8640]  }
0x7ca: {  	v26 =	vmul.f32 v49, v56;
	v22 =	vld [tilespmem:s3+$0x8650];
	v3 =	vadd.f32 v25, v3  }
0x7cb: {  	s29 =	sor.u32 $0xD, s21;
	v19 =	vmul.f32 v19, v5;
	v5 =	vld [tilespmem:s3+$0xC640]  }
0x7cc: {  	s0 =	sshll.u32 s29, $0x7;
	v1 =	vmul.f32 v14, v1;
	v27 =	vmul.f32 v50, v60;
	v14 =	vld [tilespmem:s3+$0xC660];
	v3 =	vadd.f32 v26, v3;
	[tilespmem:$0x1F4C0] =	vst v11  }
0x7cd: {  	v17 =	vmul.f32 v0, v17;
	v0 =	vld [tilespmem:s0+$0x8600];
	[tilespmem:$0x1F4F0] =	vst v9  }
0x7ce: {  	v37 =	vmul.f32 v37, v38;
	v12 =	vmul.f32 v57, v12;
	v38 =	vld [tilespmem:$0x1F080];
	[tilespmem:$0x1F510] =	vst v4;
	v3 =	vadd.f32 v27, v3  }
0x7cf: {  	v25 =	vld [tilespmem:s3+$0x8660];
	[tilespmem:$0x1F530] =	vst v10  }
0x7d0: {  	v26 =	vmul.f32 v59, v2;
	[tilespmem:$0x1F550] =	vst v20;
	v3 =	vadd.f32 v12, v3;
	v12 =	vmul.f32 v13, v7;
	v13 =	vld [tilespmem:s3+$0xC610]  }
0x7d1: {  	v2 =	vld [tilespmem:s3+$0xC600];
	[tilespmem:$0x1F570] =	vst v23  }
0x7d2: {  	v8 =	vmul.f32 v58, v16;
	[tilespmem:$0x1F590] =	vst v22;
	v27 =	vld [tilespmem:s3+$0x8670];
	v7 =	vmul.f32 v63, v15;
	v3 =	vadd.f32 v26, v3  }
0x7d3: {  	[tilespmem:$0x1F560] =	vst v5;
	v15 =	vld [tilespmem:s3+$0xC620]  }
0x7d4: {  	[tilespmem:$0x1F5A0] =	vst v14;
	v26 =	vld [tilespmem:s3+$0xC630];
	v8 =	vadd.f32 v7, v8;
	v3 =	vadd.f32 v12, v3  }
0x7d5: {  	v7 =	vld [tilespmem:s3+$0xC650];
	[tilespmem:$0x1F500] =	vst v13  }
0x7d6: {  	v13 =	vmul.f32 v13, v4;
	v4 =	vmul.f32 v11, v21;
	v11 =	vld [tilespmem:s0+$0xC620];
	(xrf2) =	vadd.scan.msk.f32 $0xffff, v3;
	v3 =	vadd.f32 v19, v8  }
0x7d7: {  	[tilespmem:$0x1F5F0] =	vst v0;
	v8 =	vmul.f32 v6, v18;
	v18 =	vld [tilespmem:s0+$0xC600]  }
0x7d8: {  	[tilespmem:$0x1F4E0] =	vst v2;
	v6 =	vmul.f32 v2, v9;
	v2 =	vld [tilespmem:s0+$0xC610];
	v3 =	vadd.f32 v1, v3  }
0x7d9: {  	[tilespmem:$0x1F5B0] =	vst v25;
	v1 =	vld [tilespmem:s0+$0x8610]  }
0x7da: {  	[tilespmem:$0x1F5D0] =	vst v27;
	v19 =	vld [tilespmem:s3+$0xC670];
	v3 =	vadd.f32 v17, v3  }
0x7db: {  	[tilespmem:$0x1F520] =	vst v15;
	v9 =	vld [tilespmem:s0+$0x8620]  }
0x7dc: {  	[tilespmem:$0x1F540] =	vst v26;
	v3 =	vadd.f32 v8, v3;
	v8 =	vadd.f32 v13, v6;
	v6 =	vmul.f32 v15, v10;
	v10 =	vld [tilespmem:s0+$0x8630]  }
0x7dd: {  	v21 =	vmov s12;
	[tilespmem:$0x1F620] =	vst v11;
	v15 =	vld [tilespmem:s0+$0xC630]  }
0x7de: {  	[tilespmem:$0x1F5E0] =	vst v18;
	v18 =	vmul.f32 v18, v0;
	v13 =	vld [tilespmem:s0+$0x8640];
	v0 =	vmul.f32 v2, v1;
	v12 =	vadd.f32 v4, v3  }
0x7df: {  	[tilespmem:$0x1F600] =	vst v2;
	v8 =	vadd.f32 v6, v8;
	v3 =	vand.u32 $0xFFFFFFFB, v21;
	v6 =	vmul.f32 v26, v20;
	v20 =	vld [tilespmem:s0+$0xC640]  }
0x7e0: {  	[tilespmem:$0x1F630] =	vst v9;
	v2 =	vadd.f32 v0, v18;
	v26 =	vbroadcast v3, $0x0;
	v3 =	vld [tilespmem:s0+$0x8650]  }
0x7e1: {  	[tilespmem:$0x1F610] =	vst v1;
	v0 =	vmul.f32 v5, v23;
	v23 =	vld [tilespmem:s0+$0xC650];
	v4, _, _ =	vpop (xrf2);
	v1 =	vadd.f32 v6, v8;
	v8 =	vmul.f32 v24, v28  }
0x7e2: {  	v17 =	vmov s11;
	v5 =	vld [tilespmem:s0+$0x8660];
	[tilespmem:$0x1F650] =	vst v10;
	v16 =	vbroadcast v4, $0xF  }
0x7e3: {  	v21 =	vand.u32 $0xFFFFFFFC, v17;
	[tilespmem:$0x1F640] =	vst v15;
	v4 =	vmul.f32 v11, v9;
	v9 =	vld [tilespmem:s0+$0x8670];
	v18 =	vadd.f32 v8, v12  }
0x7e4: {  	v0 =	vadd.f32 v0, v1;
	v12 =	vld.idx.msk [tilespmem:v45+s25+$0x0], $0xffff;
	v11 =	vmul.f32 v16, v30;
	v30 =	vmul.f32 v15, v10  }
0x7e5: {  	[tilespmem:$0x1F660] =	vst v20;
	v2 =	vadd.f32 v4, v2;
	v4 =	vmul.f32 v7, v22;
	v10 =	vld [tilespmem:s0+$0xC660];
	v20 =	vmul.f32 v20, v13  }
0x7e6: {  	[tilespmem:$0x1F670] =	vst v13;
	v22 =	vmul.f32 v14, v25;
	v25 =	vld [tilespmem:s0+$0xC670];
	v15 =	vbroadcast v21, $0x0  }
0x7e7: {  	v14 =	vld.idx.msk [tilespmem:v29+s16+$0x0], $0xffff;
	v2 =	vadd.f32 v30, v2;
	v0 =	vadd.f32 v4, v0;
	v17 =	vmul.f32 v11, v41  }
0x7e8: {  	[tilespmem:$0x1F680] =	vst v23;
	v13 =	vmul.f32 v23, v3;
	v16 =	vld.idx.msk [tilespmem:v26+s23+$0x0], $0xffff  }
0x7e9: {  	v30 =	vadd.f32 v20, v2;
	v8 =	vadd.f32 v22, v0;
	v22 =	vmov s29;
	[tilespmem:v29+s17+$0x0] =	vst.idx.add.f32.msk $0x1, v17  }
0x7ea: {  	[tilespmem:$0x1F6B0] =	vst v5;
	(xrf2) =	vadd.scan.msk.f32 $0xffff, v18;
	v20 =	vmul.f32 v19, v27;
	v27 =	vld.idx.msk [tilespmem:v26+s18+$0x0], $0xffff;
	v0 =	vand.u32 $0xFFFFFFFD, v22  }
0x7eb: {  	[tilespmem:$0x1F6D0] =	vst v9;
	v23 =	vmul.f32 v10, v5;
	v5 =	vld.idx.msk [tilespmem:v26+s24+$0x0], $0xffff;
	v21 =	vadd.f32 v13, v30;
	v13 =	vbroadcast v0, $0x0  }
0x7ec: {  	[tilespmem:$0x1F6C0] =	vst v25;
	v25 =	vmul.f32 v25, v9;
	v9 =	vld.idx.msk [tilespmem:v15+s24+$0x0], $0xffff  }
0x7ed: {  	v2 =	vadd.f32 v20, v8;
	v8 =	vld.idx.msk [tilespmem:v15+s23+$0x0], $0xffff  }
0x7ee: {  	v29 =	vld.idx.msk [tilespmem:v15+s18+$0x0], $0xffff  }
0x7ef: {  	v1 =	vadd.f32 v23, v21;
	(xrf2) =	vadd.scan.msk.f32 $0xffff, v2;
	v21 =	vld [tilespmem:$0x1EE00]  }
0x7f0: {  	v23 =	vld.idx.msk [tilespmem:v16+s16+$0x0], $0xffff  }
0x7f1: {  	[tilespmem:$0x1F6A0] =	vst v10;
	v10 =	vld.idx.msk [tilespmem:v13+s24+$0x0], $0xffff  }
0x7f2: {  	v1 =	vadd.f32 v25, v1;
	v25 =	vmul.f32 v11, v14;
	v6 =	vld.idx.msk [tilespmem:v13+s23+$0x0], $0xffff  }
0x7f3: {  	[tilespmem:$0x1F5C0] =	vst v19;
	v19 =	vmul.f32 v61, v53;
	v17 =	vld.idx.msk [tilespmem:v13+s18+$0x0], $0xffff  }
0x7f4: {  	v30, _, _ =	vpop (xrf2);
	[tilespmem:v31+s17+$0x0] =	vst.idx.add.f32.msk $0x1, v25  }
0x7f5: {  	(xrf2) =	vadd.scan.msk.f32 $0xffff, v1;
	v45 =	vbroadcast v30, $0xF;
	v30 =	vmul.f32 v12, v19;
	v12 =	vld [tilespmem:$0x1EDC0]  }
0x7f6: {  	v19 =	vld [tilespmem:$0x1EDF0]  }
0x7f7: {  	v18 =	vld.idx.msk [tilespmem:v5+s16+$0x0], $0xffff  }
0x7f8: {  	v25 =	vld [tilespmem:$0x1EE10]  }
0x7f9: {  	[tilespmem:$0x1F580] =	vst v7;
	v20 =	vld.idx.msk [tilespmem:v9+s16+$0x0], $0xffff;
	v7, _, _ =	vpop (xrf2)  }
0x7fa: {  	v1 =	vmul.f32 v45, v27;
	v22 =	vld.idx.msk [tilespmem:v8+s16+$0x0], $0xffff;
	v0 =	vbroadcast v7, $0xF  }
0x7fb: {  	v7 =	vld [tilespmem:$0x1F0F0]  }
0x7fc: {  	v45 =	vld.idx.msk [tilespmem:v10+s16+$0x0], $0xffff;
	v0 =	vmul.f32 v0, v29;
	v29 =	vmul.f32 v1, v18  }
0x7fd: {  	v53 =	vld.idx.msk [tilespmem:v6+s16+$0x0], $0xffff  }
0x7fe: {  	[tilespmem:v16+s17+$0x0] =	vst.idx.add.f32.msk $0x1, v29  }
0x7ff: {  	v27, _, _ =	vpop (xrf2);
	v16 =	vld [tilespmem:$0x1EDD0]  }
0x800: {  	v1 =	vmul.f32 v1, v23;
	v11 =	vbroadcast v27, $0xF;
	v27 =	vld [tilespmem:$0x1EE20]  }
0x801: {  	v29 =	vld [tilespmem:$0x1EE30]  }
0x802: {  	[tilespmem:v5+s17+$0x0] =	vst.idx.add.f32.msk $0x1, v1  }
0x803: {  	v1 =	vsub.f32 $0.0e+00, v30;
	v30 =	vld.idx.msk [tilespmem:v47+s25+$0x0], $0xffff  }
0x804: {  	v61 =	vmul.f32 v0, v20;
	v47 =	vld [tilespmem:$0x1EE50]  }
0x805: {  	v5 =	vld [tilespmem:$0x1F0D0]  }
0x806: {  	[tilespmem:v8+s17+$0x0] =	vst.idx.add.f32.msk $0x1, v61  }
0x807: {  	v0 =	vmul.f32 v0, v22;
	v31 =	vmul.f32 v11, v17;
	v17 =	vld [tilespmem:$0x1EDE0]  }
0x808: {  	v61 =	vld [tilespmem:$0x1EE60]  }
0x809: {  	[tilespmem:v9+s17+$0x0] =	vst.idx.add.f32.msk $0x1, v0  }
0x80a: {  	v9 =	vld [tilespmem:$0x1EE90]  }
0x80b: {  	v2 =	vmul.f32 v1, v12;
	v12 =	vld [tilespmem:$0x1EEC0]  }
0x80c: {  	v8 =	vmul.f32 v31, v45;
	v11 =	vmul.f32 v31, v53;
	v31 =	vld [tilespmem:$0x1EE40]  }
0x80d: {  	v0 =	vmul.f32 v1, v16;
	v16 =	vld [tilespmem:$0x1EED0]  }
0x80e: {  	[tilespmem:v6+s17+$0x0] =	vst.idx.add.f32.msk $0x1, v8  }
0x80f: {  	v8 =	vld [tilespmem:$0x1EE80]  }
0x810: {  	v6 =	vld [tilespmem:$0x1F0E0]  }
0x811: {  	[tilespmem:v10+s17+$0x0] =	vst.idx.add.f32.msk $0x1, v11  }
0x812: {  	v10 =	vld [tilespmem:$0x1EEA0]  }
0x813: {  	v11 =	vld [tilespmem:$0x1EEB0]  }
0x814: {  	[tilespmem:s15+$0xC600] =	vst v2;
	v2 =	vmul.f32 v1, v17;
	v17 =	vld [tilespmem:$0x1EEE0]  }
0x815: {  	[tilespmem:s15+$0x8600] =	vst v0;
	v0 =	vmul.f32 v1, v19;
	v19 =	vld [tilespmem:$0x1EEF0]  }
0x816: {  	[tilespmem:$0x1F690] =	vst v3;
	v3 =	vmul.f32 v1, v9;
	v9 =	vld [tilespmem:$0x1EFA0]  }
0x817: {  	[tilespmem:s15+$0xC610] =	vst v2;
	v2 =	vmul.f32 v1, v21;
	v21 =	vld [tilespmem:$0x1EF00]  }
0x818: {  	[tilespmem:s15+$0x8610] =	vst v0;
	v0 =	vmul.f32 v1, v25;
	v25 =	vld [tilespmem:$0x1EF10]  }
0x819: {  	[tilespmem:s15+$0xC620] =	vst v2;
	v2 =	vmul.f32 v1, v27;
	v27 =	vld [tilespmem:$0x1EF20]  }
0x81a: {  	[tilespmem:s15+$0x8620] =	vst v0;
	v0 =	vmul.f32 v1, v29;
	v29 =	vld [tilespmem:$0x1EF30]  }
0x81b: {  	[tilespmem:s15+$0xC660] =	vst v3;
	v3 =	vmul.f32 v1, v11;
	v11 =	vld [tilespmem:$0x1EFC0]  }
0x81c: {  	[tilespmem:s15+$0xC630] =	vst v2;
	v2 =	vmul.f32 v1, v31;
	v31 =	vld.idx.msk [tilespmem:v51+s25+$0x0], $0xffff  }
0x81d: {  	[tilespmem:s15+$0x8630] =	vst v0;
	v0 =	vmul.f32 v1, v47;
	v47 =	vld [tilespmem:$0x1EF50]  }
0x81e: {  	v51 =	vld [tilespmem:$0x1EF60]  }
0x81f: {  	[tilespmem:s15+$0xC640] =	vst v2;
	v2 =	vmul.f32 v61, v62;
	v62 =	vld [tilespmem:$0x1EE70]  }
0x820: {  	[tilespmem:s15+$0x8640] =	vst v0;
	v0 =	vmul.f32 v1, v8;
	v61 =	vld [tilespmem:$0x1EF70]  }
0x821: {  	v8 =	vld [tilespmem:$0x1EF90]  }
0x822: {  	v2 =	vmul.f32 v30, v2;
	[tilespmem:s15+$0x8650] =	vst v0;
	v0 =	vmul.f32 v1, v10;
	v30 =	vld [tilespmem:$0x1EF40]  }
0x823: {  	v10 =	vld [tilespmem:$0x1EFB0]  }
0x824: {  	v2 =	vsub.f32 $0.0e+00, v2;
	[tilespmem:s15+$0x8660] =	vst v0;
	v0 =	vmul.f32 v1, v12;
	v12 =	vld [tilespmem:$0x1EFD0]  }
0x825: {  	[tilespmem:s15+$0xC670] =	vst v3;
	v4 =	vmul.f32 v1, v62;
	v62 =	vld [tilespmem:$0x1EF80]  }
0x826: {  	v1 =	vmul.f32 v2, v16;
	[tilespmem:s15+$0x8670] =	vst v0;
	v16 =	vld [tilespmem:$0x1EFE0]  }
0x827: {  	v0 =	vmul.f32 v2, v17;
	v17 =	vld [tilespmem:$0x1EFF0];
	[tilespmem:s15+$0xC650] =	vst v4  }
0x828: {  	v3 =	vmul.f32 v2, v9;
	v9 =	vld [tilespmem:$0x1F110];
	[tilespmem:s8+$0xC600] =	vst v1  }
0x829: {  	v1 =	vmul.f32 v2, v19;
	[tilespmem:s8+$0x8600] =	vst v0;
	v19 =	vld [tilespmem:$0x1F000]  }
0x82a: {  	v0 =	vmul.f32 v2, v21;
	[tilespmem:s8+$0xC660] =	vst v3;
	v21 =	vld [tilespmem:$0x1F010]  }
0x82b: {  	v3 =	vmul.f32 v2, v11;
	v11 =	vld [tilespmem:$0x1F130];
	[tilespmem:s8+$0xC610] =	vst v1;
	v1 =	vmul.f32 v2, v25  }
0x82c: {  	[tilespmem:s8+$0x8610] =	vst v0;
	v0 =	vmul.f32 v2, v27;
	v25 =	vld [tilespmem:$0x1F020]  }
0x82d: {  	v27 =	vld [tilespmem:$0x1F030];
	[tilespmem:s8+$0xC620] =	vst v1;
	v1 =	vmul.f32 v2, v29  }
0x82e: {  	v4 =	vmul.f32 v2, v62;
	v62 =	vld [tilespmem:$0x1F0C0];
	[tilespmem:s8+$0x8620] =	vst v0;
	v0 =	vmul.f32 v2, v30  }
0x82f: {  	v29 =	vld [tilespmem:$0x1F040];
	[tilespmem:s8+$0xC630] =	vst v1;
	v1 =	vmul.f32 v2, v47  }
0x830: {  	v30 =	vld [tilespmem:$0x1F050];
	[tilespmem:s8+$0x8630] =	vst v0;
	v0 =	vmul.f32 v2, v51  }
0x831: {  	v47 =	vld [tilespmem:$0x1F090];
	[tilespmem:s8+$0xC640] =	vst v1;
	v1 =	vmul.f32 v61, v36  }
0x832: {  	v51 =	vld [tilespmem:$0x1F0A0];
	[tilespmem:s8+$0x8640] =	vst v0;
	v0 =	vmul.f32 v2, v8  }
0x833: {  	v36 =	vld [tilespmem:$0x1F070];
	v1 =	vmul.f32 v31, v1  }
0x834: {  	v61 =	vld [tilespmem:$0x1F0B0];
	[tilespmem:s8+$0x8650] =	vst v0;
	v0 =	vmul.f32 v2, v10  }
0x835: {  	[tilespmem:s8+$0xC670] =	vst v3;
	v8 =	vld [tilespmem:$0x1F100];
	v1 =	vsub.f32 $0.0e+00, v1  }
0x836: {  	v31 =	vld.idx.msk [tilespmem:v32+s25+$0x0], $0xffff;
	[tilespmem:s8+$0x8660] =	vst v0;
	v0 =	vmul.f32 v2, v12  }
0x837: {  	[tilespmem:s8+$0xC650] =	vst v4;
	v32 =	vld [tilespmem:$0x1F060];
	v2 =	vmul.f32 v1, v16  }
0x838: {  	v10 =	vld [tilespmem:$0x1F120];
	[tilespmem:s8+$0x8670] =	vst v0;
	v0 =	vmul.f32 v1, v17  }
0x839: {  	v12 =	vld [tilespmem:$0x1F140];
	v3 =	vmul.f32 v1, v51;
	[tilespmem:s7+$0xC600] =	vst v2  }
0x83a: {  	v16 =	vld [tilespmem:$0x1F150];
	[tilespmem:s7+$0x8600] =	vst v0;
	v0 =	vmul.f32 v1, v21  }
0x83b: {  	v17 =	vld.idx.msk [tilespmem:v33+s25+$0x0], $0xffff;
	v2 =	vmul.f32 v1, v19;
	[tilespmem:s7+$0xC660] =	vst v3  }
0x83c: {  	v33 =	vld [tilespmem:$0x1F1D0];
	[tilespmem:s7+$0x8610] =	vst v0;
	v0 =	vmul.f32 v1, v27  }
0x83d: {  	v4 =	vmul.f32 v1, v38;
	v38 =	vld [tilespmem:$0x1F200];
	[tilespmem:s7+$0xC610] =	vst v2;
	v2 =	vmul.f32 v1, v25  }
0x83e: {  	v51 =	vld [tilespmem:$0x1F240];
	[tilespmem:s7+$0x8620] =	vst v0;
	v0 =	vmul.f32 v1, v30  }
0x83f: {  	v19 =	vld [tilespmem:$0x1F160];
	[tilespmem:s7+$0xC620] =	vst v2;
	v2 =	vmul.f32 v1, v29  }
0x840: {  	v21 =	vld [tilespmem:$0x1F170];
	[tilespmem:s7+$0x8630] =	vst v0;
	v0 =	vmul.f32 v1, v36  }
0x841: {  	v3 =	vmul.f32 v1, v62;
	v62 =	vld.idx.msk [tilespmem:v35+s25+$0x0], $0xffff;
	[tilespmem:s7+$0xC630] =	vst v2;
	v2 =	vmul.f32 v1, v32  }
0x842: {  	v35 =	vld [tilespmem:$0x1F370];
	[tilespmem:s7+$0x8640] =	vst v0;
	v0 =	vmul.f32 v1, v47  }
0x843: {  	v27 =	vld [tilespmem:$0x1F180];
	[tilespmem:s7+$0xC640] =	vst v2;
	v2 =	vmul.f32 v31, v37  }
0x844: {  	v30 =	vld [tilespmem:$0x1F1A0];
	[tilespmem:s7+$0x8650] =	vst v0;
	v0 =	vmul.f32 v1, v61  }
0x845: {  	[tilespmem:s7+$0xC650] =	vst v4;
	v25 =	vmul.f32 v40, v39;
	v39 =	vld [tilespmem:$0x1F210];
	v2 =	vsub.f32 $0.0e+00, v2  }
0x846: {  	v40 =	vld [tilespmem:$0x1F220];
	[tilespmem:s7+$0x8660] =	vst v0;
	v0 =	vmul.f32 v1, v5  }
0x847: {  	[tilespmem:s7+$0xC670] =	vst v3;
	v29 =	vld [tilespmem:$0x1F190];
	v1 =	vmul.f32 v2, v6  }
0x848: {  	v32 =	vld [tilespmem:$0x1F1C0];
	[tilespmem:s7+$0x8670] =	vst v0;
	v0 =	vmul.f32 v2, v7  }
0x849: {  	v36 =	vld [tilespmem:$0x1F1E0];
	v3 =	vmul.f32 v2, v30;
	[tilespmem:s14+$0xC600] =	vst v1  }
0x84a: {  	v31 =	vld [tilespmem:$0x1F1B0];
	[tilespmem:s14+$0x8600] =	vst v0;
	v0 =	vmul.f32 v2, v9  }
0x84b: {  	v37 =	vld [tilespmem:$0x1F1F0];
	v1 =	vmul.f32 v2, v8;
	[tilespmem:s14+$0xC660] =	vst v3  }
0x84c: {  	v47 =	vld [tilespmem:$0x1F230];
	[tilespmem:s14+$0x8610] =	vst v0;
	v0 =	vmul.f32 v2, v11  }
0x84d: {  	v61 =	vld [tilespmem:$0x1F250];
	[tilespmem:s14+$0xC610] =	vst v1;
	v1 =	vmul.f32 v2, v10  }
0x84e: {  	v6 =	vld [tilespmem:$0x1F260];
	[tilespmem:s14+$0x8620] =	vst v0;
	v0 =	vmul.f32 v2, v16  }
0x84f: {  	v4 =	vmul.f32 v2, v27;
	v27 =	vld [tilespmem:$0x1F310];
	[tilespmem:s14+$0xC620] =	vst v1;
	v1 =	vmul.f32 v2, v12  }
0x850: {  	v30 =	vld [tilespmem:$0x1F330];
	[tilespmem:s14+$0x8630] =	vst v0;
	v0 =	vmul.f32 v2, v21  }
0x851: {  	v7 =	vld [tilespmem:$0x1F270];
	[tilespmem:s14+$0xC630] =	vst v1;
	v1 =	vmul.f32 v2, v19  }
0x852: {  	v3 =	vmul.f32 v2, v32;
	v32 =	vld [tilespmem:$0x1F350];
	[tilespmem:s14+$0x8640] =	vst v0;
	v0 =	vmul.f32 v2, v29  }
0x853: {  	v8 =	vmul.f32 v43, v42;
	v43 =	vld [tilespmem:$0x1F3D0];
	[tilespmem:s14+$0xC640] =	vst v1;
	v1 =	vmul.f32 v17, v25  }
0x854: {  	v9 =	vld [tilespmem:$0x1F280];
	[tilespmem:s14+$0x8650] =	vst v0;
	v0 =	vmul.f32 v2, v31  }
0x855: {  	[tilespmem:s14+$0xC650] =	vst v4;
	v10 =	vld [tilespmem:$0x1F290];
	v1 =	vsub.f32 $0.0e+00, v1  }
0x856: {  	v11 =	vld [tilespmem:$0x1F2A0];
	[tilespmem:s14+$0x8660] =	vst v0;
	v0 =	vmul.f32 v2, v33  }
0x857: {  	[tilespmem:s14+$0xC670] =	vst v3;
	v12 =	vld [tilespmem:$0x1F2B0];
	v2 =	vmul.f32 v1, v36  }
0x858: {  	v16 =	vld [tilespmem:$0x1F2C0];
	[tilespmem:s14+$0x8670] =	vst v0;
	v0 =	vmul.f32 v1, v37  }
0x859: {  	v19 =	vld [tilespmem:$0x1F2E0];
	[tilespmem:s20+$0xC600] =	vst v2;
	v2 =	vmul.f32 v1, v38  }
0x85a: {  	v17 =	vld [tilespmem:$0x1F2D0];
	[tilespmem:s20+$0x8600] =	vst v0;
	v0 =	vmul.f32 v1, v39  }
0x85b: {  	v21 =	vld [tilespmem:$0x1F2F0];
	[tilespmem:s20+$0xC610] =	vst v2;
	v2 =	vmul.f32 v1, v40  }
0x85c: {  	v25 =	vld [tilespmem:$0x1F300];
	[tilespmem:s20+$0x8610] =	vst v0;
	v0 =	vmul.f32 v1, v47  }
0x85d: {  	v29 =	vld [tilespmem:$0x1F320];
	[tilespmem:s20+$0xC620] =	vst v2;
	v2 =	vmul.f32 v1, v51  }
0x85e: {  	v31 =	vld [tilespmem:$0x1F340];
	[tilespmem:s20+$0x8620] =	vst v0;
	v0 =	vmul.f32 v1, v61  }
0x85f: {  	v33 =	vld.idx.msk [tilespmem:v34+s25+$0x0], $0xffff;
	[tilespmem:s20+$0xC630] =	vst v2;
	v2 =	vmul.f32 v1, v6  }
0x860: {  	v39 =	vld [tilespmem:$0x1F3A0];
	[tilespmem:s20+$0x8630] =	vst v0;
	v0 =	vmul.f32 v1, v7  }
0x861: {  	v3 =	vmul.f32 v1, v11;
	v34 =	vld [tilespmem:$0x1F360];
	[tilespmem:s20+$0xC640] =	vst v2;
	v2 =	vmul.f32 v62, v8  }
0x862: {  	v36 =	vmul.f32 v41, v14;
	v41 =	vld [tilespmem:$0x1F3C0];
	[tilespmem:s20+$0x8640] =	vst v0;
	v0 =	vmul.f32 v1, v10  }
0x863: {  	[tilespmem:s20+$0xC660] =	vst v3;
	v3 =	vmul.f32 v1, v16;
	v14 =	vld.idx.msk [tilespmem:v15+s25+$0x0], $0xffff;
	v2 =	vsub.f32 $0.0e+00, v2  }
0x864: {  	v37 =	vld [tilespmem:$0x1F380];
	[tilespmem:s20+$0x8650] =	vst v0;
	v0 =	vmul.f32 v1, v12  }
0x865: {  	v4 =	vmul.f32 v1, v9;
	[tilespmem:s20+$0xC670] =	vst v3;
	v38 =	vld [tilespmem:$0x1F390];
	s14 =	sor.u32 $0xE, s21;
	v3 =	vmul.f32 v2, v39  }
0x866: {  	s15 =	sshll.u32 s14, $0x7;
	v40 =	vld [tilespmem:$0x1F3B0];
	[tilespmem:s20+$0x8660] =	vst v0;
	v0 =	vmul.f32 v1, v17;
	v1 =	vmul.f32 v2, v19  }
0x867: {  	v6 =	vld [tilespmem:s15+$0xC600];
	[tilespmem:s31+$0xC660] =	vst v3  }
0x868: {  	v62 =	vmul.f32 v18, v23;
	v18 =	vld [tilespmem:$0x1F400];
	[tilespmem:s31+$0xC600] =	vst v1;
	v1 =	vmul.f32 v2, v25  }
0x869: {  	v7 =	vld [tilespmem:s15+$0xC610];
	[tilespmem:s20+$0x8670] =	vst v0;
	v0 =	vmul.f32 v2, v21  }
0x86a: {  	v23 =	vld [tilespmem:$0x1F420];
	[tilespmem:s31+$0xC610] =	vst v1;
	v1 =	vmul.f32 v2, v29  }
0x86b: {  	v8 =	vld [tilespmem:s15+$0x8660];
	[tilespmem:s31+$0x8600] =	vst v0;
	v0 =	vmul.f32 v2, v27  }
0x86c: {  	v10 =	vld [tilespmem:$0x1F3E0];
	[tilespmem:s31+$0xC620] =	vst v1;
	v1 =	vmul.f32 v2, v31  }
0x86d: {  	v19 =	vld [tilespmem:$0x1F410];
	[tilespmem:s31+$0x8610] =	vst v0;
	v0 =	vmul.f32 v2, v30  }
0x86e: {  	v3 =	vmul.f32 v2, v41;
	v41 =	vld [tilespmem:$0x1F450];
	[tilespmem:s31+$0xC630] =	vst v1;
	v1 =	vmul.f32 v2, v34  }
0x86f: {  	v17 =	vld [tilespmem:s15+$0xC660];
	[tilespmem:s31+$0x8620] =	vst v0;
	v0 =	vmul.f32 v2, v32  }
0x870: {  	v27 =	vld [tilespmem:$0x1F430];
	[tilespmem:s31+$0xC640] =	vst v1;
	v1 =	vmul.f32 v33, v36  }
0x871: {  	v34 =	vld [tilespmem:$0x1F4E0];
	[tilespmem:s31+$0x8630] =	vst v0;
	v0 =	vmul.f32 v2, v35  }
0x872: {  	v33 =	vld.idx.msk [tilespmem:v13+s25+$0x0], $0xffff;
	v42 =	vsub.f32 $0.0e+00, v1  }
0x873: {  	v13 =	vld [tilespmem:$0x1F3F0];
	[tilespmem:s31+$0x8640] =	vst v0;
	v0 =	vmul.f32 v2, v38  }
0x874: {  	v51 =	vmul.f32 v42, v55;
	v55 =	vld.idx.msk [tilespmem:v26+s25+$0x0], $0xffff  }
0x875: {  	[tilespmem:s31+$0x8650] =	vst v0;
	v0 =	vmul.f32 v2, v40;
	v47 =	vmul.f32 v42, v54;
	v40 =	vld [tilespmem:$0x1F440]  }
0x876: {  	v54 =	vmul.f32 v42, v56;
	v56 =	vmul.f32 v42, v50;
	v50 =	vld [tilespmem:$0x1F480]  }
0x877: {  	[tilespmem:s20+$0xC650] =	vst v4;
	v4 =	vmul.f32 v2, v37;
	v9 =	vmul.f32 v42, v57;
	v57 =	vld [tilespmem:$0x1F4A0]  }
0x878: {  	v12 =	vmul.f32 v42, v59;
	v59 =	vld [tilespmem:$0x1F4B0]  }
0x879: {  	[tilespmem:s31+$0xC650] =	vst v4;
	v1 =	vmul.f32 v42, v44;
	v15 =	vmul.f32 v42, v13;
	v13 =	vld [tilespmem:s15+$0xC650]  }
0x87a: {  	[tilespmem:s31+$0x8660] =	vst v0;
	v0 =	vmul.f32 v2, v43;
	v2 =	vld [tilespmem:s15+$0x8600]  }
0x87b: {  	v4 =	vmul.f32 v42, v19;
	[tilespmem:s10+$0xC600] =	vst v1;
	v1 =	vld [tilespmem:s15+$0x8620]  }
0x87c: {  	v11 =	vmul.f32 v42, v10;
	[tilespmem:s10+$0xC650] =	vst v9;
	v9 =	vld [tilespmem:s15+$0xC620]  }
0x87d: {  	v5 =	vmul.f32 v42, v18;
	[tilespmem:s10+$0x8670] =	vst v4;
	v4 =	vld [tilespmem:s15+$0x8640]  }
0x87e: {  	v36 =	vmov s14;
	[tilespmem:s10+$0x8650] =	vst v11;
	v11 =	vld [tilespmem:s15+$0xC630]  }
0x87f: {  	v37 =	vand.u32 $0xFFFFFFFE, v36;
	v44 =	vmul.f32 v42, v52;
	[tilespmem:s10+$0xC670] =	vst v5;
	v5 =	vld [tilespmem:s15+$0x8650]  }
0x880: {  	v32 =	vbroadcast v37, $0x0;
	[tilespmem:s10+$0xC660] =	vst v12;
	v12 =	vld [tilespmem:s15+$0xC640]  }
0x881: {  	[tilespmem:s10+$0x8600] =	vst v44;
	v44 =	vld [tilespmem:$0x1F460]  }
0x882: {  	v61 =	vmul.f32 v42, v60;
	[tilespmem:s10+$0x8610] =	vst v47;
	v47 =	vld [tilespmem:$0x1F470]  }
0x883: {  	[tilespmem:s10+$0xC640] =	vst v56;
	v56 =	vld [tilespmem:$0x1F490]  }
0x884: {  	[tilespmem:s10+$0x8640] =	vst v61;
	v61 =	vld [tilespmem:$0x1F4C0]  }
0x885: {  	[tilespmem:s31+$0x8670] =	vst v0;
	v0 =	vld [tilespmem:s15+$0x8610]  }
0x886: {  	[tilespmem:s31+$0xC670] =	vst v3;
	v35 =	vld.idx.msk [tilespmem:v32+s24+$0x0], $0xffff;
	v3 =	vmul.f32 v55, v62  }
0x887: {  	s20 =	sor.u32 $0xF, s21;
	v36 =	vld.idx.msk [tilespmem:v32+s18+$0x0], $0xffff;
	v55 =	vmul.f32 v20, v22  }
0x888: {  	s29 =	sshll.u32 s20, $0x7;
	v18 =	vsub.f32 $0.0e+00, v3;
	v3 =	vld [tilespmem:s15+$0x8630]  }
0x889: {  	v19 =	vmul.f32 v14, v55;
	v14 =	vld [tilespmem:s29+$0x8600]  }
0x88a: {  	v29 =	vmul.f32 v18, v27;
	v27 =	vld [tilespmem:$0x1F4D0]  }
0x88b: {  	v46 =	vmul.f32 v42, v46;
	v37 =	vsub.f32 $0.0e+00, v19;
	v19 =	vld [tilespmem:s29+$0xC610]  }
0x88c: {  	v48 =	vmul.f32 v42, v48;
	v25 =	vmul.f32 v18, v23;
	v23 =	vld [tilespmem:s29+$0xC620]  }
0x88d: {  	v52 =	vmul.f32 v42, v49;
	v42 =	vmul.f32 v18, v41;
	v41 =	vld [tilespmem:$0x1F500]  }
0x88e: {  	[tilespmem:s10+$0x8620] =	vst v51;
	v51 =	vmul.f32 v18, v50;
	v50 =	vld [tilespmem:$0x1F530]  }
0x88f: {  	v31 =	vmul.f32 v18, v28;
	v28 =	vld [tilespmem:s29+$0xC640]  }
0x890: {  	[tilespmem:s10+$0xC610] =	vst v46;
	v10 =	vmul.f32 v18, v40;
	v20 =	vmul.f32 v18, v56;
	v56 =	vld [tilespmem:$0x1F550]  }
0x891: {  	[tilespmem:s10+$0xC630] =	vst v52;
	v26 =	vmul.f32 v18, v63;
	v62 =	vmul.f32 v18, v61;
	v61 =	vld [tilespmem:$0x1F570]  }
0x892: {  	v38 =	vmul.f32 v6, v2;
	v39 =	vmul.f32 v7, v0;
	[tilespmem:s9+$0xC620] =	vst v10;
	v10 =	vld [tilespmem:s15+$0x8670]  }
0x893: {  	[tilespmem:s9+$0xC610] =	vst v26;
	v26 =	vld.idx.msk [tilespmem:v32+s23+$0x0], $0xffff  }
0x894: {  	[tilespmem:s10+$0x8660] =	vst v15;
	v46 =	vmul.f32 v18, v44;
	v15 =	vadd.f32 v39, v38;
	v39 =	vld [tilespmem:$0x1F4F0]  }
0x895: {  	v24 =	vmul.f32 v18, v24;
	[tilespmem:s9+$0x8640] =	vst v20;
	v20 =	vld [tilespmem:s29+$0x8630]  }
0x896: {  	v21 =	vmul.f32 v18, v58;
	[tilespmem:s9+$0xC630] =	vst v46;
	v46 =	vld [tilespmem:$0x1F520]  }
0x897: {  	v43 =	vmul.f32 v9, v1;
	[tilespmem:s9+$0xC670] =	vst v24;
	v24 =	vld [tilespmem:s29+$0x8650]  }
0x898: {  	[tilespmem:s9+$0xC600] =	vst v21;
	v21 =	vmul.f32 v18, v57;
	v57 =	vld [tilespmem:$0x1F560]  }
0x899: {  	[tilespmem:s10+$0x8630] =	vst v54;
	v38 =	vmul.f32 v37, v34;
	v34 =	vld [tilespmem:s29+$0xC660];
	v49 =	vmul.f32 v11, v3;
	v15 =	vadd.f32 v43, v15  }
0x89a: {  	[tilespmem:s9+$0xC660] =	vst v62;
	v62 =	vld [tilespmem:$0x1F580]  }
0x89b: {  	v54 =	vmul.f32 v12, v4;
	[tilespmem:s9+$0xC650] =	vst v21;
	v21 =	vld [tilespmem:s29+$0xC600];
	v52 =	vadd.f32 v49, v15  }
0x89c: {  	[tilespmem:s10+$0xC620] =	vst v48;
	v15 =	vld [tilespmem:s15+$0xC670]  }
0x89d: {  	v48 =	vmul.f32 v18, v47;
	v58 =	vmul.f32 v13, v5;
	[tilespmem:s9+$0x8600] =	vst v25;
	v43 =	vld [tilespmem:$0x1F510];
	v16 =	vadd.f32 v54, v52  }
0x89e: {  	v60 =	vmul.f32 v18, v59;
	[tilespmem:s9+$0x8610] =	vst v29;
	v29 =	vmul.f32 v18, v27;
	v18 =	vld [tilespmem:s29+$0x8620]  }
0x89f: {  	v63 =	vmul.f32 v17, v8;
	[tilespmem:s9+$0x8620] =	vst v42;
	v42 =	vmul.f32 v37, v41;
	v22 =	vadd.f32 v58, v16;
	v16 =	vld [tilespmem:s29+$0x8610]  }
0x8a0: {  	[tilespmem:s9+$0xC640] =	vst v51;
	v27 =	vld [tilespmem:s29+$0xC630];
	v51 =	vmul.f32 v37, v50;
	v25 =	vmul.f32 v37, v56  }
0x8a1: {  	v41 =	vld.idx.msk [tilespmem:v35+s16+$0x0], $0xffff;
	[tilespmem:s9+$0x8660] =	vst v29;
	v30 =	vmul.f32 v15, v10;
	v22 =	vadd.f32 v63, v22  }
0x8a2: {  	[tilespmem:s3+$0x8620] =	vst v51;
	v29 =	vld [tilespmem:s29+$0x8660]  }
0x8a3: {  	[tilespmem:s3+$0x8630] =	vst v25;
	v25 =	vmul.f32 v37, v61;
	v51 =	vmul.f32 v45, v53;
	v45 =	vld [tilespmem:$0x1F620];
	v22 =	vadd.f32 v30, v22  }
0x8a4: {  	[tilespmem:s9+$0x8630] =	vst v48;
	v52 =	vld [tilespmem:$0x1F540];
	v48 =	vmul.f32 v21, v14;
	v49 =	vmul.f32 v19, v16  }
0x8a5: {  	[tilespmem:s9+$0x8670] =	vst v31;
	(xrf2) =	vadd.scan.msk.f32 $0xffff, v22;
	v22 =	vld [tilespmem:s29+$0x8640]  }
0x8a6: {  	v47 =	vmul.f32 v37, v46;
	[tilespmem:s3+$0x8640] =	vst v25;
	v25 =	vld [tilespmem:s29+$0xC670];
	v55 =	vmul.f32 v23, v18;
	v31 =	vadd.f32 v49, v48  }
0x8a7: {  	[tilespmem:s9+$0x8650] =	vst v60;
	v30 =	vld [tilespmem:s29+$0xC650]  }
0x8a8: {  	v40 =	vmul.f32 v37, v39;
	[tilespmem:s3+$0xC620] =	vst v47;
	v47 =	vld [tilespmem:$0x1F630];
	v60 =	vmul.f32 v27, v20;
	v59 =	vadd.f32 v55, v31  }
0x8a9: {  	v58 =	vmul.f32 v37, v57;
	v57 =	vld [tilespmem:$0x1F5B0]  }
0x8aa: {  	[tilespmem:s3+$0x8600] =	vst v40;
	v54 =	vmul.f32 v37, v52;
	v40 =	vadd.f32 v60, v59;
	v48 =	vmul.f32 v28, v22;
	v59 =	vld [tilespmem:$0x1F5C0]  }
0x8ab: {  	[tilespmem:s3+$0xC600] =	vst v38;
	v31 =	vld [tilespmem:s29+$0x8670]  }
0x8ac: {  	v52 =	vld [tilespmem:$0x1F5A0];
	[tilespmem:s3+$0xC630] =	vst v54;
	v54 =	vmul.f32 v30, v24;
	v40 =	vadd.f32 v48, v40  }
0x8ad: {  	[tilespmem:s3+$0xC610] =	vst v42;
	v44 =	vmul.f32 v37, v43;
	v49 =	vld [tilespmem:$0x1F590]  }
0x8ae: {  	[tilespmem:s3+$0xC640] =	vst v58;
	v63 =	vmul.f32 v37, v62;
	v58 =	vmul.f32 v34, v29;
	v60 =	vld [tilespmem:$0x1F5D0];
	v40 =	vadd.f32 v54, v40  }
0x8af: {  	v56 =	vld.idx.msk [tilespmem:v26+s16+$0x0], $0xffff;
	[tilespmem:s3+$0x8610] =	vst v44;
	v42 =	vmul.f32 v37, v57;
	v53, _, _ =	vpop (xrf2);
	v38 =	vmul.f32 v37, v59  }
0x8b0: {  	v44 =	vld [tilespmem:$0x1F610];
	[tilespmem:s3+$0xC650] =	vst v63;
	v61 =	vmul.f32 v25, v31;
	v55 =	vbroadcast v53, $0xF;
	v40 =	vadd.f32 v58, v40  }
0x8b1: {  	v33 =	vmul.f32 v33, v51;
	v43 =	vmul.f32 v37, v52;
	[tilespmem:s3+$0xC670] =	vst v38;
	v38 =	vld [tilespmem:$0x1F5E0]  }
0x8b2: {  	[tilespmem:s3+$0x8660] =	vst v42;
	v50 =	vmul.f32 v37, v49;
	v36 =	vmul.f32 v55, v36;
	v63 =	vadd.f32 v61, v40;
	v40 =	vld [tilespmem:$0x1F5F0]  }
0x8b3: {  	[tilespmem:s3+$0xC660] =	vst v43;
	v37 =	vmul.f32 v37, v60;
	v61 =	vld [tilespmem:$0x1F6C0]  }
0x8b4: {  	v33 =	vsub.f32 $0.0e+00, v33;
	v42 =	vld [tilespmem:$0x1F600];
	[tilespmem:s3+$0x8650] =	vst v50;
	v62 =	vmul.f32 v36, v41  }
0x8b5: {  	v49 =	vld [tilespmem:$0x1F650];
	[tilespmem:s3+$0x8670] =	vst v37;
	v36 =	vmul.f32 v36, v56  }
0x8b6: {  	[tilespmem:v26+s17+$0x0] =	vst.idx.add.f32.msk $0x1, v62;
	v26 =	vmul.f32 v33, v38  }
0x8b7: {  	[tilespmem:v35+s17+$0x0] =	vst.idx.add.f32.msk $0x1, v36;
	v35 =	vmul.f32 v33, v40  }
0x8b8: {  	v48 =	vld [tilespmem:$0x1F640];
	v38 =	vmul.f32 v33, v61;
	[tilespmem:s0+$0xC600] =	vst v26  }
0x8b9: {  	v43 =	vmov s20;
	v50 =	vld [tilespmem:$0x1F660];
	v26 =	vmul.f32 v33, v42;
	[tilespmem:s0+$0x8600] =	vst v35  }
0x8ba: {  	v32 =	vld.idx.msk [tilespmem:v32+s25+$0x0], $0xffff;
	v35 =	vmul.f32 v33, v44;
	[tilespmem:s0+$0xC670] =	vst v38  }
0x8bb: {  	v51 =	vld [tilespmem:$0x1F670];
	(xrf2) =	vadd.scan.msk.f32 $0xffff, v63;
	[tilespmem:s0+$0xC610] =	vst v26;
	v26 =	vmul.f32 v33, v45  }
0x8bc: {  	v53 =	vld [tilespmem:$0x1F680];
	[tilespmem:s0+$0x8610] =	vst v35;
	v35 =	vmul.f32 v33, v47  }
0x8bd: {  	v39 =	vmul.f32 v41, v56;
	v54 =	vld [tilespmem:$0x1F690];
	[tilespmem:s0+$0xC620] =	vst v26;
	v26 =	vmul.f32 v33, v48  }
0x8be: {  	v36 =	vld.idx.msk [tilespmem:v43+s24+$0x0], $0xffff;
	[tilespmem:s0+$0x8620] =	vst v35;
	v35 =	vmul.f32 v33, v49  }
0x8bf: {  	v46 =	vld.idx.msk [tilespmem:v43+s23+$0x0], $0xffff;
	v32 =	vmul.f32 v32, v39;
	[tilespmem:s0+$0xC630] =	vst v26;
	v26 =	vmul.f32 v33, v50  }
0x8c0: {  	[tilespmem:s0+$0x8630] =	vst v35;
	v35 =	vmul.f32 v33, v51  }
0x8c1: {  	v32 =	vsub.f32 $0.0e+00, v32;
	[tilespmem:s0+$0xC640] =	vst v26;
	v26 =	vmul.f32 v33, v53  }
0x8c2: {  	[tilespmem:s0+$0x8640] =	vst v35;
	v35 =	vmul.f32 v33, v54  }
0x8c3: {  	v52 =	vld.idx.msk [tilespmem:v43+s18+$0x0], $0xffff;
	v6 =	vmul.f32 v32, v6;
	[tilespmem:s0+$0xC650] =	vst v26  }
0x8c4: {  	v2 =	vmul.f32 v32, v2;
	[tilespmem:s0+$0x8650] =	vst v35  }
0x8c5: {  	v57 =	vld [tilespmem:$0x1F6A0];
	v55, _, _ =	vpop (xrf2);
	v0 =	vmul.f32 v32, v0;
	[tilespmem:s15+$0xC600] =	vst v6  }
0x8c6: {  	v56 =	vld.idx.msk [tilespmem:v36+s16+$0x0], $0xffff;
	v40 =	vbroadcast v55, $0xF;
	v37 =	vmul.f32 v32, v3;
	[tilespmem:s15+$0x8600] =	vst v2  }
0x8c7: {  	v58 =	vld.idx.msk [tilespmem:v46+s16+$0x0], $0xffff;
	v39 =	vmul.f32 v32, v12;
	[tilespmem:s15+$0x8610] =	vst v0  }
0x8c8: {  	v60 =	vmul.f32 v40, v52;
	v40 =	vmul.f32 v32, v4;
	[tilespmem:s15+$0x8630] =	vst v37  }
0x8c9: {  	v42 =	vmul.f32 v32, v13;
	[tilespmem:s15+$0xC640] =	vst v39  }
0x8ca: {  	v59 =	vld [tilespmem:$0x1F6B0];
	v26 =	vmul.f32 v33, v57;
	[tilespmem:s15+$0x8640] =	vst v40  }
0x8cb: {  	v62 =	vld [tilespmem:$0x1F6D0];
	[tilespmem:s15+$0xC650] =	vst v42;
	v63 =	vmul.f32 v60, v56  }
0x8cc: {  	[tilespmem:s0+$0xC660] =	vst v26;
	v26 =	vmul.f32 v60, v58  }
0x8cd: {  	v44 =	vmul.f32 v32, v17;
	[tilespmem:v46+s17+$0x0] =	vst.idx.add.f32.msk $0x1, v63  }
0x8ce: {  	v45 =	vmul.f32 v32, v8;
	[tilespmem:v36+s17+$0x0] =	vst.idx.add.f32.msk $0x1, v26  }
0x8cf: {  	v47 =	vmul.f32 v32, v10;
	[tilespmem:s15+$0xC660] =	vst v44;
	v38 =	vld.idx.msk [tilespmem:v43+s25+$0x0], $0xffff  }
0x8d0: {  	v35 =	vmul.f32 v33, v59;
	v33 =	vmul.f32 v33, v62;
	[tilespmem:s15+$0x8660] =	vst v45  }
0x8d1: {  	[tilespmem:s15+$0x8670] =	vst v47  }
0x8d2: {  	v41 =	vmul.f32 v56, v58;
	[tilespmem:s0+$0x8670] =	vst v33;
	v33 =	vmul.f32 v32, v9  }
0x8d3: {  	[tilespmem:s0+$0x8660] =	vst v35;
	v35 =	vmul.f32 v32, v1  }
0x8d4: {  	v46 =	vmul.f32 v32, v15;
	[tilespmem:s15+$0xC620] =	vst v33;
	v1 =	vmul.f32 v38, v41  }
0x8d5: {  	v26 =	vmul.f32 v32, v7;
	[tilespmem:s15+$0x8620] =	vst v35  }
0x8d6: {  	v36 =	vmul.f32 v32, v11;
	[tilespmem:s15+$0xC670] =	vst v46;
	v1 =	vsub.f32 $0.0e+00, v1  }
0x8d7: {  	v43 =	vmul.f32 v32, v5;
	[tilespmem:s15+$0xC610] =	vst v26  }
0x8d8: {  	[tilespmem:s15+$0xC630] =	vst v36;
	v48 =	vmul.f32 v1, v21  }
0x8d9: {  	[tilespmem:s15+$0x8650] =	vst v43;
	v49 =	vmul.f32 v1, v14  }
0x8da: {  	v50 =	vmul.f32 v1, v19;
	[tilespmem:s29+$0xC600] =	vst v48  }
0x8db: {  	v51 =	vmul.f32 v1, v16;
	[tilespmem:s29+$0x8600] =	vst v49  }
0x8dc: {  	v52 =	vmul.f32 v1, v23;
	[tilespmem:s29+$0xC610] =	vst v50  }
0x8dd: {  	v53 =	vmul.f32 v1, v18;
	[tilespmem:s29+$0x8610] =	vst v51  }
0x8de: {  	v54 =	vmul.f32 v1, v27;
	[tilespmem:s29+$0xC620] =	vst v52  }
0x8df: {  	v55 =	vmul.f32 v1, v20;
	[tilespmem:s29+$0x8620] =	vst v53  }
0x8e0: {  	v56 =	vmul.f32 v1, v28;
	[tilespmem:s29+$0xC630] =	vst v54  }
0x8e1: {  	v57 =	vmul.f32 v1, v22;
	[tilespmem:s29+$0x8630] =	vst v55  }
0x8e2: {  	v58 =	vmul.f32 v1, v30;
	[tilespmem:s29+$0xC640] =	vst v56  }
0x8e3: {  	v59 =	vmul.f32 v1, v24;
	[tilespmem:s29+$0x8640] =	vst v57  }
0x8e4: {  	p1 =	slt.u32 s21, $0x70;
	v60 =	vmul.f32 v1, v34;
	[tilespmem:s29+$0xC650] =	vst v58  }
.Ltmp9:
0x8e5: {  	v61 =	vmul.f32 v1, v29;
	[tilespmem:s29+$0x8650] =	vst v59;
	(pc) =	sbr.rel @p1 .LBB2_16-.Ltmp9, $4  }
0x8e6: {  	v62 =	vmul.f32 v1, v25;
	[tilespmem:s29+$0xC660] =	vst v60  }
0x8e7: {  	v63 =	vmul.f32 v1, v31;
	[tilespmem:s29+$0x8660] =	vst v61  }
0x8e8: {  	s31 =	sadd.s32 $0x10, s21;
	[tilespmem:s29+$0xC670] =	vst v62  }
0x8e9: {  	s21 =	smov.u32 s31;
	[tilespmem:s29+$0x8670] =	vst v63  }
.Ltmp10:
0x8ea: {  	(pc) =	sbr.rel @p0 .LBB2_19-.Ltmp10, $2  }
0x8eb: {  	_ =	sdelay $0x2  }
0x8ec: {  	s29 =	simm.s32 $0x8600  }
0x8ed: {  	s0 =	sshll.u32 s26, $0x8;
	s3 =	rddreg [dreg:$0x1e]  }
0x8ee: {  	s0 =	sadd.s32 s0, s3  }
0x8ef: {  	s12 =	rddreg [dreg:$0x8];
	s0 =	sshrl.u32 s0, $0x3  }
0x8f0: {  	s14 =	rddreg [dreg:$0x9];
	s3 =	sadd.s32 s12, s0  }
0x8f1: {  	[tilespmem:s23], [sflag:$0x6] =	stream.linear.gather [hbm4b:s3+s6], $0x80, $0x38;
	[tilespmem:$0x1A600] =	vst v63  }
0x8f2: {  	s15 =	rddreg [dreg:$0xa];
	s3 =	sadd.s32 s14, s0  }
0x8f3: {  	[tilespmem:s24], [sflag:$0x6] =	stream.linear.gather [hbm4b:s3+s6], $0x80, $0x38;
	[tilespmem:$0x1A600] =	vst v63  }
0x8f4: {  	s20 =	rddreg [dreg:$0xb];
	s3 =	sadd.s32 s15, s0  }
0x8f5: {  	[tilespmem:s25], [sflag:$0x6] =	stream.linear.gather [hbm4b:s3+s6], $0x80, $0x38;
	[tilespmem:$0x1A600] =	vst v63  }
0x8f6: {  	s0 =	sadd.s32 s20, s0  }
0x8f7: {  	[tilespmem:s18], [sflag:$0x6] =	stream.linear.gather [hbm4b:s0+s6], $0x80, $0x38;
	[tilespmem:$0x1A600] =	vst v63  }
.Ltmp11:
0x8f8: {  	_ = 	snop;
	(pc) =	sbr.rel .LBB2_13-.Ltmp11, $4  }
0x8f9: {  	s21 =	simm.s32 $0x300  }
0x8fa: {  	[spmem:s4] =	stream.indirect.scatter.add.f32 [tilespmem:s30], [sflag:$0x4], $0x80, s21, s19, $0xb8;
	[tilespmem:$0x1A600] =	vst v63  }
0x8fb: {  	s31 =	simm.s32 $0x380;
	s26 =	sadd.s32 $0x1, s26  }
0x8fc: {  	[spmem:s4] =	stream.indirect.scatter.add.f32 [tilespmem:s29], [sflag:$0x4], $0x80, s31, s19, $0xb8;
	[tilespmem:$0x1A600] =	vst v63  }
.LBB2_20:
0x8fd: {  	_ =	sfence.sel $0x180000  }
0x8fe: {  	[bflag:$0x0] =	sbarrier.arrive $0xFFFF  }
0x8ff: {  	_ =	strace $0x90000047  }
0x900: {  	s0 =	stileid.u32;
	[bflag:$0x2] =	sbarrier.arrive $0xFFFF  }
0x901: {  	p0 =	sne.s32 s0, $0x0;
	s0 =	rddreg [dreg:$0x5]  }
0x902: {  	s0 =	sadd.s32 @!p0 $0x100000, s0  }
0x903: {  	[sflag:s0] =	ssyncadd.tile.s32 @!p0 $0x1;
	_ =	shalt  }
.Lfunc_end2:
_tile_overlayer_lowered:
.L_overlay_start_2:
0x904: {  	(tag) =	ssettag $0x2  }
0x905: {  	s0 =	rddreg [dreg:$0x0];
	s2 =	stileid.u32  }
0x906: {  	s1 =	rddreg [dreg:$0x1];
	p0 =	sne.s32 s2, $0x0  }
0x907: {  	s3 =	rddreg [dreg:$0x2];
	[bflag:$0x3] =	sbarrier.arrive $0xFFFF;
	s2 =	simm.s32 @!p0 $0x1C07  }
0x908: {  	[timem:s3], [sflag:s2] =	dma.local @!p0 [hbm:s0], s1  }
0x909: {  	s0 =	simm.s32 @!p0 $0x7  }
0x90a: {  	_ =	swait.ge @!p0 [sflag:s0], s1  }
0x90b: {  	s1 =	ssub.s32 @!p0 $0x0, s1;
	[sflag:s0] =	ssyncset.done @!p0 $0x0  }
0x90c: {  	[sflag:s0] =	ssyncadd.s32 @!p0 s1  }
0x90d: {  	[bflag:$0x3] =	sbarrier.arrive $0xFFFF  }
0x90e: {  	_ =	shalt  }

</sc_bundles>
